<compile_context>
chip_gen: v7x
topology: tpu7x:2x2x1
jax: 0.10.2.dev20260603
libtpu: 0.0.44.dev20260713+nightly
codegen_flags: <defaults>
</compile_context>

<pallas_src>
import functools

import jax
import jax.numpy as jnp
from jax import lax
from jax.experimental import pallas as pl
from jax.experimental.pallas import tpu as pltpu
from jax.experimental.pallas import tpu_sc as plsc

F32 = jnp.float32
CHUNK = 128
DEGW = 16
LANE = 16


def _sizes(total, step):
    out = []
    while total > 0:
        out.append(min(step, total))
        total -= out[-1]
    return out


def _mesh():
    return plsc.VectorSubcoreMesh(core_axis_name="c", subcore_axis_name="s")


def _zero_rows(buf, rows, width):
    per_row = width // LANE

    def body(i, _):
        r = i // per_row
        c = (i % per_row) * LANE
        buf[r, pl.ds(c, LANE)] = jnp.zeros((LANE,), F32)
        return 0

    lax.fori_loop(0, rows * per_row, body, 0)


def _build_deg(nw, ns, nch, npad):
    rpt = npad // ns
    epw = nch * CHUNK

    @functools.partial(
        pl.kernel,
        out_type=jax.ShapeDtypeStruct((nw // ns * npad, DEGW), F32),
        mesh=_mesh(),
        scratch_types=[
            pltpu.VMEM((epw,), jnp.int32),
            pltpu.VMEM((CHUNK, DEGW), F32),
            pltpu.VMEM_SHARED((npad, DEGW), F32),
        ],
    )
    def deg_k(col_hbm, out_hbm, idx_v, ones_v, acc_sh):
        cid = lax.axis_index("c")
        sid = lax.axis_index("s")
        wid = cid * ns + sid
        base = sid * rpt

        _zero_rows(ones_v, CHUNK, DEGW)
        off = 0
        for sz in _sizes(rpt, CHUNK):
            pltpu.sync_copy(ones_v.at[pl.ds(0, sz)],
                            acc_sh.at[pl.ds(base + off, sz)])
            off += sz

        def fill_body(i, _):
            ones_v[i // (DEGW // LANE),
                   pl.ds((i % (DEGW // LANE)) * LANE, LANE)] = (
                jnp.full((LANE,), 1.0, F32))
            return 0
        lax.fori_loop(0, CHUNK * (DEGW // LANE), fill_body, 0)

        pltpu.sync_copy(col_hbm.at[pl.ds(wid * epw, epw)], idx_v)
        plsc.subcore_barrier()

        def chunk_body(j, _):
            pltpu.sync_copy(ones_v,
                            acc_sh.at[idx_v.at[pl.ds(j * CHUNK, CHUNK)]],
                            add=True)
            return 0
        lax.fori_loop(0, nch, chunk_body, 0)

        plsc.subcore_barrier()
        pltpu.sync_copy(acc_sh.at[pl.ds(base, rpt)],
                        out_hbm.at[pl.ds(cid * npad + base, rpt)])

    return deg_k


def _build_prop(nw, ns, nch, npad):
    w = 128
    sub = CHUNK // 2
    rpt = npad // ns

    @functools.partial(
        pl.kernel,
        out_type=jax.ShapeDtypeStruct((nw // ns, npad, w), F32),
        mesh=_mesh(),
        scratch_types=[
            pltpu.VMEM((nch, CHUNK), jnp.int32),
            pltpu.VMEM((nch, CHUNK), jnp.int32),
            pltpu.VMEM((2, sub, w), F32),
            pltpu.VMEM_SHARED((npad, w), F32),
            pltpu.SemaphoreType.DMA,
            pltpu.SemaphoreType.DMA,
        ],
    )
    def prop_k(table_hbm, row_hbm, col_hbm, out_hbm,
               ri_v, ci_v, gbuf, acc_sh, sem0, sem1):
        cid = lax.axis_index("c")
        sid = lax.axis_index("s")
        wid = cid * ns + sid
        base = sid * rpt
        sems = (sem0, sem1)

        _zero_rows(gbuf.at[0], sub, w)
        off = 0
        for sz in _sizes(rpt, sub):
            pltpu.sync_copy(gbuf.at[0, pl.ds(0, sz)],
                            acc_sh.at[pl.ds(base + off, sz)])
            off += sz

        pltpu.sync_copy(row_hbm.at[wid], ri_v)
        pltpu.sync_copy(col_hbm.at[wid], ci_v)
        plsc.subcore_barrier()

        pltpu.async_copy(table_hbm.at[ri_v.at[0, pl.ds(0, sub)]],
                         gbuf.at[0], sem0)
        pltpu.async_copy(table_hbm.at[ri_v.at[0, pl.ds(sub, sub)]],
                         gbuf.at[1], sem1)

        def chunk_body(p, _):
            for s in range(2):
                lo = s * sub
                pltpu.make_async_copy(
                    table_hbm.at[ri_v.at[p, pl.ds(lo, sub)]],
                    gbuf.at[s], sems[s]).wait()
                pltpu.sync_copy(gbuf.at[s],
                                acc_sh.at[ci_v.at[p, pl.ds(lo, sub)]],
                                add=True)

                @pl.when(p + 1 < nch)
                def _():
                    pltpu.async_copy(
                        table_hbm.at[ri_v.at[p + 1, pl.ds(lo, sub)]],
                        gbuf.at[s], sems[s])
            return 0
        lax.fori_loop(0, nch, chunk_body, 0)

        plsc.subcore_barrier()
        pltpu.sync_copy(acc_sh.at[pl.ds(base, rpt)],
                        out_hbm.at[cid, pl.ds(base, rpt)])

    return prop_k


def _build_mlp(nw, ns, nch, npad, h):
    w = 128
    ghl = h // LANE
    rpt = npad // ns

    @functools.partial(
        pl.kernel,
        out_type=jax.ShapeDtypeStruct((nw, nch, CHUNK, LANE), F32),
        mesh=_mesh(),
        scratch_types=[
            pltpu.VMEM((nch, CHUNK), jnp.int32),
            pltpu.VMEM((nch, CHUNK), jnp.int32),
            pltpu.VMEM((2, CHUNK, w), F32),
            pltpu.VMEM((2, CHUNK, w), F32),
            pltpu.VMEM((ghl, LANE), F32),
            pltpu.VMEM((CHUNK, LANE), F32),
            pltpu.SemaphoreType.DMA,
            pltpu.SemaphoreType.DMA,
            pltpu.SemaphoreType.DMA,
            pltpu.SemaphoreType.DMA,
        ],
    )
    def mlp_k(t_hbm, row_hbm, col_hbm, w_hbm, out_hbm,
              ri_v, ci_v, bufa, bufb, w_v, p_v,
              sa0, sa1, sb0, sb1):
        cid = lax.axis_index("c")
        sid = lax.axis_index("s")
        wid = cid * ns + sid
        sas = (sa0, sa1)
        sbs = (sb0, sb1)

        pltpu.sync_copy(row_hbm.at[wid], ri_v)
        pltpu.sync_copy(col_hbm.at[wid], ci_v)
        pltpu.sync_copy(w_hbm, w_v)

        wg = [w_v[g] for g in range(ghl)]

        pltpu.async_copy(t_hbm.at[ri_v.at[0]], bufa.at[0], sa0)
        pltpu.async_copy(t_hbm.at[ci_v.at[0]], bufb.at[0], sb0)
        pltpu.async_copy(t_hbm.at[ri_v.at[1]], bufa.at[1], sa1)
        pltpu.async_copy(t_hbm.at[ci_v.at[1]], bufb.at[1], sb1)

        def pair_body(p, _):
            for s in range(2):
                j = 2 * p + s
                pltpu.make_async_copy(
                    t_hbm.at[ri_v.at[j]], bufa.at[s], sas[s]).wait()
                pltpu.make_async_copy(
                    t_hbm.at[ci_v.at[j]], bufb.at[s], sbs[s]).wait()

                def edge_body(q, _):
                    for d in range(4):
                        e = q * 4 + d
                        acc = jnp.zeros((LANE,), F32)
                        for g in range(ghl):
                            va = bufa[s, e, pl.ds(g * LANE, LANE)]
                            vb = bufb[s, e, pl.ds(h + g * LANE, LANE)]
                            acc = acc + jnp.maximum(va + vb, 0.0) * wg[g]
                        p_v[e] = acc
                    return 0
                lax.fori_loop(0, CHUNK // 4, edge_body, 0)
                pltpu.sync_copy(p_v, out_hbm.at[wid, j])

                @pl.when(j + 2 < nch)
                def _():
                    pltpu.async_copy(
                        t_hbm.at[ri_v.at[j + 2]], bufa.at[s], sas[s])
                    pltpu.async_copy(
                        t_hbm.at[ci_v.at[j + 2]], bufb.at[s], sbs[s])
            return 0
        lax.fori_loop(0, nch // 2, pair_body, 0)

    return mlp_k


def _tc_stage_d(part, b2):
    ep = part.shape[0]
    rb = ep // 32

    def body(p_ref, b_ref, res_ref):
        res_ref[...] = 1.0 / (
            1.0 + jnp.exp(-(jnp.sum(p_ref[...], axis=1, keepdims=True)
                            + b_ref[0, 0])))

    return pl.pallas_call(
        body,
        grid=(ep // rb,),
        in_specs=[
            pl.BlockSpec((rb, LANE), lambda i: (i, 0)),
            pl.BlockSpec((1, 1), lambda i: (0, 0)),
        ],
        out_specs=pl.BlockSpec((rb, 1), lambda i: (i, 0)),
        out_shape=jax.ShapeDtypeStruct((ep, 1), F32),
    )(part, b2)


def _tc_stage_a(x, w1, d0, d1):
    n, f = x.shape
    h = w1.shape[1]
    rb = 2000

    def body(x_ref, w_ref, d0_ref, d1_ref, g0_ref, dis_ref, dis2_ref):
        deg = d0_ref[:, 0:1] + d1_ref[:, 0:1]
        pos = deg > 0.0
        dis = jnp.where(pos, lax.rsqrt(jnp.where(pos, deg, 1.0)), 0.0)
        dis2 = lax.rsqrt(deg + 1.0)
        hh = jnp.dot(x_ref[...], w_ref[...], preferred_element_type=F32)
        g0_ref[...] = dis * hh
        dis_ref[...] = dis
        dis2_ref[...] = dis2

    return pl.pallas_call(
        body,
        grid=(n // rb,),
        in_specs=[
            pl.BlockSpec((rb, f), lambda i: (i, 0)),
            pl.BlockSpec((f, h), lambda i: (0, 0)),
            pl.BlockSpec((rb, DEGW), lambda i: (i, 0)),
            pl.BlockSpec((rb, DEGW), lambda i: (i, 0)),
        ],
        out_specs=[
            pl.BlockSpec((rb, h), lambda i: (i, 0)),
            pl.BlockSpec((rb, 1), lambda i: (i, 0)),
            pl.BlockSpec((rb, 1), lambda i: (i, 0)),
        ],
        out_shape=[
            jax.ShapeDtypeStruct((n, h), F32),
            jax.ShapeDtypeStruct((n, 1), F32),
            jax.ShapeDtypeStruct((n, 1), F32),
        ],
    )(x, w1, d0, d1)


def _tc_stage_b(s1a, s1b, dis, dis2, b1, w2):
    n, h = s1a.shape
    rb = 2000

    def body(sa_ref, sb_ref, dis_ref, dis2_ref, b_ref, w_ref, g1_ref):
        h1 = jnp.maximum(dis_ref[...] * (sa_ref[...] + sb_ref[...])
                         + b_ref[...], 0.0)
        g1_ref[...] = dis2_ref[...] * jnp.dot(
            h1, w_ref[...], preferred_element_type=F32)

    return pl.pallas_call(
        body,
        grid=(n // rb,),
        in_specs=[
            pl.BlockSpec((rb, h), lambda i: (i, 0)),
            pl.BlockSpec((rb, h), lambda i: (i, 0)),
            pl.BlockSpec((rb, 1), lambda i: (i, 0)),
            pl.BlockSpec((rb, 1), lambda i: (i, 0)),
            pl.BlockSpec((1, h), lambda i: (0, 0)),
            pl.BlockSpec((h, h), lambda i: (0, 0)),
        ],
        out_specs=pl.BlockSpec((rb, h), lambda i: (i, 0)),
        out_shape=jax.ShapeDtypeStruct((n, h), F32),
    )(s1a, s1b, dis, dis2, b1, w2)


def _tc_stage_c(s2a, s2b, g1, dis2, b2, wa, wb, bm1):
    n, h = g1.shape
    rb = 2000

    def body(sa_ref, sb_ref, g1_ref, dis2_ref, b_ref, wa_ref, wb_ref,
             bm_ref, ha_ref, hb_ref):
        h2 = jnp.maximum(
            dis2_ref[...] * (sa_ref[...] + sb_ref[...] + g1_ref[...])
            + b_ref[...], 0.0)
        ha_ref[...] = jnp.dot(h2, wa_ref[...],
                              preferred_element_type=F32) + bm_ref[...]
        hb_ref[...] = jnp.dot(h2, wb_ref[...], preferred_element_type=F32)

    return pl.pallas_call(
        body,
        grid=(n // rb,),
        in_specs=[
            pl.BlockSpec((rb, h), lambda i: (i, 0)),
            pl.BlockSpec((rb, h), lambda i: (i, 0)),
            pl.BlockSpec((rb, h), lambda i: (i, 0)),
            pl.BlockSpec((rb, 1), lambda i: (i, 0)),
            pl.BlockSpec((1, h), lambda i: (0, 0)),
            pl.BlockSpec((h, h), lambda i: (0, 0)),
            pl.BlockSpec((h, h), lambda i: (0, 0)),
            pl.BlockSpec((1, h), lambda i: (0, 0)),
        ],
        out_specs=[
            pl.BlockSpec((rb, h), lambda i: (i, 0)),
            pl.BlockSpec((rb, h), lambda i: (i, 0)),
        ],
        out_shape=[
            jax.ShapeDtypeStruct((n, h), F32),
            jax.ShapeDtypeStruct((n, h), F32),
        ],
    )(s2a, s2b, g1, dis2, b2, wa, wb, bm1)


def kernel(x, edge_index, W1, b1, W2, b2, Wm1, bm1, Wm2, bm2):
    n, f = x.shape
    h = W1.shape[1]
    e = edge_index.shape[1]

    info = plsc.get_sparse_core_info()
    nc, ns = info.num_cores, info.num_subcores
    nw = nc * ns

    per = nw * CHUNK
    nch = -(-e // per)
    if nch % 2:
        nch += 1
    ep = nch * per
    pad_idx = jnp.full((ep - e,), n, jnp.int32)
    rowp = jnp.concatenate([edge_index[0], pad_idx]).reshape(nw, nch, CHUNK)
    colp = jnp.concatenate([edge_index[1], pad_idx]).reshape(nw, nch, CHUNK)

    npad = -(-(n + 1) // (ns * 8)) * (ns * 8)

    deg_parts = _build_deg(nw, ns, nch, npad)(
        colp.reshape(-1)).reshape(nc, npad, DEGW)
    d0 = deg_parts[0, :n]
    d1 = deg_parts[1, :n]

    g0, dis, dis2 = _tc_stage_a(x, W1, d0, d1)

    prop = _build_prop(nw, ns, nch, npad)
    pad_tbl = ((0, npad - n), (0, 128 - h))
    s1 = prop(jnp.pad(g0, pad_tbl), rowp, colp)
    g1 = _tc_stage_b(s1[0, :n, :h], s1[1, :n, :h], dis, dis2,
                     b1.reshape(1, h), W2)

    s2 = prop(jnp.pad(g1, pad_tbl), rowp, colp)
    ha, hb = _tc_stage_c(s2[0, :n, :h], s2[1, :n, :h], g1, dis2,
                         b2.reshape(1, h), Wm1[:h], Wm1[h:],
                         bm1.reshape(1, h))

    t_mlp = jnp.pad(jnp.concatenate([ha, hb], axis=1),
                    ((0, npad - n), (0, 0)))
    part = _build_mlp(nw, ns, nch, npad, h)(
        t_mlp, rowp, colp, Wm2.reshape(h // LANE, LANE))
    res = _tc_stage_d(part.reshape(ep, LANE), bm2.reshape(1, 1))
    return res[:e]

# --- scband reference (transcript-rebuilt; emitter-appended) ---
"""Pipeline reference for scband-edge-prediction-gnn-89902255440817 (READ-ONLY COPY).

The authoritative reference and input builder live on the scoring server;
editing this copy changes nothing except your own understanding.
"""

import jax, jax.numpy as jnp
import numpy as np

N = 10000
E = 320000
F = 128
H = 64


def glorot(key, shape):
    fan_in, fan_out = shape[0], shape[1]
    limit = float(np.sqrt(6.0 / (fan_in + fan_out)))
    return jax.random.uniform(key, shape, dtype=jnp.float32, minval=-limit, maxval=limit)


def setup_inputs(seed: int = 0) -> dict:
    key = jax.random.key(seed)
    ks = jax.random.split(key, 10)
    x = jax.random.normal(ks[0], (N, F), dtype=jnp.float32)
    edge_index = jax.random.randint(ks[1], (2, E), 0, N, dtype=jnp.int32)
    W1 = glorot(ks[2], (F, H))
    b1 = jnp.zeros((H,), dtype=jnp.float32)
    W2 = glorot(ks[3], (H, H))
    b2 = jnp.zeros((H,), dtype=jnp.float32)
    Wm1 = glorot(ks[4], (2 * H, H))
    bm1 = jnp.zeros((H,), dtype=jnp.float32)
    Wm2 = glorot(ks[5], (H, 1))
    bm2 = jnp.zeros((1,), dtype=jnp.float32)
    return {"x": x, "edge_index": edge_index, "W1": W1, "b1": b1, "W2": W2, "b2": b2, "Wm1": Wm1, "bm1": bm1, "Wm2": Wm2, "bm2": bm2}


def gcn_conv(x, W, b, edge_index, add_self_loops, num_nodes):
    # PyG GCNConv: symmetric normalization D^{-1/2} A D^{-1/2} with optional self loops
    if add_self_loops:
        loop = jnp.arange(num_nodes, dtype=edge_index.dtype)
        ei = jnp.concatenate([edge_index, jnp.stack([loop, loop], axis=0)], axis=1)
    else:
        ei = edge_index
    row, col = ei[0], ei[1]
    ew = jnp.ones((ei.shape[1],), dtype=x.dtype)
    deg = jnp.zeros((num_nodes,), dtype=x.dtype).at[col].add(ew)
    deg_inv_sqrt = jnp.where(deg > 0, jax.lax.rsqrt(jnp.where(deg > 0, deg, 1.0)), 0.0)
    norm = deg_inv_sqrt[row] * ew * deg_inv_sqrt[col]
    h = x @ W
    msg = norm[:, None] * jnp.take(h, row, axis=0)
    out = jnp.zeros((num_nodes, W.shape[1]), dtype=x.dtype).at[col].add(msg)
    return out + b


def reference(x, edge_index, W1, b1, W2, b2, Wm1, bm1, Wm2, bm2):
    num_nodes = x.shape[0]
    h = jax.nn.relu(gcn_conv(x, W1, b1, edge_index, False, num_nodes))
    h = jax.nn.relu(gcn_conv(h, W2, b2, edge_index, True, num_nodes))
    md0 = jnp.take(h, edge_index[0], axis=0)
    md1 = jnp.take(h, edge_index[1], axis=0)
    edge_features = jnp.concatenate([md0, md1], axis=1)
    z = jax.nn.relu(edge_features @ Wm1 + bm1)
    z = z @ Wm2 + bm2
    return jax.nn.sigmoid(z)

if __name__ == "__main__":
    import jax
    _d = setup_inputs()
    print(jax.jit(kernel)(*tuple(_d.values())))

</pallas_src>

<mosaic_0001>
#map = affine_map<(d0, d1) -> (0, 0)>
#map1 = affine_map<(d0, d1) -> (0, 0, 0)>
module attributes {stable_mosaic.version = 14 : i64} {
  func.func @prop_k(%arg0: i32, %arg1: i32, %arg2: memref<10112x128xf32, #tpu.memory_space<hbm>>, %arg3: memref<32x80x128xi32, #tpu.memory_space<hbm>>, %arg4: memref<32x80x128xi32, #tpu.memory_space<hbm>>, %arg5: memref<2x10112x128xf32, #tpu.memory_space<hbm>>, %arg6: memref<80x128xi32, #tpu.memory_space<vmem>>, %arg7: memref<80x128xi32, #tpu.memory_space<vmem>>, %arg8: memref<2x64x128xf32, #tpu.memory_space<vmem>>, %arg9: memref<10112x128xf32, #tpu.memory_space<vmem_shared>>, %arg10: memref<!tpu.dma_semaphore, #tpu.memory_space<semaphore_mem>>, %arg11: memref<!tpu.dma_semaphore, #tpu.memory_space<semaphore_mem>>) attributes {dimension_semantics = [#tpu.dimension_semantics<core_parallel>, #tpu.dimension_semantics<subcore_parallel>], iteration_bounds = array<i64: 2, 16>, scalar_prefetch = 0 : i64, scratch_operands = 6 : i64, tpu.core_type = #tpu.core_type<sc_vector_subcore>, window_params = [{transform_indices = #map}, {transform_indices = #map1}, {transform_indices = #map1}, {transform_indices = #map1}]} {
    %mul3A = arith.constant 16 : i32
    %mul3A_0 = arith.muli %arg0, %mul3A : i32
    %add3A = arith.addi %mul3A_0, %arg1 : i32
    %mul3A_1 = arith.constant 632 : i32
    %mul3A_2 = arith.muli %arg1, %mul3A_1 : i32
    %scan3A = arith.constant 0 : i32
    %scan3A_3 = arith.constant 0 : i32
    %scan3A_4 = arith.constant 0 : i32
    %scan3A_5 = arith.constant 512 : i32
    %scan3A_6 = arith.addi %scan3A_4, %scan3A_5 : i32
    %scan3A_7 = arith.constant 1 : i32
    %scan3A_8 = scf.for %scan3A_70 = %scan3A_4 to %scan3A_6 step %scan3A_7 iter_args(%scan3A_71 = %scan3A_3) -> (i32)  : i32 {
      %jit3A = arith.constant 8 : i32
      %div3A = arith.divsi %scan3A_70, %jit3A : i32
      %sign3A = arith.constant 0 : i32
      %sign3A_72 = arith.cmpi sgt, %scan3A_70, %sign3A : i32
      %sign3A_73 = arith.extui %sign3A_72 : i1 to i32
      %sign3A_74 = arith.constant 0 : i32
      %sign3A_75 = arith.cmpi slt, %scan3A_70, %sign3A_74 : i32
      %sign3A_76 = arith.extui %sign3A_75 : i1 to i32
      %sign3A_77 = arith.subi %sign3A_73, %sign3A_76 : i32
      %sign3A_78 = arith.constant 0 : i32
      %sign3A_79 = arith.cmpi sgt, %jit3A, %sign3A_78 : i32
      %sign3A_80 = arith.extui %sign3A_79 : i1 to i32
      %sign3A_81 = arith.constant 0 : i32
      %sign3A_82 = arith.cmpi slt, %jit3A, %sign3A_81 : i32
      %sign3A_83 = arith.extui %sign3A_82 : i1 to i32
      %sign3A_84 = arith.subi %sign3A_80, %sign3A_83 : i32
      %ne3A = arith.cmpi ne, %sign3A_77, %sign3A_84 : i32
      %rem3A = arith.remsi %scan3A_70, %jit3A : i32
      %ne3A_85 = arith.constant 0 : i32
      %ne3A_86 = arith.cmpi ne, %rem3A, %ne3A_85 : i32
      %and3A = arith.andi %ne3A, %ne3A_86 : i1
      %sub3A = arith.constant 1 : i32
      %sub3A_87 = arith.subi %div3A, %sub3A : i32
      %select_n3A = arith.select %and3A, %sub3A_87, %div3A : i32
      %jit3A_88 = arith.constant 8 : i32
      %eq3A = arith.constant 0 : i32
      %eq3A_89 = arith.cmpi eq, %jit3A_88, %eq3A : i32
      %jit3A_90 = arith.constant 1 : i32
      %select_n3A_91 = arith.select %eq3A_89, %jit3A_90, %jit3A_88 : i32
      %rem3A_92 = arith.remsi %scan3A_70, %select_n3A_91 : i32
      %ne3A_93 = arith.constant 0 : i32
      %ne3A_94 = arith.cmpi ne, %rem3A_92, %ne3A_93 : i32
      %lt3A = arith.constant 0 : i32
      %lt3A_95 = arith.cmpi slt, %rem3A_92, %lt3A : i32
      %lt3A_96 = arith.constant 0 : i32
      %lt3A_97 = arith.cmpi slt, %select_n3A_91, %lt3A_96 : i32
      %ne3A_98 = arith.xori %lt3A_95, %lt3A_97 : i1
      %and3A_99 = arith.andi %ne3A_98, %ne3A_94 : i1
      %add3A_100 = arith.addi %rem3A_92, %select_n3A_91 : i32
      %select_n3A_101 = arith.select %and3A_99, %add3A_100, %rem3A_92 : i32
      %mul3A_102 = arith.constant 16 : i32
      %mul3A_103 = arith.muli %select_n3A_101, %mul3A_102 : i32
      %broadcast_in_dim3A = arith.constant 0.000000e+00 : f32
      %broadcast_in_dim3A_104 = vector.broadcast %broadcast_in_dim3A : f32 to vector<16xf32>
      %swap3A = arith.constant 0 : i32
      %swap3A_105 = arith.constant 0 : i32
      %swap3A_106 = tpu.memref_slice %arg8[%scan3A, %swap3A, %swap3A_105] : memref<2x64x128xf32, #tpu.memory_space<vmem>> -> memref<1x64x128xf32, #tpu.memory_space<vmem>>
      %swap3A_107 = tpu.memref_squeeze %swap3A_106 : memref<1x64x128xf32, #tpu.memory_space<vmem>> -> memref<64x128xf32, #tpu.memory_space<vmem>>
      %swap3A_108 = arith.index_cast %select_n3A : i32 to index
      %swap3A_109 = arith.index_cast %mul3A_103 : i32 to index
      %swap3A_110 = tpu.vector_load %swap3A_107[%swap3A_108, %swap3A_109] {strides = array<i32>} : memref<64x128xf32, #tpu.memory_space<vmem>>, vector<1x16xf32>,
      %swap3A_111 = vector.shape_cast %swap3A_110 : vector<1x16xf32> to vector<16xf32>
      %swap3A_112 = vector.shape_cast %broadcast_in_dim3A_104 : vector<16xf32> to vector<1x16xf32>
      tpu.vector_store %swap3A_107[%swap3A_108, %swap3A_109], %swap3A_112 {strides = array<i32>} : memref<64x128xf32, #tpu.memory_space<vmem>>, vector<1x16xf32>,
      %scan3A_113 = arith.constant 0 : i32
      scf.yield %scan3A_113 : i32
    }
    %scan3A_9 = arith.constant 512 : i32
    %add3A_10 = arith.constant 0 : i32
    %add3A_11 = arith.addi %mul3A_2, %add3A_10 : i32
    %run_scoped3A = arith.constant 0 : i32
    "tpu.region"() ({
      %run_scoped3A_70 = tpu.sem_alloc : memref<!tpu.dma_semaphore, #tpu.memory_space<semaphore_mem>>
      %dma_start3A_71 = arith.constant 0 : i32
      %dma_start3A_72 = arith.constant 0 : i32
      %dma_start3A_73 = tpu.memref_slice %arg8[%run_scoped3A, %dma_start3A_71, %dma_start3A_72] : memref<2x64x128xf32, #tpu.memory_space<vmem>> -> memref<1x64x128xf32, #tpu.memory_space<vmem>>
      %dma_start3A_74 = tpu.memref_squeeze %dma_start3A_73 : memref<1x64x128xf32, #tpu.memory_space<vmem>> -> memref<64x128xf32, #tpu.memory_space<vmem>>
      %dma_start3A_75 = arith.constant 0 : i32
      %dma_start3A_76 = tpu.memref_slice %arg9[%add3A_11, %dma_start3A_75] : memref<10112x128xf32, #tpu.memory_space<vmem_shared>> -> memref<64x128xf32, #tpu.memory_space<vmem_shared>>
      %dma_start3A_77 = arith.constant 0 : i32
      %dma_start3A_78 = tpu.memref_slice %arg9[%add3A_11, %dma_start3A_77] : memref<10112x128xf32, #tpu.memory_space<vmem_shared>> -> memref<64x128xf32, #tpu.memory_space<vmem_shared>>
      %dma_start3A_79 = arith.constant 0 : i32
      %dma_start3A_80 = arith.constant 0 : i32
      %dma_start3A_81 = tpu.memref_slice %arg8[%run_scoped3A, %dma_start3A_79, %dma_start3A_80] : memref<2x64x128xf32, #tpu.memory_space<vmem>> -> memref<1x64x128xf32, #tpu.memory_space<vmem>>
      %dma_start3A_82 = tpu.memref_squeeze %dma_start3A_81 : memref<1x64x128xf32, #tpu.memory_space<vmem>> -> memref<64x128xf32, #tpu.memory_space<vmem>>
      tpu.enqueue_dma source(%dma_start3A_82 : memref<64x128xf32, #tpu.memory_space<vmem>>) target(%dma_start3A_78 : memref<64x128xf32, #tpu.memory_space<vmem_shared>>) target_semaphore(%run_scoped3A_70 : memref<!tpu.dma_semaphore, #tpu.memory_space<semaphore_mem>>)
      %dma_wait3A = arith.constant 0 : i32
      %dma_wait3A_83 = arith.constant 0 : i32
      %dma_wait3A_84 = tpu.memref_slice %arg8[%run_scoped3A, %dma_wait3A, %dma_wait3A_83] : memref<2x64x128xf32, #tpu.memory_space<vmem>> -> memref<1x64x128xf32, #tpu.memory_space<vmem>>
      %dma_wait3A_85 = tpu.memref_squeeze %dma_wait3A_84 : memref<1x64x128xf32, #tpu.memory_space<vmem>> -> memref<64x128xf32, #tpu.memory_space<vmem>>
      %dma_wait3A_86 = arith.constant 0 : i32
      %dma_wait3A_87 = tpu.memref_slice %arg9[%add3A_11, %dma_wait3A_86] : memref<10112x128xf32, #tpu.memory_space<vmem_shared>> -> memref<64x128xf32, #tpu.memory_space<vmem_shared>>
      %dma_wait3A_88 = arith.constant 0 : i32
      %dma_wait3A_89 = tpu.memref_slice %arg9[%add3A_11, %dma_wait3A_88] : memref<10112x128xf32, #tpu.memory_space<vmem_shared>> -> memref<64x128xf32, #tpu.memory_space<vmem_shared>>
      %dma_wait3A_90 = arith.constant 0 : i32
      %dma_wait3A_91 = arith.constant 0 : i32
      %dma_wait3A_92 = tpu.memref_slice %arg8[%run_scoped3A, %dma_wait3A_90, %dma_wait3A_91] : memref<2x64x128xf32, #tpu.memory_space<vmem>> -> memref<1x64x128xf32, #tpu.memory_space<vmem>>
      %dma_wait3A_93 = tpu.memref_squeeze %dma_wait3A_92 : memref<1x64x128xf32, #tpu.memory_space<vmem>> -> memref<64x128xf32, #tpu.memory_space<vmem>>
      tpu.wait_dma2 semaphore(%run_scoped3A_70 : memref<!tpu.dma_semaphore, #tpu.memory_space<semaphore_mem>>) src(%dma_wait3A_93 : memref<64x128xf32, #tpu.memory_space<vmem>>) dst(%dma_wait3A_89 : memref<64x128xf32, #tpu.memory_space<vmem_shared>>)
      tpu.yield
    }) : () -> ()
    %add3A_12 = arith.constant 64 : i32
    %add3A_13 = arith.addi %mul3A_2, %add3A_12 : i32
    %run_scoped3A_14 = arith.constant 0 : i32
    "tpu.region"() ({
      %run_scoped3A_70 = tpu.sem_alloc : memref<!tpu.dma_semaphore, #tpu.memory_space<semaphore_mem>>
      %dma_start3A_71 = arith.constant 0 : i32
      %dma_start3A_72 = arith.constant 0 : i32
      %dma_start3A_73 = tpu.memref_slice %arg8[%run_scoped3A_14, %dma_start3A_71, %dma_start3A_72] : memref<2x64x128xf32, #tpu.memory_space<vmem>> -> memref<1x64x128xf32, #tpu.memory_space<vmem>>
      %dma_start3A_74 = tpu.memref_squeeze %dma_start3A_73 : memref<1x64x128xf32, #tpu.memory_space<vmem>> -> memref<64x128xf32, #tpu.memory_space<vmem>>
      %dma_start3A_75 = arith.constant 0 : i32
      %dma_start3A_76 = tpu.memref_slice %arg9[%add3A_13, %dma_start3A_75] : memref<10112x128xf32, #tpu.memory_space<vmem_shared>> -> memref<64x128xf32, #tpu.memory_space<vmem_shared>>
      %dma_start3A_77 = arith.constant 0 : i32
      %dma_start3A_78 = tpu.memref_slice %arg9[%add3A_13, %dma_start3A_77] : memref<10112x128xf32, #tpu.memory_space<vmem_shared>> -> memref<64x128xf32, #tpu.memory_space<vmem_shared>>
      %dma_start3A_79 = arith.constant 0 : i32
      %dma_start3A_80 = arith.constant 0 : i32
      %dma_start3A_81 = tpu.memref_slice %arg8[%run_scoped3A_14, %dma_start3A_79, %dma_start3A_80] : memref<2x64x128xf32, #tpu.memory_space<vmem>> -> memref<1x64x128xf32, #tpu.memory_space<vmem>>
      %dma_start3A_82 = tpu.memref_squeeze %dma_start3A_81 : memref<1x64x128xf32, #tpu.memory_space<vmem>> -> memref<64x128xf32, #tpu.memory_space<vmem>>
      tpu.enqueue_dma source(%dma_start3A_82 : memref<64x128xf32, #tpu.memory_space<vmem>>) target(%dma_start3A_78 : memref<64x128xf32, #tpu.memory_space<vmem_shared>>) target_semaphore(%run_scoped3A_70 : memref<!tpu.dma_semaphore, #tpu.memory_space<semaphore_mem>>)
      %dma_wait3A = arith.constant 0 : i32
      %dma_wait3A_83 = arith.constant 0 : i32
      %dma_wait3A_84 = tpu.memref_slice %arg8[%run_scoped3A_14, %dma_wait3A, %dma_wait3A_83] : memref<2x64x128xf32, #tpu.memory_space<vmem>> -> memref<1x64x128xf32, #tpu.memory_space<vmem>>
      %dma_wait3A_85 = tpu.memref_squeeze %dma_wait3A_84 : memref<1x64x128xf32, #tpu.memory_space<vmem>> -> memref<64x128xf32, #tpu.memory_space<vmem>>
      %dma_wait3A_86 = arith.constant 0 : i32
      %dma_wait3A_87 = tpu.memref_slice %arg9[%add3A_13, %dma_wait3A_86] : memref<10112x128xf32, #tpu.memory_space<vmem_shared>> -> memref<64x128xf32, #tpu.memory_space<vmem_shared>>
      %dma_wait3A_88 = arith.constant 0 : i32
      %dma_wait3A_89 = tpu.memref_slice %arg9[%add3A_13, %dma_wait3A_88] : memref<10112x128xf32, #tpu.memory_space<vmem_shared>> -> memref<64x128xf32, #tpu.memory_space<vmem_shared>>
      %dma_wait3A_90 = arith.constant 0 : i32
      %dma_wait3A_91 = arith.constant 0 : i32
      %dma_wait3A_92 = tpu.memref_slice %arg8[%run_scoped3A_14, %dma_wait3A_90, %dma_wait3A_91] : memref<2x64x128xf32, #tpu.memory_space<vmem>> -> memref<1x64x128xf32, #tpu.memory_space<vmem>>
      %dma_wait3A_93 = tpu.memref_squeeze %dma_wait3A_92 : memref<1x64x128xf32, #tpu.memory_space<vmem>> -> memref<64x128xf32, #tpu.memory_space<vmem>>
      tpu.wait_dma2 semaphore(%run_scoped3A_70 : memref<!tpu.dma_semaphore, #tpu.memory_space<semaphore_mem>>) src(%dma_wait3A_93 : memref<64x128xf32, #tpu.memory_space<vmem>>) dst(%dma_wait3A_89 : memref<64x128xf32, #tpu.memory_space<vmem_shared>>)
      tpu.yield
    }) : () -> ()
    %add3A_15 = arith.constant 128 : i32
    %add3A_16 = arith.addi %mul3A_2, %add3A_15 : i32
    %run_scoped3A_17 = arith.constant 0 : i32
    "tpu.region"() ({
      %run_scoped3A_70 = tpu.sem_alloc : memref<!tpu.dma_semaphore, #tpu.memory_space<semaphore_mem>>
      %dma_start3A_71 = arith.constant 0 : i32
      %dma_start3A_72 = arith.constant 0 : i32
      %dma_start3A_73 = tpu.memref_slice %arg8[%run_scoped3A_17, %dma_start3A_71, %dma_start3A_72] : memref<2x64x128xf32, #tpu.memory_space<vmem>> -> memref<1x64x128xf32, #tpu.memory_space<vmem>>
      %dma_start3A_74 = tpu.memref_squeeze %dma_start3A_73 : memref<1x64x128xf32, #tpu.memory_space<vmem>> -> memref<64x128xf32, #tpu.memory_space<vmem>>
      %dma_start3A_75 = arith.constant 0 : i32
      %dma_start3A_76 = tpu.memref_slice %arg9[%add3A_16, %dma_start3A_75] : memref<10112x128xf32, #tpu.memory_space<vmem_shared>> -> memref<64x128xf32, #tpu.memory_space<vmem_shared>>
      %dma_start3A_77 = arith.constant 0 : i32
      %dma_start3A_78 = tpu.memref_slice %arg9[%add3A_16, %dma_start3A_77] : memref<10112x128xf32, #tpu.memory_space<vmem_shared>> -> memref<64x128xf32, #tpu.memory_space<vmem_shared>>
      %dma_start3A_79 = arith.constant 0 : i32
      %dma_start3A_80 = arith.constant 0 : i32
      %dma_start3A_81 = tpu.memref_slice %arg8[%run_scoped3A_17, %dma_start3A_79, %dma_start3A_80] : memref<2x64x128xf32, #tpu.memory_space<vmem>> -> memref<1x64x128xf32, #tpu.memory_space<vmem>>
      %dma_start3A_82 = tpu.memref_squeeze %dma_start3A_81 : memref<1x64x128xf32, #tpu.memory_space<vmem>> -> memref<64x128xf32, #tpu.memory_space<vmem>>
      tpu.enqueue_dma source(%dma_start3A_82 : memref<64x128xf32, #tpu.memory_space<vmem>>) target(%dma_start3A_78 : memref<64x128xf32, #tpu.memory_space<vmem_shared>>) target_semaphore(%run_scoped3A_70 : memref<!tpu.dma_semaphore, #tpu.memory_space<semaphore_mem>>)
      %dma_wait3A = arith.constant 0 : i32
      %dma_wait3A_83 = arith.constant 0 : i32
      %dma_wait3A_84 = tpu.memref_slice %arg8[%run_scoped3A_17, %dma_wait3A, %dma_wait3A_83] : memref<2x64x128xf32, #tpu.memory_space<vmem>> -> memref<1x64x128xf32, #tpu.memory_space<vmem>>
      %dma_wait3A_85 = tpu.memref_squeeze %dma_wait3A_84 : memref<1x64x128xf32, #tpu.memory_space<vmem>> -> memref<64x128xf32, #tpu.memory_space<vmem>>
      %dma_wait3A_86 = arith.constant 0 : i32
      %dma_wait3A_87 = tpu.memref_slice %arg9[%add3A_16, %dma_wait3A_86] : memref<10112x128xf32, #tpu.memory_space<vmem_shared>> -> memref<64x128xf32, #tpu.memory_space<vmem_shared>>
      %dma_wait3A_88 = arith.constant 0 : i32
      %dma_wait3A_89 = tpu.memref_slice %arg9[%add3A_16, %dma_wait3A_88] : memref<10112x128xf32, #tpu.memory_space<vmem_shared>> -> memref<64x128xf32, #tpu.memory_space<vmem_shared>>
      %dma_wait3A_90 = arith.constant 0 : i32
      %dma_wait3A_91 = arith.constant 0 : i32
      %dma_wait3A_92 = tpu.memref_slice %arg8[%run_scoped3A_17, %dma_wait3A_90, %dma_wait3A_91] : memref<2x64x128xf32, #tpu.memory_space<vmem>> -> memref<1x64x128xf32, #tpu.memory_space<vmem>>
      %dma_wait3A_93 = tpu.memref_squeeze %dma_wait3A_92 : memref<1x64x128xf32, #tpu.memory_space<vmem>> -> memref<64x128xf32, #tpu.memory_space<vmem>>
      tpu.wait_dma2 semaphore(%run_scoped3A_70 : memref<!tpu.dma_semaphore, #tpu.memory_space<semaphore_mem>>) src(%dma_wait3A_93 : memref<64x128xf32, #tpu.memory_space<vmem>>) dst(%dma_wait3A_89 : memref<64x128xf32, #tpu.memory_space<vmem_shared>>)
      tpu.yield
    }) : () -> ()
    %add3A_18 = arith.constant 192 : i32
    %add3A_19 = arith.addi %mul3A_2, %add3A_18 : i32
    %run_scoped3A_20 = arith.constant 0 : i32
    "tpu.region"() ({
      %run_scoped3A_70 = tpu.sem_alloc : memref<!tpu.dma_semaphore, #tpu.memory_space<semaphore_mem>>
      %dma_start3A_71 = arith.constant 0 : i32
      %dma_start3A_72 = arith.constant 0 : i32
      %dma_start3A_73 = tpu.memref_slice %arg8[%run_scoped3A_20, %dma_start3A_71, %dma_start3A_72] : memref<2x64x128xf32, #tpu.memory_space<vmem>> -> memref<1x64x128xf32, #tpu.memory_space<vmem>>
      %dma_start3A_74 = tpu.memref_squeeze %dma_start3A_73 : memref<1x64x128xf32, #tpu.memory_space<vmem>> -> memref<64x128xf32, #tpu.memory_space<vmem>>
      %dma_start3A_75 = arith.constant 0 : i32
      %dma_start3A_76 = tpu.memref_slice %arg9[%add3A_19, %dma_start3A_75] : memref<10112x128xf32, #tpu.memory_space<vmem_shared>> -> memref<64x128xf32, #tpu.memory_space<vmem_shared>>
      %dma_start3A_77 = arith.constant 0 : i32
      %dma_start3A_78 = tpu.memref_slice %arg9[%add3A_19, %dma_start3A_77] : memref<10112x128xf32, #tpu.memory_space<vmem_shared>> -> memref<64x128xf32, #tpu.memory_space<vmem_shared>>
      %dma_start3A_79 = arith.constant 0 : i32
      %dma_start3A_80 = arith.constant 0 : i32
      %dma_start3A_81 = tpu.memref_slice %arg8[%run_scoped3A_20, %dma_start3A_79, %dma_start3A_80] : memref<2x64x128xf32, #tpu.memory_space<vmem>> -> memref<1x64x128xf32, #tpu.memory_space<vmem>>
      %dma_start3A_82 = tpu.memref_squeeze %dma_start3A_81 : memref<1x64x128xf32, #tpu.memory_space<vmem>> -> memref<64x128xf32, #tpu.memory_space<vmem>>
      tpu.enqueue_dma source(%dma_start3A_82 : memref<64x128xf32, #tpu.memory_space<vmem>>) target(%dma_start3A_78 : memref<64x128xf32, #tpu.memory_space<vmem_shared>>) target_semaphore(%run_scoped3A_70 : memref<!tpu.dma_semaphore, #tpu.memory_space<semaphore_mem>>)
      %dma_wait3A = arith.constant 0 : i32
      %dma_wait3A_83 = arith.constant 0 : i32
      %dma_wait3A_84 = tpu.memref_slice %arg8[%run_scoped3A_20, %dma_wait3A, %dma_wait3A_83] : memref<2x64x128xf32, #tpu.memory_space<vmem>> -> memref<1x64x128xf32, #tpu.memory_space<vmem>>
      %dma_wait3A_85 = tpu.memref_squeeze %dma_wait3A_84 : memref<1x64x128xf32, #tpu.memory_space<vmem>> -> memref<64x128xf32, #tpu.memory_space<vmem>>
      %dma_wait3A_86 = arith.constant 0 : i32
      %dma_wait3A_87 = tpu.memref_slice %arg9[%add3A_19, %dma_wait3A_86] : memref<10112x128xf32, #tpu.memory_space<vmem_shared>> -> memref<64x128xf32, #tpu.memory_space<vmem_shared>>
      %dma_wait3A_88 = arith.constant 0 : i32
      %dma_wait3A_89 = tpu.memref_slice %arg9[%add3A_19, %dma_wait3A_88] : memref<10112x128xf32, #tpu.memory_space<vmem_shared>> -> memref<64x128xf32, #tpu.memory_space<vmem_shared>>
      %dma_wait3A_90 = arith.constant 0 : i32
      %dma_wait3A_91 = arith.constant 0 : i32
      %dma_wait3A_92 = tpu.memref_slice %arg8[%run_scoped3A_20, %dma_wait3A_90, %dma_wait3A_91] : memref<2x64x128xf32, #tpu.memory_space<vmem>> -> memref<1x64x128xf32, #tpu.memory_space<vmem>>
      %dma_wait3A_93 = tpu.memref_squeeze %dma_wait3A_92 : memref<1x64x128xf32, #tpu.memory_space<vmem>> -> memref<64x128xf32, #tpu.memory_space<vmem>>
      tpu.wait_dma2 semaphore(%run_scoped3A_70 : memref<!tpu.dma_semaphore, #tpu.memory_space<semaphore_mem>>) src(%dma_wait3A_93 : memref<64x128xf32, #tpu.memory_space<vmem>>) dst(%dma_wait3A_89 : memref<64x128xf32, #tpu.memory_space<vmem_shared>>)
      tpu.yield
    }) : () -> ()
    %add3A_21 = arith.constant 256 : i32
    %add3A_22 = arith.addi %mul3A_2, %add3A_21 : i32
    %run_scoped3A_23 = arith.constant 0 : i32
    "tpu.region"() ({
      %run_scoped3A_70 = tpu.sem_alloc : memref<!tpu.dma_semaphore, #tpu.memory_space<semaphore_mem>>
      %dma_start3A_71 = arith.constant 0 : i32
      %dma_start3A_72 = arith.constant 0 : i32
      %dma_start3A_73 = tpu.memref_slice %arg8[%run_scoped3A_23, %dma_start3A_71, %dma_start3A_72] : memref<2x64x128xf32, #tpu.memory_space<vmem>> -> memref<1x64x128xf32, #tpu.memory_space<vmem>>
      %dma_start3A_74 = tpu.memref_squeeze %dma_start3A_73 : memref<1x64x128xf32, #tpu.memory_space<vmem>> -> memref<64x128xf32, #tpu.memory_space<vmem>>
      %dma_start3A_75 = arith.constant 0 : i32
      %dma_start3A_76 = tpu.memref_slice %arg9[%add3A_22, %dma_start3A_75] : memref<10112x128xf32, #tpu.memory_space<vmem_shared>> -> memref<64x128xf32, #tpu.memory_space<vmem_shared>>
      %dma_start3A_77 = arith.constant 0 : i32
      %dma_start3A_78 = tpu.memref_slice %arg9[%add3A_22, %dma_start3A_77] : memref<10112x128xf32, #tpu.memory_space<vmem_shared>> -> memref<64x128xf32, #tpu.memory_space<vmem_shared>>
      %dma_start3A_79 = arith.constant 0 : i32
      %dma_start3A_80 = arith.constant 0 : i32
      %dma_start3A_81 = tpu.memref_slice %arg8[%run_scoped3A_23, %dma_start3A_79, %dma_start3A_80] : memref<2x64x128xf32, #tpu.memory_space<vmem>> -> memref<1x64x128xf32, #tpu.memory_space<vmem>>
      %dma_start3A_82 = tpu.memref_squeeze %dma_start3A_81 : memref<1x64x128xf32, #tpu.memory_space<vmem>> -> memref<64x128xf32, #tpu.memory_space<vmem>>
      tpu.enqueue_dma source(%dma_start3A_82 : memref<64x128xf32, #tpu.memory_space<vmem>>) target(%dma_start3A_78 : memref<64x128xf32, #tpu.memory_space<vmem_shared>>) target_semaphore(%run_scoped3A_70 : memref<!tpu.dma_semaphore, #tpu.memory_space<semaphore_mem>>)
      %dma_wait3A = arith.constant 0 : i32
      %dma_wait3A_83 = arith.constant 0 : i32
      %dma_wait3A_84 = tpu.memref_slice %arg8[%run_scoped3A_23, %dma_wait3A, %dma_wait3A_83] : memref<2x64x128xf32, #tpu.memory_space<vmem>> -> memref<1x64x128xf32, #tpu.memory_space<vmem>>
      %dma_wait3A_85 = tpu.memref_squeeze %dma_wait3A_84 : memref<1x64x128xf32, #tpu.memory_space<vmem>> -> memref<64x128xf32, #tpu.memory_space<vmem>>
      %dma_wait3A_86 = arith.constant 0 : i32
      %dma_wait3A_87 = tpu.memref_slice %arg9[%add3A_22, %dma_wait3A_86] : memref<10112x128xf32, #tpu.memory_space<vmem_shared>> -> memref<64x128xf32, #tpu.memory_space<vmem_shared>>
      %dma_wait3A_88 = arith.constant 0 : i32
      %dma_wait3A_89 = tpu.memref_slice %arg9[%add3A_22, %dma_wait3A_88] : memref<10112x128xf32, #tpu.memory_space<vmem_shared>> -> memref<64x128xf32, #tpu.memory_space<vmem_shared>>
      %dma_wait3A_90 = arith.constant 0 : i32
      %dma_wait3A_91 = arith.constant 0 : i32
      %dma_wait3A_92 = tpu.memref_slice %arg8[%run_scoped3A_23, %dma_wait3A_90, %dma_wait3A_91] : memref<2x64x128xf32, #tpu.memory_space<vmem>> -> memref<1x64x128xf32, #tpu.memory_space<vmem>>
      %dma_wait3A_93 = tpu.memref_squeeze %dma_wait3A_92 : memref<1x64x128xf32, #tpu.memory_space<vmem>> -> memref<64x128xf32, #tpu.memory_space<vmem>>
      tpu.wait_dma2 semaphore(%run_scoped3A_70 : memref<!tpu.dma_semaphore, #tpu.memory_space<semaphore_mem>>) src(%dma_wait3A_93 : memref<64x128xf32, #tpu.memory_space<vmem>>) dst(%dma_wait3A_89 : memref<64x128xf32, #tpu.memory_space<vmem_shared>>)
      tpu.yield
    }) : () -> ()
    %add3A_24 = arith.constant 320 : i32
    %add3A_25 = arith.addi %mul3A_2, %add3A_24 : i32
    %run_scoped3A_26 = arith.constant 0 : i32
    "tpu.region"() ({
      %run_scoped3A_70 = tpu.sem_alloc : memref<!tpu.dma_semaphore, #tpu.memory_space<semaphore_mem>>
      %dma_start3A_71 = arith.constant 0 : i32
      %dma_start3A_72 = arith.constant 0 : i32
      %dma_start3A_73 = tpu.memref_slice %arg8[%run_scoped3A_26, %dma_start3A_71, %dma_start3A_72] : memref<2x64x128xf32, #tpu.memory_space<vmem>> -> memref<1x64x128xf32, #tpu.memory_space<vmem>>
      %dma_start3A_74 = tpu.memref_squeeze %dma_start3A_73 : memref<1x64x128xf32, #tpu.memory_space<vmem>> -> memref<64x128xf32, #tpu.memory_space<vmem>>
      %dma_start3A_75 = arith.constant 0 : i32
      %dma_start3A_76 = tpu.memref_slice %arg9[%add3A_25, %dma_start3A_75] : memref<10112x128xf32, #tpu.memory_space<vmem_shared>> -> memref<64x128xf32, #tpu.memory_space<vmem_shared>>
      %dma_start3A_77 = arith.constant 0 : i32
      %dma_start3A_78 = tpu.memref_slice %arg9[%add3A_25, %dma_start3A_77] : memref<10112x128xf32, #tpu.memory_space<vmem_shared>> -> memref<64x128xf32, #tpu.memory_space<vmem_shared>>
      %dma_start3A_79 = arith.constant 0 : i32
      %dma_start3A_80 = arith.constant 0 : i32
      %dma_start3A_81 = tpu.memref_slice %arg8[%run_scoped3A_26, %dma_start3A_79, %dma_start3A_80] : memref<2x64x128xf32, #tpu.memory_space<vmem>> -> memref<1x64x128xf32, #tpu.memory_space<vmem>>
      %dma_start3A_82 = tpu.memref_squeeze %dma_start3A_81 : memref<1x64x128xf32, #tpu.memory_space<vmem>> -> memref<64x128xf32, #tpu.memory_space<vmem>>
      tpu.enqueue_dma source(%dma_start3A_82 : memref<64x128xf32, #tpu.memory_space<vmem>>) target(%dma_start3A_78 : memref<64x128xf32, #tpu.memory_space<vmem_shared>>) target_semaphore(%run_scoped3A_70 : memref<!tpu.dma_semaphore, #tpu.memory_space<semaphore_mem>>)
      %dma_wait3A = arith.constant 0 : i32
      %dma_wait3A_83 = arith.constant 0 : i32
      %dma_wait3A_84 = tpu.memref_slice %arg8[%run_scoped3A_26, %dma_wait3A, %dma_wait3A_83] : memref<2x64x128xf32, #tpu.memory_space<vmem>> -> memref<1x64x128xf32, #tpu.memory_space<vmem>>
      %dma_wait3A_85 = tpu.memref_squeeze %dma_wait3A_84 : memref<1x64x128xf32, #tpu.memory_space<vmem>> -> memref<64x128xf32, #tpu.memory_space<vmem>>
      %dma_wait3A_86 = arith.constant 0 : i32
      %dma_wait3A_87 = tpu.memref_slice %arg9[%add3A_25, %dma_wait3A_86] : memref<10112x128xf32, #tpu.memory_space<vmem_shared>> -> memref<64x128xf32, #tpu.memory_space<vmem_shared>>
      %dma_wait3A_88 = arith.constant 0 : i32
      %dma_wait3A_89 = tpu.memref_slice %arg9[%add3A_25, %dma_wait3A_88] : memref<10112x128xf32, #tpu.memory_space<vmem_shared>> -> memref<64x128xf32, #tpu.memory_space<vmem_shared>>
      %dma_wait3A_90 = arith.constant 0 : i32
      %dma_wait3A_91 = arith.constant 0 : i32
      %dma_wait3A_92 = tpu.memref_slice %arg8[%run_scoped3A_26, %dma_wait3A_90, %dma_wait3A_91] : memref<2x64x128xf32, #tpu.memory_space<vmem>> -> memref<1x64x128xf32, #tpu.memory_space<vmem>>
      %dma_wait3A_93 = tpu.memref_squeeze %dma_wait3A_92 : memref<1x64x128xf32, #tpu.memory_space<vmem>> -> memref<64x128xf32, #tpu.memory_space<vmem>>
      tpu.wait_dma2 semaphore(%run_scoped3A_70 : memref<!tpu.dma_semaphore, #tpu.memory_space<semaphore_mem>>) src(%dma_wait3A_93 : memref<64x128xf32, #tpu.memory_space<vmem>>) dst(%dma_wait3A_89 : memref<64x128xf32, #tpu.memory_space<vmem_shared>>)
      tpu.yield
    }) : () -> ()
    %add3A_27 = arith.constant 384 : i32
    %add3A_28 = arith.addi %mul3A_2, %add3A_27 : i32
    %run_scoped3A_29 = arith.constant 0 : i32
    "tpu.region"() ({
      %run_scoped3A_70 = tpu.sem_alloc : memref<!tpu.dma_semaphore, #tpu.memory_space<semaphore_mem>>
      %dma_start3A_71 = arith.constant 0 : i32
      %dma_start3A_72 = arith.constant 0 : i32
      %dma_start3A_73 = tpu.memref_slice %arg8[%run_scoped3A_29, %dma_start3A_71, %dma_start3A_72] : memref<2x64x128xf32, #tpu.memory_space<vmem>> -> memref<1x64x128xf32, #tpu.memory_space<vmem>>
      %dma_start3A_74 = tpu.memref_squeeze %dma_start3A_73 : memref<1x64x128xf32, #tpu.memory_space<vmem>> -> memref<64x128xf32, #tpu.memory_space<vmem>>
      %dma_start3A_75 = arith.constant 0 : i32
      %dma_start3A_76 = tpu.memref_slice %arg9[%add3A_28, %dma_start3A_75] : memref<10112x128xf32, #tpu.memory_space<vmem_shared>> -> memref<64x128xf32, #tpu.memory_space<vmem_shared>>
      %dma_start3A_77 = arith.constant 0 : i32
      %dma_start3A_78 = tpu.memref_slice %arg9[%add3A_28, %dma_start3A_77] : memref<10112x128xf32, #tpu.memory_space<vmem_shared>> -> memref<64x128xf32, #tpu.memory_space<vmem_shared>>
      %dma_start3A_79 = arith.constant 0 : i32
      %dma_start3A_80 = arith.constant 0 : i32
      %dma_start3A_81 = tpu.memref_slice %arg8[%run_scoped3A_29, %dma_start3A_79, %dma_start3A_80] : memref<2x64x128xf32, #tpu.memory_space<vmem>> -> memref<1x64x128xf32, #tpu.memory_space<vmem>>
      %dma_start3A_82 = tpu.memref_squeeze %dma_start3A_81 : memref<1x64x128xf32, #tpu.memory_space<vmem>> -> memref<64x128xf32, #tpu.memory_space<vmem>>
      tpu.enqueue_dma source(%dma_start3A_82 : memref<64x128xf32, #tpu.memory_space<vmem>>) target(%dma_start3A_78 : memref<64x128xf32, #tpu.memory_space<vmem_shared>>) target_semaphore(%run_scoped3A_70 : memref<!tpu.dma_semaphore, #tpu.memory_space<semaphore_mem>>)
      %dma_wait3A = arith.constant 0 : i32
      %dma_wait3A_83 = arith.constant 0 : i32
      %dma_wait3A_84 = tpu.memref_slice %arg8[%run_scoped3A_29, %dma_wait3A, %dma_wait3A_83] : memref<2x64x128xf32, #tpu.memory_space<vmem>> -> memref<1x64x128xf32, #tpu.memory_space<vmem>>
      %dma_wait3A_85 = tpu.memref_squeeze %dma_wait3A_84 : memref<1x64x128xf32, #tpu.memory_space<vmem>> -> memref<64x128xf32, #tpu.memory_space<vmem>>
      %dma_wait3A_86 = arith.constant 0 : i32
      %dma_wait3A_87 = tpu.memref_slice %arg9[%add3A_28, %dma_wait3A_86] : memref<10112x128xf32, #tpu.memory_space<vmem_shared>> -> memref<64x128xf32, #tpu.memory_space<vmem_shared>>
      %dma_wait3A_88 = arith.constant 0 : i32
      %dma_wait3A_89 = tpu.memref_slice %arg9[%add3A_28, %dma_wait3A_88] : memref<10112x128xf32, #tpu.memory_space<vmem_shared>> -> memref<64x128xf32, #tpu.memory_space<vmem_shared>>
      %dma_wait3A_90 = arith.constant 0 : i32
      %dma_wait3A_91 = arith.constant 0 : i32
      %dma_wait3A_92 = tpu.memref_slice %arg8[%run_scoped3A_29, %dma_wait3A_90, %dma_wait3A_91] : memref<2x64x128xf32, #tpu.memory_space<vmem>> -> memref<1x64x128xf32, #tpu.memory_space<vmem>>
      %dma_wait3A_93 = tpu.memref_squeeze %dma_wait3A_92 : memref<1x64x128xf32, #tpu.memory_space<vmem>> -> memref<64x128xf32, #tpu.memory_space<vmem>>
      tpu.wait_dma2 semaphore(%run_scoped3A_70 : memref<!tpu.dma_semaphore, #tpu.memory_space<semaphore_mem>>) src(%dma_wait3A_93 : memref<64x128xf32, #tpu.memory_space<vmem>>) dst(%dma_wait3A_89 : memref<64x128xf32, #tpu.memory_space<vmem_shared>>)
      tpu.yield
    }) : () -> ()
    %add3A_30 = arith.constant 448 : i32
    %add3A_31 = arith.addi %mul3A_2, %add3A_30 : i32
    %run_scoped3A_32 = arith.constant 0 : i32
    "tpu.region"() ({
      %run_scoped3A_70 = tpu.sem_alloc : memref<!tpu.dma_semaphore, #tpu.memory_space<semaphore_mem>>
      %dma_start3A_71 = arith.constant 0 : i32
      %dma_start3A_72 = arith.constant 0 : i32
      %dma_start3A_73 = tpu.memref_slice %arg8[%run_scoped3A_32, %dma_start3A_71, %dma_start3A_72] : memref<2x64x128xf32, #tpu.memory_space<vmem>> -> memref<1x64x128xf32, #tpu.memory_space<vmem>>
      %dma_start3A_74 = tpu.memref_squeeze %dma_start3A_73 : memref<1x64x128xf32, #tpu.memory_space<vmem>> -> memref<64x128xf32, #tpu.memory_space<vmem>>
      %dma_start3A_75 = arith.constant 0 : i32
      %dma_start3A_76 = tpu.memref_slice %arg9[%add3A_31, %dma_start3A_75] : memref<10112x128xf32, #tpu.memory_space<vmem_shared>> -> memref<64x128xf32, #tpu.memory_space<vmem_shared>>
      %dma_start3A_77 = arith.constant 0 : i32
      %dma_start3A_78 = tpu.memref_slice %arg9[%add3A_31, %dma_start3A_77] : memref<10112x128xf32, #tpu.memory_space<vmem_shared>> -> memref<64x128xf32, #tpu.memory_space<vmem_shared>>
      %dma_start3A_79 = arith.constant 0 : i32
      %dma_start3A_80 = arith.constant 0 : i32
      %dma_start3A_81 = tpu.memref_slice %arg8[%run_scoped3A_32, %dma_start3A_79, %dma_start3A_80] : memref<2x64x128xf32, #tpu.memory_space<vmem>> -> memref<1x64x128xf32, #tpu.memory_space<vmem>>
      %dma_start3A_82 = tpu.memref_squeeze %dma_start3A_81 : memref<1x64x128xf32, #tpu.memory_space<vmem>> -> memref<64x128xf32, #tpu.memory_space<vmem>>
      tpu.enqueue_dma source(%dma_start3A_82 : memref<64x128xf32, #tpu.memory_space<vmem>>) target(%dma_start3A_78 : memref<64x128xf32, #tpu.memory_space<vmem_shared>>) target_semaphore(%run_scoped3A_70 : memref<!tpu.dma_semaphore, #tpu.memory_space<semaphore_mem>>)
      %dma_wait3A = arith.constant 0 : i32
      %dma_wait3A_83 = arith.constant 0 : i32
      %dma_wait3A_84 = tpu.memref_slice %arg8[%run_scoped3A_32, %dma_wait3A, %dma_wait3A_83] : memref<2x64x128xf32, #tpu.memory_space<vmem>> -> memref<1x64x128xf32, #tpu.memory_space<vmem>>
      %dma_wait3A_85 = tpu.memref_squeeze %dma_wait3A_84 : memref<1x64x128xf32, #tpu.memory_space<vmem>> -> memref<64x128xf32, #tpu.memory_space<vmem>>
      %dma_wait3A_86 = arith.constant 0 : i32
      %dma_wait3A_87 = tpu.memref_slice %arg9[%add3A_31, %dma_wait3A_86] : memref<10112x128xf32, #tpu.memory_space<vmem_shared>> -> memref<64x128xf32, #tpu.memory_space<vmem_shared>>
      %dma_wait3A_88 = arith.constant 0 : i32
      %dma_wait3A_89 = tpu.memref_slice %arg9[%add3A_31, %dma_wait3A_88] : memref<10112x128xf32, #tpu.memory_space<vmem_shared>> -> memref<64x128xf32, #tpu.memory_space<vmem_shared>>
      %dma_wait3A_90 = arith.constant 0 : i32
      %dma_wait3A_91 = arith.constant 0 : i32
      %dma_wait3A_92 = tpu.memref_slice %arg8[%run_scoped3A_32, %dma_wait3A_90, %dma_wait3A_91] : memref<2x64x128xf32, #tpu.memory_space<vmem>> -> memref<1x64x128xf32, #tpu.memory_space<vmem>>
      %dma_wait3A_93 = tpu.memref_squeeze %dma_wait3A_92 : memref<1x64x128xf32, #tpu.memory_space<vmem>> -> memref<64x128xf32, #tpu.memory_space<vmem>>
      tpu.wait_dma2 semaphore(%run_scoped3A_70 : memref<!tpu.dma_semaphore, #tpu.memory_space<semaphore_mem>>) src(%dma_wait3A_93 : memref<64x128xf32, #tpu.memory_space<vmem>>) dst(%dma_wait3A_89 : memref<64x128xf32, #tpu.memory_space<vmem_shared>>)
      tpu.yield
    }) : () -> ()
    %add3A_33 = arith.constant 512 : i32
    %add3A_34 = arith.addi %mul3A_2, %add3A_33 : i32
    %run_scoped3A_35 = arith.constant 0 : i32
    "tpu.region"() ({
      %run_scoped3A_70 = tpu.sem_alloc : memref<!tpu.dma_semaphore, #tpu.memory_space<semaphore_mem>>
      %dma_start3A_71 = arith.constant 0 : i32
      %dma_start3A_72 = arith.constant 0 : i32
      %dma_start3A_73 = tpu.memref_slice %arg8[%run_scoped3A_35, %dma_start3A_71, %dma_start3A_72] : memref<2x64x128xf32, #tpu.memory_space<vmem>> -> memref<1x64x128xf32, #tpu.memory_space<vmem>>
      %dma_start3A_74 = tpu.memref_squeeze %dma_start3A_73 : memref<1x64x128xf32, #tpu.memory_space<vmem>> -> memref<64x128xf32, #tpu.memory_space<vmem>>
      %dma_start3A_75 = arith.constant 0 : i32
      %dma_start3A_76 = tpu.memref_slice %arg9[%add3A_34, %dma_start3A_75] : memref<10112x128xf32, #tpu.memory_space<vmem_shared>> -> memref<64x128xf32, #tpu.memory_space<vmem_shared>>
      %dma_start3A_77 = arith.constant 0 : i32
      %dma_start3A_78 = tpu.memref_slice %arg9[%add3A_34, %dma_start3A_77] : memref<10112x128xf32, #tpu.memory_space<vmem_shared>> -> memref<64x128xf32, #tpu.memory_space<vmem_shared>>
      %dma_start3A_79 = arith.constant 0 : i32
      %dma_start3A_80 = arith.constant 0 : i32
      %dma_start3A_81 = tpu.memref_slice %arg8[%run_scoped3A_35, %dma_start3A_79, %dma_start3A_80] : memref<2x64x128xf32, #tpu.memory_space<vmem>> -> memref<1x64x128xf32, #tpu.memory_space<vmem>>
      %dma_start3A_82 = tpu.memref_squeeze %dma_start3A_81 : memref<1x64x128xf32, #tpu.memory_space<vmem>> -> memref<64x128xf32, #tpu.memory_space<vmem>>
      tpu.enqueue_dma source(%dma_start3A_82 : memref<64x128xf32, #tpu.memory_space<vmem>>) target(%dma_start3A_78 : memref<64x128xf32, #tpu.memory_space<vmem_shared>>) target_semaphore(%run_scoped3A_70 : memref<!tpu.dma_semaphore, #tpu.memory_space<semaphore_mem>>)
      %dma_wait3A = arith.constant 0 : i32
      %dma_wait3A_83 = arith.constant 0 : i32
      %dma_wait3A_84 = tpu.memref_slice %arg8[%run_scoped3A_35, %dma_wait3A, %dma_wait3A_83] : memref<2x64x128xf32, #tpu.memory_space<vmem>> -> memref<1x64x128xf32, #tpu.memory_space<vmem>>
      %dma_wait3A_85 = tpu.memref_squeeze %dma_wait3A_84 : memref<1x64x128xf32, #tpu.memory_space<vmem>> -> memref<64x128xf32, #tpu.memory_space<vmem>>
      %dma_wait3A_86 = arith.constant 0 : i32
      %dma_wait3A_87 = tpu.memref_slice %arg9[%add3A_34, %dma_wait3A_86] : memref<10112x128xf32, #tpu.memory_space<vmem_shared>> -> memref<64x128xf32, #tpu.memory_space<vmem_shared>>
      %dma_wait3A_88 = arith.constant 0 : i32
      %dma_wait3A_89 = tpu.memref_slice %arg9[%add3A_34, %dma_wait3A_88] : memref<10112x128xf32, #tpu.memory_space<vmem_shared>> -> memref<64x128xf32, #tpu.memory_space<vmem_shared>>
      %dma_wait3A_90 = arith.constant 0 : i32
      %dma_wait3A_91 = arith.constant 0 : i32
      %dma_wait3A_92 = tpu.memref_slice %arg8[%run_scoped3A_35, %dma_wait3A_90, %dma_wait3A_91] : memref<2x64x128xf32, #tpu.memory_space<vmem>> -> memref<1x64x128xf32, #tpu.memory_space<vmem>>
      %dma_wait3A_93 = tpu.memref_squeeze %dma_wait3A_92 : memref<1x64x128xf32, #tpu.memory_space<vmem>> -> memref<64x128xf32, #tpu.memory_space<vmem>>
      tpu.wait_dma2 semaphore(%run_scoped3A_70 : memref<!tpu.dma_semaphore, #tpu.memory_space<semaphore_mem>>) src(%dma_wait3A_93 : memref<64x128xf32, #tpu.memory_space<vmem>>) dst(%dma_wait3A_89 : memref<64x128xf32, #tpu.memory_space<vmem_shared>>)
      tpu.yield
    }) : () -> ()
    %add3A_36 = arith.constant 576 : i32
    %add3A_37 = arith.addi %mul3A_2, %add3A_36 : i32
    %run_scoped3A_38 = arith.constant 0 : i32
    "tpu.region"() ({
      %run_scoped3A_70 = tpu.sem_alloc : memref<!tpu.dma_semaphore, #tpu.memory_space<semaphore_mem>>
      %dma_start3A_71 = arith.constant 0 : i32
      %dma_start3A_72 = arith.constant 0 : i32
      %dma_start3A_73 = tpu.memref_slice %arg8[%run_scoped3A_38, %dma_start3A_71, %dma_start3A_72] : memref<2x64x128xf32, #tpu.memory_space<vmem>> -> memref<1x56x128xf32, #tpu.memory_space<vmem>>
      %dma_start3A_74 = tpu.memref_squeeze %dma_start3A_73 : memref<1x56x128xf32, #tpu.memory_space<vmem>> -> memref<56x128xf32, #tpu.memory_space<vmem>>
      %dma_start3A_75 = arith.constant 0 : i32
      %dma_start3A_76 = tpu.memref_slice %arg9[%add3A_37, %dma_start3A_75] : memref<10112x128xf32, #tpu.memory_space<vmem_shared>> -> memref<56x128xf32, #tpu.memory_space<vmem_shared>>
      %dma_start3A_77 = arith.constant 0 : i32
      %dma_start3A_78 = tpu.memref_slice %arg9[%add3A_37, %dma_start3A_77] : memref<10112x128xf32, #tpu.memory_space<vmem_shared>> -> memref<56x128xf32, #tpu.memory_space<vmem_shared>>
      %dma_start3A_79 = arith.constant 0 : i32
      %dma_start3A_80 = arith.constant 0 : i32
      %dma_start3A_81 = tpu.memref_slice %arg8[%run_scoped3A_38, %dma_start3A_79, %dma_start3A_80] : memref<2x64x128xf32, #tpu.memory_space<vmem>> -> memref<1x56x128xf32, #tpu.memory_space<vmem>>
      %dma_start3A_82 = tpu.memref_squeeze %dma_start3A_81 : memref<1x56x128xf32, #tpu.memory_space<vmem>> -> memref<56x128xf32, #tpu.memory_space<vmem>>
      tpu.enqueue_dma source(%dma_start3A_82 : memref<56x128xf32, #tpu.memory_space<vmem>>) target(%dma_start3A_78 : memref<56x128xf32, #tpu.memory_space<vmem_shared>>) target_semaphore(%run_scoped3A_70 : memref<!tpu.dma_semaphore, #tpu.memory_space<semaphore_mem>>)
      %dma_wait3A = arith.constant 0 : i32
      %dma_wait3A_83 = arith.constant 0 : i32
      %dma_wait3A_84 = tpu.memref_slice %arg8[%run_scoped3A_38, %dma_wait3A, %dma_wait3A_83] : memref<2x64x128xf32, #tpu.memory_space<vmem>> -> memref<1x56x128xf32, #tpu.memory_space<vmem>>
      %dma_wait3A_85 = tpu.memref_squeeze %dma_wait3A_84 : memref<1x56x128xf32, #tpu.memory_space<vmem>> -> memref<56x128xf32, #tpu.memory_space<vmem>>
      %dma_wait3A_86 = arith.constant 0 : i32
      %dma_wait3A_87 = tpu.memref_slice %arg9[%add3A_37, %dma_wait3A_86] : memref<10112x128xf32, #tpu.memory_space<vmem_shared>> -> memref<56x128xf32, #tpu.memory_space<vmem_shared>>
      %dma_wait3A_88 = arith.constant 0 : i32
      %dma_wait3A_89 = tpu.memref_slice %arg9[%add3A_37, %dma_wait3A_88] : memref<10112x128xf32, #tpu.memory_space<vmem_shared>> -> memref<56x128xf32, #tpu.memory_space<vmem_shared>>
      %dma_wait3A_90 = arith.constant 0 : i32
      %dma_wait3A_91 = arith.constant 0 : i32
      %dma_wait3A_92 = tpu.memref_slice %arg8[%run_scoped3A_38, %dma_wait3A_90, %dma_wait3A_91] : memref<2x64x128xf32, #tpu.memory_space<vmem>> -> memref<1x56x128xf32, #tpu.memory_space<vmem>>
      %dma_wait3A_93 = tpu.memref_squeeze %dma_wait3A_92 : memref<1x56x128xf32, #tpu.memory_space<vmem>> -> memref<56x128xf32, #tpu.memory_space<vmem>>
      tpu.wait_dma2 semaphore(%run_scoped3A_70 : memref<!tpu.dma_semaphore, #tpu.memory_space<semaphore_mem>>) src(%dma_wait3A_93 : memref<56x128xf32, #tpu.memory_space<vmem>>) dst(%dma_wait3A_89 : memref<56x128xf32, #tpu.memory_space<vmem_shared>>)
      tpu.yield
    }) : () -> ()
    "tpu.region"() ({
      %run_scoped3A_70 = tpu.sem_alloc : memref<!tpu.dma_semaphore, #tpu.memory_space<semaphore_mem>>
      %dma_start3A_71 = arith.constant 0 : i32
      %dma_start3A_72 = arith.constant 0 : i32
      %dma_start3A_73 = tpu.memref_slice %arg3[%add3A, %dma_start3A_71, %dma_start3A_72] : memref<32x80x128xi32, #tpu.memory_space<hbm>> -> memref<1x80x128xi32, #tpu.memory_space<hbm>>
      %dma_start3A_74 = tpu.memref_squeeze %dma_start3A_73 : memref<1x80x128xi32, #tpu.memory_space<hbm>> -> memref<80x128xi32, #tpu.memory_space<hbm>>
      %dma_start3A_75 = arith.constant 0 : i32
      %dma_start3A_76 = arith.constant 0 : i32
      %dma_start3A_77 = tpu.memref_slice %arg3[%add3A, %dma_start3A_75, %dma_start3A_76] : memref<32x80x128xi32, #tpu.memory_space<hbm>> -> memref<1x80x128xi32, #tpu.memory_space<hbm>>
      %dma_start3A_78 = tpu.memref_squeeze %dma_start3A_77 : memref<1x80x128xi32, #tpu.memory_space<hbm>> -> memref<80x128xi32, #tpu.memory_space<hbm>>
      tpu.enqueue_dma source(%dma_start3A_78 : memref<80x128xi32, #tpu.memory_space<hbm>>) target(%arg6 : memref<80x128xi32, #tpu.memory_space<vmem>>) target_semaphore(%run_scoped3A_70 : memref<!tpu.dma_semaphore, #tpu.memory_space<semaphore_mem>>)
      %dma_wait3A = arith.constant 0 : i32
      %dma_wait3A_79 = arith.constant 0 : i32
      %dma_wait3A_80 = tpu.memref_slice %arg3[%add3A, %dma_wait3A, %dma_wait3A_79] : memref<32x80x128xi32, #tpu.memory_space<hbm>> -> memref<1x80x128xi32, #tpu.memory_space<hbm>>
      %dma_wait3A_81 = tpu.memref_squeeze %dma_wait3A_80 : memref<1x80x128xi32, #tpu.memory_space<hbm>> -> memref<80x128xi32, #tpu.memory_space<hbm>>
      %dma_wait3A_82 = arith.constant 0 : i32
      %dma_wait3A_83 = arith.constant 0 : i32
      %dma_wait3A_84 = tpu.memref_slice %arg3[%add3A, %dma_wait3A_82, %dma_wait3A_83] : memref<32x80x128xi32, #tpu.memory_space<hbm>> -> memref<1x80x128xi32, #tpu.memory_space<hbm>>
      %dma_wait3A_85 = tpu.memref_squeeze %dma_wait3A_84 : memref<1x80x128xi32, #tpu.memory_space<hbm>> -> memref<80x128xi32, #tpu.memory_space<hbm>>
      tpu.wait_dma2 semaphore(%run_scoped3A_70 : memref<!tpu.dma_semaphore, #tpu.memory_space<semaphore_mem>>) src(%dma_wait3A_85 : memref<80x128xi32, #tpu.memory_space<hbm>>) dst(%arg6 : memref<80x128xi32, #tpu.memory_space<vmem>>)
      tpu.yield
    }) : () -> ()
    "tpu.region"() ({
      %run_scoped3A_70 = tpu.sem_alloc : memref<!tpu.dma_semaphore, #tpu.memory_space<semaphore_mem>>
      %dma_start3A_71 = arith.constant 0 : i32
      %dma_start3A_72 = arith.constant 0 : i32
      %dma_start3A_73 = tpu.memref_slice %arg4[%add3A, %dma_start3A_71, %dma_start3A_72] : memref<32x80x128xi32, #tpu.memory_space<hbm>> -> memref<1x80x128xi32, #tpu.memory_space<hbm>>
      %dma_start3A_74 = tpu.memref_squeeze %dma_start3A_73 : memref<1x80x128xi32, #tpu.memory_space<hbm>> -> memref<80x128xi32, #tpu.memory_space<hbm>>
      %dma_start3A_75 = arith.constant 0 : i32
      %dma_start3A_76 = arith.constant 0 : i32
      %dma_start3A_77 = tpu.memref_slice %arg4[%add3A, %dma_start3A_75, %dma_start3A_76] : memref<32x80x128xi32, #tpu.memory_space<hbm>> -> memref<1x80x128xi32, #tpu.memory_space<hbm>>
      %dma_start3A_78 = tpu.memref_squeeze %dma_start3A_77 : memref<1x80x128xi32, #tpu.memory_space<hbm>> -> memref<80x128xi32, #tpu.memory_space<hbm>>
      tpu.enqueue_dma source(%dma_start3A_78 : memref<80x128xi32, #tpu.memory_space<hbm>>) target(%arg7 : memref<80x128xi32, #tpu.memory_space<vmem>>) target_semaphore(%run_scoped3A_70 : memref<!tpu.dma_semaphore, #tpu.memory_space<semaphore_mem>>)
      %dma_wait3A = arith.constant 0 : i32
      %dma_wait3A_79 = arith.constant 0 : i32
      %dma_wait3A_80 = tpu.memref_slice %arg4[%add3A, %dma_wait3A, %dma_wait3A_79] : memref<32x80x128xi32, #tpu.memory_space<hbm>> -> memref<1x80x128xi32, #tpu.memory_space<hbm>>
      %dma_wait3A_81 = tpu.memref_squeeze %dma_wait3A_80 : memref<1x80x128xi32, #tpu.memory_space<hbm>> -> memref<80x128xi32, #tpu.memory_space<hbm>>
      %dma_wait3A_82 = arith.constant 0 : i32
      %dma_wait3A_83 = arith.constant 0 : i32
      %dma_wait3A_84 = tpu.memref_slice %arg4[%add3A, %dma_wait3A_82, %dma_wait3A_83] : memref<32x80x128xi32, #tpu.memory_space<hbm>> -> memref<1x80x128xi32, #tpu.memory_space<hbm>>
      %dma_wait3A_85 = tpu.memref_squeeze %dma_wait3A_84 : memref<1x80x128xi32, #tpu.memory_space<hbm>> -> memref<80x128xi32, #tpu.memory_space<hbm>>
      tpu.wait_dma2 semaphore(%run_scoped3A_70 : memref<!tpu.dma_semaphore, #tpu.memory_space<semaphore_mem>>) src(%dma_wait3A_85 : memref<80x128xi32, #tpu.memory_space<hbm>>) dst(%arg7 : memref<80x128xi32, #tpu.memory_space<vmem>>)
      tpu.yield
    }) : () -> ()
    %barrier3A = arith.constant 0 : index
    tpu.barrier barrier_id(%barrier3A)
    %dma_start3A = arith.constant 0 : i32
    %dma_start3A_39 = arith.constant 0 : i32
    %dma_start3A_40 = arith.constant 0 : i32
    %dma_start3A_41 = arith.constant 0 : i32
    %dma_start3A_42 = tpu.memref_slice %arg8[%dma_start3A_39, %dma_start3A_40, %dma_start3A_41] : memref<2x64x128xf32, #tpu.memory_space<vmem>> -> memref<1x64x128xf32, #tpu.memory_space<vmem>>
    %dma_start3A_43 = tpu.memref_squeeze %dma_start3A_42 : memref<1x64x128xf32, #tpu.memory_space<vmem>> -> memref<64x128xf32, #tpu.memory_space<vmem>>
    %dma_start3A_44 = arith.constant 0 : i32
    %dma_start3A_45 = tpu.memref_slice %arg6[%dma_start3A, %dma_start3A_44] : memref<80x128xi32, #tpu.memory_space<vmem>> -> memref<1x64xi32, #tpu.memory_space<vmem>>
    %dma_start3A_46 = tpu.memref_squeeze %dma_start3A_45 : memref<1x64xi32, #tpu.memory_space<vmem>> -> memref<64xi32, #tpu.memory_space<vmem>>
    %dma_start3A_47 = arith.constant 0 : i32
    %dma_start3A_48 = arith.constant 0 : i32
    %dma_start3A_49 = tpu.memref_slice %arg2[%dma_start3A_47, %dma_start3A_48] : memref<10112x128xf32, #tpu.memory_space<hbm>> -> memref<10112x128xf32, #tpu.memory_space<hbm>>
    tpu.enqueue_indirect_dma source(%dma_start3A_49 : memref<10112x128xf32, #tpu.memory_space<hbm>>) target(%dma_start3A_43 : memref<64x128xf32, #tpu.memory_space<vmem>>) offsets(%dma_start3A_46 : memref<64xi32, #tpu.memory_space<vmem>>) semaphore(%arg10 : memref<!tpu.dma_semaphore, #tpu.memory_space<semaphore_mem>>)
    %dma_start3A_50 = arith.constant 0 : i32
    %dma_start3A_51 = arith.constant 1 : i32
    %dma_start3A_52 = arith.constant 0 : i32
    %dma_start3A_53 = arith.constant 0 : i32
    %dma_start3A_54 = tpu.memref_slice %arg8[%dma_start3A_51, %dma_start3A_52, %dma_start3A_53] : memref<2x64x128xf32, #tpu.memory_space<vmem>> -> memref<1x64x128xf32, #tpu.memory_space<vmem>>
    %dma_start3A_55 = tpu.memref_squeeze %dma_start3A_54 : memref<1x64x128xf32, #tpu.memory_space<vmem>> -> memref<64x128xf32, #tpu.memory_space<vmem>>
    %dma_start3A_56 = arith.constant 64 : i32
    %dma_start3A_57 = tpu.memref_slice %arg6[%dma_start3A_50, %dma_start3A_56] : memref<80x128xi32, #tpu.memory_space<vmem>> -> memref<1x64xi32, #tpu.memory_space<vmem>>
    %dma_start3A_58 = tpu.memref_squeeze %dma_start3A_57 : memref<1x64xi32, #tpu.memory_space<vmem>> -> memref<64xi32, #tpu.memory_space<vmem>>
    %dma_start3A_59 = arith.constant 0 : i32
    %dma_start3A_60 = arith.constant 0 : i32
    %dma_start3A_61 = tpu.memref_slice %arg2[%dma_start3A_59, %dma_start3A_60] : memref<10112x128xf32, #tpu.memory_space<hbm>> -> memref<10112x128xf32, #tpu.memory_space<hbm>>
    tpu.enqueue_indirect_dma source(%dma_start3A_61 : memref<10112x128xf32, #tpu.memory_space<hbm>>) target(%dma_start3A_55 : memref<64x128xf32, #tpu.memory_space<vmem>>) offsets(%dma_start3A_58 : memref<64xi32, #tpu.memory_space<vmem>>) semaphore(%arg11 : memref<!tpu.dma_semaphore, #tpu.memory_space<semaphore_mem>>)
    %scan3A_62 = arith.constant 0 : i32
    %scan3A_63 = arith.constant 0 : i32
    %scan3A_64 = arith.constant 80 : i32
    %scan3A_65 = arith.addi %scan3A_63, %scan3A_64 : i32
    %scan3A_66 = arith.constant 1 : i32
    %scan3A_67 = scf.for %scan3A_70 = %scan3A_63 to %scan3A_65 step %scan3A_66 iter_args(%scan3A_71 = %scan3A_62) -> (i32)  : i32 {
      %dma_wait3A = arith.constant 0 : i32
      %dma_wait3A_72 = arith.constant 0 : i32
      %dma_wait3A_73 = arith.constant 0 : i32
      %dma_wait3A_74 = tpu.memref_slice %arg8[%dma_wait3A, %dma_wait3A_72, %dma_wait3A_73] : memref<2x64x128xf32, #tpu.memory_space<vmem>> -> memref<1x64x128xf32, #tpu.memory_space<vmem>>
      %dma_wait3A_75 = tpu.memref_squeeze %dma_wait3A_74 : memref<1x64x128xf32, #tpu.memory_space<vmem>> -> memref<64x128xf32, #tpu.memory_space<vmem>>
      %dma_wait3A_76 = arith.constant 0 : i32
      %dma_wait3A_77 = tpu.memref_slice %arg6[%scan3A_70, %dma_wait3A_76] : memref<80x128xi32, #tpu.memory_space<vmem>> -> memref<1x64xi32, #tpu.memory_space<vmem>>
      %dma_wait3A_78 = tpu.memref_squeeze %dma_wait3A_77 : memref<1x64xi32, #tpu.memory_space<vmem>> -> memref<64xi32, #tpu.memory_space<vmem>>
      %dma_wait3A_79 = arith.constant 0 : i32
      %dma_wait3A_80 = arith.constant 0 : i32
      %dma_wait3A_81 = tpu.memref_slice %arg2[%dma_wait3A_79, %dma_wait3A_80] : memref<10112x128xf32, #tpu.memory_space<hbm>> -> memref<10112x128xf32, #tpu.memory_space<hbm>>
      tpu.wait_indirect_dma semaphore(%arg10 : memref<!tpu.dma_semaphore, #tpu.memory_space<semaphore_mem>>) src(%dma_wait3A_81 : memref<10112x128xf32, #tpu.memory_space<hbm>>) dst(%dma_wait3A_75 : memref<64x128xf32, #tpu.memory_space<vmem>>)
      %run_scoped3A_82 = arith.constant 0 : i32
      "tpu.region"() ({
        %run_scoped3A_107 = tpu.sem_alloc : memref<!tpu.dma_semaphore, #tpu.memory_space<semaphore_mem>>
        %dma_start3A_108 = arith.constant 0 : i32
        %dma_start3A_109 = arith.constant 0 : i32
        %dma_start3A_110 = tpu.memref_slice %arg8[%run_scoped3A_82, %dma_start3A_108, %dma_start3A_109] : memref<2x64x128xf32, #tpu.memory_space<vmem>> -> memref<1x64x128xf32, #tpu.memory_space<vmem>>
        %dma_start3A_111 = tpu.memref_squeeze %dma_start3A_110 : memref<1x64x128xf32, #tpu.memory_space<vmem>> -> memref<64x128xf32, #tpu.memory_space<vmem>>
        %dma_start3A_112 = arith.constant 0 : i32
        %dma_start3A_113 = tpu.memref_slice %arg7[%scan3A_70, %dma_start3A_112] : memref<80x128xi32, #tpu.memory_space<vmem>> -> memref<1x64xi32, #tpu.memory_space<vmem>>
        %dma_start3A_114 = tpu.memref_squeeze %dma_start3A_113 : memref<1x64xi32, #tpu.memory_space<vmem>> -> memref<64xi32, #tpu.memory_space<vmem>>
        %dma_start3A_115 = arith.constant 0 : i32
        %dma_start3A_116 = arith.constant 0 : i32
        %dma_start3A_117 = tpu.memref_slice %arg9[%dma_start3A_115, %dma_start3A_116] : memref<10112x128xf32, #tpu.memory_space<vmem_shared>> -> memref<10112x128xf32, #tpu.memory_space<vmem_shared>>
        tpu.enqueue_indirect_dma source(%dma_start3A_111 : memref<64x128xf32, #tpu.memory_space<vmem>>) target(%dma_start3A_117 : memref<10112x128xf32, #tpu.memory_space<vmem_shared>>) offsets(%dma_start3A_114 : memref<64xi32, #tpu.memory_space<vmem>>) semaphore(%run_scoped3A_107 : memref<!tpu.dma_semaphore, #tpu.memory_space<semaphore_mem>>) {add = true}
        %dma_wait3A_118 = arith.constant 0 : i32
        %dma_wait3A_119 = arith.constant 0 : i32
        %dma_wait3A_120 = tpu.memref_slice %arg8[%run_scoped3A_82, %dma_wait3A_118, %dma_wait3A_119] : memref<2x64x128xf32, #tpu.memory_space<vmem>> -> memref<1x64x128xf32, #tpu.memory_space<vmem>>
        %dma_wait3A_121 = tpu.memref_squeeze %dma_wait3A_120 : memref<1x64x128xf32, #tpu.memory_space<vmem>> -> memref<64x128xf32, #tpu.memory_space<vmem>>
        %dma_wait3A_122 = arith.constant 0 : i32
        %dma_wait3A_123 = tpu.memref_slice %arg7[%scan3A_70, %dma_wait3A_122] : memref<80x128xi32, #tpu.memory_space<vmem>> -> memref<1x64xi32, #tpu.memory_space<vmem>>
        %dma_wait3A_124 = tpu.memref_squeeze %dma_wait3A_123 : memref<1x64xi32, #tpu.memory_space<vmem>> -> memref<64xi32, #tpu.memory_space<vmem>>
        %dma_wait3A_125 = arith.constant 0 : i32
        %dma_wait3A_126 = arith.constant 0 : i32
        %dma_wait3A_127 = tpu.memref_slice %arg9[%dma_wait3A_125, %dma_wait3A_126] : memref<10112x128xf32, #tpu.memory_space<vmem_shared>> -> memref<10112x128xf32, #tpu.memory_space<vmem_shared>>
        tpu.wait_indirect_dma semaphore(%run_scoped3A_107 : memref<!tpu.dma_semaphore, #tpu.memory_space<semaphore_mem>>) src(%dma_wait3A_121 : memref<64x128xf32, #tpu.memory_space<vmem>>) dst(%dma_wait3A_127 : memref<10112x128xf32, #tpu.memory_space<vmem_shared>>)
        tpu.yield
      }) : () -> ()
      %add3A_83 = arith.constant 1 : i32
      %add3A_84 = arith.addi %scan3A_70, %add3A_83 : i32
      %lt3A = arith.constant 80 : i32
      %lt3A_85 = arith.cmpi slt, %add3A_84, %lt3A : i32
      %convert_element_type3A = arith.extui %lt3A_85 : i1 to i32
      %cond3A = arith.constant 0 : i32
      %cond3A_86 = arith.cmpi ne, %convert_element_type3A, %cond3A : i32
      scf.if %cond3A_86 {
        %add3A_107 = arith.constant 1 : i32
        %add3A_108 = arith.addi %scan3A_70, %add3A_107 : i32
        %dma_start3A_109 = arith.constant 0 : i32
        %dma_start3A_110 = arith.constant 0 : i32
        %dma_start3A_111 = arith.constant 0 : i32
        %dma_start3A_112 = tpu.memref_slice %arg8[%dma_start3A_109, %dma_start3A_110, %dma_start3A_111] : memref<2x64x128xf32, #tpu.memory_space<vmem>> -> memref<1x64x128xf32, #tpu.memory_space<vmem>>
        %dma_start3A_113 = tpu.memref_squeeze %dma_start3A_112 : memref<1x64x128xf32, #tpu.memory_space<vmem>> -> memref<64x128xf32, #tpu.memory_space<vmem>>
        %dma_start3A_114 = arith.constant 0 : i32
        %dma_start3A_115 = tpu.memref_slice %arg6[%add3A_108, %dma_start3A_114] : memref<80x128xi32, #tpu.memory_space<vmem>> -> memref<1x64xi32, #tpu.memory_space<vmem>>
        %dma_start3A_116 = tpu.memref_squeeze %dma_start3A_115 : memref<1x64xi32, #tpu.memory_space<vmem>> -> memref<64xi32, #tpu.memory_space<vmem>>
        %dma_start3A_117 = arith.constant 0 : i32
        %dma_start3A_118 = arith.constant 0 : i32
        %dma_start3A_119 = tpu.memref_slice %arg2[%dma_start3A_117, %dma_start3A_118] : memref<10112x128xf32, #tpu.memory_space<hbm>> -> memref<10112x128xf32, #tpu.memory_space<hbm>>
        tpu.enqueue_indirect_dma source(%dma_start3A_119 : memref<10112x128xf32, #tpu.memory_space<hbm>>) target(%dma_start3A_113 : memref<64x128xf32, #tpu.memory_space<vmem>>) offsets(%dma_start3A_116 : memref<64xi32, #tpu.memory_space<vmem>>) semaphore(%arg10 : memref<!tpu.dma_semaphore, #tpu.memory_space<semaphore_mem>>)
      } else {
      }
      %dma_wait3A_87 = arith.constant 1 : i32
      %dma_wait3A_88 = arith.constant 0 : i32
      %dma_wait3A_89 = arith.constant 0 : i32
      %dma_wait3A_90 = tpu.memref_slice %arg8[%dma_wait3A_87, %dma_wait3A_88, %dma_wait3A_89] : memref<2x64x128xf32, #tpu.memory_space<vmem>> -> memref<1x64x128xf32, #tpu.memory_space<vmem>>
      %dma_wait3A_91 = tpu.memref_squeeze %dma_wait3A_90 : memref<1x64x128xf32, #tpu.memory_space<vmem>> -> memref<64x128xf32, #tpu.memory_space<vmem>>
      %dma_wait3A_92 = arith.constant 64 : i32
      %dma_wait3A_93 = tpu.memref_slice %arg6[%scan3A_70, %dma_wait3A_92] : memref<80x128xi32, #tpu.memory_space<vmem>> -> memref<1x64xi32, #tpu.memory_space<vmem>>
      %dma_wait3A_94 = tpu.memref_squeeze %dma_wait3A_93 : memref<1x64xi32, #tpu.memory_space<vmem>> -> memref<64xi32, #tpu.memory_space<vmem>>
      %dma_wait3A_95 = arith.constant 0 : i32
      %dma_wait3A_96 = arith.constant 0 : i32
      %dma_wait3A_97 = tpu.memref_slice %arg2[%dma_wait3A_95, %dma_wait3A_96] : memref<10112x128xf32, #tpu.memory_space<hbm>> -> memref<10112x128xf32, #tpu.memory_space<hbm>>
      tpu.wait_indirect_dma semaphore(%arg11 : memref<!tpu.dma_semaphore, #tpu.memory_space<semaphore_mem>>) src(%dma_wait3A_97 : memref<10112x128xf32, #tpu.memory_space<hbm>>) dst(%dma_wait3A_91 : memref<64x128xf32, #tpu.memory_space<vmem>>)
      %run_scoped3A_98 = arith.constant 1 : i32
      "tpu.region"() ({
        %run_scoped3A_107 = tpu.sem_alloc : memref<!tpu.dma_semaphore, #tpu.memory_space<semaphore_mem>>
        %dma_start3A_108 = arith.constant 0 : i32
        %dma_start3A_109 = arith.constant 0 : i32
        %dma_start3A_110 = tpu.memref_slice %arg8[%run_scoped3A_98, %dma_start3A_108, %dma_start3A_109] : memref<2x64x128xf32, #tpu.memory_space<vmem>> -> memref<1x64x128xf32, #tpu.memory_space<vmem>>
        %dma_start3A_111 = tpu.memref_squeeze %dma_start3A_110 : memref<1x64x128xf32, #tpu.memory_space<vmem>> -> memref<64x128xf32, #tpu.memory_space<vmem>>
        %dma_start3A_112 = arith.constant 64 : i32
        %dma_start3A_113 = tpu.memref_slice %arg7[%scan3A_70, %dma_start3A_112] : memref<80x128xi32, #tpu.memory_space<vmem>> -> memref<1x64xi32, #tpu.memory_space<vmem>>
        %dma_start3A_114 = tpu.memref_squeeze %dma_start3A_113 : memref<1x64xi32, #tpu.memory_space<vmem>> -> memref<64xi32, #tpu.memory_space<vmem>>
        %dma_start3A_115 = arith.constant 0 : i32
        %dma_start3A_116 = arith.constant 0 : i32
        %dma_start3A_117 = tpu.memref_slice %arg9[%dma_start3A_115, %dma_start3A_116] : memref<10112x128xf32, #tpu.memory_space<vmem_shared>> -> memref<10112x128xf32, #tpu.memory_space<vmem_shared>>
        tpu.enqueue_indirect_dma source(%dma_start3A_111 : memref<64x128xf32, #tpu.memory_space<vmem>>) target(%dma_start3A_117 : memref<10112x128xf32, #tpu.memory_space<vmem_shared>>) offsets(%dma_start3A_114 : memref<64xi32, #tpu.memory_space<vmem>>) semaphore(%run_scoped3A_107 : memref<!tpu.dma_semaphore, #tpu.memory_space<semaphore_mem>>) {add = true}
        %dma_wait3A_118 = arith.constant 0 : i32
        %dma_wait3A_119 = arith.constant 0 : i32
        %dma_wait3A_120 = tpu.memref_slice %arg8[%run_scoped3A_98, %dma_wait3A_118, %dma_wait3A_119] : memref<2x64x128xf32, #tpu.memory_space<vmem>> -> memref<1x64x128xf32, #tpu.memory_space<vmem>>
        %dma_wait3A_121 = tpu.memref_squeeze %dma_wait3A_120 : memref<1x64x128xf32, #tpu.memory_space<vmem>> -> memref<64x128xf32, #tpu.memory_space<vmem>>
        %dma_wait3A_122 = arith.constant 64 : i32
        %dma_wait3A_123 = tpu.memref_slice %arg7[%scan3A_70, %dma_wait3A_122] : memref<80x128xi32, #tpu.memory_space<vmem>> -> memref<1x64xi32, #tpu.memory_space<vmem>>
        %dma_wait3A_124 = tpu.memref_squeeze %dma_wait3A_123 : memref<1x64xi32, #tpu.memory_space<vmem>> -> memref<64xi32, #tpu.memory_space<vmem>>
        %dma_wait3A_125 = arith.constant 0 : i32
        %dma_wait3A_126 = arith.constant 0 : i32
        %dma_wait3A_127 = tpu.memref_slice %arg9[%dma_wait3A_125, %dma_wait3A_126] : memref<10112x128xf32, #tpu.memory_space<vmem_shared>> -> memref<10112x128xf32, #tpu.memory_space<vmem_shared>>
        tpu.wait_indirect_dma semaphore(%run_scoped3A_107 : memref<!tpu.dma_semaphore, #tpu.memory_space<semaphore_mem>>) src(%dma_wait3A_121 : memref<64x128xf32, #tpu.memory_space<vmem>>) dst(%dma_wait3A_127 : memref<10112x128xf32, #tpu.memory_space<vmem_shared>>)
        tpu.yield
      }) : () -> ()
      %add3A_99 = arith.constant 1 : i32
      %add3A_100 = arith.addi %scan3A_70, %add3A_99 : i32
      %lt3A_101 = arith.constant 80 : i32
      %lt3A_102 = arith.cmpi slt, %add3A_100, %lt3A_101 : i32
      %convert_element_type3A_103 = arith.extui %lt3A_102 : i1 to i32
      %cond3A_104 = arith.constant 0 : i32
      %cond3A_105 = arith.cmpi ne, %convert_element_type3A_103, %cond3A_104 : i32
      scf.if %cond3A_105 {
        %add3A_107 = arith.constant 1 : i32
        %add3A_108 = arith.addi %scan3A_70, %add3A_107 : i32
        %dma_start3A_109 = arith.constant 1 : i32
        %dma_start3A_110 = arith.constant 0 : i32
        %dma_start3A_111 = arith.constant 0 : i32
        %dma_start3A_112 = tpu.memref_slice %arg8[%dma_start3A_109, %dma_start3A_110, %dma_start3A_111] : memref<2x64x128xf32, #tpu.memory_space<vmem>> -> memref<1x64x128xf32, #tpu.memory_space<vmem>>
        %dma_start3A_113 = tpu.memref_squeeze %dma_start3A_112 : memref<1x64x128xf32, #tpu.memory_space<vmem>> -> memref<64x128xf32, #tpu.memory_space<vmem>>
        %dma_start3A_114 = arith.constant 64 : i32
        %dma_start3A_115 = tpu.memref_slice %arg6[%add3A_108, %dma_start3A_114] : memref<80x128xi32, #tpu.memory_space<vmem>> -> memref<1x64xi32, #tpu.memory_space<vmem>>
        %dma_start3A_116 = tpu.memref_squeeze %dma_start3A_115 : memref<1x64xi32, #tpu.memory_space<vmem>> -> memref<64xi32, #tpu.memory_space<vmem>>
        %dma_start3A_117 = arith.constant 0 : i32
        %dma_start3A_118 = arith.constant 0 : i32
        %dma_start3A_119 = tpu.memref_slice %arg2[%dma_start3A_117, %dma_start3A_118] : memref<10112x128xf32, #tpu.memory_space<hbm>> -> memref<10112x128xf32, #tpu.memory_space<hbm>>
        tpu.enqueue_indirect_dma source(%dma_start3A_119 : memref<10112x128xf32, #tpu.memory_space<hbm>>) target(%dma_start3A_113 : memref<64x128xf32, #tpu.memory_space<vmem>>) offsets(%dma_start3A_116 : memref<64xi32, #tpu.memory_space<vmem>>) semaphore(%arg11 : memref<!tpu.dma_semaphore, #tpu.memory_space<semaphore_mem>>)
      } else {
      }
      %scan3A_106 = arith.constant 0 : i32
      scf.yield %scan3A_106 : i32
    }
    %scan3A_68 = arith.constant 80 : i32
    %barrier3A_69 = arith.constant 0 : index
    tpu.barrier barrier_id(%barrier3A_69)
    "tpu.region"() ({
      %run_scoped3A_70 = tpu.sem_alloc : memref<!tpu.dma_semaphore, #tpu.memory_space<semaphore_mem>>
      %dma_start3A_71 = arith.constant 0 : i32
      %dma_start3A_72 = tpu.memref_slice %arg5[%arg0, %mul3A_2, %dma_start3A_71] : memref<2x10112x128xf32, #tpu.memory_space<hbm>> -> memref<1x632x128xf32, #tpu.memory_space<hbm>>
      %dma_start3A_73 = tpu.memref_squeeze %dma_start3A_72 : memref<1x632x128xf32, #tpu.memory_space<hbm>> -> memref<632x128xf32, #tpu.memory_space<hbm>>
      %dma_start3A_74 = arith.constant 0 : i32
      %dma_start3A_75 = tpu.memref_slice %arg9[%mul3A_2, %dma_start3A_74] : memref<10112x128xf32, #tpu.memory_space<vmem_shared>> -> memref<632x128xf32, #tpu.memory_space<vmem_shared>>
      tpu.enqueue_dma source(%dma_start3A_75 : memref<632x128xf32, #tpu.memory_space<vmem_shared>>) target(%dma_start3A_73 : memref<632x128xf32, #tpu.memory_space<hbm>>) target_semaphore(%run_scoped3A_70 : memref<!tpu.dma_semaphore, #tpu.memory_space<semaphore_mem>>)
      %dma_wait3A = arith.constant 0 : i32
      %dma_wait3A_76 = tpu.memref_slice %arg5[%arg0, %mul3A_2, %dma_wait3A] : memref<2x10112x128xf32, #tpu.memory_space<hbm>> -> memref<1x632x128xf32, #tpu.memory_space<hbm>>
      %dma_wait3A_77 = tpu.memref_squeeze %dma_wait3A_76 : memref<1x632x128xf32, #tpu.memory_space<hbm>> -> memref<632x128xf32, #tpu.memory_space<hbm>>
      %dma_wait3A_78 = arith.constant 0 : i32
      %dma_wait3A_79 = tpu.memref_slice %arg9[%mul3A_2, %dma_wait3A_78] : memref<10112x128xf32, #tpu.memory_space<vmem_shared>> -> memref<632x128xf32, #tpu.memory_space<vmem_shared>>
      tpu.wait_dma2 semaphore(%run_scoped3A_70 : memref<!tpu.dma_semaphore, #tpu.memory_space<semaphore_mem>>) src(%dma_wait3A_79 : memref<632x128xf32, #tpu.memory_space<vmem_shared>>) dst(%dma_wait3A_77 : memref<632x128xf32, #tpu.memory_space<hbm>>)
      tpu.yield
    }) : () -> ()
    return
  }
}

#map = affine_map<(d0, d1) -> (0)>
#map1 = affine_map<(d0, d1) -> (0, 0)>
module attributes {stable_mosaic.version = 14 : i64} {
  func.func @deg_k(%arg0: i32, %arg1: i32, %arg2: memref<327680xi32, #tpu.memory_space<hbm>>, %arg3: memref<20224x16xf32, #tpu.memory_space<hbm>>, %arg4: memref<10240xi32, #tpu.memory_space<vmem>>, %arg5: memref<128x16xf32, #tpu.memory_space<vmem>>, %arg6: memref<10112x16xf32, #tpu.memory_space<vmem_shared>>) attributes {dimension_semantics = [#tpu.dimension_semantics<core_parallel>, #tpu.dimension_semantics<subcore_parallel>], iteration_bounds = array<i64: 2, 16>, scalar_prefetch = 0 : i64, scratch_operands = 3 : i64, tpu.core_type = #tpu.core_type<sc_vector_subcore>, window_params = [{transform_indices = #map}, {transform_indices = #map1}]} {
    %mul3A = arith.constant 16 : i32
    %mul3A_0 = arith.muli %arg0, %mul3A : i32
    %add3A = arith.addi %mul3A_0, %arg1 : i32
    %mul3A_1 = arith.constant 632 : i32
    %mul3A_2 = arith.muli %arg1, %mul3A_1 : i32
    %scan3A = arith.constant 0 : i32
    %scan3A_3 = arith.constant 0 : i32
    %scan3A_4 = arith.constant 128 : i32
    %scan3A_5 = arith.addi %scan3A_3, %scan3A_4 : i32
    %scan3A_6 = arith.constant 1 : i32
    %scan3A_7 = scf.for %scan3A_39 = %scan3A_3 to %scan3A_5 step %scan3A_6 iter_args(%scan3A_40 = %scan3A) -> (i32)  : i32 {
      %jit3A = arith.constant 1 : i32
      %div3A = arith.divsi %scan3A_39, %jit3A : i32
      %sign3A = arith.constant 0 : i32
      %sign3A_41 = arith.cmpi sgt, %scan3A_39, %sign3A : i32
      %sign3A_42 = arith.extui %sign3A_41 : i1 to i32
      %sign3A_43 = arith.constant 0 : i32
      %sign3A_44 = arith.cmpi slt, %scan3A_39, %sign3A_43 : i32
      %sign3A_45 = arith.extui %sign3A_44 : i1 to i32
      %sign3A_46 = arith.subi %sign3A_42, %sign3A_45 : i32
      %sign3A_47 = arith.constant 0 : i32
      %sign3A_48 = arith.cmpi sgt, %jit3A, %sign3A_47 : i32
      %sign3A_49 = arith.extui %sign3A_48 : i1 to i32
      %sign3A_50 = arith.constant 0 : i32
      %sign3A_51 = arith.cmpi slt, %jit3A, %sign3A_50 : i32
      %sign3A_52 = arith.extui %sign3A_51 : i1 to i32
      %sign3A_53 = arith.subi %sign3A_49, %sign3A_52 : i32
      %ne3A = arith.cmpi ne, %sign3A_46, %sign3A_53 : i32
      %rem3A = arith.remsi %scan3A_39, %jit3A : i32
      %ne3A_54 = arith.constant 0 : i32
      %ne3A_55 = arith.cmpi ne, %rem3A, %ne3A_54 : i32
      %and3A = arith.andi %ne3A, %ne3A_55 : i1
      %sub3A = arith.constant 1 : i32
      %sub3A_56 = arith.subi %div3A, %sub3A : i32
      %select_n3A = arith.select %and3A, %sub3A_56, %div3A : i32
      %jit3A_57 = arith.constant 1 : i32
      %eq3A = arith.constant 0 : i32
      %eq3A_58 = arith.cmpi eq, %jit3A_57, %eq3A : i32
      %jit3A_59 = arith.constant 1 : i32
      %select_n3A_60 = arith.select %eq3A_58, %jit3A_59, %jit3A_57 : i32
      %rem3A_61 = arith.remsi %scan3A_39, %select_n3A_60 : i32
      %ne3A_62 = arith.constant 0 : i32
      %ne3A_63 = arith.cmpi ne, %rem3A_61, %ne3A_62 : i32
      %lt3A = arith.constant 0 : i32
      %lt3A_64 = arith.cmpi slt, %rem3A_61, %lt3A : i32
      %lt3A_65 = arith.constant 0 : i32
      %lt3A_66 = arith.cmpi slt, %select_n3A_60, %lt3A_65 : i32
      %ne3A_67 = arith.xori %lt3A_64, %lt3A_66 : i1
      %and3A_68 = arith.andi %ne3A_67, %ne3A_63 : i1
      %add3A_69 = arith.addi %rem3A_61, %select_n3A_60 : i32
      %select_n3A_70 = arith.select %and3A_68, %add3A_69, %rem3A_61 : i32
      %mul3A_71 = arith.constant 16 : i32
      %mul3A_72 = arith.muli %select_n3A_70, %mul3A_71 : i32
      %broadcast_in_dim3A = arith.constant 0.000000e+00 : f32
      %broadcast_in_dim3A_73 = vector.broadcast %broadcast_in_dim3A : f32 to vector<16xf32>
      %swap3A = arith.index_cast %select_n3A : i32 to index
      %swap3A_74 = arith.index_cast %mul3A_72 : i32 to index
      %swap3A_75 = tpu.vector_load %arg5[%swap3A, %swap3A_74] {strides = array<i32>} : memref<128x16xf32, #tpu.memory_space<vmem>>, vector<1x16xf32>,
      %swap3A_76 = vector.shape_cast %swap3A_75 : vector<1x16xf32> to vector<16xf32>
      %swap3A_77 = vector.shape_cast %broadcast_in_dim3A_73 : vector<16xf32> to vector<1x16xf32>
      tpu.vector_store %arg5[%swap3A, %swap3A_74], %swap3A_77 {strides = array<i32>} : memref<128x16xf32, #tpu.memory_space<vmem>>, vector<1x16xf32>,
      %scan3A_78 = arith.constant 0 : i32
      scf.yield %scan3A_78 : i32
    }
    %scan3A_8 = arith.constant 128 : i32
    %add3A_9 = arith.constant 0 : i32
    %add3A_10 = arith.addi %mul3A_2, %add3A_9 : i32
    "tpu.region"() ({
      %run_scoped3A = tpu.sem_alloc : memref<!tpu.dma_semaphore, #tpu.memory_space<semaphore_mem>>
      %dma_start3A = arith.constant 0 : i32
      %dma_start3A_39 = arith.constant 0 : i32
      %dma_start3A_40 = tpu.memref_slice %arg5[%dma_start3A, %dma_start3A_39] : memref<128x16xf32, #tpu.memory_space<vmem>> -> memref<128x16xf32, #tpu.memory_space<vmem>>
      %dma_start3A_41 = arith.constant 0 : i32
      %dma_start3A_42 = tpu.memref_slice %arg6[%add3A_10, %dma_start3A_41] : memref<10112x16xf32, #tpu.memory_space<vmem_shared>> -> memref<128x16xf32, #tpu.memory_space<vmem_shared>>
      %dma_start3A_43 = arith.constant 0 : i32
      %dma_start3A_44 = tpu.memref_slice %arg6[%add3A_10, %dma_start3A_43] : memref<10112x16xf32, #tpu.memory_space<vmem_shared>> -> memref<128x16xf32, #tpu.memory_space<vmem_shared>>
      %dma_start3A_45 = arith.constant 0 : i32
      %dma_start3A_46 = arith.constant 0 : i32
      %dma_start3A_47 = tpu.memref_slice %arg5[%dma_start3A_45, %dma_start3A_46] : memref<128x16xf32, #tpu.memory_space<vmem>> -> memref<128x16xf32, #tpu.memory_space<vmem>>
      tpu.enqueue_dma source(%dma_start3A_47 : memref<128x16xf32, #tpu.memory_space<vmem>>) target(%dma_start3A_44 : memref<128x16xf32, #tpu.memory_space<vmem_shared>>) target_semaphore(%run_scoped3A : memref<!tpu.dma_semaphore, #tpu.memory_space<semaphore_mem>>)
      %dma_wait3A = arith.constant 0 : i32
      %dma_wait3A_48 = arith.constant 0 : i32
      %dma_wait3A_49 = tpu.memref_slice %arg5[%dma_wait3A, %dma_wait3A_48] : memref<128x16xf32, #tpu.memory_space<vmem>> -> memref<128x16xf32, #tpu.memory_space<vmem>>
      %dma_wait3A_50 = arith.constant 0 : i32
      %dma_wait3A_51 = tpu.memref_slice %arg6[%add3A_10, %dma_wait3A_50] : memref<10112x16xf32, #tpu.memory_space<vmem_shared>> -> memref<128x16xf32, #tpu.memory_space<vmem_shared>>
      %dma_wait3A_52 = arith.constant 0 : i32
      %dma_wait3A_53 = tpu.memref_slice %arg6[%add3A_10, %dma_wait3A_52] : memref<10112x16xf32, #tpu.memory_space<vmem_shared>> -> memref<128x16xf32, #tpu.memory_space<vmem_shared>>
      %dma_wait3A_54 = arith.constant 0 : i32
      %dma_wait3A_55 = arith.constant 0 : i32
      %dma_wait3A_56 = tpu.memref_slice %arg5[%dma_wait3A_54, %dma_wait3A_55] : memref<128x16xf32, #tpu.memory_space<vmem>> -> memref<128x16xf32, #tpu.memory_space<vmem>>
      tpu.wait_dma2 semaphore(%run_scoped3A : memref<!tpu.dma_semaphore, #tpu.memory_space<semaphore_mem>>) src(%dma_wait3A_56 : memref<128x16xf32, #tpu.memory_space<vmem>>) dst(%dma_wait3A_53 : memref<128x16xf32, #tpu.memory_space<vmem_shared>>)
      tpu.yield
    }) : () -> ()
    %add3A_11 = arith.constant 128 : i32
    %add3A_12 = arith.addi %mul3A_2, %add3A_11 : i32
    "tpu.region"() ({
      %run_scoped3A = tpu.sem_alloc : memref<!tpu.dma_semaphore, #tpu.memory_space<semaphore_mem>>
      %dma_start3A = arith.constant 0 : i32
      %dma_start3A_39 = arith.constant 0 : i32
      %dma_start3A_40 = tpu.memref_slice %arg5[%dma_start3A, %dma_start3A_39] : memref<128x16xf32, #tpu.memory_space<vmem>> -> memref<128x16xf32, #tpu.memory_space<vmem>>
      %dma_start3A_41 = arith.constant 0 : i32
      %dma_start3A_42 = tpu.memref_slice %arg6[%add3A_12, %dma_start3A_41] : memref<10112x16xf32, #tpu.memory_space<vmem_shared>> -> memref<128x16xf32, #tpu.memory_space<vmem_shared>>
      %dma_start3A_43 = arith.constant 0 : i32
      %dma_start3A_44 = tpu.memref_slice %arg6[%add3A_12, %dma_start3A_43] : memref<10112x16xf32, #tpu.memory_space<vmem_shared>> -> memref<128x16xf32, #tpu.memory_space<vmem_shared>>
      %dma_start3A_45 = arith.constant 0 : i32
      %dma_start3A_46 = arith.constant 0 : i32
      %dma_start3A_47 = tpu.memref_slice %arg5[%dma_start3A_45, %dma_start3A_46] : memref<128x16xf32, #tpu.memory_space<vmem>> -> memref<128x16xf32, #tpu.memory_space<vmem>>
      tpu.enqueue_dma source(%dma_start3A_47 : memref<128x16xf32, #tpu.memory_space<vmem>>) target(%dma_start3A_44 : memref<128x16xf32, #tpu.memory_space<vmem_shared>>) target_semaphore(%run_scoped3A : memref<!tpu.dma_semaphore, #tpu.memory_space<semaphore_mem>>)
      %dma_wait3A = arith.constant 0 : i32
      %dma_wait3A_48 = arith.constant 0 : i32
      %dma_wait3A_49 = tpu.memref_slice %arg5[%dma_wait3A, %dma_wait3A_48] : memref<128x16xf32, #tpu.memory_space<vmem>> -> memref<128x16xf32, #tpu.memory_space<vmem>>
      %dma_wait3A_50 = arith.constant 0 : i32
      %dma_wait3A_51 = tpu.memref_slice %arg6[%add3A_12, %dma_wait3A_50] : memref<10112x16xf32, #tpu.memory_space<vmem_shared>> -> memref<128x16xf32, #tpu.memory_space<vmem_shared>>
      %dma_wait3A_52 = arith.constant 0 : i32
      %dma_wait3A_53 = tpu.memref_slice %arg6[%add3A_12, %dma_wait3A_52] : memref<10112x16xf32, #tpu.memory_space<vmem_shared>> -> memref<128x16xf32, #tpu.memory_space<vmem_shared>>
      %dma_wait3A_54 = arith.constant 0 : i32
      %dma_wait3A_55 = arith.constant 0 : i32
      %dma_wait3A_56 = tpu.memref_slice %arg5[%dma_wait3A_54, %dma_wait3A_55] : memref<128x16xf32, #tpu.memory_space<vmem>> -> memref<128x16xf32, #tpu.memory_space<vmem>>
      tpu.wait_dma2 semaphore(%run_scoped3A : memref<!tpu.dma_semaphore, #tpu.memory_space<semaphore_mem>>) src(%dma_wait3A_56 : memref<128x16xf32, #tpu.memory_space<vmem>>) dst(%dma_wait3A_53 : memref<128x16xf32, #tpu.memory_space<vmem_shared>>)
      tpu.yield
    }) : () -> ()
    %add3A_13 = arith.constant 256 : i32
    %add3A_14 = arith.addi %mul3A_2, %add3A_13 : i32
    "tpu.region"() ({
      %run_scoped3A = tpu.sem_alloc : memref<!tpu.dma_semaphore, #tpu.memory_space<semaphore_mem>>
      %dma_start3A = arith.constant 0 : i32
      %dma_start3A_39 = arith.constant 0 : i32
      %dma_start3A_40 = tpu.memref_slice %arg5[%dma_start3A, %dma_start3A_39] : memref<128x16xf32, #tpu.memory_space<vmem>> -> memref<128x16xf32, #tpu.memory_space<vmem>>
      %dma_start3A_41 = arith.constant 0 : i32
      %dma_start3A_42 = tpu.memref_slice %arg6[%add3A_14, %dma_start3A_41] : memref<10112x16xf32, #tpu.memory_space<vmem_shared>> -> memref<128x16xf32, #tpu.memory_space<vmem_shared>>
      %dma_start3A_43 = arith.constant 0 : i32
      %dma_start3A_44 = tpu.memref_slice %arg6[%add3A_14, %dma_start3A_43] : memref<10112x16xf32, #tpu.memory_space<vmem_shared>> -> memref<128x16xf32, #tpu.memory_space<vmem_shared>>
      %dma_start3A_45 = arith.constant 0 : i32
      %dma_start3A_46 = arith.constant 0 : i32
      %dma_start3A_47 = tpu.memref_slice %arg5[%dma_start3A_45, %dma_start3A_46] : memref<128x16xf32, #tpu.memory_space<vmem>> -> memref<128x16xf32, #tpu.memory_space<vmem>>
      tpu.enqueue_dma source(%dma_start3A_47 : memref<128x16xf32, #tpu.memory_space<vmem>>) target(%dma_start3A_44 : memref<128x16xf32, #tpu.memory_space<vmem_shared>>) target_semaphore(%run_scoped3A : memref<!tpu.dma_semaphore, #tpu.memory_space<semaphore_mem>>)
      %dma_wait3A = arith.constant 0 : i32
      %dma_wait3A_48 = arith.constant 0 : i32
      %dma_wait3A_49 = tpu.memref_slice %arg5[%dma_wait3A, %dma_wait3A_48] : memref<128x16xf32, #tpu.memory_space<vmem>> -> memref<128x16xf32, #tpu.memory_space<vmem>>
      %dma_wait3A_50 = arith.constant 0 : i32
      %dma_wait3A_51 = tpu.memref_slice %arg6[%add3A_14, %dma_wait3A_50] : memref<10112x16xf32, #tpu.memory_space<vmem_shared>> -> memref<128x16xf32, #tpu.memory_space<vmem_shared>>
      %dma_wait3A_52 = arith.constant 0 : i32
      %dma_wait3A_53 = tpu.memref_slice %arg6[%add3A_14, %dma_wait3A_52] : memref<10112x16xf32, #tpu.memory_space<vmem_shared>> -> memref<128x16xf32, #tpu.memory_space<vmem_shared>>
      %dma_wait3A_54 = arith.constant 0 : i32
      %dma_wait3A_55 = arith.constant 0 : i32
      %dma_wait3A_56 = tpu.memref_slice %arg5[%dma_wait3A_54, %dma_wait3A_55] : memref<128x16xf32, #tpu.memory_space<vmem>> -> memref<128x16xf32, #tpu.memory_space<vmem>>
      tpu.wait_dma2 semaphore(%run_scoped3A : memref<!tpu.dma_semaphore, #tpu.memory_space<semaphore_mem>>) src(%dma_wait3A_56 : memref<128x16xf32, #tpu.memory_space<vmem>>) dst(%dma_wait3A_53 : memref<128x16xf32, #tpu.memory_space<vmem_shared>>)
      tpu.yield
    }) : () -> ()
    %add3A_15 = arith.constant 384 : i32
    %add3A_16 = arith.addi %mul3A_2, %add3A_15 : i32
    "tpu.region"() ({
      %run_scoped3A = tpu.sem_alloc : memref<!tpu.dma_semaphore, #tpu.memory_space<semaphore_mem>>
      %dma_start3A = arith.constant 0 : i32
      %dma_start3A_39 = arith.constant 0 : i32
      %dma_start3A_40 = tpu.memref_slice %arg5[%dma_start3A, %dma_start3A_39] : memref<128x16xf32, #tpu.memory_space<vmem>> -> memref<128x16xf32, #tpu.memory_space<vmem>>
      %dma_start3A_41 = arith.constant 0 : i32
      %dma_start3A_42 = tpu.memref_slice %arg6[%add3A_16, %dma_start3A_41] : memref<10112x16xf32, #tpu.memory_space<vmem_shared>> -> memref<128x16xf32, #tpu.memory_space<vmem_shared>>
      %dma_start3A_43 = arith.constant 0 : i32
      %dma_start3A_44 = tpu.memref_slice %arg6[%add3A_16, %dma_start3A_43] : memref<10112x16xf32, #tpu.memory_space<vmem_shared>> -> memref<128x16xf32, #tpu.memory_space<vmem_shared>>
      %dma_start3A_45 = arith.constant 0 : i32
      %dma_start3A_46 = arith.constant 0 : i32
      %dma_start3A_47 = tpu.memref_slice %arg5[%dma_start3A_45, %dma_start3A_46] : memref<128x16xf32, #tpu.memory_space<vmem>> -> memref<128x16xf32, #tpu.memory_space<vmem>>
      tpu.enqueue_dma source(%dma_start3A_47 : memref<128x16xf32, #tpu.memory_space<vmem>>) target(%dma_start3A_44 : memref<128x16xf32, #tpu.memory_space<vmem_shared>>) target_semaphore(%run_scoped3A : memref<!tpu.dma_semaphore, #tpu.memory_space<semaphore_mem>>)
      %dma_wait3A = arith.constant 0 : i32
      %dma_wait3A_48 = arith.constant 0 : i32
      %dma_wait3A_49 = tpu.memref_slice %arg5[%dma_wait3A, %dma_wait3A_48] : memref<128x16xf32, #tpu.memory_space<vmem>> -> memref<128x16xf32, #tpu.memory_space<vmem>>
      %dma_wait3A_50 = arith.constant 0 : i32
      %dma_wait3A_51 = tpu.memref_slice %arg6[%add3A_16, %dma_wait3A_50] : memref<10112x16xf32, #tpu.memory_space<vmem_shared>> -> memref<128x16xf32, #tpu.memory_space<vmem_shared>>
      %dma_wait3A_52 = arith.constant 0 : i32
      %dma_wait3A_53 = tpu.memref_slice %arg6[%add3A_16, %dma_wait3A_52] : memref<10112x16xf32, #tpu.memory_space<vmem_shared>> -> memref<128x16xf32, #tpu.memory_space<vmem_shared>>
      %dma_wait3A_54 = arith.constant 0 : i32
      %dma_wait3A_55 = arith.constant 0 : i32
      %dma_wait3A_56 = tpu.memref_slice %arg5[%dma_wait3A_54, %dma_wait3A_55] : memref<128x16xf32, #tpu.memory_space<vmem>> -> memref<128x16xf32, #tpu.memory_space<vmem>>
      tpu.wait_dma2 semaphore(%run_scoped3A : memref<!tpu.dma_semaphore, #tpu.memory_space<semaphore_mem>>) src(%dma_wait3A_56 : memref<128x16xf32, #tpu.memory_space<vmem>>) dst(%dma_wait3A_53 : memref<128x16xf32, #tpu.memory_space<vmem_shared>>)
      tpu.yield
    }) : () -> ()
    %add3A_17 = arith.constant 512 : i32
    %add3A_18 = arith.addi %mul3A_2, %add3A_17 : i32
    "tpu.region"() ({
      %run_scoped3A = tpu.sem_alloc : memref<!tpu.dma_semaphore, #tpu.memory_space<semaphore_mem>>
      %dma_start3A = arith.constant 0 : i32
      %dma_start3A_39 = arith.constant 0 : i32
      %dma_start3A_40 = tpu.memref_slice %arg5[%dma_start3A, %dma_start3A_39] : memref<128x16xf32, #tpu.memory_space<vmem>> -> memref<120x16xf32, #tpu.memory_space<vmem>>
      %dma_start3A_41 = arith.constant 0 : i32
      %dma_start3A_42 = tpu.memref_slice %arg6[%add3A_18, %dma_start3A_41] : memref<10112x16xf32, #tpu.memory_space<vmem_shared>> -> memref<120x16xf32, #tpu.memory_space<vmem_shared>>
      %dma_start3A_43 = arith.constant 0 : i32
      %dma_start3A_44 = tpu.memref_slice %arg6[%add3A_18, %dma_start3A_43] : memref<10112x16xf32, #tpu.memory_space<vmem_shared>> -> memref<120x16xf32, #tpu.memory_space<vmem_shared>>
      %dma_start3A_45 = arith.constant 0 : i32
      %dma_start3A_46 = arith.constant 0 : i32
      %dma_start3A_47 = tpu.memref_slice %arg5[%dma_start3A_45, %dma_start3A_46] : memref<128x16xf32, #tpu.memory_space<vmem>> -> memref<120x16xf32, #tpu.memory_space<vmem>>
      tpu.enqueue_dma source(%dma_start3A_47 : memref<120x16xf32, #tpu.memory_space<vmem>>) target(%dma_start3A_44 : memref<120x16xf32, #tpu.memory_space<vmem_shared>>) target_semaphore(%run_scoped3A : memref<!tpu.dma_semaphore, #tpu.memory_space<semaphore_mem>>)
      %dma_wait3A = arith.constant 0 : i32
      %dma_wait3A_48 = arith.constant 0 : i32
      %dma_wait3A_49 = tpu.memref_slice %arg5[%dma_wait3A, %dma_wait3A_48] : memref<128x16xf32, #tpu.memory_space<vmem>> -> memref<120x16xf32, #tpu.memory_space<vmem>>
      %dma_wait3A_50 = arith.constant 0 : i32
      %dma_wait3A_51 = tpu.memref_slice %arg6[%add3A_18, %dma_wait3A_50] : memref<10112x16xf32, #tpu.memory_space<vmem_shared>> -> memref<120x16xf32, #tpu.memory_space<vmem_shared>>
      %dma_wait3A_52 = arith.constant 0 : i32
      %dma_wait3A_53 = tpu.memref_slice %arg6[%add3A_18, %dma_wait3A_52] : memref<10112x16xf32, #tpu.memory_space<vmem_shared>> -> memref<120x16xf32, #tpu.memory_space<vmem_shared>>
      %dma_wait3A_54 = arith.constant 0 : i32
      %dma_wait3A_55 = arith.constant 0 : i32
      %dma_wait3A_56 = tpu.memref_slice %arg5[%dma_wait3A_54, %dma_wait3A_55] : memref<128x16xf32, #tpu.memory_space<vmem>> -> memref<120x16xf32, #tpu.memory_space<vmem>>
      tpu.wait_dma2 semaphore(%run_scoped3A : memref<!tpu.dma_semaphore, #tpu.memory_space<semaphore_mem>>) src(%dma_wait3A_56 : memref<120x16xf32, #tpu.memory_space<vmem>>) dst(%dma_wait3A_53 : memref<120x16xf32, #tpu.memory_space<vmem_shared>>)
      tpu.yield
    }) : () -> ()
    %scan3A_19 = arith.constant 0 : i32
    %scan3A_20 = arith.constant 0 : i32
    %scan3A_21 = arith.constant 128 : i32
    %scan3A_22 = arith.addi %scan3A_20, %scan3A_21 : i32
    %scan3A_23 = arith.constant 1 : i32
    %scan3A_24 = scf.for %scan3A_39 = %scan3A_20 to %scan3A_22 step %scan3A_23 iter_args(%scan3A_40 = %scan3A_19) -> (i32)  : i32 {
      %broadcast_in_dim3A = arith.constant 1.000000e+00 : f32
      %broadcast_in_dim3A_41 = vector.broadcast %broadcast_in_dim3A : f32 to vector<16xf32>
      %jit3A = arith.constant 1 : i32
      %div3A = arith.divsi %scan3A_39, %jit3A : i32
      %sign3A = arith.constant 0 : i32
      %sign3A_42 = arith.cmpi sgt, %scan3A_39, %sign3A : i32
      %sign3A_43 = arith.extui %sign3A_42 : i1 to i32
      %sign3A_44 = arith.constant 0 : i32
      %sign3A_45 = arith.cmpi slt, %scan3A_39, %sign3A_44 : i32
      %sign3A_46 = arith.extui %sign3A_45 : i1 to i32
      %sign3A_47 = arith.subi %sign3A_43, %sign3A_46 : i32
      %sign3A_48 = arith.constant 0 : i32
      %sign3A_49 = arith.cmpi sgt, %jit3A, %sign3A_48 : i32
      %sign3A_50 = arith.extui %sign3A_49 : i1 to i32
      %sign3A_51 = arith.constant 0 : i32
      %sign3A_52 = arith.cmpi slt, %jit3A, %sign3A_51 : i32
      %sign3A_53 = arith.extui %sign3A_52 : i1 to i32
      %sign3A_54 = arith.subi %sign3A_50, %sign3A_53 : i32
      %ne3A = arith.cmpi ne, %sign3A_47, %sign3A_54 : i32
      %rem3A = arith.remsi %scan3A_39, %jit3A : i32
      %ne3A_55 = arith.constant 0 : i32
      %ne3A_56 = arith.cmpi ne, %rem3A, %ne3A_55 : i32
      %and3A = arith.andi %ne3A, %ne3A_56 : i1
      %sub3A = arith.constant 1 : i32
      %sub3A_57 = arith.subi %div3A, %sub3A : i32
      %select_n3A = arith.select %and3A, %sub3A_57, %div3A : i32
      %jit3A_58 = arith.constant 1 : i32
      %eq3A = arith.constant 0 : i32
      %eq3A_59 = arith.cmpi eq, %jit3A_58, %eq3A : i32
      %jit3A_60 = arith.constant 1 : i32
      %select_n3A_61 = arith.select %eq3A_59, %jit3A_60, %jit3A_58 : i32
      %rem3A_62 = arith.remsi %scan3A_39, %select_n3A_61 : i32
      %ne3A_63 = arith.constant 0 : i32
      %ne3A_64 = arith.cmpi ne, %rem3A_62, %ne3A_63 : i32
      %lt3A = arith.constant 0 : i32
      %lt3A_65 = arith.cmpi slt, %rem3A_62, %lt3A : i32
      %lt3A_66 = arith.constant 0 : i32
      %lt3A_67 = arith.cmpi slt, %select_n3A_61, %lt3A_66 : i32
      %ne3A_68 = arith.xori %lt3A_65, %lt3A_67 : i1
      %and3A_69 = arith.andi %ne3A_68, %ne3A_64 : i1
      %add3A_70 = arith.addi %rem3A_62, %select_n3A_61 : i32
      %select_n3A_71 = arith.select %and3A_69, %add3A_70, %rem3A_62 : i32
      %mul3A_72 = arith.constant 16 : i32
      %mul3A_73 = arith.muli %select_n3A_71, %mul3A_72 : i32
      %swap3A = arith.index_cast %select_n3A : i32 to index
      %swap3A_74 = arith.index_cast %mul3A_73 : i32 to index
      %swap3A_75 = tpu.vector_load %arg5[%swap3A, %swap3A_74] {strides = array<i32>} : memref<128x16xf32, #tpu.memory_space<vmem>>, vector<1x16xf32>,
      %swap3A_76 = vector.shape_cast %swap3A_75 : vector<1x16xf32> to vector<16xf32>
      %swap3A_77 = vector.shape_cast %broadcast_in_dim3A_41 : vector<16xf32> to vector<1x16xf32>
      tpu.vector_store %arg5[%swap3A, %swap3A_74], %swap3A_77 {strides = array<i32>} : memref<128x16xf32, #tpu.memory_space<vmem>>, vector<1x16xf32>,
      %scan3A_78 = arith.constant 0 : i32
      scf.yield %scan3A_78 : i32
    }
    %scan3A_25 = arith.constant 128 : i32
    %mul3A_26 = arith.constant 10240 : i32
    %mul3A_27 = arith.muli %add3A, %mul3A_26 : i32
    "tpu.region"() ({
      %run_scoped3A = tpu.sem_alloc : memref<!tpu.dma_semaphore, #tpu.memory_space<semaphore_mem>>
      %dma_start3A = tpu.memref_slice %arg2[%mul3A_27] : memref<327680xi32, #tpu.memory_space<hbm>> -> memref<10240xi32, #tpu.memory_space<hbm>>
      %dma_start3A_39 = tpu.memref_slice %arg2[%mul3A_27] : memref<327680xi32, #tpu.memory_space<hbm>> -> memref<10240xi32, #tpu.memory_space<hbm>>
      tpu.enqueue_dma source(%dma_start3A_39 : memref<10240xi32, #tpu.memory_space<hbm>>) target(%arg4 : memref<10240xi32, #tpu.memory_space<vmem>>) target_semaphore(%run_scoped3A : memref<!tpu.dma_semaphore, #tpu.memory_space<semaphore_mem>>)
      %dma_wait3A = tpu.memref_slice %arg2[%mul3A_27] : memref<327680xi32, #tpu.memory_space<hbm>> -> memref<10240xi32, #tpu.memory_space<hbm>>
      %dma_wait3A_40 = tpu.memref_slice %arg2[%mul3A_27] : memref<327680xi32, #tpu.memory_space<hbm>> -> memref<10240xi32, #tpu.memory_space<hbm>>
      tpu.wait_dma2 semaphore(%run_scoped3A : memref<!tpu.dma_semaphore, #tpu.memory_space<semaphore_mem>>) src(%dma_wait3A_40 : memref<10240xi32, #tpu.memory_space<hbm>>) dst(%arg4 : memref<10240xi32, #tpu.memory_space<vmem>>)
      tpu.yield
    }) : () -> ()
    %barrier3A = arith.constant 0 : index
    tpu.barrier barrier_id(%barrier3A)
    %scan3A_28 = arith.constant 0 : i32
    %scan3A_29 = arith.constant 0 : i32
    %scan3A_30 = arith.constant 80 : i32
    %scan3A_31 = arith.addi %scan3A_29, %scan3A_30 : i32
    %scan3A_32 = arith.constant 1 : i32
    %scan3A_33 = scf.for %scan3A_39 = %scan3A_29 to %scan3A_31 step %scan3A_32 iter_args(%scan3A_40 = %scan3A_28) -> (i32)  : i32 {
      %mul3A_41 = arith.constant 128 : i32
      %mul3A_42 = arith.muli %scan3A_39, %mul3A_41 : i32
      "tpu.region"() ({
        %run_scoped3A = tpu.sem_alloc : memref<!tpu.dma_semaphore, #tpu.memory_space<semaphore_mem>>
        %dma_start3A = tpu.memref_slice %arg4[%mul3A_42] : memref<10240xi32, #tpu.memory_space<vmem>> -> memref<128xi32, #tpu.memory_space<vmem>>
        %dma_start3A_44 = arith.constant 0 : i32
        %dma_start3A_45 = arith.constant 0 : i32
        %dma_start3A_46 = tpu.memref_slice %arg6[%dma_start3A_44, %dma_start3A_45] : memref<10112x16xf32, #tpu.memory_space<vmem_shared>> -> memref<10112x16xf32, #tpu.memory_space<vmem_shared>>
        tpu.enqueue_indirect_dma source(%arg5 : memref<128x16xf32, #tpu.memory_space<vmem>>) target(%dma_start3A_46 : memref<10112x16xf32, #tpu.memory_space<vmem_shared>>) offsets(%dma_start3A : memref<128xi32, #tpu.memory_space<vmem>>) semaphore(%run_scoped3A : memref<!tpu.dma_semaphore, #tpu.memory_space<semaphore_mem>>) {add = true}
        %dma_wait3A = tpu.memref_slice %arg4[%mul3A_42] : memref<10240xi32, #tpu.memory_space<vmem>> -> memref<128xi32, #tpu.memory_space<vmem>>
        %dma_wait3A_47 = arith.constant 0 : i32
        %dma_wait3A_48 = arith.constant 0 : i32
        %dma_wait3A_49 = tpu.memref_slice %arg6[%dma_wait3A_47, %dma_wait3A_48] : memref<10112x16xf32, #tpu.memory_space<vmem_shared>> -> memref<10112x16xf32, #tpu.memory_space<vmem_shared>>
        tpu.wait_indirect_dma semaphore(%run_scoped3A : memref<!tpu.dma_semaphore, #tpu.memory_space<semaphore_mem>>) src(%arg5 : memref<128x16xf32, #tpu.memory_space<vmem>>) dst(%dma_wait3A_49 : memref<10112x16xf32, #tpu.memory_space<vmem_shared>>)
        tpu.yield
      }) : () -> ()
      %scan3A_43 = arith.constant 0 : i32
      scf.yield %scan3A_43 : i32
    }
    %scan3A_34 = arith.constant 80 : i32
    %barrier3A_35 = arith.constant 0 : index
    tpu.barrier barrier_id(%barrier3A_35)
    %mul3A_36 = arith.constant 10112 : i32
    %mul3A_37 = arith.muli %arg0, %mul3A_36 : i32
    %add3A_38 = arith.addi %mul3A_37, %mul3A_2 : i32
    "tpu.region"() ({
      %run_scoped3A = tpu.sem_alloc : memref<!tpu.dma_semaphore, #tpu.memory_space<semaphore_mem>>
      %dma_start3A = arith.constant 0 : i32
      %dma_start3A_39 = tpu.memref_slice %arg3[%add3A_38, %dma_start3A] : memref<20224x16xf32, #tpu.memory_space<hbm>> -> memref<632x16xf32, #tpu.memory_space<hbm>>
      %dma_start3A_40 = arith.constant 0 : i32
      %dma_start3A_41 = tpu.memref_slice %arg6[%mul3A_2, %dma_start3A_40] : memref<10112x16xf32, #tpu.memory_space<vmem_shared>> -> memref<632x16xf32, #tpu.memory_space<vmem_shared>>
      tpu.enqueue_dma source(%dma_start3A_41 : memref<632x16xf32, #tpu.memory_space<vmem_shared>>) target(%dma_start3A_39 : memref<632x16xf32, #tpu.memory_space<hbm>>) target_semaphore(%run_scoped3A : memref<!tpu.dma_semaphore, #tpu.memory_space<semaphore_mem>>)
      %dma_wait3A = arith.constant 0 : i32
      %dma_wait3A_42 = tpu.memref_slice %arg3[%add3A_38, %dma_wait3A] : memref<20224x16xf32, #tpu.memory_space<hbm>> -> memref<632x16xf32, #tpu.memory_space<hbm>>
      %dma_wait3A_43 = arith.constant 0 : i32
      %dma_wait3A_44 = tpu.memref_slice %arg6[%mul3A_2, %dma_wait3A_43] : memref<10112x16xf32, #tpu.memory_space<vmem_shared>> -> memref<632x16xf32, #tpu.memory_space<vmem_shared>>
      tpu.wait_dma2 semaphore(%run_scoped3A : memref<!tpu.dma_semaphore, #tpu.memory_space<semaphore_mem>>) src(%dma_wait3A_44 : memref<632x16xf32, #tpu.memory_space<vmem_shared>>) dst(%dma_wait3A_42 : memref<632x16xf32, #tpu.memory_space<hbm>>)
      tpu.yield
    }) : () -> ()
    return
  }
}

#map = affine_map<(d0, d1) -> (0, 0)>
#map1 = affine_map<(d0, d1) -> (0, 0, 0)>
module attributes {stable_mosaic.version = 14 : i64} {
  func.func @prop_k(%arg0: i32, %arg1: i32, %arg2: memref<10112x128xf32, #tpu.memory_space<hbm>>, %arg3: memref<32x80x128xi32, #tpu.memory_space<hbm>>, %arg4: memref<32x80x128xi32, #tpu.memory_space<hbm>>, %arg5: memref<2x10112x128xf32, #tpu.memory_space<hbm>>, %arg6: memref<80x128xi32, #tpu.memory_space<vmem>>, %arg7: memref<80x128xi32, #tpu.memory_space<vmem>>, %arg8: memref<2x64x128xf32, #tpu.memory_space<vmem>>, %arg9: memref<10112x128xf32, #tpu.memory_space<vmem_shared>>, %arg10: memref<!tpu.dma_semaphore, #tpu.memory_space<semaphore_mem>>, %arg11: memref<!tpu.dma_semaphore, #tpu.memory_space<semaphore_mem>>) attributes {dimension_semantics = [#tpu.dimension_semantics<core_parallel>, #tpu.dimension_semantics<subcore_parallel>], iteration_bounds = array<i64: 2, 16>, scalar_prefetch = 0 : i64, scratch_operands = 6 : i64, tpu.core_type = #tpu.core_type<sc_vector_subcore>, window_params = [{transform_indices = #map}, {transform_indices = #map1}, {transform_indices = #map1}, {transform_indices = #map1}]} {
    %mul3A = arith.constant 16 : i32
    %mul3A_0 = arith.muli %arg0, %mul3A : i32
    %add3A = arith.addi %mul3A_0, %arg1 : i32
    %mul3A_1 = arith.constant 632 : i32
    %mul3A_2 = arith.muli %arg1, %mul3A_1 : i32
    %scan3A = arith.constant 0 : i32
    %scan3A_3 = arith.constant 0 : i32
    %scan3A_4 = arith.constant 0 : i32
    %scan3A_5 = arith.constant 512 : i32
    %scan3A_6 = arith.addi %scan3A_4, %scan3A_5 : i32
    %scan3A_7 = arith.constant 1 : i32
    %scan3A_8 = scf.for %scan3A_70 = %scan3A_4 to %scan3A_6 step %scan3A_7 iter_args(%scan3A_71 = %scan3A_3) -> (i32)  : i32 {
      %jit3A = arith.constant 8 : i32
      %div3A = arith.divsi %scan3A_70, %jit3A : i32
      %sign3A = arith.constant 0 : i32
      %sign3A_72 = arith.cmpi sgt, %scan3A_70, %sign3A : i32
      %sign3A_73 = arith.extui %sign3A_72 : i1 to i32
      %sign3A_74 = arith.constant 0 : i32
      %sign3A_75 = arith.cmpi slt, %scan3A_70, %sign3A_74 : i32
      %sign3A_76 = arith.extui %sign3A_75 : i1 to i32
      %sign3A_77 = arith.subi %sign3A_73, %sign3A_76 : i32
      %sign3A_78 = arith.constant 0 : i32
      %sign3A_79 = arith.cmpi sgt, %jit3A, %sign3A_78 : i32
      %sign3A_80 = arith.extui %sign3A_79 : i1 to i32
      %sign3A_81 = arith.constant 0 : i32
      %sign3A_82 = arith.cmpi slt, %jit3A, %sign3A_81 : i32
      %sign3A_83 = arith.extui %sign3A_82 : i1 to i32
      %sign3A_84 = arith.subi %sign3A_80, %sign3A_83 : i32
      %ne3A = arith.cmpi ne, %sign3A_77, %sign3A_84 : i32
      %rem3A = arith.remsi %scan3A_70, %jit3A : i32
      %ne3A_85 = arith.constant 0 : i32
      %ne3A_86 = arith.cmpi ne, %rem3A, %ne3A_85 : i32
      %and3A = arith.andi %ne3A, %ne3A_86 : i1
      %sub3A = arith.constant 1 : i32
      %sub3A_87 = arith.subi %div3A, %sub3A : i32
      %select_n3A = arith.select %and3A, %sub3A_87, %div3A : i32
      %jit3A_88 = arith.constant 8 : i32
      %eq3A = arith.constant 0 : i32
      %eq3A_89 = arith.cmpi eq, %jit3A_88, %eq3A : i32
      %jit3A_90 = arith.constant 1 : i32
      %select_n3A_91 = arith.select %eq3A_89, %jit3A_90, %jit3A_88 : i32
      %rem3A_92 = arith.remsi %scan3A_70, %select_n3A_91 : i32
      %ne3A_93 = arith.constant 0 : i32
      %ne3A_94 = arith.cmpi ne, %rem3A_92, %ne3A_93 : i32
      %lt3A = arith.constant 0 : i32
      %lt3A_95 = arith.cmpi slt, %rem3A_92, %lt3A : i32
      %lt3A_96 = arith.constant 0 : i32
      %lt3A_97 = arith.cmpi slt, %select_n3A_91, %lt3A_96 : i32
      %ne3A_98 = arith.xori %lt3A_95, %lt3A_97 : i1
      %and3A_99 = arith.andi %ne3A_98, %ne3A_94 : i1
      %add3A_100 = arith.addi %rem3A_92, %select_n3A_91 : i32
      %select_n3A_101 = arith.select %and3A_99, %add3A_100, %rem3A_92 : i32
      %mul3A_102 = arith.constant 16 : i32
      %mul3A_103 = arith.muli %select_n3A_101, %mul3A_102 : i32
      %broadcast_in_dim3A = arith.constant 0.000000e+00 : f32
      %broadcast_in_dim3A_104 = vector.broadcast %broadcast_in_dim3A : f32 to vector<16xf32>
      %swap3A = arith.constant 0 : i32
      %swap3A_105 = arith.constant 0 : i32
      %swap3A_106 = tpu.memref_slice %arg8[%scan3A, %swap3A, %swap3A_105] : memref<2x64x128xf32, #tpu.memory_space<vmem>> -> memref<1x64x128xf32, #tpu.memory_space<vmem>>
      %swap3A_107 = tpu.memref_squeeze %swap3A_106 : memref<1x64x128xf32, #tpu.memory_space<vmem>> -> memref<64x128xf32, #tpu.memory_space<vmem>>
      %swap3A_108 = arith.index_cast %select_n3A : i32 to index
      %swap3A_109 = arith.index_cast %mul3A_103 : i32 to index
      %swap3A_110 = tpu.vector_load %swap3A_107[%swap3A_108, %swap3A_109] {strides = array<i32>} : memref<64x128xf32, #tpu.memory_space<vmem>>, vector<1x16xf32>,
      %swap3A_111 = vector.shape_cast %swap3A_110 : vector<1x16xf32> to vector<16xf32>
      %swap3A_112 = vector.shape_cast %broadcast_in_dim3A_104 : vector<16xf32> to vector<1x16xf32>
      tpu.vector_store %swap3A_107[%swap3A_108, %swap3A_109], %swap3A_112 {strides = array<i32>} : memref<64x128xf32, #tpu.memory_space<vmem>>, vector<1x16xf32>,
      %scan3A_113 = arith.constant 0 : i32
      scf.yield %scan3A_113 : i32
    }
    %scan3A_9 = arith.constant 512 : i32
    %add3A_10 = arith.constant 0 : i32
    %add3A_11 = arith.addi %mul3A_2, %add3A_10 : i32
    %run_scoped3A = arith.constant 0 : i32
    "tpu.region"() ({
      %run_scoped3A_70 = tpu.sem_alloc : memref<!tpu.dma_semaphore, #tpu.memory_space<semaphore_mem>>
      %dma_start3A_71 = arith.constant 0 : i32
      %dma_start3A_72 = arith.constant 0 : i32
      %dma_start3A_73 = tpu.memref_slice %arg8[%run_scoped3A, %dma_start3A_71, %dma_start3A_72] : memref<2x64x128xf32, #tpu.memory_space<vmem>> -> memref<1x64x128xf32, #tpu.memory_space<vmem>>
      %dma_start3A_74 = tpu.memref_squeeze %dma_start3A_73 : memref<1x64x128xf32, #tpu.memory_space<vmem>> -> memref<64x128xf32, #tpu.memory_space<vmem>>
      %dma_start3A_75 = arith.constant 0 : i32
      %dma_start3A_76 = tpu.memref_slice %arg9[%add3A_11, %dma_start3A_75] : memref<10112x128xf32, #tpu.memory_space<vmem_shared>> -> memref<64x128xf32, #tpu.memory_space<vmem_shared>>
      %dma_start3A_77 = arith.constant 0 : i32
      %dma_start3A_78 = tpu.memref_slice %arg9[%add3A_11, %dma_start3A_77] : memref<10112x128xf32, #tpu.memory_space<vmem_shared>> -> memref<64x128xf32, #tpu.memory_space<vmem_shared>>
      %dma_start3A_79 = arith.constant 0 : i32
      %dma_start3A_80 = arith.constant 0 : i32
      %dma_start3A_81 = tpu.memref_slice %arg8[%run_scoped3A, %dma_start3A_79, %dma_start3A_80] : memref<2x64x128xf32, #tpu.memory_space<vmem>> -> memref<1x64x128xf32, #tpu.memory_space<vmem>>
      %dma_start3A_82 = tpu.memref_squeeze %dma_start3A_81 : memref<1x64x128xf32, #tpu.memory_space<vmem>> -> memref<64x128xf32, #tpu.memory_space<vmem>>
      tpu.enqueue_dma source(%dma_start3A_82 : memref<64x128xf32, #tpu.memory_space<vmem>>) target(%dma_start3A_78 : memref<64x128xf32, #tpu.memory_space<vmem_shared>>) target_semaphore(%run_scoped3A_70 : memref<!tpu.dma_semaphore, #tpu.memory_space<semaphore_mem>>)
      %dma_wait3A = arith.constant 0 : i32
      %dma_wait3A_83 = arith.constant 0 : i32
      %dma_wait3A_84 = tpu.memref_slice %arg8[%run_scoped3A, %dma_wait3A, %dma_wait3A_83] : memref<2x64x128xf32, #tpu.memory_space<vmem>> -> memref<1x64x128xf32, #tpu.memory_space<vmem>>
      %dma_wait3A_85 = tpu.memref_squeeze %dma_wait3A_84 : memref<1x64x128xf32, #tpu.memory_space<vmem>> -> memref<64x128xf32, #tpu.memory_space<vmem>>
      %dma_wait3A_86 = arith.constant 0 : i32
      %dma_wait3A_87 = tpu.memref_slice %arg9[%add3A_11, %dma_wait3A_86] : memref<10112x128xf32, #tpu.memory_space<vmem_shared>> -> memref<64x128xf32, #tpu.memory_space<vmem_shared>>
      %dma_wait3A_88 = arith.constant 0 : i32
      %dma_wait3A_89 = tpu.memref_slice %arg9[%add3A_11, %dma_wait3A_88] : memref<10112x128xf32, #tpu.memory_space<vmem_shared>> -> memref<64x128xf32, #tpu.memory_space<vmem_shared>>
      %dma_wait3A_90 = arith.constant 0 : i32
      %dma_wait3A_91 = arith.constant 0 : i32
      %dma_wait3A_92 = tpu.memref_slice %arg8[%run_scoped3A, %dma_wait3A_90, %dma_wait3A_91] : memref<2x64x128xf32, #tpu.memory_space<vmem>> -> memref<1x64x128xf32, #tpu.memory_space<vmem>>
      %dma_wait3A_93 = tpu.memref_squeeze %dma_wait3A_92 : memref<1x64x128xf32, #tpu.memory_space<vmem>> -> memref<64x128xf32, #tpu.memory_space<vmem>>
      tpu.wait_dma2 semaphore(%run_scoped3A_70 : memref<!tpu.dma_semaphore, #tpu.memory_space<semaphore_mem>>) src(%dma_wait3A_93 : memref<64x128xf32, #tpu.memory_space<vmem>>) dst(%dma_wait3A_89 : memref<64x128xf32, #tpu.memory_space<vmem_shared>>)
      tpu.yield
    }) : () -> ()
    %add3A_12 = arith.constant 64 : i32
    %add3A_13 = arith.addi %mul3A_2, %add3A_12 : i32
    %run_scoped3A_14 = arith.constant 0 : i32
    "tpu.region"() ({
      %run_scoped3A_70 = tpu.sem_alloc : memref<!tpu.dma_semaphore, #tpu.memory_space<semaphore_mem>>
      %dma_start3A_71 = arith.constant 0 : i32
      %dma_start3A_72 = arith.constant 0 : i32
      %dma_start3A_73 = tpu.memref_slice %arg8[%run_scoped3A_14, %dma_start3A_71, %dma_start3A_72] : memref<2x64x128xf32, #tpu.memory_space<vmem>> -> memref<1x64x128xf32, #tpu.memory_space<vmem>>
      %dma_start3A_74 = tpu.memref_squeeze %dma_start3A_73 : memref<1x64x128xf32, #tpu.memory_space<vmem>> -> memref<64x128xf32, #tpu.memory_space<vmem>>
      %dma_start3A_75 = arith.constant 0 : i32
      %dma_start3A_76 = tpu.memref_slice %arg9[%add3A_13, %dma_start3A_75] : memref<10112x128xf32, #tpu.memory_space<vmem_shared>> -> memref<64x128xf32, #tpu.memory_space<vmem_shared>>
      %dma_start3A_77 = arith.constant 0 : i32
      %dma_start3A_78 = tpu.memref_slice %arg9[%add3A_13, %dma_start3A_77] : memref<10112x128xf32, #tpu.memory_space<vmem_shared>> -> memref<64x128xf32, #tpu.memory_space<vmem_shared>>
      %dma_start3A_79 = arith.constant 0 : i32
      %dma_start3A_80 = arith.constant 0 : i32
      %dma_start3A_81 = tpu.memref_slice %arg8[%run_scoped3A_14, %dma_start3A_79, %dma_start3A_80] : memref<2x64x128xf32, #tpu.memory_space<vmem>> -> memref<1x64x128xf32, #tpu.memory_space<vmem>>
      %dma_start3A_82 = tpu.memref_squeeze %dma_start3A_81 : memref<1x64x128xf32, #tpu.memory_space<vmem>> -> memref<64x128xf32, #tpu.memory_space<vmem>>
      tpu.enqueue_dma source(%dma_start3A_82 : memref<64x128xf32, #tpu.memory_space<vmem>>) target(%dma_start3A_78 : memref<64x128xf32, #tpu.memory_space<vmem_shared>>) target_semaphore(%run_scoped3A_70 : memref<!tpu.dma_semaphore, #tpu.memory_space<semaphore_mem>>)
      %dma_wait3A = arith.constant 0 : i32
      %dma_wait3A_83 = arith.constant 0 : i32
      %dma_wait3A_84 = tpu.memref_slice %arg8[%run_scoped3A_14, %dma_wait3A, %dma_wait3A_83] : memref<2x64x128xf32, #tpu.memory_space<vmem>> -> memref<1x64x128xf32, #tpu.memory_space<vmem>>
      %dma_wait3A_85 = tpu.memref_squeeze %dma_wait3A_84 : memref<1x64x128xf32, #tpu.memory_space<vmem>> -> memref<64x128xf32, #tpu.memory_space<vmem>>
      %dma_wait3A_86 = arith.constant 0 : i32
      %dma_wait3A_87 = tpu.memref_slice %arg9[%add3A_13, %dma_wait3A_86] : memref<10112x128xf32, #tpu.memory_space<vmem_shared>> -> memref<64x128xf32, #tpu.memory_space<vmem_shared>>
      %dma_wait3A_88 = arith.constant 0 : i32
      %dma_wait3A_89 = tpu.memref_slice %arg9[%add3A_13, %dma_wait3A_88] : memref<10112x128xf32, #tpu.memory_space<vmem_shared>> -> memref<64x128xf32, #tpu.memory_space<vmem_shared>>
      %dma_wait3A_90 = arith.constant 0 : i32
      %dma_wait3A_91 = arith.constant 0 : i32
      %dma_wait3A_92 = tpu.memref_slice %arg8[%run_scoped3A_14, %dma_wait3A_90, %dma_wait3A_91] : memref<2x64x128xf32, #tpu.memory_space<vmem>> -> memref<1x64x128xf32, #tpu.memory_space<vmem>>
      %dma_wait3A_93 = tpu.memref_squeeze %dma_wait3A_92 : memref<1x64x128xf32, #tpu.memory_space<vmem>> -> memref<64x128xf32, #tpu.memory_space<vmem>>
      tpu.wait_dma2 semaphore(%run_scoped3A_70 : memref<!tpu.dma_semaphore, #tpu.memory_space<semaphore_mem>>) src(%dma_wait3A_93 : memref<64x128xf32, #tpu.memory_space<vmem>>) dst(%dma_wait3A_89 : memref<64x128xf32, #tpu.memory_space<vmem_shared>>)
      tpu.yield
    }) : () -> ()
    %add3A_15 = arith.constant 128 : i32
    %add3A_16 = arith.addi %mul3A_2, %add3A_15 : i32
    %run_scoped3A_17 = arith.constant 0 : i32
    "tpu.region"() ({
      %run_scoped3A_70 = tpu.sem_alloc : memref<!tpu.dma_semaphore, #tpu.memory_space<semaphore_mem>>
      %dma_start3A_71 = arith.constant 0 : i32
      %dma_start3A_72 = arith.constant 0 : i32
      %dma_start3A_73 = tpu.memref_slice %arg8[%run_scoped3A_17, %dma_start3A_71, %dma_start3A_72] : memref<2x64x128xf32, #tpu.memory_space<vmem>> -> memref<1x64x128xf32, #tpu.memory_space<vmem>>
      %dma_start3A_74 = tpu.memref_squeeze %dma_start3A_73 : memref<1x64x128xf32, #tpu.memory_space<vmem>> -> memref<64x128xf32, #tpu.memory_space<vmem>>
      %dma_start3A_75 = arith.constant 0 : i32
      %dma_start3A_76 = tpu.memref_slice %arg9[%add3A_16, %dma_start3A_75] : memref<10112x128xf32, #tpu.memory_space<vmem_shared>> -> memref<64x128xf32, #tpu.memory_space<vmem_shared>>
      %dma_start3A_77 = arith.constant 0 : i32
      %dma_start3A_78 = tpu.memref_slice %arg9[%add3A_16, %dma_start3A_77] : memref<10112x128xf32, #tpu.memory_space<vmem_shared>> -> memref<64x128xf32, #tpu.memory_space<vmem_shared>>
      %dma_start3A_79 = arith.constant 0 : i32
      %dma_start3A_80 = arith.constant 0 : i32
      %dma_start3A_81 = tpu.memref_slice %arg8[%run_scoped3A_17, %dma_start3A_79, %dma_start3A_80] : memref<2x64x128xf32, #tpu.memory_space<vmem>> -> memref<1x64x128xf32, #tpu.memory_space<vmem>>
      %dma_start3A_82 = tpu.memref_squeeze %dma_start3A_81 : memref<1x64x128xf32, #tpu.memory_space<vmem>> -> memref<64x128xf32, #tpu.memory_space<vmem>>
      tpu.enqueue_dma source(%dma_start3A_82 : memref<64x128xf32, #tpu.memory_space<vmem>>) target(%dma_start3A_78 : memref<64x128xf32, #tpu.memory_space<vmem_shared>>) target_semaphore(%run_scoped3A_70 : memref<!tpu.dma_semaphore, #tpu.memory_space<semaphore_mem>>)
      %dma_wait3A = arith.constant 0 : i32
      %dma_wait3A_83 = arith.constant 0 : i32
      %dma_wait3A_84 = tpu.memref_slice %arg8[%run_scoped3A_17, %dma_wait3A, %dma_wait3A_83] : memref<2x64x128xf32, #tpu.memory_space<vmem>> -> memref<1x64x128xf32, #tpu.memory_space<vmem>>
      %dma_wait3A_85 = tpu.memref_squeeze %dma_wait3A_84 : memref<1x64x128xf32, #tpu.memory_space<vmem>> -> memref<64x128xf32, #tpu.memory_space<vmem>>
      %dma_wait3A_86 = arith.constant 0 : i32
      %dma_wait3A_87 = tpu.memref_slice %arg9[%add3A_16, %dma_wait3A_86] : memref<10112x128xf32, #tpu.memory_space<vmem_shared>> -> memref<64x128xf32, #tpu.memory_space<vmem_shared>>
      %dma_wait3A_88 = arith.constant 0 : i32
      %dma_wait3A_89 = tpu.memref_slice %arg9[%add3A_16, %dma_wait3A_88] : memref<10112x128xf32, #tpu.memory_space<vmem_shared>> -> memref<64x128xf32, #tpu.memory_space<vmem_shared>>
      %dma_wait3A_90 = arith.constant 0 : i32
      %dma_wait3A_91 = arith.constant 0 : i32
      %dma_wait3A_92 = tpu.memref_slice %arg8[%run_scoped3A_17, %dma_wait3A_90, %dma_wait3A_91] : memref<2x64x128xf32, #tpu.memory_space<vmem>> -> memref<1x64x128xf32, #tpu.memory_space<vmem>>
      %dma_wait3A_93 = tpu.memref_squeeze %dma_wait3A_92 : memref<1x64x128xf32, #tpu.memory_space<vmem>> -> memref<64x128xf32, #tpu.memory_space<vmem>>
      tpu.wait_dma2 semaphore(%run_scoped3A_70 : memref<!tpu.dma_semaphore, #tpu.memory_space<semaphore_mem>>) src(%dma_wait3A_93 : memref<64x128xf32, #tpu.memory_space<vmem>>) dst(%dma_wait3A_89 : memref<64x128xf32, #tpu.memory_space<vmem_shared>>)
      tpu.yield
    }) : () -> ()
    %add3A_18 = arith.constant 192 : i32
    %add3A_19 = arith.addi %mul3A_2, %add3A_18 : i32
    %run_scoped3A_20 = arith.constant 0 : i32
    "tpu.region"() ({
      %run_scoped3A_70 = tpu.sem_alloc : memref<!tpu.dma_semaphore, #tpu.memory_space<semaphore_mem>>
      %dma_start3A_71 = arith.constant 0 : i32
      %dma_start3A_72 = arith.constant 0 : i32
      %dma_start3A_73 = tpu.memref_slice %arg8[%run_scoped3A_20, %dma_start3A_71, %dma_start3A_72] : memref<2x64x128xf32, #tpu.memory_space<vmem>> -> memref<1x64x128xf32, #tpu.memory_space<vmem>>
      %dma_start3A_74 = tpu.memref_squeeze %dma_start3A_73 : memref<1x64x128xf32, #tpu.memory_space<vmem>> -> memref<64x128xf32, #tpu.memory_space<vmem>>
      %dma_start3A_75 = arith.constant 0 : i32
      %dma_start3A_76 = tpu.memref_slice %arg9[%add3A_19, %dma_start3A_75] : memref<10112x128xf32, #tpu.memory_space<vmem_shared>> -> memref<64x128xf32, #tpu.memory_space<vmem_shared>>
      %dma_start3A_77 = arith.constant 0 : i32
      %dma_start3A_78 = tpu.memref_slice %arg9[%add3A_19, %dma_start3A_77] : memref<10112x128xf32, #tpu.memory_space<vmem_shared>> -> memref<64x128xf32, #tpu.memory_space<vmem_shared>>
      %dma_start3A_79 = arith.constant 0 : i32
      %dma_start3A_80 = arith.constant 0 : i32
      %dma_start3A_81 = tpu.memref_slice %arg8[%run_scoped3A_20, %dma_start3A_79, %dma_start3A_80] : memref<2x64x128xf32, #tpu.memory_space<vmem>> -> memref<1x64x128xf32, #tpu.memory_space<vmem>>
      %dma_start3A_82 = tpu.memref_squeeze %dma_start3A_81 : memref<1x64x128xf32, #tpu.memory_space<vmem>> -> memref<64x128xf32, #tpu.memory_space<vmem>>
      tpu.enqueue_dma source(%dma_start3A_82 : memref<64x128xf32, #tpu.memory_space<vmem>>) target(%dma_start3A_78 : memref<64x128xf32, #tpu.memory_space<vmem_shared>>) target_semaphore(%run_scoped3A_70 : memref<!tpu.dma_semaphore, #tpu.memory_space<semaphore_mem>>)
      %dma_wait3A = arith.constant 0 : i32
      %dma_wait3A_83 = arith.constant 0 : i32
      %dma_wait3A_84 = tpu.memref_slice %arg8[%run_scoped3A_20, %dma_wait3A, %dma_wait3A_83] : memref<2x64x128xf32, #tpu.memory_space<vmem>> -> memref<1x64x128xf32, #tpu.memory_space<vmem>>
      %dma_wait3A_85 = tpu.memref_squeeze %dma_wait3A_84 : memref<1x64x128xf32, #tpu.memory_space<vmem>> -> memref<64x128xf32, #tpu.memory_space<vmem>>
      %dma_wait3A_86 = arith.constant 0 : i32
      %dma_wait3A_87 = tpu.memref_slice %arg9[%add3A_19, %dma_wait3A_86] : memref<10112x128xf32, #tpu.memory_space<vmem_shared>> -> memref<64x128xf32, #tpu.memory_space<vmem_shared>>
      %dma_wait3A_88 = arith.constant 0 : i32
      %dma_wait3A_89 = tpu.memref_slice %arg9[%add3A_19, %dma_wait3A_88] : memref<10112x128xf32, #tpu.memory_space<vmem_shared>> -> memref<64x128xf32, #tpu.memory_space<vmem_shared>>
      %dma_wait3A_90 = arith.constant 0 : i32
      %dma_wait3A_91 = arith.constant 0 : i32
      %dma_wait3A_92 = tpu.memref_slice %arg8[%run_scoped3A_20, %dma_wait3A_90, %dma_wait3A_91] : memref<2x64x128xf32, #tpu.memory_space<vmem>> -> memref<1x64x128xf32, #tpu.memory_space<vmem>>
      %dma_wait3A_93 = tpu.memref_squeeze %dma_wait3A_92 : memref<1x64x128xf32, #tpu.memory_space<vmem>> -> memref<64x128xf32, #tpu.memory_space<vmem>>
      tpu.wait_dma2 semaphore(%run_scoped3A_70 : memref<!tpu.dma_semaphore, #tpu.memory_space<semaphore_mem>>) src(%dma_wait3A_93 : memref<64x128xf32, #tpu.memory_space<vmem>>) dst(%dma_wait3A_89 : memref<64x128xf32, #tpu.memory_space<vmem_shared>>)
      tpu.yield
    }) : () -> ()
    %add3A_21 = arith.constant 256 : i32
    %add3A_22 = arith.addi %mul3A_2, %add3A_21 : i32
    %run_scoped3A_23 = arith.constant 0 : i32
    "tpu.region"() ({
      %run_scoped3A_70 = tpu.sem_alloc : memref<!tpu.dma_semaphore, #tpu.memory_space<semaphore_mem>>
      %dma_start3A_71 = arith.constant 0 : i32
      %dma_start3A_72 = arith.constant 0 : i32
      %dma_start3A_73 = tpu.memref_slice %arg8[%run_scoped3A_23, %dma_start3A_71, %dma_start3A_72] : memref<2x64x128xf32, #tpu.memory_space<vmem>> -> memref<1x64x128xf32, #tpu.memory_space<vmem>>
      %dma_start3A_74 = tpu.memref_squeeze %dma_start3A_73 : memref<1x64x128xf32, #tpu.memory_space<vmem>> -> memref<64x128xf32, #tpu.memory_space<vmem>>
      %dma_start3A_75 = arith.constant 0 : i32
      %dma_start3A_76 = tpu.memref_slice %arg9[%add3A_22, %dma_start3A_75] : memref<10112x128xf32, #tpu.memory_space<vmem_shared>> -> memref<64x128xf32, #tpu.memory_space<vmem_shared>>
      %dma_start3A_77 = arith.constant 0 : i32
      %dma_start3A_78 = tpu.memref_slice %arg9[%add3A_22, %dma_start3A_77] : memref<10112x128xf32, #tpu.memory_space<vmem_shared>> -> memref<64x128xf32, #tpu.memory_space<vmem_shared>>
      %dma_start3A_79 = arith.constant 0 : i32
      %dma_start3A_80 = arith.constant 0 : i32
      %dma_start3A_81 = tpu.memref_slice %arg8[%run_scoped3A_23, %dma_start3A_79, %dma_start3A_80] : memref<2x64x128xf32, #tpu.memory_space<vmem>> -> memref<1x64x128xf32, #tpu.memory_space<vmem>>
      %dma_start3A_82 = tpu.memref_squeeze %dma_start3A_81 : memref<1x64x128xf32, #tpu.memory_space<vmem>> -> memref<64x128xf32, #tpu.memory_space<vmem>>
      tpu.enqueue_dma source(%dma_start3A_82 : memref<64x128xf32, #tpu.memory_space<vmem>>) target(%dma_start3A_78 : memref<64x128xf32, #tpu.memory_space<vmem_shared>>) target_semaphore(%run_scoped3A_70 : memref<!tpu.dma_semaphore, #tpu.memory_space<semaphore_mem>>)
      %dma_wait3A = arith.constant 0 : i32
      %dma_wait3A_83 = arith.constant 0 : i32
      %dma_wait3A_84 = tpu.memref_slice %arg8[%run_scoped3A_23, %dma_wait3A, %dma_wait3A_83] : memref<2x64x128xf32, #tpu.memory_space<vmem>> -> memref<1x64x128xf32, #tpu.memory_space<vmem>>
      %dma_wait3A_85 = tpu.memref_squeeze %dma_wait3A_84 : memref<1x64x128xf32, #tpu.memory_space<vmem>> -> memref<64x128xf32, #tpu.memory_space<vmem>>
      %dma_wait3A_86 = arith.constant 0 : i32
      %dma_wait3A_87 = tpu.memref_slice %arg9[%add3A_22, %dma_wait3A_86] : memref<10112x128xf32, #tpu.memory_space<vmem_shared>> -> memref<64x128xf32, #tpu.memory_space<vmem_shared>>
      %dma_wait3A_88 = arith.constant 0 : i32
      %dma_wait3A_89 = tpu.memref_slice %arg9[%add3A_22, %dma_wait3A_88] : memref<10112x128xf32, #tpu.memory_space<vmem_shared>> -> memref<64x128xf32, #tpu.memory_space<vmem_shared>>
      %dma_wait3A_90 = arith.constant 0 : i32
      %dma_wait3A_91 = arith.constant 0 : i32
      %dma_wait3A_92 = tpu.memref_slice %arg8[%run_scoped3A_23, %dma_wait3A_90, %dma_wait3A_91] : memref<2x64x128xf32, #tpu.memory_space<vmem>> -> memref<1x64x128xf32, #tpu.memory_space<vmem>>
      %dma_wait3A_93 = tpu.memref_squeeze %dma_wait3A_92 : memref<1x64x128xf32, #tpu.memory_space<vmem>> -> memref<64x128xf32, #tpu.memory_space<vmem>>
      tpu.wait_dma2 semaphore(%run_scoped3A_70 : memref<!tpu.dma_semaphore, #tpu.memory_space<semaphore_mem>>) src(%dma_wait3A_93 : memref<64x128xf32, #tpu.memory_space<vmem>>) dst(%dma_wait3A_89 : memref<64x128xf32, #tpu.memory_space<vmem_shared>>)
      tpu.yield
    }) : () -> ()
    %add3A_24 = arith.constant 320 : i32
    %add3A_25 = arith.addi %mul3A_2, %add3A_24 : i32
    %run_scoped3A_26 = arith.constant 0 : i32
    "tpu.region"() ({
      %run_scoped3A_70 = tpu.sem_alloc : memref<!tpu.dma_semaphore, #tpu.memory_space<semaphore_mem>>
      %dma_start3A_71 = arith.constant 0 : i32
      %dma_start3A_72 = arith.constant 0 : i32
      %dma_start3A_73 = tpu.memref_slice %arg8[%run_scoped3A_26, %dma_start3A_71, %dma_start3A_72] : memref<2x64x128xf32, #tpu.memory_space<vmem>> -> memref<1x64x128xf32, #tpu.memory_space<vmem>>
      %dma_start3A_74 = tpu.memref_squeeze %dma_start3A_73 : memref<1x64x128xf32, #tpu.memory_space<vmem>> -> memref<64x128xf32, #tpu.memory_space<vmem>>
      %dma_start3A_75 = arith.constant 0 : i32
      %dma_start3A_76 = tpu.memref_slice %arg9[%add3A_25, %dma_start3A_75] : memref<10112x128xf32, #tpu.memory_space<vmem_shared>> -> memref<64x128xf32, #tpu.memory_space<vmem_shared>>
      %dma_start3A_77 = arith.constant 0 : i32
      %dma_start3A_78 = tpu.memref_slice %arg9[%add3A_25, %dma_start3A_77] : memref<10112x128xf32, #tpu.memory_space<vmem_shared>> -> memref<64x128xf32, #tpu.memory_space<vmem_shared>>
      %dma_start3A_79 = arith.constant 0 : i32
      %dma_start3A_80 = arith.constant 0 : i32
      %dma_start3A_81 = tpu.memref_slice %arg8[%run_scoped3A_26, %dma_start3A_79, %dma_start3A_80] : memref<2x64x128xf32, #tpu.memory_space<vmem>> -> memref<1x64x128xf32, #tpu.memory_space<vmem>>
      %dma_start3A_82 = tpu.memref_squeeze %dma_start3A_81 : memref<1x64x128xf32, #tpu.memory_space<vmem>> -> memref<64x128xf32, #tpu.memory_space<vmem>>
      tpu.enqueue_dma source(%dma_start3A_82 : memref<64x128xf32, #tpu.memory_space<vmem>>) target(%dma_start3A_78 : memref<64x128xf32, #tpu.memory_space<vmem_shared>>) target_semaphore(%run_scoped3A_70 : memref<!tpu.dma_semaphore, #tpu.memory_space<semaphore_mem>>)
      %dma_wait3A = arith.constant 0 : i32
      %dma_wait3A_83 = arith.constant 0 : i32
      %dma_wait3A_84 = tpu.memref_slice %arg8[%run_scoped3A_26, %dma_wait3A, %dma_wait3A_83] : memref<2x64x128xf32, #tpu.memory_space<vmem>> -> memref<1x64x128xf32, #tpu.memory_space<vmem>>
      %dma_wait3A_85 = tpu.memref_squeeze %dma_wait3A_84 : memref<1x64x128xf32, #tpu.memory_space<vmem>> -> memref<64x128xf32, #tpu.memory_space<vmem>>
      %dma_wait3A_86 = arith.constant 0 : i32
      %dma_wait3A_87 = tpu.memref_slice %arg9[%add3A_25, %dma_wait3A_86] : memref<10112x128xf32, #tpu.memory_space<vmem_shared>> -> memref<64x128xf32, #tpu.memory_space<vmem_shared>>
      %dma_wait3A_88 = arith.constant 0 : i32
      %dma_wait3A_89 = tpu.memref_slice %arg9[%add3A_25, %dma_wait3A_88] : memref<10112x128xf32, #tpu.memory_space<vmem_shared>> -> memref<64x128xf32, #tpu.memory_space<vmem_shared>>
      %dma_wait3A_90 = arith.constant 0 : i32
      %dma_wait3A_91 = arith.constant 0 : i32
      %dma_wait3A_92 = tpu.memref_slice %arg8[%run_scoped3A_26, %dma_wait3A_90, %dma_wait3A_91] : memref<2x64x128xf32, #tpu.memory_space<vmem>> -> memref<1x64x128xf32, #tpu.memory_space<vmem>>
      %dma_wait3A_93 = tpu.memref_squeeze %dma_wait3A_92 : memref<1x64x128xf32, #tpu.memory_space<vmem>> -> memref<64x128xf32, #tpu.memory_space<vmem>>
      tpu.wait_dma2 semaphore(%run_scoped3A_70 : memref<!tpu.dma_semaphore, #tpu.memory_space<semaphore_mem>>) src(%dma_wait3A_93 : memref<64x128xf32, #tpu.memory_space<vmem>>) dst(%dma_wait3A_89 : memref<64x128xf32, #tpu.memory_space<vmem_shared>>)
      tpu.yield
    }) : () -> ()
    %add3A_27 = arith.constant 384 : i32
    %add3A_28 = arith.addi %mul3A_2, %add3A_27 : i32
    %run_scoped3A_29 = arith.constant 0 : i32
    "tpu.region"() ({
      %run_scoped3A_70 = tpu.sem_alloc : memref<!tpu.dma_semaphore, #tpu.memory_space<semaphore_mem>>
      %dma_start3A_71 = arith.constant 0 : i32
      %dma_start3A_72 = arith.constant 0 : i32
      %dma_start3A_73 = tpu.memref_slice %arg8[%run_scoped3A_29, %dma_start3A_71, %dma_start3A_72] : memref<2x64x128xf32, #tpu.memory_space<vmem>> -> memref<1x64x128xf32, #tpu.memory_space<vmem>>
      %dma_start3A_74 = tpu.memref_squeeze %dma_start3A_73 : memref<1x64x128xf32, #tpu.memory_space<vmem>> -> memref<64x128xf32, #tpu.memory_space<vmem>>
      %dma_start3A_75 = arith.constant 0 : i32
      %dma_start3A_76 = tpu.memref_slice %arg9[%add3A_28, %dma_start3A_75] : memref<10112x128xf32, #tpu.memory_space<vmem_shared>> -> memref<64x128xf32, #tpu.memory_space<vmem_shared>>
      %dma_start3A_77 = arith.constant 0 : i32
      %dma_start3A_78 = tpu.memref_slice %arg9[%add3A_28, %dma_start3A_77] : memref<10112x128xf32, #tpu.memory_space<vmem_shared>> -> memref<64x128xf32, #tpu.memory_space<vmem_shared>>
      %dma_start3A_79 = arith.constant 0 : i32
      %dma_start3A_80 = arith.constant 0 : i32
      %dma_start3A_81 = tpu.memref_slice %arg8[%run_scoped3A_29, %dma_start3A_79, %dma_start3A_80] : memref<2x64x128xf32, #tpu.memory_space<vmem>> -> memref<1x64x128xf32, #tpu.memory_space<vmem>>
      %dma_start3A_82 = tpu.memref_squeeze %dma_start3A_81 : memref<1x64x128xf32, #tpu.memory_space<vmem>> -> memref<64x128xf32, #tpu.memory_space<vmem>>
      tpu.enqueue_dma source(%dma_start3A_82 : memref<64x128xf32, #tpu.memory_space<vmem>>) target(%dma_start3A_78 : memref<64x128xf32, #tpu.memory_space<vmem_shared>>) target_semaphore(%run_scoped3A_70 : memref<!tpu.dma_semaphore, #tpu.memory_space<semaphore_mem>>)
      %dma_wait3A = arith.constant 0 : i32
      %dma_wait3A_83 = arith.constant 0 : i32
      %dma_wait3A_84 = tpu.memref_slice %arg8[%run_scoped3A_29, %dma_wait3A, %dma_wait3A_83] : memref<2x64x128xf32, #tpu.memory_space<vmem>> -> memref<1x64x128xf32, #tpu.memory_space<vmem>>
      %dma_wait3A_85 = tpu.memref_squeeze %dma_wait3A_84 : memref<1x64x128xf32, #tpu.memory_space<vmem>> -> memref<64x128xf32, #tpu.memory_space<vmem>>
      %dma_wait3A_86 = arith.constant 0 : i32
      %dma_wait3A_87 = tpu.memref_slice %arg9[%add3A_28, %dma_wait3A_86] : memref<10112x128xf32, #tpu.memory_space<vmem_shared>> -> memref<64x128xf32, #tpu.memory_space<vmem_shared>>
      %dma_wait3A_88 = arith.constant 0 : i32
      %dma_wait3A_89 = tpu.memref_slice %arg9[%add3A_28, %dma_wait3A_88] : memref<10112x128xf32, #tpu.memory_space<vmem_shared>> -> memref<64x128xf32, #tpu.memory_space<vmem_shared>>
      %dma_wait3A_90 = arith.constant 0 : i32
      %dma_wait3A_91 = arith.constant 0 : i32
      %dma_wait3A_92 = tpu.memref_slice %arg8[%run_scoped3A_29, %dma_wait3A_90, %dma_wait3A_91] : memref<2x64x128xf32, #tpu.memory_space<vmem>> -> memref<1x64x128xf32, #tpu.memory_space<vmem>>
      %dma_wait3A_93 = tpu.memref_squeeze %dma_wait3A_92 : memref<1x64x128xf32, #tpu.memory_space<vmem>> -> memref<64x128xf32, #tpu.memory_space<vmem>>
      tpu.wait_dma2 semaphore(%run_scoped3A_70 : memref<!tpu.dma_semaphore, #tpu.memory_space<semaphore_mem>>) src(%dma_wait3A_93 : memref<64x128xf32, #tpu.memory_space<vmem>>) dst(%dma_wait3A_89 : memref<64x128xf32, #tpu.memory_space<vmem_shared>>)
      tpu.yield
    }) : () -> ()
    %add3A_30 = arith.constant 448 : i32
    %add3A_31 = arith.addi %mul3A_2, %add3A_30 : i32
    %run_scoped3A_32 = arith.constant 0 : i32
    "tpu.region"() ({
      %run_scoped3A_70 = tpu.sem_alloc : memref<!tpu.dma_semaphore, #tpu.memory_space<semaphore_mem>>
      %dma_start3A_71 = arith.constant 0 : i32
      %dma_start3A_72 = arith.constant 0 : i32
      %dma_start3A_73 = tpu.memref_slice %arg8[%run_scoped3A_32, %dma_start3A_71, %dma_start3A_72] : memref<2x64x128xf32, #tpu.memory_space<vmem>> -> memref<1x64x128xf32, #tpu.memory_space<vmem>>
      %dma_start3A_74 = tpu.memref_squeeze %dma_start3A_73 : memref<1x64x128xf32, #tpu.memory_space<vmem>> -> memref<64x128xf32, #tpu.memory_space<vmem>>
      %dma_start3A_75 = arith.constant 0 : i32
      %dma_start3A_76 = tpu.memref_slice %arg9[%add3A_31, %dma_start3A_75] : memref<10112x128xf32, #tpu.memory_space<vmem_shared>> -> memref<64x128xf32, #tpu.memory_space<vmem_shared>>
      %dma_start3A_77 = arith.constant 0 : i32
      %dma_start3A_78 = tpu.memref_slice %arg9[%add3A_31, %dma_start3A_77] : memref<10112x128xf32, #tpu.memory_space<vmem_shared>> -> memref<64x128xf32, #tpu.memory_space<vmem_shared>>
      %dma_start3A_79 = arith.constant 0 : i32
      %dma_start3A_80 = arith.constant 0 : i32
      %dma_start3A_81 = tpu.memref_slice %arg8[%run_scoped3A_32, %dma_start3A_79, %dma_start3A_80] : memref<2x64x128xf32, #tpu.memory_space<vmem>> -> memref<1x64x128xf32, #tpu.memory_space<vmem>>
      %dma_start3A_82 = tpu.memref_squeeze %dma_start3A_81 : memref<1x64x128xf32, #tpu.memory_space<vmem>> -> memref<64x128xf32, #tpu.memory_space<vmem>>
      tpu.enqueue_dma source(%dma_start3A_82 : memref<64x128xf32, #tpu.memory_space<vmem>>) target(%dma_start3A_78 : memref<64x128xf32, #tpu.memory_space<vmem_shared>>) target_semaphore(%run_scoped3A_70 : memref<!tpu.dma_semaphore, #tpu.memory_space<semaphore_mem>>)
      %dma_wait3A = arith.constant 0 : i32
      %dma_wait3A_83 = arith.constant 0 : i32
      %dma_wait3A_84 = tpu.memref_slice %arg8[%run_scoped3A_32, %dma_wait3A, %dma_wait3A_83] : memref<2x64x128xf32, #tpu.memory_space<vmem>> -> memref<1x64x128xf32, #tpu.memory_space<vmem>>
      %dma_wait3A_85 = tpu.memref_squeeze %dma_wait3A_84 : memref<1x64x128xf32, #tpu.memory_space<vmem>> -> memref<64x128xf32, #tpu.memory_space<vmem>>
      %dma_wait3A_86 = arith.constant 0 : i32
      %dma_wait3A_87 = tpu.memref_slice %arg9[%add3A_31, %dma_wait3A_86] : memref<10112x128xf32, #tpu.memory_space<vmem_shared>> -> memref<64x128xf32, #tpu.memory_space<vmem_shared>>
      %dma_wait3A_88 = arith.constant 0 : i32
      %dma_wait3A_89 = tpu.memref_slice %arg9[%add3A_31, %dma_wait3A_88] : memref<10112x128xf32, #tpu.memory_space<vmem_shared>> -> memref<64x128xf32, #tpu.memory_space<vmem_shared>>
      %dma_wait3A_90 = arith.constant 0 : i32
      %dma_wait3A_91 = arith.constant 0 : i32
      %dma_wait3A_92 = tpu.memref_slice %arg8[%run_scoped3A_32, %dma_wait3A_90, %dma_wait3A_91] : memref<2x64x128xf32, #tpu.memory_space<vmem>> -> memref<1x64x128xf32, #tpu.memory_space<vmem>>
      %dma_wait3A_93 = tpu.memref_squeeze %dma_wait3A_92 : memref<1x64x128xf32, #tpu.memory_space<vmem>> -> memref<64x128xf32, #tpu.memory_space<vmem>>
      tpu.wait_dma2 semaphore(%run_scoped3A_70 : memref<!tpu.dma_semaphore, #tpu.memory_space<semaphore_mem>>) src(%dma_wait3A_93 : memref<64x128xf32, #tpu.memory_space<vmem>>) dst(%dma_wait3A_89 : memref<64x128xf32, #tpu.memory_space<vmem_shared>>)
      tpu.yield
    }) : () -> ()
    %add3A_33 = arith.constant 512 : i32
    %add3A_34 = arith.addi %mul3A_2, %add3A_33 : i32
    %run_scoped3A_35 = arith.constant 0 : i32
    "tpu.region"() ({
      %run_scoped3A_70 = tpu.sem_alloc : memref<!tpu.dma_semaphore, #tpu.memory_space<semaphore_mem>>
      %dma_start3A_71 = arith.constant 0 : i32
      %dma_start3A_72 = arith.constant 0 : i32
      %dma_start3A_73 = tpu.memref_slice %arg8[%run_scoped3A_35, %dma_start3A_71, %dma_start3A_72] : memref<2x64x128xf32, #tpu.memory_space<vmem>> -> memref<1x64x128xf32, #tpu.memory_space<vmem>>
      %dma_start3A_74 = tpu.memref_squeeze %dma_start3A_73 : memref<1x64x128xf32, #tpu.memory_space<vmem>> -> memref<64x128xf32, #tpu.memory_space<vmem>>
      %dma_start3A_75 = arith.constant 0 : i32
      %dma_start3A_76 = tpu.memref_slice %arg9[%add3A_34, %dma_start3A_75] : memref<10112x128xf32, #tpu.memory_space<vmem_shared>> -> memref<64x128xf32, #tpu.memory_space<vmem_shared>>
      %dma_start3A_77 = arith.constant 0 : i32
      %dma_start3A_78 = tpu.memref_slice %arg9[%add3A_34, %dma_start3A_77] : memref<10112x128xf32, #tpu.memory_space<vmem_shared>> -> memref<64x128xf32, #tpu.memory_space<vmem_shared>>
      %dma_start3A_79 = arith.constant 0 : i32
      %dma_start3A_80 = arith.constant 0 : i32
      %dma_start3A_81 = tpu.memref_slice %arg8[%run_scoped3A_35, %dma_start3A_79, %dma_start3A_80] : memref<2x64x128xf32, #tpu.memory_space<vmem>> -> memref<1x64x128xf32, #tpu.memory_space<vmem>>
      %dma_start3A_82 = tpu.memref_squeeze %dma_start3A_81 : memref<1x64x128xf32, #tpu.memory_space<vmem>> -> memref<64x128xf32, #tpu.memory_space<vmem>>
      tpu.enqueue_dma source(%dma_start3A_82 : memref<64x128xf32, #tpu.memory_space<vmem>>) target(%dma_start3A_78 : memref<64x128xf32, #tpu.memory_space<vmem_shared>>) target_semaphore(%run_scoped3A_70 : memref<!tpu.dma_semaphore, #tpu.memory_space<semaphore_mem>>)
      %dma_wait3A = arith.constant 0 : i32
      %dma_wait3A_83 = arith.constant 0 : i32
      %dma_wait3A_84 = tpu.memref_slice %arg8[%run_scoped3A_35, %dma_wait3A, %dma_wait3A_83] : memref<2x64x128xf32, #tpu.memory_space<vmem>> -> memref<1x64x128xf32, #tpu.memory_space<vmem>>
      %dma_wait3A_85 = tpu.memref_squeeze %dma_wait3A_84 : memref<1x64x128xf32, #tpu.memory_space<vmem>> -> memref<64x128xf32, #tpu.memory_space<vmem>>
      %dma_wait3A_86 = arith.constant 0 : i32
      %dma_wait3A_87 = tpu.memref_slice %arg9[%add3A_34, %dma_wait3A_86] : memref<10112x128xf32, #tpu.memory_space<vmem_shared>> -> memref<64x128xf32, #tpu.memory_space<vmem_shared>>
      %dma_wait3A_88 = arith.constant 0 : i32
      %dma_wait3A_89 = tpu.memref_slice %arg9[%add3A_34, %dma_wait3A_88] : memref<10112x128xf32, #tpu.memory_space<vmem_shared>> -> memref<64x128xf32, #tpu.memory_space<vmem_shared>>
      %dma_wait3A_90 = arith.constant 0 : i32
      %dma_wait3A_91 = arith.constant 0 : i32
      %dma_wait3A_92 = tpu.memref_slice %arg8[%run_scoped3A_35, %dma_wait3A_90, %dma_wait3A_91] : memref<2x64x128xf32, #tpu.memory_space<vmem>> -> memref<1x64x128xf32, #tpu.memory_space<vmem>>
      %dma_wait3A_93 = tpu.memref_squeeze %dma_wait3A_92 : memref<1x64x128xf32, #tpu.memory_space<vmem>> -> memref<64x128xf32, #tpu.memory_space<vmem>>
      tpu.wait_dma2 semaphore(%run_scoped3A_70 : memref<!tpu.dma_semaphore, #tpu.memory_space<semaphore_mem>>) src(%dma_wait3A_93 : memref<64x128xf32, #tpu.memory_space<vmem>>) dst(%dma_wait3A_89 : memref<64x128xf32, #tpu.memory_space<vmem_shared>>)
      tpu.yield
    }) : () -> ()
    %add3A_36 = arith.constant 576 : i32
    %add3A_37 = arith.addi %mul3A_2, %add3A_36 : i32
    %run_scoped3A_38 = arith.constant 0 : i32
    "tpu.region"() ({
      %run_scoped3A_70 = tpu.sem_alloc : memref<!tpu.dma_semaphore, #tpu.memory_space<semaphore_mem>>
      %dma_start3A_71 = arith.constant 0 : i32
      %dma_start3A_72 = arith.constant 0 : i32
      %dma_start3A_73 = tpu.memref_slice %arg8[%run_scoped3A_38, %dma_start3A_71, %dma_start3A_72] : memref<2x64x128xf32, #tpu.memory_space<vmem>> -> memref<1x56x128xf32, #tpu.memory_space<vmem>>
      %dma_start3A_74 = tpu.memref_squeeze %dma_start3A_73 : memref<1x56x128xf32, #tpu.memory_space<vmem>> -> memref<56x128xf32, #tpu.memory_space<vmem>>
      %dma_start3A_75 = arith.constant 0 : i32
      %dma_start3A_76 = tpu.memref_slice %arg9[%add3A_37, %dma_start3A_75] : memref<10112x128xf32, #tpu.memory_space<vmem_shared>> -> memref<56x128xf32, #tpu.memory_space<vmem_shared>>
      %dma_start3A_77 = arith.constant 0 : i32
      %dma_start3A_78 = tpu.memref_slice %arg9[%add3A_37, %dma_start3A_77] : memref<10112x128xf32, #tpu.memory_space<vmem_shared>> -> memref<56x128xf32, #tpu.memory_space<vmem_shared>>
      %dma_start3A_79 = arith.constant 0 : i32
      %dma_start3A_80 = arith.constant 0 : i32
      %dma_start3A_81 = tpu.memref_slice %arg8[%run_scoped3A_38, %dma_start3A_79, %dma_start3A_80] : memref<2x64x128xf32, #tpu.memory_space<vmem>> -> memref<1x56x128xf32, #tpu.memory_space<vmem>>
      %dma_start3A_82 = tpu.memref_squeeze %dma_start3A_81 : memref<1x56x128xf32, #tpu.memory_space<vmem>> -> memref<56x128xf32, #tpu.memory_space<vmem>>
      tpu.enqueue_dma source(%dma_start3A_82 : memref<56x128xf32, #tpu.memory_space<vmem>>) target(%dma_start3A_78 : memref<56x128xf32, #tpu.memory_space<vmem_shared>>) target_semaphore(%run_scoped3A_70 : memref<!tpu.dma_semaphore, #tpu.memory_space<semaphore_mem>>)
      %dma_wait3A = arith.constant 0 : i32
      %dma_wait3A_83 = arith.constant 0 : i32
      %dma_wait3A_84 = tpu.memref_slice %arg8[%run_scoped3A_38, %dma_wait3A, %dma_wait3A_83] : memref<2x64x128xf32, #tpu.memory_space<vmem>> -> memref<1x56x128xf32, #tpu.memory_space<vmem>>
      %dma_wait3A_85 = tpu.memref_squeeze %dma_wait3A_84 : memref<1x56x128xf32, #tpu.memory_space<vmem>> -> memref<56x128xf32, #tpu.memory_space<vmem>>
      %dma_wait3A_86 = arith.constant 0 : i32
      %dma_wait3A_87 = tpu.memref_slice %arg9[%add3A_37, %dma_wait3A_86] : memref<10112x128xf32, #tpu.memory_space<vmem_shared>> -> memref<56x128xf32, #tpu.memory_space<vmem_shared>>
      %dma_wait3A_88 = arith.constant 0 : i32
      %dma_wait3A_89 = tpu.memref_slice %arg9[%add3A_37, %dma_wait3A_88] : memref<10112x128xf32, #tpu.memory_space<vmem_shared>> -> memref<56x128xf32, #tpu.memory_space<vmem_shared>>
      %dma_wait3A_90 = arith.constant 0 : i32
      %dma_wait3A_91 = arith.constant 0 : i32
      %dma_wait3A_92 = tpu.memref_slice %arg8[%run_scoped3A_38, %dma_wait3A_90, %dma_wait3A_91] : memref<2x64x128xf32, #tpu.memory_space<vmem>> -> memref<1x56x128xf32, #tpu.memory_space<vmem>>
      %dma_wait3A_93 = tpu.memref_squeeze %dma_wait3A_92 : memref<1x56x128xf32, #tpu.memory_space<vmem>> -> memref<56x128xf32, #tpu.memory_space<vmem>>
      tpu.wait_dma2 semaphore(%run_scoped3A_70 : memref<!tpu.dma_semaphore, #tpu.memory_space<semaphore_mem>>) src(%dma_wait3A_93 : memref<56x128xf32, #tpu.memory_space<vmem>>) dst(%dma_wait3A_89 : memref<56x128xf32, #tpu.memory_space<vmem_shared>>)
      tpu.yield
    }) : () -> ()
    "tpu.region"() ({
      %run_scoped3A_70 = tpu.sem_alloc : memref<!tpu.dma_semaphore, #tpu.memory_space<semaphore_mem>>
      %dma_start3A_71 = arith.constant 0 : i32
      %dma_start3A_72 = arith.constant 0 : i32
      %dma_start3A_73 = tpu.memref_slice %arg3[%add3A, %dma_start3A_71, %dma_start3A_72] : memref<32x80x128xi32, #tpu.memory_space<hbm>> -> memref<1x80x128xi32, #tpu.memory_space<hbm>>
      %dma_start3A_74 = tpu.memref_squeeze %dma_start3A_73 : memref<1x80x128xi32, #tpu.memory_space<hbm>> -> memref<80x128xi32, #tpu.memory_space<hbm>>
      %dma_start3A_75 = arith.constant 0 : i32
      %dma_start3A_76 = arith.constant 0 : i32
      %dma_start3A_77 = tpu.memref_slice %arg3[%add3A, %dma_start3A_75, %dma_start3A_76] : memref<32x80x128xi32, #tpu.memory_space<hbm>> -> memref<1x80x128xi32, #tpu.memory_space<hbm>>
      %dma_start3A_78 = tpu.memref_squeeze %dma_start3A_77 : memref<1x80x128xi32, #tpu.memory_space<hbm>> -> memref<80x128xi32, #tpu.memory_space<hbm>>
      tpu.enqueue_dma source(%dma_start3A_78 : memref<80x128xi32, #tpu.memory_space<hbm>>) target(%arg6 : memref<80x128xi32, #tpu.memory_space<vmem>>) target_semaphore(%run_scoped3A_70 : memref<!tpu.dma_semaphore, #tpu.memory_space<semaphore_mem>>)
      %dma_wait3A = arith.constant 0 : i32
      %dma_wait3A_79 = arith.constant 0 : i32
      %dma_wait3A_80 = tpu.memref_slice %arg3[%add3A, %dma_wait3A, %dma_wait3A_79] : memref<32x80x128xi32, #tpu.memory_space<hbm>> -> memref<1x80x128xi32, #tpu.memory_space<hbm>>
      %dma_wait3A_81 = tpu.memref_squeeze %dma_wait3A_80 : memref<1x80x128xi32, #tpu.memory_space<hbm>> -> memref<80x128xi32, #tpu.memory_space<hbm>>
      %dma_wait3A_82 = arith.constant 0 : i32
      %dma_wait3A_83 = arith.constant 0 : i32
      %dma_wait3A_84 = tpu.memref_slice %arg3[%add3A, %dma_wait3A_82, %dma_wait3A_83] : memref<32x80x128xi32, #tpu.memory_space<hbm>> -> memref<1x80x128xi32, #tpu.memory_space<hbm>>
      %dma_wait3A_85 = tpu.memref_squeeze %dma_wait3A_84 : memref<1x80x128xi32, #tpu.memory_space<hbm>> -> memref<80x128xi32, #tpu.memory_space<hbm>>
      tpu.wait_dma2 semaphore(%run_scoped3A_70 : memref<!tpu.dma_semaphore, #tpu.memory_space<semaphore_mem>>) src(%dma_wait3A_85 : memref<80x128xi32, #tpu.memory_space<hbm>>) dst(%arg6 : memref<80x128xi32, #tpu.memory_space<vmem>>)
      tpu.yield
    }) : () -> ()
    "tpu.region"() ({
      %run_scoped3A_70 = tpu.sem_alloc : memref<!tpu.dma_semaphore, #tpu.memory_space<semaphore_mem>>
      %dma_start3A_71 = arith.constant 0 : i32
      %dma_start3A_72 = arith.constant 0 : i32
      %dma_start3A_73 = tpu.memref_slice %arg4[%add3A, %dma_start3A_71, %dma_start3A_72] : memref<32x80x128xi32, #tpu.memory_space<hbm>> -> memref<1x80x128xi32, #tpu.memory_space<hbm>>
      %dma_start3A_74 = tpu.memref_squeeze %dma_start3A_73 : memref<1x80x128xi32, #tpu.memory_space<hbm>> -> memref<80x128xi32, #tpu.memory_space<hbm>>
      %dma_start3A_75 = arith.constant 0 : i32
      %dma_start3A_76 = arith.constant 0 : i32
      %dma_start3A_77 = tpu.memref_slice %arg4[%add3A, %dma_start3A_75, %dma_start3A_76] : memref<32x80x128xi32, #tpu.memory_space<hbm>> -> memref<1x80x128xi32, #tpu.memory_space<hbm>>
      %dma_start3A_78 = tpu.memref_squeeze %dma_start3A_77 : memref<1x80x128xi32, #tpu.memory_space<hbm>> -> memref<80x128xi32, #tpu.memory_space<hbm>>
      tpu.enqueue_dma source(%dma_start3A_78 : memref<80x128xi32, #tpu.memory_space<hbm>>) target(%arg7 : memref<80x128xi32, #tpu.memory_space<vmem>>) target_semaphore(%run_scoped3A_70 : memref<!tpu.dma_semaphore, #tpu.memory_space<semaphore_mem>>)
      %dma_wait3A = arith.constant 0 : i32
      %dma_wait3A_79 = arith.constant 0 : i32
      %dma_wait3A_80 = tpu.memref_slice %arg4[%add3A, %dma_wait3A, %dma_wait3A_79] : memref<32x80x128xi32, #tpu.memory_space<hbm>> -> memref<1x80x128xi32, #tpu.memory_space<hbm>>
      %dma_wait3A_81 = tpu.memref_squeeze %dma_wait3A_80 : memref<1x80x128xi32, #tpu.memory_space<hbm>> -> memref<80x128xi32, #tpu.memory_space<hbm>>
      %dma_wait3A_82 = arith.constant 0 : i32
      %dma_wait3A_83 = arith.constant 0 : i32
      %dma_wait3A_84 = tpu.memref_slice %arg4[%add3A, %dma_wait3A_82, %dma_wait3A_83] : memref<32x80x128xi32, #tpu.memory_space<hbm>> -> memref<1x80x128xi32, #tpu.memory_space<hbm>>
      %dma_wait3A_85 = tpu.memref_squeeze %dma_wait3A_84 : memref<1x80x128xi32, #tpu.memory_space<hbm>> -> memref<80x128xi32, #tpu.memory_space<hbm>>
      tpu.wait_dma2 semaphore(%run_scoped3A_70 : memref<!tpu.dma_semaphore, #tpu.memory_space<semaphore_mem>>) src(%dma_wait3A_85 : memref<80x128xi32, #tpu.memory_space<hbm>>) dst(%arg7 : memref<80x128xi32, #tpu.memory_space<vmem>>)
      tpu.yield
    }) : () -> ()
    %barrier3A = arith.constant 0 : index
    tpu.barrier barrier_id(%barrier3A)
    %dma_start3A = arith.constant 0 : i32
    %dma_start3A_39 = arith.constant 0 : i32
    %dma_start3A_40 = arith.constant 0 : i32
    %dma_start3A_41 = arith.constant 0 : i32
    %dma_start3A_42 = tpu.memref_slice %arg8[%dma_start3A_39, %dma_start3A_40, %dma_start3A_41] : memref<2x64x128xf32, #tpu.memory_space<vmem>> -> memref<1x64x128xf32, #tpu.memory_space<vmem>>
    %dma_start3A_43 = tpu.memref_squeeze %dma_start3A_42 : memref<1x64x128xf32, #tpu.memory_space<vmem>> -> memref<64x128xf32, #tpu.memory_space<vmem>>
    %dma_start3A_44 = arith.constant 0 : i32
    %dma_start3A_45 = tpu.memref_slice %arg6[%dma_start3A, %dma_start3A_44] : memref<80x128xi32, #tpu.memory_space<vmem>> -> memref<1x64xi32, #tpu.memory_space<vmem>>
    %dma_start3A_46 = tpu.memref_squeeze %dma_start3A_45 : memref<1x64xi32, #tpu.memory_space<vmem>> -> memref<64xi32, #tpu.memory_space<vmem>>
    %dma_start3A_47 = arith.constant 0 : i32
    %dma_start3A_48 = arith.constant 0 : i32
    %dma_start3A_49 = tpu.memref_slice %arg2[%dma_start3A_47, %dma_start3A_48] : memref<10112x128xf32, #tpu.memory_space<hbm>> -> memref<10112x128xf32, #tpu.memory_space<hbm>>
    tpu.enqueue_indirect_dma source(%dma_start3A_49 : memref<10112x128xf32, #tpu.memory_space<hbm>>) target(%dma_start3A_43 : memref<64x128xf32, #tpu.memory_space<vmem>>) offsets(%dma_start3A_46 : memref<64xi32, #tpu.memory_space<vmem>>) semaphore(%arg10 : memref<!tpu.dma_semaphore, #tpu.memory_space<semaphore_mem>>)
    %dma_start3A_50 = arith.constant 0 : i32
    %dma_start3A_51 = arith.constant 1 : i32
    %dma_start3A_52 = arith.constant 0 : i32
    %dma_start3A_53 = arith.constant 0 : i32
    %dma_start3A_54 = tpu.memref_slice %arg8[%dma_start3A_51, %dma_start3A_52, %dma_start3A_53] : memref<2x64x128xf32, #tpu.memory_space<vmem>> -> memref<1x64x128xf32, #tpu.memory_space<vmem>>
    %dma_start3A_55 = tpu.memref_squeeze %dma_start3A_54 : memref<1x64x128xf32, #tpu.memory_space<vmem>> -> memref<64x128xf32, #tpu.memory_space<vmem>>
    %dma_start3A_56 = arith.constant 64 : i32
    %dma_start3A_57 = tpu.memref_slice %arg6[%dma_start3A_50, %dma_start3A_56] : memref<80x128xi32, #tpu.memory_space<vmem>> -> memref<1x64xi32, #tpu.memory_space<vmem>>
    %dma_start3A_58 = tpu.memref_squeeze %dma_start3A_57 : memref<1x64xi32, #tpu.memory_space<vmem>> -> memref<64xi32, #tpu.memory_space<vmem>>
    %dma_start3A_59 = arith.constant 0 : i32
    %dma_start3A_60 = arith.constant 0 : i32
    %dma_start3A_61 = tpu.memref_slice %arg2[%dma_start3A_59, %dma_start3A_60] : memref<10112x128xf32, #tpu.memory_space<hbm>> -> memref<10112x128xf32, #tpu.memory_space<hbm>>
    tpu.enqueue_indirect_dma source(%dma_start3A_61 : memref<10112x128xf32, #tpu.memory_space<hbm>>) target(%dma_start3A_55 : memref<64x128xf32, #tpu.memory_space<vmem>>) offsets(%dma_start3A_58 : memref<64xi32, #tpu.memory_space<vmem>>) semaphore(%arg11 : memref<!tpu.dma_semaphore, #tpu.memory_space<semaphore_mem>>)
    %scan3A_62 = arith.constant 0 : i32
    %scan3A_63 = arith.constant 0 : i32
    %scan3A_64 = arith.constant 80 : i32
    %scan3A_65 = arith.addi %scan3A_63, %scan3A_64 : i32
    %scan3A_66 = arith.constant 1 : i32
    %scan3A_67 = scf.for %scan3A_70 = %scan3A_63 to %scan3A_65 step %scan3A_66 iter_args(%scan3A_71 = %scan3A_62) -> (i32)  : i32 {
      %dma_wait3A = arith.constant 0 : i32
      %dma_wait3A_72 = arith.constant 0 : i32
      %dma_wait3A_73 = arith.constant 0 : i32
      %dma_wait3A_74 = tpu.memref_slice %arg8[%dma_wait3A, %dma_wait3A_72, %dma_wait3A_73] : memref<2x64x128xf32, #tpu.memory_space<vmem>> -> memref<1x64x128xf32, #tpu.memory_space<vmem>>
      %dma_wait3A_75 = tpu.memref_squeeze %dma_wait3A_74 : memref<1x64x128xf32, #tpu.memory_space<vmem>> -> memref<64x128xf32, #tpu.memory_space<vmem>>
      %dma_wait3A_76 = arith.constant 0 : i32
      %dma_wait3A_77 = tpu.memref_slice %arg6[%scan3A_70, %dma_wait3A_76] : memref<80x128xi32, #tpu.memory_space<vmem>> -> memref<1x64xi32, #tpu.memory_space<vmem>>
      %dma_wait3A_78 = tpu.memref_squeeze %dma_wait3A_77 : memref<1x64xi32, #tpu.memory_space<vmem>> -> memref<64xi32, #tpu.memory_space<vmem>>
      %dma_wait3A_79 = arith.constant 0 : i32
      %dma_wait3A_80 = arith.constant 0 : i32
      %dma_wait3A_81 = tpu.memref_slice %arg2[%dma_wait3A_79, %dma_wait3A_80] : memref<10112x128xf32, #tpu.memory_space<hbm>> -> memref<10112x128xf32, #tpu.memory_space<hbm>>
      tpu.wait_indirect_dma semaphore(%arg10 : memref<!tpu.dma_semaphore, #tpu.memory_space<semaphore_mem>>) src(%dma_wait3A_81 : memref<10112x128xf32, #tpu.memory_space<hbm>>) dst(%dma_wait3A_75 : memref<64x128xf32, #tpu.memory_space<vmem>>)
      %run_scoped3A_82 = arith.constant 0 : i32
      "tpu.region"() ({
        %run_scoped3A_107 = tpu.sem_alloc : memref<!tpu.dma_semaphore, #tpu.memory_space<semaphore_mem>>
        %dma_start3A_108 = arith.constant 0 : i32
        %dma_start3A_109 = arith.constant 0 : i32
        %dma_start3A_110 = tpu.memref_slice %arg8[%run_scoped3A_82, %dma_start3A_108, %dma_start3A_109] : memref<2x64x128xf32, #tpu.memory_space<vmem>> -> memref<1x64x128xf32, #tpu.memory_space<vmem>>
        %dma_start3A_111 = tpu.memref_squeeze %dma_start3A_110 : memref<1x64x128xf32, #tpu.memory_space<vmem>> -> memref<64x128xf32, #tpu.memory_space<vmem>>
        %dma_start3A_112 = arith.constant 0 : i32
        %dma_start3A_113 = tpu.memref_slice %arg7[%scan3A_70, %dma_start3A_112] : memref<80x128xi32, #tpu.memory_space<vmem>> -> memref<1x64xi32, #tpu.memory_space<vmem>>
        %dma_start3A_114 = tpu.memref_squeeze %dma_start3A_113 : memref<1x64xi32, #tpu.memory_space<vmem>> -> memref<64xi32, #tpu.memory_space<vmem>>
        %dma_start3A_115 = arith.constant 0 : i32
        %dma_start3A_116 = arith.constant 0 : i32
        %dma_start3A_117 = tpu.memref_slice %arg9[%dma_start3A_115, %dma_start3A_116] : memref<10112x128xf32, #tpu.memory_space<vmem_shared>> -> memref<10112x128xf32, #tpu.memory_space<vmem_shared>>
        tpu.enqueue_indirect_dma source(%dma_start3A_111 : memref<64x128xf32, #tpu.memory_space<vmem>>) target(%dma_start3A_117 : memref<10112x128xf32, #tpu.memory_space<vmem_shared>>) offsets(%dma_start3A_114 : memref<64xi32, #tpu.memory_space<vmem>>) semaphore(%run_scoped3A_107 : memref<!tpu.dma_semaphore, #tpu.memory_space<semaphore_mem>>) {add = true}
        %dma_wait3A_118 = arith.constant 0 : i32
        %dma_wait3A_119 = arith.constant 0 : i32
        %dma_wait3A_120 = tpu.memref_slice %arg8[%run_scoped3A_82, %dma_wait3A_118, %dma_wait3A_119] : memref<2x64x128xf32, #tpu.memory_space<vmem>> -> memref<1x64x128xf32, #tpu.memory_space<vmem>>
        %dma_wait3A_121 = tpu.memref_squeeze %dma_wait3A_120 : memref<1x64x128xf32, #tpu.memory_space<vmem>> -> memref<64x128xf32, #tpu.memory_space<vmem>>
        %dma_wait3A_122 = arith.constant 0 : i32
        %dma_wait3A_123 = tpu.memref_slice %arg7[%scan3A_70, %dma_wait3A_122] : memref<80x128xi32, #tpu.memory_space<vmem>> -> memref<1x64xi32, #tpu.memory_space<vmem>>
        %dma_wait3A_124 = tpu.memref_squeeze %dma_wait3A_123 : memref<1x64xi32, #tpu.memory_space<vmem>> -> memref<64xi32, #tpu.memory_space<vmem>>
        %dma_wait3A_125 = arith.constant 0 : i32
        %dma_wait3A_126 = arith.constant 0 : i32
        %dma_wait3A_127 = tpu.memref_slice %arg9[%dma_wait3A_125, %dma_wait3A_126] : memref<10112x128xf32, #tpu.memory_space<vmem_shared>> -> memref<10112x128xf32, #tpu.memory_space<vmem_shared>>
        tpu.wait_indirect_dma semaphore(%run_scoped3A_107 : memref<!tpu.dma_semaphore, #tpu.memory_space<semaphore_mem>>) src(%dma_wait3A_121 : memref<64x128xf32, #tpu.memory_space<vmem>>) dst(%dma_wait3A_127 : memref<10112x128xf32, #tpu.memory_space<vmem_shared>>)
        tpu.yield
      }) : () -> ()
      %add3A_83 = arith.constant 1 : i32
      %add3A_84 = arith.addi %scan3A_70, %add3A_83 : i32
      %lt3A = arith.constant 80 : i32
      %lt3A_85 = arith.cmpi slt, %add3A_84, %lt3A : i32
      %convert_element_type3A = arith.extui %lt3A_85 : i1 to i32
      %cond3A = arith.constant 0 : i32
      %cond3A_86 = arith.cmpi ne, %convert_element_type3A, %cond3A : i32
      scf.if %cond3A_86 {
        %add3A_107 = arith.constant 1 : i32
        %add3A_108 = arith.addi %scan3A_70, %add3A_107 : i32
        %dma_start3A_109 = arith.constant 0 : i32
        %dma_start3A_110 = arith.constant 0 : i32
        %dma_start3A_111 = arith.constant 0 : i32
        %dma_start3A_112 = tpu.memref_slice %arg8[%dma_start3A_109, %dma_start3A_110, %dma_start3A_111] : memref<2x64x128xf32, #tpu.memory_space<vmem>> -> memref<1x64x128xf32, #tpu.memory_space<vmem>>
        %dma_start3A_113 = tpu.memref_squeeze %dma_start3A_112 : memref<1x64x128xf32, #tpu.memory_space<vmem>> -> memref<64x128xf32, #tpu.memory_space<vmem>>
        %dma_start3A_114 = arith.constant 0 : i32
        %dma_start3A_115 = tpu.memref_slice %arg6[%add3A_108, %dma_start3A_114] : memref<80x128xi32, #tpu.memory_space<vmem>> -> memref<1x64xi32, #tpu.memory_space<vmem>>
        %dma_start3A_116 = tpu.memref_squeeze %dma_start3A_115 : memref<1x64xi32, #tpu.memory_space<vmem>> -> memref<64xi32, #tpu.memory_space<vmem>>
        %dma_start3A_117 = arith.constant 0 : i32
        %dma_start3A_118 = arith.constant 0 : i32
        %dma_start3A_119 = tpu.memref_slice %arg2[%dma_start3A_117, %dma_start3A_118] : memref<10112x128xf32, #tpu.memory_space<hbm>> -> memref<10112x128xf32, #tpu.memory_space<hbm>>
        tpu.enqueue_indirect_dma source(%dma_start3A_119 : memref<10112x128xf32, #tpu.memory_space<hbm>>) target(%dma_start3A_113 : memref<64x128xf32, #tpu.memory_space<vmem>>) offsets(%dma_start3A_116 : memref<64xi32, #tpu.memory_space<vmem>>) semaphore(%arg10 : memref<!tpu.dma_semaphore, #tpu.memory_space<semaphore_mem>>)
      } else {
      }
      %dma_wait3A_87 = arith.constant 1 : i32
      %dma_wait3A_88 = arith.constant 0 : i32
      %dma_wait3A_89 = arith.constant 0 : i32
      %dma_wait3A_90 = tpu.memref_slice %arg8[%dma_wait3A_87, %dma_wait3A_88, %dma_wait3A_89] : memref<2x64x128xf32, #tpu.memory_space<vmem>> -> memref<1x64x128xf32, #tpu.memory_space<vmem>>
      %dma_wait3A_91 = tpu.memref_squeeze %dma_wait3A_90 : memref<1x64x128xf32, #tpu.memory_space<vmem>> -> memref<64x128xf32, #tpu.memory_space<vmem>>
      %dma_wait3A_92 = arith.constant 64 : i32
      %dma_wait3A_93 = tpu.memref_slice %arg6[%scan3A_70, %dma_wait3A_92] : memref<80x128xi32, #tpu.memory_space<vmem>> -> memref<1x64xi32, #tpu.memory_space<vmem>>
      %dma_wait3A_94 = tpu.memref_squeeze %dma_wait3A_93 : memref<1x64xi32, #tpu.memory_space<vmem>> -> memref<64xi32, #tpu.memory_space<vmem>>
      %dma_wait3A_95 = arith.constant 0 : i32
      %dma_wait3A_96 = arith.constant 0 : i32
      %dma_wait3A_97 = tpu.memref_slice %arg2[%dma_wait3A_95, %dma_wait3A_96] : memref<10112x128xf32, #tpu.memory_space<hbm>> -> memref<10112x128xf32, #tpu.memory_space<hbm>>
      tpu.wait_indirect_dma semaphore(%arg11 : memref<!tpu.dma_semaphore, #tpu.memory_space<semaphore_mem>>) src(%dma_wait3A_97 : memref<10112x128xf32, #tpu.memory_space<hbm>>) dst(%dma_wait3A_91 : memref<64x128xf32, #tpu.memory_space<vmem>>)
      %run_scoped3A_98 = arith.constant 1 : i32
      "tpu.region"() ({
        %run_scoped3A_107 = tpu.sem_alloc : memref<!tpu.dma_semaphore, #tpu.memory_space<semaphore_mem>>
        %dma_start3A_108 = arith.constant 0 : i32
        %dma_start3A_109 = arith.constant 0 : i32
        %dma_start3A_110 = tpu.memref_slice %arg8[%run_scoped3A_98, %dma_start3A_108, %dma_start3A_109] : memref<2x64x128xf32, #tpu.memory_space<vmem>> -> memref<1x64x128xf32, #tpu.memory_space<vmem>>
        %dma_start3A_111 = tpu.memref_squeeze %dma_start3A_110 : memref<1x64x128xf32, #tpu.memory_space<vmem>> -> memref<64x128xf32, #tpu.memory_space<vmem>>
        %dma_start3A_112 = arith.constant 64 : i32
        %dma_start3A_113 = tpu.memref_slice %arg7[%scan3A_70, %dma_start3A_112] : memref<80x128xi32, #tpu.memory_space<vmem>> -> memref<1x64xi32, #tpu.memory_space<vmem>>
        %dma_start3A_114 = tpu.memref_squeeze %dma_start3A_113 : memref<1x64xi32, #tpu.memory_space<vmem>> -> memref<64xi32, #tpu.memory_space<vmem>>
        %dma_start3A_115 = arith.constant 0 : i32
        %dma_start3A_116 = arith.constant 0 : i32
        %dma_start3A_117 = tpu.memref_slice %arg9[%dma_start3A_115, %dma_start3A_116] : memref<10112x128xf32, #tpu.memory_space<vmem_shared>> -> memref<10112x128xf32, #tpu.memory_space<vmem_shared>>
        tpu.enqueue_indirect_dma source(%dma_start3A_111 : memref<64x128xf32, #tpu.memory_space<vmem>>) target(%dma_start3A_117 : memref<10112x128xf32, #tpu.memory_space<vmem_shared>>) offsets(%dma_start3A_114 : memref<64xi32, #tpu.memory_space<vmem>>) semaphore(%run_scoped3A_107 : memref<!tpu.dma_semaphore, #tpu.memory_space<semaphore_mem>>) {add = true}
        %dma_wait3A_118 = arith.constant 0 : i32
        %dma_wait3A_119 = arith.constant 0 : i32
        %dma_wait3A_120 = tpu.memref_slice %arg8[%run_scoped3A_98, %dma_wait3A_118, %dma_wait3A_119] : memref<2x64x128xf32, #tpu.memory_space<vmem>> -> memref<1x64x128xf32, #tpu.memory_space<vmem>>
        %dma_wait3A_121 = tpu.memref_squeeze %dma_wait3A_120 : memref<1x64x128xf32, #tpu.memory_space<vmem>> -> memref<64x128xf32, #tpu.memory_space<vmem>>
        %dma_wait3A_122 = arith.constant 64 : i32
        %dma_wait3A_123 = tpu.memref_slice %arg7[%scan3A_70, %dma_wait3A_122] : memref<80x128xi32, #tpu.memory_space<vmem>> -> memref<1x64xi32, #tpu.memory_space<vmem>>
        %dma_wait3A_124 = tpu.memref_squeeze %dma_wait3A_123 : memref<1x64xi32, #tpu.memory_space<vmem>> -> memref<64xi32, #tpu.memory_space<vmem>>
        %dma_wait3A_125 = arith.constant 0 : i32
        %dma_wait3A_126 = arith.constant 0 : i32
        %dma_wait3A_127 = tpu.memref_slice %arg9[%dma_wait3A_125, %dma_wait3A_126] : memref<10112x128xf32, #tpu.memory_space<vmem_shared>> -> memref<10112x128xf32, #tpu.memory_space<vmem_shared>>
        tpu.wait_indirect_dma semaphore(%run_scoped3A_107 : memref<!tpu.dma_semaphore, #tpu.memory_space<semaphore_mem>>) src(%dma_wait3A_121 : memref<64x128xf32, #tpu.memory_space<vmem>>) dst(%dma_wait3A_127 : memref<10112x128xf32, #tpu.memory_space<vmem_shared>>)
        tpu.yield
      }) : () -> ()
      %add3A_99 = arith.constant 1 : i32
      %add3A_100 = arith.addi %scan3A_70, %add3A_99 : i32
      %lt3A_101 = arith.constant 80 : i32
      %lt3A_102 = arith.cmpi slt, %add3A_100, %lt3A_101 : i32
      %convert_element_type3A_103 = arith.extui %lt3A_102 : i1 to i32
      %cond3A_104 = arith.constant 0 : i32
      %cond3A_105 = arith.cmpi ne, %convert_element_type3A_103, %cond3A_104 : i32
      scf.if %cond3A_105 {
        %add3A_107 = arith.constant 1 : i32
        %add3A_108 = arith.addi %scan3A_70, %add3A_107 : i32
        %dma_start3A_109 = arith.constant 1 : i32
        %dma_start3A_110 = arith.constant 0 : i32
        %dma_start3A_111 = arith.constant 0 : i32
        %dma_start3A_112 = tpu.memref_slice %arg8[%dma_start3A_109, %dma_start3A_110, %dma_start3A_111] : memref<2x64x128xf32, #tpu.memory_space<vmem>> -> memref<1x64x128xf32, #tpu.memory_space<vmem>>
        %dma_start3A_113 = tpu.memref_squeeze %dma_start3A_112 : memref<1x64x128xf32, #tpu.memory_space<vmem>> -> memref<64x128xf32, #tpu.memory_space<vmem>>
        %dma_start3A_114 = arith.constant 64 : i32
        %dma_start3A_115 = tpu.memref_slice %arg6[%add3A_108, %dma_start3A_114] : memref<80x128xi32, #tpu.memory_space<vmem>> -> memref<1x64xi32, #tpu.memory_space<vmem>>
        %dma_start3A_116 = tpu.memref_squeeze %dma_start3A_115 : memref<1x64xi32, #tpu.memory_space<vmem>> -> memref<64xi32, #tpu.memory_space<vmem>>
        %dma_start3A_117 = arith.constant 0 : i32
        %dma_start3A_118 = arith.constant 0 : i32
        %dma_start3A_119 = tpu.memref_slice %arg2[%dma_start3A_117, %dma_start3A_118] : memref<10112x128xf32, #tpu.memory_space<hbm>> -> memref<10112x128xf32, #tpu.memory_space<hbm>>
        tpu.enqueue_indirect_dma source(%dma_start3A_119 : memref<10112x128xf32, #tpu.memory_space<hbm>>) target(%dma_start3A_113 : memref<64x128xf32, #tpu.memory_space<vmem>>) offsets(%dma_start3A_116 : memref<64xi32, #tpu.memory_space<vmem>>) semaphore(%arg11 : memref<!tpu.dma_semaphore, #tpu.memory_space<semaphore_mem>>)
      } else {
      }
      %scan3A_106 = arith.constant 0 : i32
      scf.yield %scan3A_106 : i32
    }
    %scan3A_68 = arith.constant 80 : i32
    %barrier3A_69 = arith.constant 0 : index
    tpu.barrier barrier_id(%barrier3A_69)
    "tpu.region"() ({
      %run_scoped3A_70 = tpu.sem_alloc : memref<!tpu.dma_semaphore, #tpu.memory_space<semaphore_mem>>
      %dma_start3A_71 = arith.constant 0 : i32
      %dma_start3A_72 = tpu.memref_slice %arg5[%arg0, %mul3A_2, %dma_start3A_71] : memref<2x10112x128xf32, #tpu.memory_space<hbm>> -> memref<1x632x128xf32, #tpu.memory_space<hbm>>
      %dma_start3A_73 = tpu.memref_squeeze %dma_start3A_72 : memref<1x632x128xf32, #tpu.memory_space<hbm>> -> memref<632x128xf32, #tpu.memory_space<hbm>>
      %dma_start3A_74 = arith.constant 0 : i32
      %dma_start3A_75 = tpu.memref_slice %arg9[%mul3A_2, %dma_start3A_74] : memref<10112x128xf32, #tpu.memory_space<vmem_shared>> -> memref<632x128xf32, #tpu.memory_space<vmem_shared>>
      tpu.enqueue_dma source(%dma_start3A_75 : memref<632x128xf32, #tpu.memory_space<vmem_shared>>) target(%dma_start3A_73 : memref<632x128xf32, #tpu.memory_space<hbm>>) target_semaphore(%run_scoped3A_70 : memref<!tpu.dma_semaphore, #tpu.memory_space<semaphore_mem>>)
      %dma_wait3A = arith.constant 0 : i32
      %dma_wait3A_76 = tpu.memref_slice %arg5[%arg0, %mul3A_2, %dma_wait3A] : memref<2x10112x128xf32, #tpu.memory_space<hbm>> -> memref<1x632x128xf32, #tpu.memory_space<hbm>>
      %dma_wait3A_77 = tpu.memref_squeeze %dma_wait3A_76 : memref<1x632x128xf32, #tpu.memory_space<hbm>> -> memref<632x128xf32, #tpu.memory_space<hbm>>
      %dma_wait3A_78 = arith.constant 0 : i32
      %dma_wait3A_79 = tpu.memref_slice %arg9[%mul3A_2, %dma_wait3A_78] : memref<10112x128xf32, #tpu.memory_space<vmem_shared>> -> memref<632x128xf32, #tpu.memory_space<vmem_shared>>
      tpu.wait_dma2 semaphore(%run_scoped3A_70 : memref<!tpu.dma_semaphore, #tpu.memory_space<semaphore_mem>>) src(%dma_wait3A_79 : memref<632x128xf32, #tpu.memory_space<vmem_shared>>) dst(%dma_wait3A_77 : memref<632x128xf32, #tpu.memory_space<hbm>>)
      tpu.yield
    }) : () -> ()
    return
  }
}

#map = affine_map<(d0, d1) -> (0, 0)>
#map1 = affine_map<(d0, d1) -> (0, 0, 0)>
#map2 = affine_map<(d0, d1) -> (0, 0, 0, 0)>
module attributes {stable_mosaic.version = 14 : i64} {
  func.func @mlp_k(%arg0: i32, %arg1: i32, %arg2: memref<10112x128xf32, #tpu.memory_space<hbm>>, %arg3: memref<32x80x128xi32, #tpu.memory_space<hbm>>, %arg4: memref<32x80x128xi32, #tpu.memory_space<hbm>>, %arg5: memref<4x16xf32, #tpu.memory_space<hbm>>, %arg6: memref<32x80x128x16xf32, #tpu.memory_space<hbm>>, %arg7: memref<80x128xi32, #tpu.memory_space<vmem>>, %arg8: memref<80x128xi32, #tpu.memory_space<vmem>>, %arg9: memref<2x128x128xf32, #tpu.memory_space<vmem>>, %arg10: memref<2x128x128xf32, #tpu.memory_space<vmem>>, %arg11: memref<4x16xf32, #tpu.memory_space<vmem>>, %arg12: memref<128x16xf32, #tpu.memory_space<vmem>>, %arg13: memref<!tpu.dma_semaphore, #tpu.memory_space<semaphore_mem>>, %arg14: memref<!tpu.dma_semaphore, #tpu.memory_space<semaphore_mem>>, %arg15: memref<!tpu.dma_semaphore, #tpu.memory_space<semaphore_mem>>, %arg16: memref<!tpu.dma_semaphore, #tpu.memory_space<semaphore_mem>>) attributes {dimension_semantics = [#tpu.dimension_semantics<core_parallel>, #tpu.dimension_semantics<subcore_parallel>], iteration_bounds = array<i64: 2, 16>, scalar_prefetch = 0 : i64, scratch_operands = 10 : i64, tpu.core_type = #tpu.core_type<sc_vector_subcore>, window_params = [{transform_indices = #map}, {transform_indices = #map1}, {transform_indices = #map1}, {transform_indices = #map}, {transform_indices = #map2}]} {
    %mul3A = arith.constant 16 : i32
    %mul3A_0 = arith.muli %arg0, %mul3A : i32
    %add3A = arith.addi %mul3A_0, %arg1 : i32
    "tpu.region"() ({
      %run_scoped3A = tpu.sem_alloc : memref<!tpu.dma_semaphore, #tpu.memory_space<semaphore_mem>>
      %dma_start3A_73 = arith.constant 0 : i32
      %dma_start3A_74 = arith.constant 0 : i32
      %dma_start3A_75 = tpu.memref_slice %arg3[%add3A, %dma_start3A_73, %dma_start3A_74] : memref<32x80x128xi32, #tpu.memory_space<hbm>> -> memref<1x80x128xi32, #tpu.memory_space<hbm>>
      %dma_start3A_76 = tpu.memref_squeeze %dma_start3A_75 : memref<1x80x128xi32, #tpu.memory_space<hbm>> -> memref<80x128xi32, #tpu.memory_space<hbm>>
      %dma_start3A_77 = arith.constant 0 : i32
      %dma_start3A_78 = arith.constant 0 : i32
      %dma_start3A_79 = tpu.memref_slice %arg3[%add3A, %dma_start3A_77, %dma_start3A_78] : memref<32x80x128xi32, #tpu.memory_space<hbm>> -> memref<1x80x128xi32, #tpu.memory_space<hbm>>
      %dma_start3A_80 = tpu.memref_squeeze %dma_start3A_79 : memref<1x80x128xi32, #tpu.memory_space<hbm>> -> memref<80x128xi32, #tpu.memory_space<hbm>>
      tpu.enqueue_dma source(%dma_start3A_80 : memref<80x128xi32, #tpu.memory_space<hbm>>) target(%arg7 : memref<80x128xi32, #tpu.memory_space<vmem>>) target_semaphore(%run_scoped3A : memref<!tpu.dma_semaphore, #tpu.memory_space<semaphore_mem>>)
      %dma_wait3A = arith.constant 0 : i32
      %dma_wait3A_81 = arith.constant 0 : i32
      %dma_wait3A_82 = tpu.memref_slice %arg3[%add3A, %dma_wait3A, %dma_wait3A_81] : memref<32x80x128xi32, #tpu.memory_space<hbm>> -> memref<1x80x128xi32, #tpu.memory_space<hbm>>
      %dma_wait3A_83 = tpu.memref_squeeze %dma_wait3A_82 : memref<1x80x128xi32, #tpu.memory_space<hbm>> -> memref<80x128xi32, #tpu.memory_space<hbm>>
      %dma_wait3A_84 = arith.constant 0 : i32
      %dma_wait3A_85 = arith.constant 0 : i32
      %dma_wait3A_86 = tpu.memref_slice %arg3[%add3A, %dma_wait3A_84, %dma_wait3A_85] : memref<32x80x128xi32, #tpu.memory_space<hbm>> -> memref<1x80x128xi32, #tpu.memory_space<hbm>>
      %dma_wait3A_87 = tpu.memref_squeeze %dma_wait3A_86 : memref<1x80x128xi32, #tpu.memory_space<hbm>> -> memref<80x128xi32, #tpu.memory_space<hbm>>
      tpu.wait_dma2 semaphore(%run_scoped3A : memref<!tpu.dma_semaphore, #tpu.memory_space<semaphore_mem>>) src(%dma_wait3A_87 : memref<80x128xi32, #tpu.memory_space<hbm>>) dst(%arg7 : memref<80x128xi32, #tpu.memory_space<vmem>>)
      tpu.yield
    }) : () -> ()
    "tpu.region"() ({
      %run_scoped3A = tpu.sem_alloc : memref<!tpu.dma_semaphore, #tpu.memory_space<semaphore_mem>>
      %dma_start3A_73 = arith.constant 0 : i32
      %dma_start3A_74 = arith.constant 0 : i32
      %dma_start3A_75 = tpu.memref_slice %arg4[%add3A, %dma_start3A_73, %dma_start3A_74] : memref<32x80x128xi32, #tpu.memory_space<hbm>> -> memref<1x80x128xi32, #tpu.memory_space<hbm>>
      %dma_start3A_76 = tpu.memref_squeeze %dma_start3A_75 : memref<1x80x128xi32, #tpu.memory_space<hbm>> -> memref<80x128xi32, #tpu.memory_space<hbm>>
      %dma_start3A_77 = arith.constant 0 : i32
      %dma_start3A_78 = arith.constant 0 : i32
      %dma_start3A_79 = tpu.memref_slice %arg4[%add3A, %dma_start3A_77, %dma_start3A_78] : memref<32x80x128xi32, #tpu.memory_space<hbm>> -> memref<1x80x128xi32, #tpu.memory_space<hbm>>
      %dma_start3A_80 = tpu.memref_squeeze %dma_start3A_79 : memref<1x80x128xi32, #tpu.memory_space<hbm>> -> memref<80x128xi32, #tpu.memory_space<hbm>>
      tpu.enqueue_dma source(%dma_start3A_80 : memref<80x128xi32, #tpu.memory_space<hbm>>) target(%arg8 : memref<80x128xi32, #tpu.memory_space<vmem>>) target_semaphore(%run_scoped3A : memref<!tpu.dma_semaphore, #tpu.memory_space<semaphore_mem>>)
      %dma_wait3A = arith.constant 0 : i32
      %dma_wait3A_81 = arith.constant 0 : i32
      %dma_wait3A_82 = tpu.memref_slice %arg4[%add3A, %dma_wait3A, %dma_wait3A_81] : memref<32x80x128xi32, #tpu.memory_space<hbm>> -> memref<1x80x128xi32, #tpu.memory_space<hbm>>
      %dma_wait3A_83 = tpu.memref_squeeze %dma_wait3A_82 : memref<1x80x128xi32, #tpu.memory_space<hbm>> -> memref<80x128xi32, #tpu.memory_space<hbm>>
      %dma_wait3A_84 = arith.constant 0 : i32
      %dma_wait3A_85 = arith.constant 0 : i32
      %dma_wait3A_86 = tpu.memref_slice %arg4[%add3A, %dma_wait3A_84, %dma_wait3A_85] : memref<32x80x128xi32, #tpu.memory_space<hbm>> -> memref<1x80x128xi32, #tpu.memory_space<hbm>>
      %dma_wait3A_87 = tpu.memref_squeeze %dma_wait3A_86 : memref<1x80x128xi32, #tpu.memory_space<hbm>> -> memref<80x128xi32, #tpu.memory_space<hbm>>
      tpu.wait_dma2 semaphore(%run_scoped3A : memref<!tpu.dma_semaphore, #tpu.memory_space<semaphore_mem>>) src(%dma_wait3A_87 : memref<80x128xi32, #tpu.memory_space<hbm>>) dst(%arg8 : memref<80x128xi32, #tpu.memory_space<vmem>>)
      tpu.yield
    }) : () -> ()
    "tpu.region"() ({
      %run_scoped3A = tpu.sem_alloc : memref<!tpu.dma_semaphore, #tpu.memory_space<semaphore_mem>>
      tpu.enqueue_dma source(%arg5 : memref<4x16xf32, #tpu.memory_space<hbm>>) target(%arg11 : memref<4x16xf32, #tpu.memory_space<vmem>>) target_semaphore(%run_scoped3A : memref<!tpu.dma_semaphore, #tpu.memory_space<semaphore_mem>>)
      tpu.wait_dma2 semaphore(%run_scoped3A : memref<!tpu.dma_semaphore, #tpu.memory_space<semaphore_mem>>) src(%arg5 : memref<4x16xf32, #tpu.memory_space<hbm>>) dst(%arg11 : memref<4x16xf32, #tpu.memory_space<vmem>>)
      tpu.yield
    }) : () -> ()
    %get3A = arith.constant 0 : i32
    %get3A_1 = arith.index_cast %get3A : i32 to index
    %get3A_2 = arith.constant 0 : index
    %get3A_3 = tpu.vector_load %arg11[%get3A_1, %get3A_2] {strides = array<i32>} : memref<4x16xf32, #tpu.memory_space<vmem>>, vector<1x16xf32>,
    %get3A_4 = vector.shape_cast %get3A_3 : vector<1x16xf32> to vector<16xf32>
    %get3A_5 = arith.constant 1 : i32
    %get3A_6 = arith.index_cast %get3A_5 : i32 to index
    %get3A_7 = arith.constant 0 : index
    %get3A_8 = tpu.vector_load %arg11[%get3A_6, %get3A_7] {strides = array<i32>} : memref<4x16xf32, #tpu.memory_space<vmem>>, vector<1x16xf32>,
    %get3A_9 = vector.shape_cast %get3A_8 : vector<1x16xf32> to vector<16xf32>
    %get3A_10 = arith.constant 2 : i32
    %get3A_11 = arith.index_cast %get3A_10 : i32 to index
    %get3A_12 = arith.constant 0 : index
    %get3A_13 = tpu.vector_load %arg11[%get3A_11, %get3A_12] {strides = array<i32>} : memref<4x16xf32, #tpu.memory_space<vmem>>, vector<1x16xf32>,
    %get3A_14 = vector.shape_cast %get3A_13 : vector<1x16xf32> to vector<16xf32>
    %get3A_15 = arith.constant 3 : i32
    %get3A_16 = arith.index_cast %get3A_15 : i32 to index
    %get3A_17 = arith.constant 0 : index
    %get3A_18 = tpu.vector_load %arg11[%get3A_16, %get3A_17] {strides = array<i32>} : memref<4x16xf32, #tpu.memory_space<vmem>>, vector<1x16xf32>,
    %get3A_19 = vector.shape_cast %get3A_18 : vector<1x16xf32> to vector<16xf32>
    %dma_start3A = arith.constant 0 : i32
    %dma_start3A_20 = arith.constant 0 : i32
    %dma_start3A_21 = arith.constant 0 : i32
    %dma_start3A_22 = arith.constant 0 : i32
    %dma_start3A_23 = tpu.memref_slice %arg9[%dma_start3A_20, %dma_start3A_21, %dma_start3A_22] : memref<2x128x128xf32, #tpu.memory_space<vmem>> -> memref<1x128x128xf32, #tpu.memory_space<vmem>>
    %dma_start3A_24 = tpu.memref_squeeze %dma_start3A_23 : memref<1x128x128xf32, #tpu.memory_space<vmem>> -> memref<128x128xf32, #tpu.memory_space<vmem>>
    %dma_start3A_25 = arith.constant 0 : i32
    %dma_start3A_26 = tpu.memref_slice %arg7[%dma_start3A, %dma_start3A_25] : memref<80x128xi32, #tpu.memory_space<vmem>> -> memref<1x128xi32, #tpu.memory_space<vmem>>
    %dma_start3A_27 = tpu.memref_squeeze %dma_start3A_26 : memref<1x128xi32, #tpu.memory_space<vmem>> -> memref<128xi32, #tpu.memory_space<vmem>>
    %dma_start3A_28 = arith.constant 0 : i32
    %dma_start3A_29 = arith.constant 0 : i32
    %dma_start3A_30 = tpu.memref_slice %arg2[%dma_start3A_28, %dma_start3A_29] : memref<10112x128xf32, #tpu.memory_space<hbm>> -> memref<10112x128xf32, #tpu.memory_space<hbm>>
    tpu.enqueue_indirect_dma source(%dma_start3A_30 : memref<10112x128xf32, #tpu.memory_space<hbm>>) target(%dma_start3A_24 : memref<128x128xf32, #tpu.memory_space<vmem>>) offsets(%dma_start3A_27 : memref<128xi32, #tpu.memory_space<vmem>>) semaphore(%arg13 : memref<!tpu.dma_semaphore, #tpu.memory_space<semaphore_mem>>)
    %dma_start3A_31 = arith.constant 0 : i32
    %dma_start3A_32 = arith.constant 0 : i32
    %dma_start3A_33 = arith.constant 0 : i32
    %dma_start3A_34 = arith.constant 0 : i32
    %dma_start3A_35 = tpu.memref_slice %arg10[%dma_start3A_32, %dma_start3A_33, %dma_start3A_34] : memref<2x128x128xf32, #tpu.memory_space<vmem>> -> memref<1x128x128xf32, #tpu.memory_space<vmem>>
    %dma_start3A_36 = tpu.memref_squeeze %dma_start3A_35 : memref<1x128x128xf32, #tpu.memory_space<vmem>> -> memref<128x128xf32, #tpu.memory_space<vmem>>
    %dma_start3A_37 = arith.constant 0 : i32
    %dma_start3A_38 = tpu.memref_slice %arg8[%dma_start3A_31, %dma_start3A_37] : memref<80x128xi32, #tpu.memory_space<vmem>> -> memref<1x128xi32, #tpu.memory_space<vmem>>
    %dma_start3A_39 = tpu.memref_squeeze %dma_start3A_38 : memref<1x128xi32, #tpu.memory_space<vmem>> -> memref<128xi32, #tpu.memory_space<vmem>>
    %dma_start3A_40 = arith.constant 0 : i32
    %dma_start3A_41 = arith.constant 0 : i32
    %dma_start3A_42 = tpu.memref_slice %arg2[%dma_start3A_40, %dma_start3A_41] : memref<10112x128xf32, #tpu.memory_space<hbm>> -> memref<10112x128xf32, #tpu.memory_space<hbm>>
    tpu.enqueue_indirect_dma source(%dma_start3A_42 : memref<10112x128xf32, #tpu.memory_space<hbm>>) target(%dma_start3A_36 : memref<128x128xf32, #tpu.memory_space<vmem>>) offsets(%dma_start3A_39 : memref<128xi32, #tpu.memory_space<vmem>>) semaphore(%arg15 : memref<!tpu.dma_semaphore, #tpu.memory_space<semaphore_mem>>)
    %dma_start3A_43 = arith.constant 1 : i32
    %dma_start3A_44 = arith.constant 1 : i32
    %dma_start3A_45 = arith.constant 0 : i32
    %dma_start3A_46 = arith.constant 0 : i32
    %dma_start3A_47 = tpu.memref_slice %arg9[%dma_start3A_44, %dma_start3A_45, %dma_start3A_46] : memref<2x128x128xf32, #tpu.memory_space<vmem>> -> memref<1x128x128xf32, #tpu.memory_space<vmem>>
    %dma_start3A_48 = tpu.memref_squeeze %dma_start3A_47 : memref<1x128x128xf32, #tpu.memory_space<vmem>> -> memref<128x128xf32, #tpu.memory_space<vmem>>
    %dma_start3A_49 = arith.constant 0 : i32
    %dma_start3A_50 = tpu.memref_slice %arg7[%dma_start3A_43, %dma_start3A_49] : memref<80x128xi32, #tpu.memory_space<vmem>> -> memref<1x128xi32, #tpu.memory_space<vmem>>
    %dma_start3A_51 = tpu.memref_squeeze %dma_start3A_50 : memref<1x128xi32, #tpu.memory_space<vmem>> -> memref<128xi32, #tpu.memory_space<vmem>>
    %dma_start3A_52 = arith.constant 0 : i32
    %dma_start3A_53 = arith.constant 0 : i32
    %dma_start3A_54 = tpu.memref_slice %arg2[%dma_start3A_52, %dma_start3A_53] : memref<10112x128xf32, #tpu.memory_space<hbm>> -> memref<10112x128xf32, #tpu.memory_space<hbm>>
    tpu.enqueue_indirect_dma source(%dma_start3A_54 : memref<10112x128xf32, #tpu.memory_space<hbm>>) target(%dma_start3A_48 : memref<128x128xf32, #tpu.memory_space<vmem>>) offsets(%dma_start3A_51 : memref<128xi32, #tpu.memory_space<vmem>>) semaphore(%arg14 : memref<!tpu.dma_semaphore, #tpu.memory_space<semaphore_mem>>)
    %dma_start3A_55 = arith.constant 1 : i32
    %dma_start3A_56 = arith.constant 1 : i32
    %dma_start3A_57 = arith.constant 0 : i32
    %dma_start3A_58 = arith.constant 0 : i32
    %dma_start3A_59 = tpu.memref_slice %arg10[%dma_start3A_56, %dma_start3A_57, %dma_start3A_58] : memref<2x128x128xf32, #tpu.memory_space<vmem>> -> memref<1x128x128xf32, #tpu.memory_space<vmem>>
    %dma_start3A_60 = tpu.memref_squeeze %dma_start3A_59 : memref<1x128x128xf32, #tpu.memory_space<vmem>> -> memref<128x128xf32, #tpu.memory_space<vmem>>
    %dma_start3A_61 = arith.constant 0 : i32
    %dma_start3A_62 = tpu.memref_slice %arg8[%dma_start3A_55, %dma_start3A_61] : memref<80x128xi32, #tpu.memory_space<vmem>> -> memref<1x128xi32, #tpu.memory_space<vmem>>
    %dma_start3A_63 = tpu.memref_squeeze %dma_start3A_62 : memref<1x128xi32, #tpu.memory_space<vmem>> -> memref<128xi32, #tpu.memory_space<vmem>>
    %dma_start3A_64 = arith.constant 0 : i32
    %dma_start3A_65 = arith.constant 0 : i32
    %dma_start3A_66 = tpu.memref_slice %arg2[%dma_start3A_64, %dma_start3A_65] : memref<10112x128xf32, #tpu.memory_space<hbm>> -> memref<10112x128xf32, #tpu.memory_space<hbm>>
    tpu.enqueue_indirect_dma source(%dma_start3A_66 : memref<10112x128xf32, #tpu.memory_space<hbm>>) target(%dma_start3A_60 : memref<128x128xf32, #tpu.memory_space<vmem>>) offsets(%dma_start3A_63 : memref<128xi32, #tpu.memory_space<vmem>>) semaphore(%arg16 : memref<!tpu.dma_semaphore, #tpu.memory_space<semaphore_mem>>)
    %scan3A = arith.constant 0 : i32
    %scan3A_67 = arith.constant 0 : i32
    %scan3A_68 = arith.constant 40 : i32
    %scan3A_69 = arith.addi %scan3A_67, %scan3A_68 : i32
    %scan3A_70 = arith.constant 1 : i32
    %scan3A_71 = scf.for %scan3A_73 = %scan3A_67 to %scan3A_69 step %scan3A_70 iter_args(%scan3A_74 = %scan3A) -> (i32)  : i32 {
      %mul3A_75 = arith.constant 2 : i32
      %mul3A_76 = arith.muli %mul3A_75, %scan3A_73 : i32
      %add3A_77 = arith.constant 0 : i32
      %add3A_78 = arith.addi %mul3A_76, %add3A_77 : i32
      %dma_wait3A = arith.constant 0 : i32
      %dma_wait3A_79 = arith.constant 0 : i32
      %dma_wait3A_80 = arith.constant 0 : i32
      %dma_wait3A_81 = tpu.memref_slice %arg9[%dma_wait3A, %dma_wait3A_79, %dma_wait3A_80] : memref<2x128x128xf32, #tpu.memory_space<vmem>> -> memref<1x128x128xf32, #tpu.memory_space<vmem>>
      %dma_wait3A_82 = tpu.memref_squeeze %dma_wait3A_81 : memref<1x128x128xf32, #tpu.memory_space<vmem>> -> memref<128x128xf32, #tpu.memory_space<vmem>>
      %dma_wait3A_83 = arith.constant 0 : i32
      %dma_wait3A_84 = tpu.memref_slice %arg7[%add3A_78, %dma_wait3A_83] : memref<80x128xi32, #tpu.memory_space<vmem>> -> memref<1x128xi32, #tpu.memory_space<vmem>>
      %dma_wait3A_85 = tpu.memref_squeeze %dma_wait3A_84 : memref<1x128xi32, #tpu.memory_space<vmem>> -> memref<128xi32, #tpu.memory_space<vmem>>
      %dma_wait3A_86 = arith.constant 0 : i32
      %dma_wait3A_87 = arith.constant 0 : i32
      %dma_wait3A_88 = tpu.memref_slice %arg2[%dma_wait3A_86, %dma_wait3A_87] : memref<10112x128xf32, #tpu.memory_space<hbm>> -> memref<10112x128xf32, #tpu.memory_space<hbm>>
      tpu.wait_indirect_dma semaphore(%arg13 : memref<!tpu.dma_semaphore, #tpu.memory_space<semaphore_mem>>) src(%dma_wait3A_88 : memref<10112x128xf32, #tpu.memory_space<hbm>>) dst(%dma_wait3A_82 : memref<128x128xf32, #tpu.memory_space<vmem>>)
      %dma_wait3A_89 = arith.constant 0 : i32
      %dma_wait3A_90 = arith.constant 0 : i32
      %dma_wait3A_91 = arith.constant 0 : i32
      %dma_wait3A_92 = tpu.memref_slice %arg10[%dma_wait3A_89, %dma_wait3A_90, %dma_wait3A_91] : memref<2x128x128xf32, #tpu.memory_space<vmem>> -> memref<1x128x128xf32, #tpu.memory_space<vmem>>
      %dma_wait3A_93 = tpu.memref_squeeze %dma_wait3A_92 : memref<1x128x128xf32, #tpu.memory_space<vmem>> -> memref<128x128xf32, #tpu.memory_space<vmem>>
      %dma_wait3A_94 = arith.constant 0 : i32
      %dma_wait3A_95 = tpu.memref_slice %arg8[%add3A_78, %dma_wait3A_94] : memref<80x128xi32, #tpu.memory_space<vmem>> -> memref<1x128xi32, #tpu.memory_space<vmem>>
      %dma_wait3A_96 = tpu.memref_squeeze %dma_wait3A_95 : memref<1x128xi32, #tpu.memory_space<vmem>> -> memref<128xi32, #tpu.memory_space<vmem>>
      %dma_wait3A_97 = arith.constant 0 : i32
      %dma_wait3A_98 = arith.constant 0 : i32
      %dma_wait3A_99 = tpu.memref_slice %arg2[%dma_wait3A_97, %dma_wait3A_98] : memref<10112x128xf32, #tpu.memory_space<hbm>> -> memref<10112x128xf32, #tpu.memory_space<hbm>>
      tpu.wait_indirect_dma semaphore(%arg15 : memref<!tpu.dma_semaphore, #tpu.memory_space<semaphore_mem>>) src(%dma_wait3A_99 : memref<10112x128xf32, #tpu.memory_space<hbm>>) dst(%dma_wait3A_93 : memref<128x128xf32, #tpu.memory_space<vmem>>)
      %scan3A_100 = arith.constant 0 : i32
      %scan3A_101 = arith.constant 0 : i32
      %scan3A_102 = arith.constant 32 : i32
      %scan3A_103 = arith.addi %scan3A_101, %scan3A_102 : i32
      %scan3A_104 = arith.constant 1 : i32
      %scan3A_105 = scf.for %scan3A_152 = %scan3A_101 to %scan3A_103 step %scan3A_104 iter_args(%scan3A_153 = %scan3A_100) -> (i32)  : i32 {
        %mul3A_154 = arith.constant 4 : i32
        %mul3A_155 = arith.muli %scan3A_152, %mul3A_154 : i32
        %add3A_156 = arith.constant 0 : i32
        %add3A_157 = arith.addi %mul3A_155, %add3A_156 : i32
        %broadcast_in_dim3A = arith.constant 0.000000e+00 : f32
        %broadcast_in_dim3A_158 = vector.broadcast %broadcast_in_dim3A : f32 to vector<16xf32>
        %get3A_159 = arith.constant 0 : i32
        %get3A_160 = arith.index_cast %get3A_159 : i32 to index
        %get3A_161 = arith.index_cast %add3A_157 : i32 to index
        %get3A_162 = arith.constant 0 : index
        %get3A_163 = tpu.vector_load %arg9[%get3A_160, %get3A_161, %get3A_162] {strides = array<i32>} : memref<2x128x128xf32, #tpu.memory_space<vmem>>, vector<1x1x16xf32>,
        %get3A_164 = vector.shape_cast %get3A_163 : vector<1x1x16xf32> to vector<16xf32>
        %get3A_165 = arith.constant 0 : i32
        %get3A_166 = arith.index_cast %get3A_165 : i32 to index
        %get3A_167 = arith.index_cast %add3A_157 : i32 to index
        %get3A_168 = arith.constant 64 : index
        %get3A_169 = tpu.vector_load %arg10[%get3A_166, %get3A_167, %get3A_168] {strides = array<i32>} : memref<2x128x128xf32, #tpu.memory_space<vmem>>, vector<1x1x16xf32>,
        %get3A_170 = vector.shape_cast %get3A_169 : vector<1x1x16xf32> to vector<16xf32>
        %add3A_171 = arith.addf %get3A_164, %get3A_170 : vector<16xf32>
        %max3A = arith.constant 0.000000e+00 : f32
        %max3A_172 = vector.broadcast %max3A : f32 to vector<16xf32>
        %max3A_173 = arith.maximumf %add3A_171, %max3A_172 : vector<16xf32>
        %mul3A_174 = arith.mulf %max3A_173, %get3A_4 : vector<16xf32>
        %add3A_175 = arith.addf %broadcast_in_dim3A_158, %mul3A_174 : vector<16xf32>
        %get3A_176 = arith.constant 0 : i32
        %get3A_177 = arith.index_cast %get3A_176 : i32 to index
        %get3A_178 = arith.index_cast %add3A_157 : i32 to index
        %get3A_179 = arith.constant 16 : index
        %get3A_180 = tpu.vector_load %arg9[%get3A_177, %get3A_178, %get3A_179] {strides = array<i32>} : memref<2x128x128xf32, #tpu.memory_space<vmem>>, vector<1x1x16xf32>,
        %get3A_181 = vector.shape_cast %get3A_180 : vector<1x1x16xf32> to vector<16xf32>
        %get3A_182 = arith.constant 0 : i32
        %get3A_183 = arith.index_cast %get3A_182 : i32 to index
        %get3A_184 = arith.index_cast %add3A_157 : i32 to index
        %get3A_185 = arith.constant 80 : index
        %get3A_186 = tpu.vector_load %arg10[%get3A_183, %get3A_184, %get3A_185] {strides = array<i32>} : memref<2x128x128xf32, #tpu.memory_space<vmem>>, vector<1x1x16xf32>,
        %get3A_187 = vector.shape_cast %get3A_186 : vector<1x1x16xf32> to vector<16xf32>
        %add3A_188 = arith.addf %get3A_181, %get3A_187 : vector<16xf32>
        %max3A_189 = arith.constant 0.000000e+00 : f32
        %max3A_190 = vector.broadcast %max3A_189 : f32 to vector<16xf32>
        %max3A_191 = arith.maximumf %add3A_188, %max3A_190 : vector<16xf32>
        %mul3A_192 = arith.mulf %max3A_191, %get3A_9 : vector<16xf32>
        %add3A_193 = arith.addf %add3A_175, %mul3A_192 : vector<16xf32>
        %get3A_194 = arith.constant 0 : i32
        %get3A_195 = arith.index_cast %get3A_194 : i32 to index
        %get3A_196 = arith.index_cast %add3A_157 : i32 to index
        %get3A_197 = arith.constant 32 : index
        %get3A_198 = tpu.vector_load %arg9[%get3A_195, %get3A_196, %get3A_197] {strides = array<i32>} : memref<2x128x128xf32, #tpu.memory_space<vmem>>, vector<1x1x16xf32>,
        %get3A_199 = vector.shape_cast %get3A_198 : vector<1x1x16xf32> to vector<16xf32>
        %get3A_200 = arith.constant 0 : i32
        %get3A_201 = arith.index_cast %get3A_200 : i32 to index
        %get3A_202 = arith.index_cast %add3A_157 : i32 to index
        %get3A_203 = arith.constant 96 : index
        %get3A_204 = tpu.vector_load %arg10[%get3A_201, %get3A_202, %get3A_203] {strides = array<i32>} : memref<2x128x128xf32, #tpu.memory_space<vmem>>, vector<1x1x16xf32>,
        %get3A_205 = vector.shape_cast %get3A_204 : vector<1x1x16xf32> to vector<16xf32>
        %add3A_206 = arith.addf %get3A_199, %get3A_205 : vector<16xf32>
        %max3A_207 = arith.constant 0.000000e+00 : f32
        %max3A_208 = vector.broadcast %max3A_207 : f32 to vector<16xf32>
        %max3A_209 = arith.maximumf %add3A_206, %max3A_208 : vector<16xf32>
        %mul3A_210 = arith.mulf %max3A_209, %get3A_14 : vector<16xf32>
        %add3A_211 = arith.addf %add3A_193, %mul3A_210 : vector<16xf32>
        %get3A_212 = arith.constant 0 : i32
        %get3A_213 = arith.index_cast %get3A_212 : i32 to index
        %get3A_214 = arith.index_cast %add3A_157 : i32 to index
        %get3A_215 = arith.constant 48 : index
        %get3A_216 = tpu.vector_load %arg9[%get3A_213, %get3A_214, %get3A_215] {strides = array<i32>} : memref<2x128x128xf32, #tpu.memory_space<vmem>>, vector<1x1x16xf32>,
        %get3A_217 = vector.shape_cast %get3A_216 : vector<1x1x16xf32> to vector<16xf32>
        %get3A_218 = arith.constant 0 : i32
        %get3A_219 = arith.index_cast %get3A_218 : i32 to index
        %get3A_220 = arith.index_cast %add3A_157 : i32 to index
        %get3A_221 = arith.constant 112 : index
        %get3A_222 = tpu.vector_load %arg10[%get3A_219, %get3A_220, %get3A_221] {strides = array<i32>} : memref<2x128x128xf32, #tpu.memory_space<vmem>>, vector<1x1x16xf32>,
        %get3A_223 = vector.shape_cast %get3A_222 : vector<1x1x16xf32> to vector<16xf32>
        %add3A_224 = arith.addf %get3A_217, %get3A_223 : vector<16xf32>
        %max3A_225 = arith.constant 0.000000e+00 : f32
        %max3A_226 = vector.broadcast %max3A_225 : f32 to vector<16xf32>
        %max3A_227 = arith.maximumf %add3A_224, %max3A_226 : vector<16xf32>
        %mul3A_228 = arith.mulf %max3A_227, %get3A_19 : vector<16xf32>
        %add3A_229 = arith.addf %add3A_211, %mul3A_228 : vector<16xf32>
        %swap3A = arith.index_cast %add3A_157 : i32 to index
        %swap3A_230 = arith.constant 0 : index
        %swap3A_231 = tpu.vector_load %arg12[%swap3A, %swap3A_230] {strides = array<i32>} : memref<128x16xf32, #tpu.memory_space<vmem>>, vector<1x16xf32>,
        %swap3A_232 = vector.shape_cast %swap3A_231 : vector<1x16xf32> to vector<16xf32>
        %swap3A_233 = vector.shape_cast %add3A_229 : vector<16xf32> to vector<1x16xf32>
        tpu.vector_store %arg12[%swap3A, %swap3A_230], %swap3A_233 {strides = array<i32>} : memref<128x16xf32, #tpu.memory_space<vmem>>, vector<1x16xf32>,
        %mul3A_234 = arith.constant 4 : i32
        %mul3A_235 = arith.muli %scan3A_152, %mul3A_234 : i32
        %add3A_236 = arith.constant 1 : i32
        %add3A_237 = arith.addi %mul3A_235, %add3A_236 : i32
        %broadcast_in_dim3A_238 = arith.constant 0.000000e+00 : f32
        %broadcast_in_dim3A_239 = vector.broadcast %broadcast_in_dim3A_238 : f32 to vector<16xf32>
        %get3A_240 = arith.constant 0 : i32
        %get3A_241 = arith.index_cast %get3A_240 : i32 to index
        %get3A_242 = arith.index_cast %add3A_237 : i32 to index
        %get3A_243 = arith.constant 0 : index
        %get3A_244 = tpu.vector_load %arg9[%get3A_241, %get3A_242, %get3A_243] {strides = array<i32>} : memref<2x128x128xf32, #tpu.memory_space<vmem>>, vector<1x1x16xf32>,
        %get3A_245 = vector.shape_cast %get3A_244 : vector<1x1x16xf32> to vector<16xf32>
        %get3A_246 = arith.constant 0 : i32
        %get3A_247 = arith.index_cast %get3A_246 : i32 to index
        %get3A_248 = arith.index_cast %add3A_237 : i32 to index
        %get3A_249 = arith.constant 64 : index
        %get3A_250 = tpu.vector_load %arg10[%get3A_247, %get3A_248, %get3A_249] {strides = array<i32>} : memref<2x128x128xf32, #tpu.memory_space<vmem>>, vector<1x1x16xf32>,
        %get3A_251 = vector.shape_cast %get3A_250 : vector<1x1x16xf32> to vector<16xf32>
        %add3A_252 = arith.addf %get3A_245, %get3A_251 : vector<16xf32>
        %max3A_253 = arith.constant 0.000000e+00 : f32
        %max3A_254 = vector.broadcast %max3A_253 : f32 to vector<16xf32>
        %max3A_255 = arith.maximumf %add3A_252, %max3A_254 : vector<16xf32>
        %mul3A_256 = arith.mulf %max3A_255, %get3A_4 : vector<16xf32>
        %add3A_257 = arith.addf %broadcast_in_dim3A_239, %mul3A_256 : vector<16xf32>
        %get3A_258 = arith.constant 0 : i32
        %get3A_259 = arith.index_cast %get3A_258 : i32 to index
        %get3A_260 = arith.index_cast %add3A_237 : i32 to index
        %get3A_261 = arith.constant 16 : index
        %get3A_262 = tpu.vector_load %arg9[%get3A_259, %get3A_260, %get3A_261] {strides = array<i32>} : memref<2x128x128xf32, #tpu.memory_space<vmem>>, vector<1x1x16xf32>,
        %get3A_263 = vector.shape_cast %get3A_262 : vector<1x1x16xf32> to vector<16xf32>
        %get3A_264 = arith.constant 0 : i32
        %get3A_265 = arith.index_cast %get3A_264 : i32 to index
        %get3A_266 = arith.index_cast %add3A_237 : i32 to index
        %get3A_267 = arith.constant 80 : index
        %get3A_268 = tpu.vector_load %arg10[%get3A_265, %get3A_266, %get3A_267] {strides = array<i32>} : memref<2x128x128xf32, #tpu.memory_space<vmem>>, vector<1x1x16xf32>,
        %get3A_269 = vector.shape_cast %get3A_268 : vector<1x1x16xf32> to vector<16xf32>
        %add3A_270 = arith.addf %get3A_263, %get3A_269 : vector<16xf32>
        %max3A_271 = arith.constant 0.000000e+00 : f32
        %max3A_272 = vector.broadcast %max3A_271 : f32 to vector<16xf32>
        %max3A_273 = arith.maximumf %add3A_270, %max3A_272 : vector<16xf32>
        %mul3A_274 = arith.mulf %max3A_273, %get3A_9 : vector<16xf32>
        %add3A_275 = arith.addf %add3A_257, %mul3A_274 : vector<16xf32>
        %get3A_276 = arith.constant 0 : i32
        %get3A_277 = arith.index_cast %get3A_276 : i32 to index
        %get3A_278 = arith.index_cast %add3A_237 : i32 to index
        %get3A_279 = arith.constant 32 : index
        %get3A_280 = tpu.vector_load %arg9[%get3A_277, %get3A_278, %get3A_279] {strides = array<i32>} : memref<2x128x128xf32, #tpu.memory_space<vmem>>, vector<1x1x16xf32>,
        %get3A_281 = vector.shape_cast %get3A_280 : vector<1x1x16xf32> to vector<16xf32>
        %get3A_282 = arith.constant 0 : i32
        %get3A_283 = arith.index_cast %get3A_282 : i32 to index
        %get3A_284 = arith.index_cast %add3A_237 : i32 to index
        %get3A_285 = arith.constant 96 : index
        %get3A_286 = tpu.vector_load %arg10[%get3A_283, %get3A_284, %get3A_285] {strides = array<i32>} : memref<2x128x128xf32, #tpu.memory_space<vmem>>, vector<1x1x16xf32>,
        %get3A_287 = vector.shape_cast %get3A_286 : vector<1x1x16xf32> to vector<16xf32>
        %add3A_288 = arith.addf %get3A_281, %get3A_287 : vector<16xf32>
        %max3A_289 = arith.constant 0.000000e+00 : f32
        %max3A_290 = vector.broadcast %max3A_289 : f32 to vector<16xf32>
        %max3A_291 = arith.maximumf %add3A_288, %max3A_290 : vector<16xf32>
        %mul3A_292 = arith.mulf %max3A_291, %get3A_14 : vector<16xf32>
        %add3A_293 = arith.addf %add3A_275, %mul3A_292 : vector<16xf32>
        %get3A_294 = arith.constant 0 : i32
        %get3A_295 = arith.index_cast %get3A_294 : i32 to index
        %get3A_296 = arith.index_cast %add3A_237 : i32 to index
        %get3A_297 = arith.constant 48 : index
        %get3A_298 = tpu.vector_load %arg9[%get3A_295, %get3A_296, %get3A_297] {strides = array<i32>} : memref<2x128x128xf32, #tpu.memory_space<vmem>>, vector<1x1x16xf32>,
        %get3A_299 = vector.shape_cast %get3A_298 : vector<1x1x16xf32> to vector<16xf32>
        %get3A_300 = arith.constant 0 : i32
        %get3A_301 = arith.index_cast %get3A_300 : i32 to index
        %get3A_302 = arith.index_cast %add3A_237 : i32 to index
        %get3A_303 = arith.constant 112 : index
        %get3A_304 = tpu.vector_load %arg10[%get3A_301, %get3A_302, %get3A_303] {strides = array<i32>} : memref<2x128x128xf32, #tpu.memory_space<vmem>>, vector<1x1x16xf32>,
        %get3A_305 = vector.shape_cast %get3A_304 : vector<1x1x16xf32> to vector<16xf32>
        %add3A_306 = arith.addf %get3A_299, %get3A_305 : vector<16xf32>
        %max3A_307 = arith.constant 0.000000e+00 : f32
        %max3A_308 = vector.broadcast %max3A_307 : f32 to vector<16xf32>
        %max3A_309 = arith.maximumf %add3A_306, %max3A_308 : vector<16xf32>
        %mul3A_310 = arith.mulf %max3A_309, %get3A_19 : vector<16xf32>
        %add3A_311 = arith.addf %add3A_293, %mul3A_310 : vector<16xf32>
        %swap3A_312 = arith.index_cast %add3A_237 : i32 to index
        %swap3A_313 = arith.constant 0 : index
        %swap3A_314 = tpu.vector_load %arg12[%swap3A_312, %swap3A_313] {strides = array<i32>} : memref<128x16xf32, #tpu.memory_space<vmem>>, vector<1x16xf32>,
        %swap3A_315 = vector.shape_cast %swap3A_314 : vector<1x16xf32> to vector<16xf32>
        %swap3A_316 = vector.shape_cast %add3A_311 : vector<16xf32> to vector<1x16xf32>
        tpu.vector_store %arg12[%swap3A_312, %swap3A_313], %swap3A_316 {strides = array<i32>} : memref<128x16xf32, #tpu.memory_space<vmem>>, vector<1x16xf32>,
        %mul3A_317 = arith.constant 4 : i32
        %mul3A_318 = arith.muli %scan3A_152, %mul3A_317 : i32
        %add3A_319 = arith.constant 2 : i32
        %add3A_320 = arith.addi %mul3A_318, %add3A_319 : i32
        %broadcast_in_dim3A_321 = arith.constant 0.000000e+00 : f32
        %broadcast_in_dim3A_322 = vector.broadcast %broadcast_in_dim3A_321 : f32 to vector<16xf32>
        %get3A_323 = arith.constant 0 : i32
        %get3A_324 = arith.index_cast %get3A_323 : i32 to index
        %get3A_325 = arith.index_cast %add3A_320 : i32 to index
        %get3A_326 = arith.constant 0 : index
        %get3A_327 = tpu.vector_load %arg9[%get3A_324, %get3A_325, %get3A_326] {strides = array<i32>} : memref<2x128x128xf32, #tpu.memory_space<vmem>>, vector<1x1x16xf32>,
        %get3A_328 = vector.shape_cast %get3A_327 : vector<1x1x16xf32> to vector<16xf32>
        %get3A_329 = arith.constant 0 : i32
        %get3A_330 = arith.index_cast %get3A_329 : i32 to index
        %get3A_331 = arith.index_cast %add3A_320 : i32 to index
        %get3A_332 = arith.constant 64 : index
        %get3A_333 = tpu.vector_load %arg10[%get3A_330, %get3A_331, %get3A_332] {strides = array<i32>} : memref<2x128x128xf32, #tpu.memory_space<vmem>>, vector<1x1x16xf32>,
        %get3A_334 = vector.shape_cast %get3A_333 : vector<1x1x16xf32> to vector<16xf32>
        %add3A_335 = arith.addf %get3A_328, %get3A_334 : vector<16xf32>
        %max3A_336 = arith.constant 0.000000e+00 : f32
        %max3A_337 = vector.broadcast %max3A_336 : f32 to vector<16xf32>
        %max3A_338 = arith.maximumf %add3A_335, %max3A_337 : vector<16xf32>
        %mul3A_339 = arith.mulf %max3A_338, %get3A_4 : vector<16xf32>
        %add3A_340 = arith.addf %broadcast_in_dim3A_322, %mul3A_339 : vector<16xf32>
        %get3A_341 = arith.constant 0 : i32
        %get3A_342 = arith.index_cast %get3A_341 : i32 to index
        %get3A_343 = arith.index_cast %add3A_320 : i32 to index
        %get3A_344 = arith.constant 16 : index
        %get3A_345 = tpu.vector_load %arg9[%get3A_342, %get3A_343, %get3A_344] {strides = array<i32>} : memref<2x128x128xf32, #tpu.memory_space<vmem>>, vector<1x1x16xf32>,
        %get3A_346 = vector.shape_cast %get3A_345 : vector<1x1x16xf32> to vector<16xf32>
        %get3A_347 = arith.constant 0 : i32
        %get3A_348 = arith.index_cast %get3A_347 : i32 to index
        %get3A_349 = arith.index_cast %add3A_320 : i32 to index
        %get3A_350 = arith.constant 80 : index
        %get3A_351 = tpu.vector_load %arg10[%get3A_348, %get3A_349, %get3A_350] {strides = array<i32>} : memref<2x128x128xf32, #tpu.memory_space<vmem>>, vector<1x1x16xf32>,
        %get3A_352 = vector.shape_cast %get3A_351 : vector<1x1x16xf32> to vector<16xf32>
        %add3A_353 = arith.addf %get3A_346, %get3A_352 : vector<16xf32>
        %max3A_354 = arith.constant 0.000000e+00 : f32
        %max3A_355 = vector.broadcast %max3A_354 : f32 to vector<16xf32>
        %max3A_356 = arith.maximumf %add3A_353, %max3A_355 : vector<16xf32>
        %mul3A_357 = arith.mulf %max3A_356, %get3A_9 : vector<16xf32>
        %add3A_358 = arith.addf %add3A_340, %mul3A_357 : vector<16xf32>
        %get3A_359 = arith.constant 0 : i32
        %get3A_360 = arith.index_cast %get3A_359 : i32 to index
        %get3A_361 = arith.index_cast %add3A_320 : i32 to index
        %get3A_362 = arith.constant 32 : index
        %get3A_363 = tpu.vector_load %arg9[%get3A_360, %get3A_361, %get3A_362] {strides = array<i32>} : memref<2x128x128xf32, #tpu.memory_space<vmem>>, vector<1x1x16xf32>,
        %get3A_364 = vector.shape_cast %get3A_363 : vector<1x1x16xf32> to vector<16xf32>
        %get3A_365 = arith.constant 0 : i32
        %get3A_366 = arith.index_cast %get3A_365 : i32 to index
        %get3A_367 = arith.index_cast %add3A_320 : i32 to index
        %get3A_368 = arith.constant 96 : index
        %get3A_369 = tpu.vector_load %arg10[%get3A_366, %get3A_367, %get3A_368] {strides = array<i32>} : memref<2x128x128xf32, #tpu.memory_space<vmem>>, vector<1x1x16xf32>,
        %get3A_370 = vector.shape_cast %get3A_369 : vector<1x1x16xf32> to vector<16xf32>
        %add3A_371 = arith.addf %get3A_364, %get3A_370 : vector<16xf32>
        %max3A_372 = arith.constant 0.000000e+00 : f32
        %max3A_373 = vector.broadcast %max3A_372 : f32 to vector<16xf32>
        %max3A_374 = arith.maximumf %add3A_371, %max3A_373 : vector<16xf32>
        %mul3A_375 = arith.mulf %max3A_374, %get3A_14 : vector<16xf32>
        %add3A_376 = arith.addf %add3A_358, %mul3A_375 : vector<16xf32>
        %get3A_377 = arith.constant 0 : i32
        %get3A_378 = arith.index_cast %get3A_377 : i32 to index
        %get3A_379 = arith.index_cast %add3A_320 : i32 to index
        %get3A_380 = arith.constant 48 : index
        %get3A_381 = tpu.vector_load %arg9[%get3A_378, %get3A_379, %get3A_380] {strides = array<i32>} : memref<2x128x128xf32, #tpu.memory_space<vmem>>, vector<1x1x16xf32>,
        %get3A_382 = vector.shape_cast %get3A_381 : vector<1x1x16xf32> to vector<16xf32>
        %get3A_383 = arith.constant 0 : i32
        %get3A_384 = arith.index_cast %get3A_383 : i32 to index
        %get3A_385 = arith.index_cast %add3A_320 : i32 to index
        %get3A_386 = arith.constant 112 : index
        %get3A_387 = tpu.vector_load %arg10[%get3A_384, %get3A_385, %get3A_386] {strides = array<i32>} : memref<2x128x128xf32, #tpu.memory_space<vmem>>, vector<1x1x16xf32>,
        %get3A_388 = vector.shape_cast %get3A_387 : vector<1x1x16xf32> to vector<16xf32>
        %add3A_389 = arith.addf %get3A_382, %get3A_388 : vector<16xf32>
        %max3A_390 = arith.constant 0.000000e+00 : f32
        %max3A_391 = vector.broadcast %max3A_390 : f32 to vector<16xf32>
        %max3A_392 = arith.maximumf %add3A_389, %max3A_391 : vector<16xf32>
        %mul3A_393 = arith.mulf %max3A_392, %get3A_19 : vector<16xf32>
        %add3A_394 = arith.addf %add3A_376, %mul3A_393 : vector<16xf32>
        %swap3A_395 = arith.index_cast %add3A_320 : i32 to index
        %swap3A_396 = arith.constant 0 : index
        %swap3A_397 = tpu.vector_load %arg12[%swap3A_395, %swap3A_396] {strides = array<i32>} : memref<128x16xf32, #tpu.memory_space<vmem>>, vector<1x16xf32>,
        %swap3A_398 = vector.shape_cast %swap3A_397 : vector<1x16xf32> to vector<16xf32>
        %swap3A_399 = vector.shape_cast %add3A_394 : vector<16xf32> to vector<1x16xf32>
        tpu.vector_store %arg12[%swap3A_395, %swap3A_396], %swap3A_399 {strides = array<i32>} : memref<128x16xf32, #tpu.memory_space<vmem>>, vector<1x16xf32>,
        %mul3A_400 = arith.constant 4 : i32
        %mul3A_401 = arith.muli %scan3A_152, %mul3A_400 : i32
        %add3A_402 = arith.constant 3 : i32
        %add3A_403 = arith.addi %mul3A_401, %add3A_402 : i32
        %broadcast_in_dim3A_404 = arith.constant 0.000000e+00 : f32
        %broadcast_in_dim3A_405 = vector.broadcast %broadcast_in_dim3A_404 : f32 to vector<16xf32>
        %get3A_406 = arith.constant 0 : i32
        %get3A_407 = arith.index_cast %get3A_406 : i32 to index
        %get3A_408 = arith.index_cast %add3A_403 : i32 to index
        %get3A_409 = arith.constant 0 : index
        %get3A_410 = tpu.vector_load %arg9[%get3A_407, %get3A_408, %get3A_409] {strides = array<i32>} : memref<2x128x128xf32, #tpu.memory_space<vmem>>, vector<1x1x16xf32>,
        %get3A_411 = vector.shape_cast %get3A_410 : vector<1x1x16xf32> to vector<16xf32>
        %get3A_412 = arith.constant 0 : i32
        %get3A_413 = arith.index_cast %get3A_412 : i32 to index
        %get3A_414 = arith.index_cast %add3A_403 : i32 to index
        %get3A_415 = arith.constant 64 : index
        %get3A_416 = tpu.vector_load %arg10[%get3A_413, %get3A_414, %get3A_415] {strides = array<i32>} : memref<2x128x128xf32, #tpu.memory_space<vmem>>, vector<1x1x16xf32>,
        %get3A_417 = vector.shape_cast %get3A_416 : vector<1x1x16xf32> to vector<16xf32>
        %add3A_418 = arith.addf %get3A_411, %get3A_417 : vector<16xf32>
        %max3A_419 = arith.constant 0.000000e+00 : f32
        %max3A_420 = vector.broadcast %max3A_419 : f32 to vector<16xf32>
        %max3A_421 = arith.maximumf %add3A_418, %max3A_420 : vector<16xf32>
        %mul3A_422 = arith.mulf %max3A_421, %get3A_4 : vector<16xf32>
        %add3A_423 = arith.addf %broadcast_in_dim3A_405, %mul3A_422 : vector<16xf32>
        %get3A_424 = arith.constant 0 : i32
        %get3A_425 = arith.index_cast %get3A_424 : i32 to index
        %get3A_426 = arith.index_cast %add3A_403 : i32 to index
        %get3A_427 = arith.constant 16 : index
        %get3A_428 = tpu.vector_load %arg9[%get3A_425, %get3A_426, %get3A_427] {strides = array<i32>} : memref<2x128x128xf32, #tpu.memory_space<vmem>>, vector<1x1x16xf32>,
        %get3A_429 = vector.shape_cast %get3A_428 : vector<1x1x16xf32> to vector<16xf32>
        %get3A_430 = arith.constant 0 : i32
        %get3A_431 = arith.index_cast %get3A_430 : i32 to index
        %get3A_432 = arith.index_cast %add3A_403 : i32 to index
        %get3A_433 = arith.constant 80 : index
        %get3A_434 = tpu.vector_load %arg10[%get3A_431, %get3A_432, %get3A_433] {strides = array<i32>} : memref<2x128x128xf32, #tpu.memory_space<vmem>>, vector<1x1x16xf32>,
        %get3A_435 = vector.shape_cast %get3A_434 : vector<1x1x16xf32> to vector<16xf32>
        %add3A_436 = arith.addf %get3A_429, %get3A_435 : vector<16xf32>
        %max3A_437 = arith.constant 0.000000e+00 : f32
        %max3A_438 = vector.broadcast %max3A_437 : f32 to vector<16xf32>
        %max3A_439 = arith.maximumf %add3A_436, %max3A_438 : vector<16xf32>
        %mul3A_440 = arith.mulf %max3A_439, %get3A_9 : vector<16xf32>
        %add3A_441 = arith.addf %add3A_423, %mul3A_440 : vector<16xf32>
        %get3A_442 = arith.constant 0 : i32
        %get3A_443 = arith.index_cast %get3A_442 : i32 to index
        %get3A_444 = arith.index_cast %add3A_403 : i32 to index
        %get3A_445 = arith.constant 32 : index
        %get3A_446 = tpu.vector_load %arg9[%get3A_443, %get3A_444, %get3A_445] {strides = array<i32>} : memref<2x128x128xf32, #tpu.memory_space<vmem>>, vector<1x1x16xf32>,
        %get3A_447 = vector.shape_cast %get3A_446 : vector<1x1x16xf32> to vector<16xf32>
        %get3A_448 = arith.constant 0 : i32
        %get3A_449 = arith.index_cast %get3A_448 : i32 to index
        %get3A_450 = arith.index_cast %add3A_403 : i32 to index
        %get3A_451 = arith.constant 96 : index
        %get3A_452 = tpu.vector_load %arg10[%get3A_449, %get3A_450, %get3A_451] {strides = array<i32>} : memref<2x128x128xf32, #tpu.memory_space<vmem>>, vector<1x1x16xf32>,
        %get3A_453 = vector.shape_cast %get3A_452 : vector<1x1x16xf32> to vector<16xf32>
        %add3A_454 = arith.addf %get3A_447, %get3A_453 : vector<16xf32>
        %max3A_455 = arith.constant 0.000000e+00 : f32
        %max3A_456 = vector.broadcast %max3A_455 : f32 to vector<16xf32>
        %max3A_457 = arith.maximumf %add3A_454, %max3A_456 : vector<16xf32>
        %mul3A_458 = arith.mulf %max3A_457, %get3A_14 : vector<16xf32>
        %add3A_459 = arith.addf %add3A_441, %mul3A_458 : vector<16xf32>
        %get3A_460 = arith.constant 0 : i32
        %get3A_461 = arith.index_cast %get3A_460 : i32 to index
        %get3A_462 = arith.index_cast %add3A_403 : i32 to index
        %get3A_463 = arith.constant 48 : index
        %get3A_464 = tpu.vector_load %arg9[%get3A_461, %get3A_462, %get3A_463] {strides = array<i32>} : memref<2x128x128xf32, #tpu.memory_space<vmem>>, vector<1x1x16xf32>,
        %get3A_465 = vector.shape_cast %get3A_464 : vector<1x1x16xf32> to vector<16xf32>
        %get3A_466 = arith.constant 0 : i32
        %get3A_467 = arith.index_cast %get3A_466 : i32 to index
        %get3A_468 = arith.index_cast %add3A_403 : i32 to index
        %get3A_469 = arith.constant 112 : index
        %get3A_470 = tpu.vector_load %arg10[%get3A_467, %get3A_468, %get3A_469] {strides = array<i32>} : memref<2x128x128xf32, #tpu.memory_space<vmem>>, vector<1x1x16xf32>,
        %get3A_471 = vector.shape_cast %get3A_470 : vector<1x1x16xf32> to vector<16xf32>
        %add3A_472 = arith.addf %get3A_465, %get3A_471 : vector<16xf32>
        %max3A_473 = arith.constant 0.000000e+00 : f32
        %max3A_474 = vector.broadcast %max3A_473 : f32 to vector<16xf32>
        %max3A_475 = arith.maximumf %add3A_472, %max3A_474 : vector<16xf32>
        %mul3A_476 = arith.mulf %max3A_475, %get3A_19 : vector<16xf32>
        %add3A_477 = arith.addf %add3A_459, %mul3A_476 : vector<16xf32>
        %swap3A_478 = arith.index_cast %add3A_403 : i32 to index
        %swap3A_479 = arith.constant 0 : index
        %swap3A_480 = tpu.vector_load %arg12[%swap3A_478, %swap3A_479] {strides = array<i32>} : memref<128x16xf32, #tpu.memory_space<vmem>>, vector<1x16xf32>,
        %swap3A_481 = vector.shape_cast %swap3A_480 : vector<1x16xf32> to vector<16xf32>
        %swap3A_482 = vector.shape_cast %add3A_477 : vector<16xf32> to vector<1x16xf32>
        tpu.vector_store %arg12[%swap3A_478, %swap3A_479], %swap3A_482 {strides = array<i32>} : memref<128x16xf32, #tpu.memory_space<vmem>>, vector<1x16xf32>,
        %scan3A_483 = arith.constant 0 : i32
        scf.yield %scan3A_483 : i32
      }
      %scan3A_106 = arith.constant 32 : i32
      "tpu.region"() ({
        %run_scoped3A = tpu.sem_alloc : memref<!tpu.dma_semaphore, #tpu.memory_space<semaphore_mem>>
        %dma_start3A_152 = arith.constant 0 : i32
        %dma_start3A_153 = arith.constant 0 : i32
        %dma_start3A_154 = tpu.memref_slice %arg6[%add3A, %add3A_78, %dma_start3A_152, %dma_start3A_153] : memref<32x80x128x16xf32, #tpu.memory_space<hbm>> -> memref<1x1x128x16xf32, #tpu.memory_space<hbm>>
        %dma_start3A_155 = tpu.memref_squeeze %dma_start3A_154 : memref<1x1x128x16xf32, #tpu.memory_space<hbm>> -> memref<128x16xf32, #tpu.memory_space<hbm>>
        %dma_start3A_156 = arith.constant 0 : i32
        %dma_start3A_157 = arith.constant 0 : i32
        %dma_start3A_158 = tpu.memref_slice %arg6[%add3A, %add3A_78, %dma_start3A_156, %dma_start3A_157] : memref<32x80x128x16xf32, #tpu.memory_space<hbm>> -> memref<1x1x128x16xf32, #tpu.memory_space<hbm>>
        %dma_start3A_159 = tpu.memref_squeeze %dma_start3A_158 : memref<1x1x128x16xf32, #tpu.memory_space<hbm>> -> memref<128x16xf32, #tpu.memory_space<hbm>>
        tpu.enqueue_dma source(%arg12 : memref<128x16xf32, #tpu.memory_space<vmem>>) target(%dma_start3A_159 : memref<128x16xf32, #tpu.memory_space<hbm>>) target_semaphore(%run_scoped3A : memref<!tpu.dma_semaphore, #tpu.memory_space<semaphore_mem>>)
        %dma_wait3A_160 = arith.constant 0 : i32
        %dma_wait3A_161 = arith.constant 0 : i32
        %dma_wait3A_162 = tpu.memref_slice %arg6[%add3A, %add3A_78, %dma_wait3A_160, %dma_wait3A_161] : memref<32x80x128x16xf32, #tpu.memory_space<hbm>> -> memref<1x1x128x16xf32, #tpu.memory_space<hbm>>
        %dma_wait3A_163 = tpu.memref_squeeze %dma_wait3A_162 : memref<1x1x128x16xf32, #tpu.memory_space<hbm>> -> memref<128x16xf32, #tpu.memory_space<hbm>>
        %dma_wait3A_164 = arith.constant 0 : i32
        %dma_wait3A_165 = arith.constant 0 : i32
        %dma_wait3A_166 = tpu.memref_slice %arg6[%add3A, %add3A_78, %dma_wait3A_164, %dma_wait3A_165] : memref<32x80x128x16xf32, #tpu.memory_space<hbm>> -> memref<1x1x128x16xf32, #tpu.memory_space<hbm>>
        %dma_wait3A_167 = tpu.memref_squeeze %dma_wait3A_166 : memref<1x1x128x16xf32, #tpu.memory_space<hbm>> -> memref<128x16xf32, #tpu.memory_space<hbm>>
        tpu.wait_dma2 semaphore(%run_scoped3A : memref<!tpu.dma_semaphore, #tpu.memory_space<semaphore_mem>>) src(%arg12 : memref<128x16xf32, #tpu.memory_space<vmem>>) dst(%dma_wait3A_167 : memref<128x16xf32, #tpu.memory_space<hbm>>)
        tpu.yield
      }) : () -> ()
      %add3A_107 = arith.constant 2 : i32
      %add3A_108 = arith.addi %add3A_78, %add3A_107 : i32
      %lt3A = arith.constant 80 : i32
      %lt3A_109 = arith.cmpi slt, %add3A_108, %lt3A : i32
      %convert_element_type3A = arith.extui %lt3A_109 : i1 to i32
      %cond3A = arith.constant 0 : i32
      %cond3A_110 = arith.cmpi ne, %convert_element_type3A, %cond3A : i32
      scf.if %cond3A_110 {
        %add3A_152 = arith.constant 2 : i32
        %add3A_153 = arith.addi %add3A_78, %add3A_152 : i32
        %dma_start3A_154 = arith.constant 0 : i32
        %dma_start3A_155 = arith.constant 0 : i32
        %dma_start3A_156 = arith.constant 0 : i32
        %dma_start3A_157 = tpu.memref_slice %arg9[%dma_start3A_154, %dma_start3A_155, %dma_start3A_156] : memref<2x128x128xf32, #tpu.memory_space<vmem>> -> memref<1x128x128xf32, #tpu.memory_space<vmem>>
        %dma_start3A_158 = tpu.memref_squeeze %dma_start3A_157 : memref<1x128x128xf32, #tpu.memory_space<vmem>> -> memref<128x128xf32, #tpu.memory_space<vmem>>
        %dma_start3A_159 = arith.constant 0 : i32
        %dma_start3A_160 = tpu.memref_slice %arg7[%add3A_153, %dma_start3A_159] : memref<80x128xi32, #tpu.memory_space<vmem>> -> memref<1x128xi32, #tpu.memory_space<vmem>>
        %dma_start3A_161 = tpu.memref_squeeze %dma_start3A_160 : memref<1x128xi32, #tpu.memory_space<vmem>> -> memref<128xi32, #tpu.memory_space<vmem>>
        %dma_start3A_162 = arith.constant 0 : i32
        %dma_start3A_163 = arith.constant 0 : i32
        %dma_start3A_164 = tpu.memref_slice %arg2[%dma_start3A_162, %dma_start3A_163] : memref<10112x128xf32, #tpu.memory_space<hbm>> -> memref<10112x128xf32, #tpu.memory_space<hbm>>
        tpu.enqueue_indirect_dma source(%dma_start3A_164 : memref<10112x128xf32, #tpu.memory_space<hbm>>) target(%dma_start3A_158 : memref<128x128xf32, #tpu.memory_space<vmem>>) offsets(%dma_start3A_161 : memref<128xi32, #tpu.memory_space<vmem>>) semaphore(%arg13 : memref<!tpu.dma_semaphore, #tpu.memory_space<semaphore_mem>>)
        %add3A_165 = arith.constant 2 : i32
        %add3A_166 = arith.addi %add3A_78, %add3A_165 : i32
        %dma_start3A_167 = arith.constant 0 : i32
        %dma_start3A_168 = arith.constant 0 : i32
        %dma_start3A_169 = arith.constant 0 : i32
        %dma_start3A_170 = tpu.memref_slice %arg10[%dma_start3A_167, %dma_start3A_168, %dma_start3A_169] : memref<2x128x128xf32, #tpu.memory_space<vmem>> -> memref<1x128x128xf32, #tpu.memory_space<vmem>>
        %dma_start3A_171 = tpu.memref_squeeze %dma_start3A_170 : memref<1x128x128xf32, #tpu.memory_space<vmem>> -> memref<128x128xf32, #tpu.memory_space<vmem>>
        %dma_start3A_172 = arith.constant 0 : i32
        %dma_start3A_173 = tpu.memref_slice %arg8[%add3A_166, %dma_start3A_172] : memref<80x128xi32, #tpu.memory_space<vmem>> -> memref<1x128xi32, #tpu.memory_space<vmem>>
        %dma_start3A_174 = tpu.memref_squeeze %dma_start3A_173 : memref<1x128xi32, #tpu.memory_space<vmem>> -> memref<128xi32, #tpu.memory_space<vmem>>
        %dma_start3A_175 = arith.constant 0 : i32
        %dma_start3A_176 = arith.constant 0 : i32
        %dma_start3A_177 = tpu.memref_slice %arg2[%dma_start3A_175, %dma_start3A_176] : memref<10112x128xf32, #tpu.memory_space<hbm>> -> memref<10112x128xf32, #tpu.memory_space<hbm>>
        tpu.enqueue_indirect_dma source(%dma_start3A_177 : memref<10112x128xf32, #tpu.memory_space<hbm>>) target(%dma_start3A_171 : memref<128x128xf32, #tpu.memory_space<vmem>>) offsets(%dma_start3A_174 : memref<128xi32, #tpu.memory_space<vmem>>) semaphore(%arg15 : memref<!tpu.dma_semaphore, #tpu.memory_space<semaphore_mem>>)
      } else {
      }
      %mul3A_111 = arith.constant 2 : i32
      %mul3A_112 = arith.muli %mul3A_111, %scan3A_73 : i32
      %add3A_113 = arith.constant 1 : i32
      %add3A_114 = arith.addi %mul3A_112, %add3A_113 : i32
      %dma_wait3A_115 = arith.constant 1 : i32
      %dma_wait3A_116 = arith.constant 0 : i32
      %dma_wait3A_117 = arith.constant 0 : i32
      %dma_wait3A_118 = tpu.memref_slice %arg9[%dma_wait3A_115, %dma_wait3A_116, %dma_wait3A_117] : memref<2x128x128xf32, #tpu.memory_space<vmem>> -> memref<1x128x128xf32, #tpu.memory_space<vmem>>
      %dma_wait3A_119 = tpu.memref_squeeze %dma_wait3A_118 : memref<1x128x128xf32, #tpu.memory_space<vmem>> -> memref<128x128xf32, #tpu.memory_space<vmem>>
      %dma_wait3A_120 = arith.constant 0 : i32
      %dma_wait3A_121 = tpu.memref_slice %arg7[%add3A_114, %dma_wait3A_120] : memref<80x128xi32, #tpu.memory_space<vmem>> -> memref<1x128xi32, #tpu.memory_space<vmem>>
      %dma_wait3A_122 = tpu.memref_squeeze %dma_wait3A_121 : memref<1x128xi32, #tpu.memory_space<vmem>> -> memref<128xi32, #tpu.memory_space<vmem>>
      %dma_wait3A_123 = arith.constant 0 : i32
      %dma_wait3A_124 = arith.constant 0 : i32
      %dma_wait3A_125 = tpu.memref_slice %arg2[%dma_wait3A_123, %dma_wait3A_124] : memref<10112x128xf32, #tpu.memory_space<hbm>> -> memref<10112x128xf32, #tpu.memory_space<hbm>>
      tpu.wait_indirect_dma semaphore(%arg14 : memref<!tpu.dma_semaphore, #tpu.memory_space<semaphore_mem>>) src(%dma_wait3A_125 : memref<10112x128xf32, #tpu.memory_space<hbm>>) dst(%dma_wait3A_119 : memref<128x128xf32, #tpu.memory_space<vmem>>)
      %dma_wait3A_126 = arith.constant 1 : i32
      %dma_wait3A_127 = arith.constant 0 : i32
      %dma_wait3A_128 = arith.constant 0 : i32
      %dma_wait3A_129 = tpu.memref_slice %arg10[%dma_wait3A_126, %dma_wait3A_127, %dma_wait3A_128] : memref<2x128x128xf32, #tpu.memory_space<vmem>> -> memref<1x128x128xf32, #tpu.memory_space<vmem>>
      %dma_wait3A_130 = tpu.memref_squeeze %dma_wait3A_129 : memref<1x128x128xf32, #tpu.memory_space<vmem>> -> memref<128x128xf32, #tpu.memory_space<vmem>>
      %dma_wait3A_131 = arith.constant 0 : i32
      %dma_wait3A_132 = tpu.memref_slice %arg8[%add3A_114, %dma_wait3A_131] : memref<80x128xi32, #tpu.memory_space<vmem>> -> memref<1x128xi32, #tpu.memory_space<vmem>>
      %dma_wait3A_133 = tpu.memref_squeeze %dma_wait3A_132 : memref<1x128xi32, #tpu.memory_space<vmem>> -> memref<128xi32, #tpu.memory_space<vmem>>
      %dma_wait3A_134 = arith.constant 0 : i32
      %dma_wait3A_135 = arith.constant 0 : i32
      %dma_wait3A_136 = tpu.memref_slice %arg2[%dma_wait3A_134, %dma_wait3A_135] : memref<10112x128xf32, #tpu.memory_space<hbm>> -> memref<10112x128xf32, #tpu.memory_space<hbm>>
      tpu.wait_indirect_dma semaphore(%arg16 : memref<!tpu.dma_semaphore, #tpu.memory_space<semaphore_mem>>) src(%dma_wait3A_136 : memref<10112x128xf32, #tpu.memory_space<hbm>>) dst(%dma_wait3A_130 : memref<128x128xf32, #tpu.memory_space<vmem>>)
      %scan3A_137 = arith.constant 0 : i32
      %scan3A_138 = arith.constant 0 : i32
      %scan3A_139 = arith.constant 32 : i32
      %scan3A_140 = arith.addi %scan3A_138, %scan3A_139 : i32
      %scan3A_141 = arith.constant 1 : i32
      %scan3A_142 = scf.for %scan3A_152 = %scan3A_138 to %scan3A_140 step %scan3A_141 iter_args(%scan3A_153 = %scan3A_137) -> (i32)  : i32 {
        %mul3A_154 = arith.constant 4 : i32
        %mul3A_155 = arith.muli %scan3A_152, %mul3A_154 : i32
        %add3A_156 = arith.constant 0 : i32
        %add3A_157 = arith.addi %mul3A_155, %add3A_156 : i32
        %broadcast_in_dim3A = arith.constant 0.000000e+00 : f32
        %broadcast_in_dim3A_158 = vector.broadcast %broadcast_in_dim3A : f32 to vector<16xf32>
        %get3A_159 = arith.constant 1 : i32
        %get3A_160 = arith.index_cast %get3A_159 : i32 to index
        %get3A_161 = arith.index_cast %add3A_157 : i32 to index
        %get3A_162 = arith.constant 0 : index
        %get3A_163 = tpu.vector_load %arg9[%get3A_160, %get3A_161, %get3A_162] {strides = array<i32>} : memref<2x128x128xf32, #tpu.memory_space<vmem>>, vector<1x1x16xf32>,
        %get3A_164 = vector.shape_cast %get3A_163 : vector<1x1x16xf32> to vector<16xf32>
        %get3A_165 = arith.constant 1 : i32
        %get3A_166 = arith.index_cast %get3A_165 : i32 to index
        %get3A_167 = arith.index_cast %add3A_157 : i32 to index
        %get3A_168 = arith.constant 64 : index
        %get3A_169 = tpu.vector_load %arg10[%get3A_166, %get3A_167, %get3A_168] {strides = array<i32>} : memref<2x128x128xf32, #tpu.memory_space<vmem>>, vector<1x1x16xf32>,
        %get3A_170 = vector.shape_cast %get3A_169 : vector<1x1x16xf32> to vector<16xf32>
        %add3A_171 = arith.addf %get3A_164, %get3A_170 : vector<16xf32>
        %max3A = arith.constant 0.000000e+00 : f32
        %max3A_172 = vector.broadcast %max3A : f32 to vector<16xf32>
        %max3A_173 = arith.maximumf %add3A_171, %max3A_172 : vector<16xf32>
        %mul3A_174 = arith.mulf %max3A_173, %get3A_4 : vector<16xf32>
        %add3A_175 = arith.addf %broadcast_in_dim3A_158, %mul3A_174 : vector<16xf32>
        %get3A_176 = arith.constant 1 : i32
        %get3A_177 = arith.index_cast %get3A_176 : i32 to index
        %get3A_178 = arith.index_cast %add3A_157 : i32 to index
        %get3A_179 = arith.constant 16 : index
        %get3A_180 = tpu.vector_load %arg9[%get3A_177, %get3A_178, %get3A_179] {strides = array<i32>} : memref<2x128x128xf32, #tpu.memory_space<vmem>>, vector<1x1x16xf32>,
        %get3A_181 = vector.shape_cast %get3A_180 : vector<1x1x16xf32> to vector<16xf32>
        %get3A_182 = arith.constant 1 : i32
        %get3A_183 = arith.index_cast %get3A_182 : i32 to index
        %get3A_184 = arith.index_cast %add3A_157 : i32 to index
        %get3A_185 = arith.constant 80 : index
        %get3A_186 = tpu.vector_load %arg10[%get3A_183, %get3A_184, %get3A_185] {strides = array<i32>} : memref<2x128x128xf32, #tpu.memory_space<vmem>>, vector<1x1x16xf32>,
        %get3A_187 = vector.shape_cast %get3A_186 : vector<1x1x16xf32> to vector<16xf32>
        %add3A_188 = arith.addf %get3A_181, %get3A_187 : vector<16xf32>
        %max3A_189 = arith.constant 0.000000e+00 : f32
        %max3A_190 = vector.broadcast %max3A_189 : f32 to vector<16xf32>
        %max3A_191 = arith.maximumf %add3A_188, %max3A_190 : vector<16xf32>
        %mul3A_192 = arith.mulf %max3A_191, %get3A_9 : vector<16xf32>
        %add3A_193 = arith.addf %add3A_175, %mul3A_192 : vector<16xf32>
        %get3A_194 = arith.constant 1 : i32
        %get3A_195 = arith.index_cast %get3A_194 : i32 to index
        %get3A_196 = arith.index_cast %add3A_157 : i32 to index
        %get3A_197 = arith.constant 32 : index
        %get3A_198 = tpu.vector_load %arg9[%get3A_195, %get3A_196, %get3A_197] {strides = array<i32>} : memref<2x128x128xf32, #tpu.memory_space<vmem>>, vector<1x1x16xf32>,
        %get3A_199 = vector.shape_cast %get3A_198 : vector<1x1x16xf32> to vector<16xf32>
        %get3A_200 = arith.constant 1 : i32
        %get3A_201 = arith.index_cast %get3A_200 : i32 to index
        %get3A_202 = arith.index_cast %add3A_157 : i32 to index
        %get3A_203 = arith.constant 96 : index
        %get3A_204 = tpu.vector_load %arg10[%get3A_201, %get3A_202, %get3A_203] {strides = array<i32>} : memref<2x128x128xf32, #tpu.memory_space<vmem>>, vector<1x1x16xf32>,
        %get3A_205 = vector.shape_cast %get3A_204 : vector<1x1x16xf32> to vector<16xf32>
        %add3A_206 = arith.addf %get3A_199, %get3A_205 : vector<16xf32>
        %max3A_207 = arith.constant 0.000000e+00 : f32
        %max3A_208 = vector.broadcast %max3A_207 : f32 to vector<16xf32>
        %max3A_209 = arith.maximumf %add3A_206, %max3A_208 : vector<16xf32>
        %mul3A_210 = arith.mulf %max3A_209, %get3A_14 : vector<16xf32>
        %add3A_211 = arith.addf %add3A_193, %mul3A_210 : vector<16xf32>
        %get3A_212 = arith.constant 1 : i32
        %get3A_213 = arith.index_cast %get3A_212 : i32 to index
        %get3A_214 = arith.index_cast %add3A_157 : i32 to index
        %get3A_215 = arith.constant 48 : index
        %get3A_216 = tpu.vector_load %arg9[%get3A_213, %get3A_214, %get3A_215] {strides = array<i32>} : memref<2x128x128xf32, #tpu.memory_space<vmem>>, vector<1x1x16xf32>,
        %get3A_217 = vector.shape_cast %get3A_216 : vector<1x1x16xf32> to vector<16xf32>
        %get3A_218 = arith.constant 1 : i32
        %get3A_219 = arith.index_cast %get3A_218 : i32 to index
        %get3A_220 = arith.index_cast %add3A_157 : i32 to index
        %get3A_221 = arith.constant 112 : index
        %get3A_222 = tpu.vector_load %arg10[%get3A_219, %get3A_220, %get3A_221] {strides = array<i32>} : memref<2x128x128xf32, #tpu.memory_space<vmem>>, vector<1x1x16xf32>,
        %get3A_223 = vector.shape_cast %get3A_222 : vector<1x1x16xf32> to vector<16xf32>
        %add3A_224 = arith.addf %get3A_217, %get3A_223 : vector<16xf32>
        %max3A_225 = arith.constant 0.000000e+00 : f32
        %max3A_226 = vector.broadcast %max3A_225 : f32 to vector<16xf32>
        %max3A_227 = arith.maximumf %add3A_224, %max3A_226 : vector<16xf32>
        %mul3A_228 = arith.mulf %max3A_227, %get3A_19 : vector<16xf32>
        %add3A_229 = arith.addf %add3A_211, %mul3A_228 : vector<16xf32>
        %swap3A = arith.index_cast %add3A_157 : i32 to index
        %swap3A_230 = arith.constant 0 : index
        %swap3A_231 = tpu.vector_load %arg12[%swap3A, %swap3A_230] {strides = array<i32>} : memref<128x16xf32, #tpu.memory_space<vmem>>, vector<1x16xf32>,
        %swap3A_232 = vector.shape_cast %swap3A_231 : vector<1x16xf32> to vector<16xf32>
        %swap3A_233 = vector.shape_cast %add3A_229 : vector<16xf32> to vector<1x16xf32>
        tpu.vector_store %arg12[%swap3A, %swap3A_230], %swap3A_233 {strides = array<i32>} : memref<128x16xf32, #tpu.memory_space<vmem>>, vector<1x16xf32>,
        %mul3A_234 = arith.constant 4 : i32
        %mul3A_235 = arith.muli %scan3A_152, %mul3A_234 : i32
        %add3A_236 = arith.constant 1 : i32
        %add3A_237 = arith.addi %mul3A_235, %add3A_236 : i32
        %broadcast_in_dim3A_238 = arith.constant 0.000000e+00 : f32
        %broadcast_in_dim3A_239 = vector.broadcast %broadcast_in_dim3A_238 : f32 to vector<16xf32>
        %get3A_240 = arith.constant 1 : i32
        %get3A_241 = arith.index_cast %get3A_240 : i32 to index
        %get3A_242 = arith.index_cast %add3A_237 : i32 to index
        %get3A_243 = arith.constant 0 : index
        %get3A_244 = tpu.vector_load %arg9[%get3A_241, %get3A_242, %get3A_243] {strides = array<i32>} : memref<2x128x128xf32, #tpu.memory_space<vmem>>, vector<1x1x16xf32>,
        %get3A_245 = vector.shape_cast %get3A_244 : vector<1x1x16xf32> to vector<16xf32>
        %get3A_246 = arith.constant 1 : i32
        %get3A_247 = arith.index_cast %get3A_246 : i32 to index
        %get3A_248 = arith.index_cast %add3A_237 : i32 to index
        %get3A_249 = arith.constant 64 : index
        %get3A_250 = tpu.vector_load %arg10[%get3A_247, %get3A_248, %get3A_249] {strides = array<i32>} : memref<2x128x128xf32, #tpu.memory_space<vmem>>, vector<1x1x16xf32>,
        %get3A_251 = vector.shape_cast %get3A_250 : vector<1x1x16xf32> to vector<16xf32>
        %add3A_252 = arith.addf %get3A_245, %get3A_251 : vector<16xf32>
        %max3A_253 = arith.constant 0.000000e+00 : f32
        %max3A_254 = vector.broadcast %max3A_253 : f32 to vector<16xf32>
        %max3A_255 = arith.maximumf %add3A_252, %max3A_254 : vector<16xf32>
        %mul3A_256 = arith.mulf %max3A_255, %get3A_4 : vector<16xf32>
        %add3A_257 = arith.addf %broadcast_in_dim3A_239, %mul3A_256 : vector<16xf32>
        %get3A_258 = arith.constant 1 : i32
        %get3A_259 = arith.index_cast %get3A_258 : i32 to index
        %get3A_260 = arith.index_cast %add3A_237 : i32 to index
        %get3A_261 = arith.constant 16 : index
        %get3A_262 = tpu.vector_load %arg9[%get3A_259, %get3A_260, %get3A_261] {strides = array<i32>} : memref<2x128x128xf32, #tpu.memory_space<vmem>>, vector<1x1x16xf32>,
        %get3A_263 = vector.shape_cast %get3A_262 : vector<1x1x16xf32> to vector<16xf32>
        %get3A_264 = arith.constant 1 : i32
        %get3A_265 = arith.index_cast %get3A_264 : i32 to index
        %get3A_266 = arith.index_cast %add3A_237 : i32 to index
        %get3A_267 = arith.constant 80 : index
        %get3A_268 = tpu.vector_load %arg10[%get3A_265, %get3A_266, %get3A_267] {strides = array<i32>} : memref<2x128x128xf32, #tpu.memory_space<vmem>>, vector<1x1x16xf32>,
        %get3A_269 = vector.shape_cast %get3A_268 : vector<1x1x16xf32> to vector<16xf32>
        %add3A_270 = arith.addf %get3A_263, %get3A_269 : vector<16xf32>
        %max3A_271 = arith.constant 0.000000e+00 : f32
        %max3A_272 = vector.broadcast %max3A_271 : f32 to vector<16xf32>
        %max3A_273 = arith.maximumf %add3A_270, %max3A_272 : vector<16xf32>
        %mul3A_274 = arith.mulf %max3A_273, %get3A_9 : vector<16xf32>
        %add3A_275 = arith.addf %add3A_257, %mul3A_274 : vector<16xf32>
        %get3A_276 = arith.constant 1 : i32
        %get3A_277 = arith.index_cast %get3A_276 : i32 to index
        %get3A_278 = arith.index_cast %add3A_237 : i32 to index
        %get3A_279 = arith.constant 32 : index
        %get3A_280 = tpu.vector_load %arg9[%get3A_277, %get3A_278, %get3A_279] {strides = array<i32>} : memref<2x128x128xf32, #tpu.memory_space<vmem>>, vector<1x1x16xf32>,
        %get3A_281 = vector.shape_cast %get3A_280 : vector<1x1x16xf32> to vector<16xf32>
        %get3A_282 = arith.constant 1 : i32
        %get3A_283 = arith.index_cast %get3A_282 : i32 to index
        %get3A_284 = arith.index_cast %add3A_237 : i32 to index
        %get3A_285 = arith.constant 96 : index
        %get3A_286 = tpu.vector_load %arg10[%get3A_283, %get3A_284, %get3A_285] {strides = array<i32>} : memref<2x128x128xf32, #tpu.memory_space<vmem>>, vector<1x1x16xf32>,
        %get3A_287 = vector.shape_cast %get3A_286 : vector<1x1x16xf32> to vector<16xf32>
        %add3A_288 = arith.addf %get3A_281, %get3A_287 : vector<16xf32>
        %max3A_289 = arith.constant 0.000000e+00 : f32
        %max3A_290 = vector.broadcast %max3A_289 : f32 to vector<16xf32>
        %max3A_291 = arith.maximumf %add3A_288, %max3A_290 : vector<16xf32>
        %mul3A_292 = arith.mulf %max3A_291, %get3A_14 : vector<16xf32>
        %add3A_293 = arith.addf %add3A_275, %mul3A_292 : vector<16xf32>
        %get3A_294 = arith.constant 1 : i32
        %get3A_295 = arith.index_cast %get3A_294 : i32 to index
        %get3A_296 = arith.index_cast %add3A_237 : i32 to index
        %get3A_297 = arith.constant 48 : index
        %get3A_298 = tpu.vector_load %arg9[%get3A_295, %get3A_296, %get3A_297] {strides = array<i32>} : memref<2x128x128xf32, #tpu.memory_space<vmem>>, vector<1x1x16xf32>,
        %get3A_299 = vector.shape_cast %get3A_298 : vector<1x1x16xf32> to vector<16xf32>
        %get3A_300 = arith.constant 1 : i32
        %get3A_301 = arith.index_cast %get3A_300 : i32 to index
        %get3A_302 = arith.index_cast %add3A_237 : i32 to index
        %get3A_303 = arith.constant 112 : index
        %get3A_304 = tpu.vector_load %arg10[%get3A_301, %get3A_302, %get3A_303] {strides = array<i32>} : memref<2x128x128xf32, #tpu.memory_space<vmem>>, vector<1x1x16xf32>,
        %get3A_305 = vector.shape_cast %get3A_304 : vector<1x1x16xf32> to vector<16xf32>
        %add3A_306 = arith.addf %get3A_299, %get3A_305 : vector<16xf32>
        %max3A_307 = arith.constant 0.000000e+00 : f32
        %max3A_308 = vector.broadcast %max3A_307 : f32 to vector<16xf32>
        %max3A_309 = arith.maximumf %add3A_306, %max3A_308 : vector<16xf32>
        %mul3A_310 = arith.mulf %max3A_309, %get3A_19 : vector<16xf32>
        %add3A_311 = arith.addf %add3A_293, %mul3A_310 : vector<16xf32>
        %swap3A_312 = arith.index_cast %add3A_237 : i32 to index
        %swap3A_313 = arith.constant 0 : index
        %swap3A_314 = tpu.vector_load %arg12[%swap3A_312, %swap3A_313] {strides = array<i32>} : memref<128x16xf32, #tpu.memory_space<vmem>>, vector<1x16xf32>,
        %swap3A_315 = vector.shape_cast %swap3A_314 : vector<1x16xf32> to vector<16xf32>
        %swap3A_316 = vector.shape_cast %add3A_311 : vector<16xf32> to vector<1x16xf32>
        tpu.vector_store %arg12[%swap3A_312, %swap3A_313], %swap3A_316 {strides = array<i32>} : memref<128x16xf32, #tpu.memory_space<vmem>>, vector<1x16xf32>,
        %mul3A_317 = arith.constant 4 : i32
        %mul3A_318 = arith.muli %scan3A_152, %mul3A_317 : i32
        %add3A_319 = arith.constant 2 : i32
        %add3A_320 = arith.addi %mul3A_318, %add3A_319 : i32
        %broadcast_in_dim3A_321 = arith.constant 0.000000e+00 : f32
        %broadcast_in_dim3A_322 = vector.broadcast %broadcast_in_dim3A_321 : f32 to vector<16xf32>
        %get3A_323 = arith.constant 1 : i32
        %get3A_324 = arith.index_cast %get3A_323 : i32 to index
        %get3A_325 = arith.index_cast %add3A_320 : i32 to index
        %get3A_326 = arith.constant 0 : index
        %get3A_327 = tpu.vector_load %arg9[%get3A_324, %get3A_325, %get3A_326] {strides = array<i32>} : memref<2x128x128xf32, #tpu.memory_space<vmem>>, vector<1x1x16xf32>,
        %get3A_328 = vector.shape_cast %get3A_327 : vector<1x1x16xf32> to vector<16xf32>
        %get3A_329 = arith.constant 1 : i32
        %get3A_330 = arith.index_cast %get3A_329 : i32 to index
        %get3A_331 = arith.index_cast %add3A_320 : i32 to index
        %get3A_332 = arith.constant 64 : index
        %get3A_333 = tpu.vector_load %arg10[%get3A_330, %get3A_331, %get3A_332] {strides = array<i32>} : memref<2x128x128xf32, #tpu.memory_space<vmem>>, vector<1x1x16xf32>,
        %get3A_334 = vector.shape_cast %get3A_333 : vector<1x1x16xf32> to vector<16xf32>
        %add3A_335 = arith.addf %get3A_328, %get3A_334 : vector<16xf32>
        %max3A_336 = arith.constant 0.000000e+00 : f32
        %max3A_337 = vector.broadcast %max3A_336 : f32 to vector<16xf32>
        %max3A_338 = arith.maximumf %add3A_335, %max3A_337 : vector<16xf32>
        %mul3A_339 = arith.mulf %max3A_338, %get3A_4 : vector<16xf32>
        %add3A_340 = arith.addf %broadcast_in_dim3A_322, %mul3A_339 : vector<16xf32>
        %get3A_341 = arith.constant 1 : i32
        %get3A_342 = arith.index_cast %get3A_341 : i32 to index
        %get3A_343 = arith.index_cast %add3A_320 : i32 to index
        %get3A_344 = arith.constant 16 : index
        %get3A_345 = tpu.vector_load %arg9[%get3A_342, %get3A_343, %get3A_344] {strides = array<i32>} : memref<2x128x128xf32, #tpu.memory_space<vmem>>, vector<1x1x16xf32>,
        %get3A_346 = vector.shape_cast %get3A_345 : vector<1x1x16xf32> to vector<16xf32>
        %get3A_347 = arith.constant 1 : i32
        %get3A_348 = arith.index_cast %get3A_347 : i32 to index
        %get3A_349 = arith.index_cast %add3A_320 : i32 to index
        %get3A_350 = arith.constant 80 : index
        %get3A_351 = tpu.vector_load %arg10[%get3A_348, %get3A_349, %get3A_350] {strides = array<i32>} : memref<2x128x128xf32, #tpu.memory_space<vmem>>, vector<1x1x16xf32>,
        %get3A_352 = vector.shape_cast %get3A_351 : vector<1x1x16xf32> to vector<16xf32>
        %add3A_353 = arith.addf %get3A_346, %get3A_352 : vector<16xf32>
        %max3A_354 = arith.constant 0.000000e+00 : f32
        %max3A_355 = vector.broadcast %max3A_354 : f32 to vector<16xf32>
        %max3A_356 = arith.maximumf %add3A_353, %max3A_355 : vector<16xf32>
        %mul3A_357 = arith.mulf %max3A_356, %get3A_9 : vector<16xf32>
        %add3A_358 = arith.addf %add3A_340, %mul3A_357 : vector<16xf32>
        %get3A_359 = arith.constant 1 : i32
        %get3A_360 = arith.index_cast %get3A_359 : i32 to index
        %get3A_361 = arith.index_cast %add3A_320 : i32 to index
        %get3A_362 = arith.constant 32 : index
        %get3A_363 = tpu.vector_load %arg9[%get3A_360, %get3A_361, %get3A_362] {strides = array<i32>} : memref<2x128x128xf32, #tpu.memory_space<vmem>>, vector<1x1x16xf32>,
        %get3A_364 = vector.shape_cast %get3A_363 : vector<1x1x16xf32> to vector<16xf32>
        %get3A_365 = arith.constant 1 : i32
        %get3A_366 = arith.index_cast %get3A_365 : i32 to index
        %get3A_367 = arith.index_cast %add3A_320 : i32 to index
        %get3A_368 = arith.constant 96 : index
        %get3A_369 = tpu.vector_load %arg10[%get3A_366, %get3A_367, %get3A_368] {strides = array<i32>} : memref<2x128x128xf32, #tpu.memory_space<vmem>>, vector<1x1x16xf32>,
        %get3A_370 = vector.shape_cast %get3A_369 : vector<1x1x16xf32> to vector<16xf32>
        %add3A_371 = arith.addf %get3A_364, %get3A_370 : vector<16xf32>
        %max3A_372 = arith.constant 0.000000e+00 : f32
        %max3A_373 = vector.broadcast %max3A_372 : f32 to vector<16xf32>
        %max3A_374 = arith.maximumf %add3A_371, %max3A_373 : vector<16xf32>
        %mul3A_375 = arith.mulf %max3A_374, %get3A_14 : vector<16xf32>
        %add3A_376 = arith.addf %add3A_358, %mul3A_375 : vector<16xf32>
        %get3A_377 = arith.constant 1 : i32
        %get3A_378 = arith.index_cast %get3A_377 : i32 to index
        %get3A_379 = arith.index_cast %add3A_320 : i32 to index
        %get3A_380 = arith.constant 48 : index
        %get3A_381 = tpu.vector_load %arg9[%get3A_378, %get3A_379, %get3A_380] {strides = array<i32>} : memref<2x128x128xf32, #tpu.memory_space<vmem>>, vector<1x1x16xf32>,
        %get3A_382 = vector.shape_cast %get3A_381 : vector<1x1x16xf32> to vector<16xf32>
        %get3A_383 = arith.constant 1 : i32
        %get3A_384 = arith.index_cast %get3A_383 : i32 to index
        %get3A_385 = arith.index_cast %add3A_320 : i32 to index
        %get3A_386 = arith.constant 112 : index
        %get3A_387 = tpu.vector_load %arg10[%get3A_384, %get3A_385, %get3A_386] {strides = array<i32>} : memref<2x128x128xf32, #tpu.memory_space<vmem>>, vector<1x1x16xf32>,
        %get3A_388 = vector.shape_cast %get3A_387 : vector<1x1x16xf32> to vector<16xf32>
        %add3A_389 = arith.addf %get3A_382, %get3A_388 : vector<16xf32>
        %max3A_390 = arith.constant 0.000000e+00 : f32
        %max3A_391 = vector.broadcast %max3A_390 : f32 to vector<16xf32>
        %max3A_392 = arith.maximumf %add3A_389, %max3A_391 : vector<16xf32>
        %mul3A_393 = arith.mulf %max3A_392, %get3A_19 : vector<16xf32>
        %add3A_394 = arith.addf %add3A_376, %mul3A_393 : vector<16xf32>
        %swap3A_395 = arith.index_cast %add3A_320 : i32 to index
        %swap3A_396 = arith.constant 0 : index
        %swap3A_397 = tpu.vector_load %arg12[%swap3A_395, %swap3A_396] {strides = array<i32>} : memref<128x16xf32, #tpu.memory_space<vmem>>, vector<1x16xf32>,
        %swap3A_398 = vector.shape_cast %swap3A_397 : vector<1x16xf32> to vector<16xf32>
        %swap3A_399 = vector.shape_cast %add3A_394 : vector<16xf32> to vector<1x16xf32>
        tpu.vector_store %arg12[%swap3A_395, %swap3A_396], %swap3A_399 {strides = array<i32>} : memref<128x16xf32, #tpu.memory_space<vmem>>, vector<1x16xf32>,
        %mul3A_400 = arith.constant 4 : i32
        %mul3A_401 = arith.muli %scan3A_152, %mul3A_400 : i32
        %add3A_402 = arith.constant 3 : i32
        %add3A_403 = arith.addi %mul3A_401, %add3A_402 : i32
        %broadcast_in_dim3A_404 = arith.constant 0.000000e+00 : f32
        %broadcast_in_dim3A_405 = vector.broadcast %broadcast_in_dim3A_404 : f32 to vector<16xf32>
        %get3A_406 = arith.constant 1 : i32
        %get3A_407 = arith.index_cast %get3A_406 : i32 to index
        %get3A_408 = arith.index_cast %add3A_403 : i32 to index
        %get3A_409 = arith.constant 0 : index
        %get3A_410 = tpu.vector_load %arg9[%get3A_407, %get3A_408, %get3A_409] {strides = array<i32>} : memref<2x128x128xf32, #tpu.memory_space<vmem>>, vector<1x1x16xf32>,
        %get3A_411 = vector.shape_cast %get3A_410 : vector<1x1x16xf32> to vector<16xf32>
        %get3A_412 = arith.constant 1 : i32
        %get3A_413 = arith.index_cast %get3A_412 : i32 to index
        %get3A_414 = arith.index_cast %add3A_403 : i32 to index
        %get3A_415 = arith.constant 64 : index
        %get3A_416 = tpu.vector_load %arg10[%get3A_413, %get3A_414, %get3A_415] {strides = array<i32>} : memref<2x128x128xf32, #tpu.memory_space<vmem>>, vector<1x1x16xf32>,
        %get3A_417 = vector.shape_cast %get3A_416 : vector<1x1x16xf32> to vector<16xf32>
        %add3A_418 = arith.addf %get3A_411, %get3A_417 : vector<16xf32>
        %max3A_419 = arith.constant 0.000000e+00 : f32
        %max3A_420 = vector.broadcast %max3A_419 : f32 to vector<16xf32>
        %max3A_421 = arith.maximumf %add3A_418, %max3A_420 : vector<16xf32>
        %mul3A_422 = arith.mulf %max3A_421, %get3A_4 : vector<16xf32>
        %add3A_423 = arith.addf %broadcast_in_dim3A_405, %mul3A_422 : vector<16xf32>
        %get3A_424 = arith.constant 1 : i32
        %get3A_425 = arith.index_cast %get3A_424 : i32 to index
        %get3A_426 = arith.index_cast %add3A_403 : i32 to index
        %get3A_427 = arith.constant 16 : index
        %get3A_428 = tpu.vector_load %arg9[%get3A_425, %get3A_426, %get3A_427] {strides = array<i32>} : memref<2x128x128xf32, #tpu.memory_space<vmem>>, vector<1x1x16xf32>,
        %get3A_429 = vector.shape_cast %get3A_428 : vector<1x1x16xf32> to vector<16xf32>
        %get3A_430 = arith.constant 1 : i32
        %get3A_431 = arith.index_cast %get3A_430 : i32 to index
        %get3A_432 = arith.index_cast %add3A_403 : i32 to index
        %get3A_433 = arith.constant 80 : index
        %get3A_434 = tpu.vector_load %arg10[%get3A_431, %get3A_432, %get3A_433] {strides = array<i32>} : memref<2x128x128xf32, #tpu.memory_space<vmem>>, vector<1x1x16xf32>,
        %get3A_435 = vector.shape_cast %get3A_434 : vector<1x1x16xf32> to vector<16xf32>
        %add3A_436 = arith.addf %get3A_429, %get3A_435 : vector<16xf32>
        %max3A_437 = arith.constant 0.000000e+00 : f32
        %max3A_438 = vector.broadcast %max3A_437 : f32 to vector<16xf32>
        %max3A_439 = arith.maximumf %add3A_436, %max3A_438 : vector<16xf32>
        %mul3A_440 = arith.mulf %max3A_439, %get3A_9 : vector<16xf32>
        %add3A_441 = arith.addf %add3A_423, %mul3A_440 : vector<16xf32>
        %get3A_442 = arith.constant 1 : i32
        %get3A_443 = arith.index_cast %get3A_442 : i32 to index
        %get3A_444 = arith.index_cast %add3A_403 : i32 to index
        %get3A_445 = arith.constant 32 : index
        %get3A_446 = tpu.vector_load %arg9[%get3A_443, %get3A_444, %get3A_445] {strides = array<i32>} : memref<2x128x128xf32, #tpu.memory_space<vmem>>, vector<1x1x16xf32>,
        %get3A_447 = vector.shape_cast %get3A_446 : vector<1x1x16xf32> to vector<16xf32>
        %get3A_448 = arith.constant 1 : i32
        %get3A_449 = arith.index_cast %get3A_448 : i32 to index
        %get3A_450 = arith.index_cast %add3A_403 : i32 to index
        %get3A_451 = arith.constant 96 : index
        %get3A_452 = tpu.vector_load %arg10[%get3A_449, %get3A_450, %get3A_451] {strides = array<i32>} : memref<2x128x128xf32, #tpu.memory_space<vmem>>, vector<1x1x16xf32>,
        %get3A_453 = vector.shape_cast %get3A_452 : vector<1x1x16xf32> to vector<16xf32>
        %add3A_454 = arith.addf %get3A_447, %get3A_453 : vector<16xf32>
        %max3A_455 = arith.constant 0.000000e+00 : f32
        %max3A_456 = vector.broadcast %max3A_455 : f32 to vector<16xf32>
        %max3A_457 = arith.maximumf %add3A_454, %max3A_456 : vector<16xf32>
        %mul3A_458 = arith.mulf %max3A_457, %get3A_14 : vector<16xf32>
        %add3A_459 = arith.addf %add3A_441, %mul3A_458 : vector<16xf32>
        %get3A_460 = arith.constant 1 : i32
        %get3A_461 = arith.index_cast %get3A_460 : i32 to index
        %get3A_462 = arith.index_cast %add3A_403 : i32 to index
        %get3A_463 = arith.constant 48 : index
        %get3A_464 = tpu.vector_load %arg9[%get3A_461, %get3A_462, %get3A_463] {strides = array<i32>} : memref<2x128x128xf32, #tpu.memory_space<vmem>>, vector<1x1x16xf32>,
        %get3A_465 = vector.shape_cast %get3A_464 : vector<1x1x16xf32> to vector<16xf32>
        %get3A_466 = arith.constant 1 : i32
        %get3A_467 = arith.index_cast %get3A_466 : i32 to index
        %get3A_468 = arith.index_cast %add3A_403 : i32 to index
        %get3A_469 = arith.constant 112 : index
        %get3A_470 = tpu.vector_load %arg10[%get3A_467, %get3A_468, %get3A_469] {strides = array<i32>} : memref<2x128x128xf32, #tpu.memory_space<vmem>>, vector<1x1x16xf32>,
        %get3A_471 = vector.shape_cast %get3A_470 : vector<1x1x16xf32> to vector<16xf32>
        %add3A_472 = arith.addf %get3A_465, %get3A_471 : vector<16xf32>
        %max3A_473 = arith.constant 0.000000e+00 : f32
        %max3A_474 = vector.broadcast %max3A_473 : f32 to vector<16xf32>
        %max3A_475 = arith.maximumf %add3A_472, %max3A_474 : vector<16xf32>
        %mul3A_476 = arith.mulf %max3A_475, %get3A_19 : vector<16xf32>
        %add3A_477 = arith.addf %add3A_459, %mul3A_476 : vector<16xf32>
        %swap3A_478 = arith.index_cast %add3A_403 : i32 to index
        %swap3A_479 = arith.constant 0 : index
        %swap3A_480 = tpu.vector_load %arg12[%swap3A_478, %swap3A_479] {strides = array<i32>} : memref<128x16xf32, #tpu.memory_space<vmem>>, vector<1x16xf32>,
        %swap3A_481 = vector.shape_cast %swap3A_480 : vector<1x16xf32> to vector<16xf32>
        %swap3A_482 = vector.shape_cast %add3A_477 : vector<16xf32> to vector<1x16xf32>
        tpu.vector_store %arg12[%swap3A_478, %swap3A_479], %swap3A_482 {strides = array<i32>} : memref<128x16xf32, #tpu.memory_space<vmem>>, vector<1x16xf32>,
        %scan3A_483 = arith.constant 0 : i32
        scf.yield %scan3A_483 : i32
      }
      %scan3A_143 = arith.constant 32 : i32
      "tpu.region"() ({
        %run_scoped3A = tpu.sem_alloc : memref<!tpu.dma_semaphore, #tpu.memory_space<semaphore_mem>>
        %dma_start3A_152 = arith.constant 0 : i32
        %dma_start3A_153 = arith.constant 0 : i32
        %dma_start3A_154 = tpu.memref_slice %arg6[%add3A, %add3A_114, %dma_start3A_152, %dma_start3A_153] : memref<32x80x128x16xf32, #tpu.memory_space<hbm>> -> memref<1x1x128x16xf32, #tpu.memory_space<hbm>>
        %dma_start3A_155 = tpu.memref_squeeze %dma_start3A_154 : memref<1x1x128x16xf32, #tpu.memory_space<hbm>> -> memref<128x16xf32, #tpu.memory_space<hbm>>
        %dma_start3A_156 = arith.constant 0 : i32
        %dma_start3A_157 = arith.constant 0 : i32
        %dma_start3A_158 = tpu.memref_slice %arg6[%add3A, %add3A_114, %dma_start3A_156, %dma_start3A_157] : memref<32x80x128x16xf32, #tpu.memory_space<hbm>> -> memref<1x1x128x16xf32, #tpu.memory_space<hbm>>
        %dma_start3A_159 = tpu.memref_squeeze %dma_start3A_158 : memref<1x1x128x16xf32, #tpu.memory_space<hbm>> -> memref<128x16xf32, #tpu.memory_space<hbm>>
        tpu.enqueue_dma source(%arg12 : memref<128x16xf32, #tpu.memory_space<vmem>>) target(%dma_start3A_159 : memref<128x16xf32, #tpu.memory_space<hbm>>) target_semaphore(%run_scoped3A : memref<!tpu.dma_semaphore, #tpu.memory_space<semaphore_mem>>)
        %dma_wait3A_160 = arith.constant 0 : i32
        %dma_wait3A_161 = arith.constant 0 : i32
        %dma_wait3A_162 = tpu.memref_slice %arg6[%add3A, %add3A_114, %dma_wait3A_160, %dma_wait3A_161] : memref<32x80x128x16xf32, #tpu.memory_space<hbm>> -> memref<1x1x128x16xf32, #tpu.memory_space<hbm>>
        %dma_wait3A_163 = tpu.memref_squeeze %dma_wait3A_162 : memref<1x1x128x16xf32, #tpu.memory_space<hbm>> -> memref<128x16xf32, #tpu.memory_space<hbm>>
        %dma_wait3A_164 = arith.constant 0 : i32
        %dma_wait3A_165 = arith.constant 0 : i32
        %dma_wait3A_166 = tpu.memref_slice %arg6[%add3A, %add3A_114, %dma_wait3A_164, %dma_wait3A_165] : memref<32x80x128x16xf32, #tpu.memory_space<hbm>> -> memref<1x1x128x16xf32, #tpu.memory_space<hbm>>
        %dma_wait3A_167 = tpu.memref_squeeze %dma_wait3A_166 : memref<1x1x128x16xf32, #tpu.memory_space<hbm>> -> memref<128x16xf32, #tpu.memory_space<hbm>>
        tpu.wait_dma2 semaphore(%run_scoped3A : memref<!tpu.dma_semaphore, #tpu.memory_space<semaphore_mem>>) src(%arg12 : memref<128x16xf32, #tpu.memory_space<vmem>>) dst(%dma_wait3A_167 : memref<128x16xf32, #tpu.memory_space<hbm>>)
        tpu.yield
      }) : () -> ()
      %add3A_144 = arith.constant 2 : i32
      %add3A_145 = arith.addi %add3A_114, %add3A_144 : i32
      %lt3A_146 = arith.constant 80 : i32
      %lt3A_147 = arith.cmpi slt, %add3A_145, %lt3A_146 : i32
      %convert_element_type3A_148 = arith.extui %lt3A_147 : i1 to i32
      %cond3A_149 = arith.constant 0 : i32
      %cond3A_150 = arith.cmpi ne, %convert_element_type3A_148, %cond3A_149 : i32
      scf.if %cond3A_150 {
        %add3A_152 = arith.constant 2 : i32
        %add3A_153 = arith.addi %add3A_114, %add3A_152 : i32
        %dma_start3A_154 = arith.constant 1 : i32
        %dma_start3A_155 = arith.constant 0 : i32
        %dma_start3A_156 = arith.constant 0 : i32
        %dma_start3A_157 = tpu.memref_slice %arg9[%dma_start3A_154, %dma_start3A_155, %dma_start3A_156] : memref<2x128x128xf32, #tpu.memory_space<vmem>> -> memref<1x128x128xf32, #tpu.memory_space<vmem>>
        %dma_start3A_158 = tpu.memref_squeeze %dma_start3A_157 : memref<1x128x128xf32, #tpu.memory_space<vmem>> -> memref<128x128xf32, #tpu.memory_space<vmem>>
        %dma_start3A_159 = arith.constant 0 : i32
        %dma_start3A_160 = tpu.memref_slice %arg7[%add3A_153, %dma_start3A_159] : memref<80x128xi32, #tpu.memory_space<vmem>> -> memref<1x128xi32, #tpu.memory_space<vmem>>
        %dma_start3A_161 = tpu.memref_squeeze %dma_start3A_160 : memref<1x128xi32, #tpu.memory_space<vmem>> -> memref<128xi32, #tpu.memory_space<vmem>>
        %dma_start3A_162 = arith.constant 0 : i32
        %dma_start3A_163 = arith.constant 0 : i32
        %dma_start3A_164 = tpu.memref_slice %arg2[%dma_start3A_162, %dma_start3A_163] : memref<10112x128xf32, #tpu.memory_space<hbm>> -> memref<10112x128xf32, #tpu.memory_space<hbm>>
        tpu.enqueue_indirect_dma source(%dma_start3A_164 : memref<10112x128xf32, #tpu.memory_space<hbm>>) target(%dma_start3A_158 : memref<128x128xf32, #tpu.memory_space<vmem>>) offsets(%dma_start3A_161 : memref<128xi32, #tpu.memory_space<vmem>>) semaphore(%arg14 : memref<!tpu.dma_semaphore, #tpu.memory_space<semaphore_mem>>)
        %add3A_165 = arith.constant 2 : i32
        %add3A_166 = arith.addi %add3A_114, %add3A_165 : i32
        %dma_start3A_167 = arith.constant 1 : i32
        %dma_start3A_168 = arith.constant 0 : i32
        %dma_start3A_169 = arith.constant 0 : i32
        %dma_start3A_170 = tpu.memref_slice %arg10[%dma_start3A_167, %dma_start3A_168, %dma_start3A_169] : memref<2x128x128xf32, #tpu.memory_space<vmem>> -> memref<1x128x128xf32, #tpu.memory_space<vmem>>
        %dma_start3A_171 = tpu.memref_squeeze %dma_start3A_170 : memref<1x128x128xf32, #tpu.memory_space<vmem>> -> memref<128x128xf32, #tpu.memory_space<vmem>>
        %dma_start3A_172 = arith.constant 0 : i32
        %dma_start3A_173 = tpu.memref_slice %arg8[%add3A_166, %dma_start3A_172] : memref<80x128xi32, #tpu.memory_space<vmem>> -> memref<1x128xi32, #tpu.memory_space<vmem>>
        %dma_start3A_174 = tpu.memref_squeeze %dma_start3A_173 : memref<1x128xi32, #tpu.memory_space<vmem>> -> memref<128xi32, #tpu.memory_space<vmem>>
        %dma_start3A_175 = arith.constant 0 : i32
        %dma_start3A_176 = arith.constant 0 : i32
        %dma_start3A_177 = tpu.memref_slice %arg2[%dma_start3A_175, %dma_start3A_176] : memref<10112x128xf32, #tpu.memory_space<hbm>> -> memref<10112x128xf32, #tpu.memory_space<hbm>>
        tpu.enqueue_indirect_dma source(%dma_start3A_177 : memref<10112x128xf32, #tpu.memory_space<hbm>>) target(%dma_start3A_171 : memref<128x128xf32, #tpu.memory_space<vmem>>) offsets(%dma_start3A_174 : memref<128xi32, #tpu.memory_space<vmem>>) semaphore(%arg16 : memref<!tpu.dma_semaphore, #tpu.memory_space<semaphore_mem>>)
      } else {
      }
      %scan3A_151 = arith.constant 0 : i32
      scf.yield %scan3A_151 : i32
    }
    %scan3A_72 = arith.constant 40 : i32
    return
  }
}

module attributes {stable_mosaic.version = 14 : i64} {
  func.func @body(%arg0: i32, %arg1: memref<2000x128xf32, #tpu.memory_space<vmem>>, %arg2: memref<128x64xf32, #tpu.memory_space<vmem>>, %arg3: memref<2000x16xf32, #tpu.memory_space<vmem>>, %arg4: memref<2000x16xf32, #tpu.memory_space<vmem>>, %arg5: memref<2000x64xf32, #tpu.memory_space<vmem>>, %arg6: memref<2000x1xf32, #tpu.memory_space<vmem>>, %arg7: memref<2000x1xf32, #tpu.memory_space<vmem>>) attributes {dimension_semantics = [#tpu.dimension_semantics<arbitrary>], iteration_bounds = array<i64: 5>, scalar_prefetch = 0 : i64, scratch_operands = 0 : i64, tpu.core_type = #tpu.core_type<tc>, window_params = [{transform_indices = @transform_0, window_bounds = array<i64: 2000, 128>}, {pipeline_mode = #tpu.pipeline_mode<synchronous>, transform_indices = @transform_1, window_bounds = array<i64: 128, 64>}, {transform_indices = @transform_2, window_bounds = array<i64: 2000, 16>}, {transform_indices = @transform_3, window_bounds = array<i64: 2000, 16>}, {transform_indices = @transform_4, window_bounds = array<i64: 2000, 64>}, {transform_indices = @transform_5, window_bounds = array<i64: 2000, 1>}, {transform_indices = @transform_6, window_bounds = array<i64: 2000, 1>}]} {
    %get3A = arith.constant 0 : index
    %get3A_0 = arith.constant 0 : index
    %get3A_1 = vector.load %arg3[%get3A, %get3A_0] : memref<2000x16xf32, #tpu.memory_space<vmem>>, vector<2000x1xf32>
    %get3A_2 = arith.constant 0 : index
    %get3A_3 = arith.constant 0 : index
    %get3A_4 = vector.load %arg4[%get3A_2, %get3A_3] : memref<2000x16xf32, #tpu.memory_space<vmem>>, vector<2000x1xf32>
    %add3A = arith.addf %get3A_1, %get3A_4 : vector<2000x1xf32>
    %gt3A = arith.constant 0.000000e+00 : f32
    %gt3A_5 = vector.broadcast %gt3A : f32 to vector<2000x1xf32>
    %gt3A_6 = arith.cmpf ogt, %add3A, %gt3A_5 : vector<2000x1xf32>
    %jit3A = arith.constant 1.000000e+00 : f32
    %broadcast_in_dim3A = vector.broadcast %jit3A : f32 to vector<2000x1xf32>
    %select_n3A = arith.select %gt3A_6, %add3A, %broadcast_in_dim3A : vector<2000x1xi1>, vector<2000x1xf32>
    %rsqrt3A = math.rsqrt %select_n3A : vector<2000x1xf32>
    %jit3A_7 = arith.constant 0.000000e+00 : f32
    %broadcast_in_dim3A_8 = vector.broadcast %jit3A_7 : f32 to vector<2000x1xf32>
    %select_n3A_9 = arith.select %gt3A_6, %rsqrt3A, %broadcast_in_dim3A_8 : vector<2000x1xi1>, vector<2000x1xf32>
    %add3A_10 = arith.constant 1.000000e+00 : f32
    %add3A_11 = vector.broadcast %add3A_10 : f32 to vector<2000x1xf32>
    %add3A_12 = arith.addf %add3A, %add3A_11 : vector<2000x1xf32>
    %rsqrt3A_13 = math.rsqrt %add3A_12 : vector<2000x1xf32>
    %get3A_14 = arith.constant 0 : index
    %get3A_15 = arith.constant 0 : index
    %get3A_16 = vector.load %arg1[%get3A_14, %get3A_15] : memref<2000x128xf32, #tpu.memory_space<vmem>>, vector<2000x128xf32>
    %get3A_17 = arith.constant 0 : index
    %get3A_18 = arith.constant 0 : index
    %get3A_19 = vector.load %arg2[%get3A_17, %get3A_18] : memref<128x64xf32, #tpu.memory_space<vmem>>, vector<128x64xf32>
    %dot_general3A = arith.constant dense<0.000000e+00> : vector<2000x64xf32>
    %dot_general3A_20 = tpu.matmul %get3A_16, %get3A_19, %dot_general3A {dimension_numbers = #tpu.dot_dimension_numbers<[1], [0], [0], [1], [0, 0, 1, 1], [], []>, transpose_lhs_hint = false} : vector<2000x128xf32>, vector<128x64xf32>, vector<2000x64xf32> -> vector<2000x64xf32>
    %mul3A = vector.broadcast %select_n3A_9 : vector<2000x1xf32> to vector<2000x64xf32>
    %mul3A_21 = arith.mulf %mul3A, %dot_general3A_20 : vector<2000x64xf32>
    %swap3A = arith.constant 0 : index
    %swap3A_22 = arith.constant 0 : index
    %swap3A_23 = vector.load %arg5[%swap3A, %swap3A_22] : memref<2000x64xf32, #tpu.memory_space<vmem>>, vector<2000x64xf32>
    tpu.vector_store %arg5[%swap3A, %swap3A_22], %mul3A_21 {strides = array<i32>} : memref<2000x64xf32, #tpu.memory_space<vmem>>, vector<2000x64xf32>,
    %swap3A_24 = arith.constant 0 : index
    %swap3A_25 = arith.constant 0 : index
    %swap3A_26 = vector.load %arg6[%swap3A_24, %swap3A_25] : memref<2000x1xf32, #tpu.memory_space<vmem>>, vector<2000x1xf32>
    tpu.vector_store %arg6[%swap3A_24, %swap3A_25], %select_n3A_9 {strides = array<i32>} : memref<2000x1xf32, #tpu.memory_space<vmem>>, vector<2000x1xf32>,
    %swap3A_27 = arith.constant 0 : index
    %swap3A_28 = arith.constant 0 : index
    %swap3A_29 = vector.load %arg7[%swap3A_27, %swap3A_28] : memref<2000x1xf32, #tpu.memory_space<vmem>>, vector<2000x1xf32>
    tpu.vector_store %arg7[%swap3A_27, %swap3A_28], %rsqrt3A_13 {strides = array<i32>} : memref<2000x1xf32, #tpu.memory_space<vmem>>, vector<2000x1xf32>,
    return
  }
  func.func @transform_0(%arg0: i32) -> (i32, i32) {
    %c0_i32 = arith.constant 0 : i32
    %c0_i32_0 = arith.constant 0 : i32
    return %arg0, %c0_i32 : i32, i32
  }
  func.func @transform_1(%arg0: i32) -> (i32, i32) {
    %c0_i32 = arith.constant 0 : i32
    %c0_i32_0 = arith.constant 0 : i32
    %c0_i32_1 = arith.constant 0 : i32
    return %c0_i32, %c0_i32_0 : i32, i32
  }
  func.func @transform_2(%arg0: i32) -> (i32, i32) {
    %c0_i32 = arith.constant 0 : i32
    %c0_i32_0 = arith.constant 0 : i32
    return %arg0, %c0_i32 : i32, i32
  }
  func.func @transform_3(%arg0: i32) -> (i32, i32) {
    %c0_i32 = arith.constant 0 : i32
    %c0_i32_0 = arith.constant 0 : i32
    return %arg0, %c0_i32 : i32, i32
  }
  func.func @transform_4(%arg0: i32) -> (i32, i32) {
    %c0_i32 = arith.constant 0 : i32
    %c0_i32_0 = arith.constant 0 : i32
    return %arg0, %c0_i32 : i32, i32
  }
  func.func @transform_5(%arg0: i32) -> (i32, i32) {
    %c0_i32 = arith.constant 0 : i32
    %c0_i32_0 = arith.constant 0 : i32
    return %arg0, %c0_i32 : i32, i32
  }
  func.func @transform_6(%arg0: i32) -> (i32, i32) {
    %c0_i32 = arith.constant 0 : i32
    %c0_i32_0 = arith.constant 0 : i32
    return %arg0, %c0_i32 : i32, i32
  }
}

module attributes {stable_mosaic.version = 14 : i64} {
  func.func @body(%arg0: i32, %arg1: memref<2000x64xf32, #tpu.memory_space<vmem>>, %arg2: memref<2000x64xf32, #tpu.memory_space<vmem>>, %arg3: memref<2000x1xf32, #tpu.memory_space<vmem>>, %arg4: memref<2000x1xf32, #tpu.memory_space<vmem>>, %arg5: memref<1x64xf32, #tpu.memory_space<vmem>>, %arg6: memref<64x64xf32, #tpu.memory_space<vmem>>, %arg7: memref<2000x64xf32, #tpu.memory_space<vmem>>) attributes {dimension_semantics = [#tpu.dimension_semantics<arbitrary>], iteration_bounds = array<i64: 5>, scalar_prefetch = 0 : i64, scratch_operands = 0 : i64, tpu.core_type = #tpu.core_type<tc>, window_params = [{transform_indices = @transform_0, window_bounds = array<i64: 2000, 64>}, {transform_indices = @transform_1, window_bounds = array<i64: 2000, 64>}, {transform_indices = @transform_2, window_bounds = array<i64: 2000, 1>}, {transform_indices = @transform_3, window_bounds = array<i64: 2000, 1>}, {pipeline_mode = #tpu.pipeline_mode<synchronous>, transform_indices = @transform_4, window_bounds = array<i64: 1, 64>}, {pipeline_mode = #tpu.pipeline_mode<synchronous>, transform_indices = @transform_5, window_bounds = array<i64: 64, 64>}, {transform_indices = @transform_6, window_bounds = array<i64: 2000, 64>}]} {
    %get3A = arith.constant 0 : index
    %get3A_0 = arith.constant 0 : index
    %get3A_1 = vector.load %arg3[%get3A, %get3A_0] : memref<2000x1xf32, #tpu.memory_space<vmem>>, vector<2000x1xf32>
    %get3A_2 = arith.constant 0 : index
    %get3A_3 = arith.constant 0 : index
    %get3A_4 = vector.load %arg1[%get3A_2, %get3A_3] : memref<2000x64xf32, #tpu.memory_space<vmem>>, vector<2000x64xf32>
    %get3A_5 = arith.constant 0 : index
    %get3A_6 = arith.constant 0 : index
    %get3A_7 = vector.load %arg2[%get3A_5, %get3A_6] : memref<2000x64xf32, #tpu.memory_space<vmem>>, vector<2000x64xf32>
    %add3A = arith.addf %get3A_4, %get3A_7 : vector<2000x64xf32>
    %mul3A = vector.broadcast %get3A_1 : vector<2000x1xf32> to vector<2000x64xf32>
    %mul3A_8 = arith.mulf %mul3A, %add3A : vector<2000x64xf32>
    %get3A_9 = arith.constant 0 : index
    %get3A_10 = arith.constant 0 : index
    %get3A_11 = vector.load %arg5[%get3A_9, %get3A_10] : memref<1x64xf32, #tpu.memory_space<vmem>>, vector<1x64xf32>
    %add3A_12 = vector.broadcast %get3A_11 : vector<1x64xf32> to vector<2000x64xf32>
    %add3A_13 = arith.addf %mul3A_8, %add3A_12 : vector<2000x64xf32>
    %max3A = arith.constant 0.000000e+00 : f32
    %max3A_14 = vector.broadcast %max3A : f32 to vector<2000x64xf32>
    %max3A_15 = arith.maximumf %add3A_13, %max3A_14 : vector<2000x64xf32>
    %get3A_16 = arith.constant 0 : index
    %get3A_17 = arith.constant 0 : index
    %get3A_18 = vector.load %arg4[%get3A_16, %get3A_17] : memref<2000x1xf32, #tpu.memory_space<vmem>>, vector<2000x1xf32>
    %get3A_19 = arith.constant 0 : index
    %get3A_20 = arith.constant 0 : index
    %get3A_21 = vector.load %arg6[%get3A_19, %get3A_20] : memref<64x64xf32, #tpu.memory_space<vmem>>, vector<64x64xf32>
    %dot_general3A = arith.constant dense<0.000000e+00> : vector<2000x64xf32>
    %dot_general3A_22 = tpu.matmul %max3A_15, %get3A_21, %dot_general3A {dimension_numbers = #tpu.dot_dimension_numbers<[1], [0], [0], [1], [0, 0, 1, 1], [], []>, transpose_lhs_hint = false} : vector<2000x64xf32>, vector<64x64xf32>, vector<2000x64xf32> -> vector<2000x64xf32>
    %mul3A_23 = vector.broadcast %get3A_18 : vector<2000x1xf32> to vector<2000x64xf32>
    %mul3A_24 = arith.mulf %mul3A_23, %dot_general3A_22 : vector<2000x64xf32>
    %swap3A = arith.constant 0 : index
    %swap3A_25 = arith.constant 0 : index
    %swap3A_26 = vector.load %arg7[%swap3A, %swap3A_25] : memref<2000x64xf32, #tpu.memory_space<vmem>>, vector<2000x64xf32>
    tpu.vector_store %arg7[%swap3A, %swap3A_25], %mul3A_24 {strides = array<i32>} : memref<2000x64xf32, #tpu.memory_space<vmem>>, vector<2000x64xf32>,
    return
  }
  func.func @transform_0(%arg0: i32) -> (i32, i32) {
    %c0_i32 = arith.constant 0 : i32
    %c0_i32_0 = arith.constant 0 : i32
    return %arg0, %c0_i32 : i32, i32
  }
  func.func @transform_1(%arg0: i32) -> (i32, i32) {
    %c0_i32 = arith.constant 0 : i32
    %c0_i32_0 = arith.constant 0 : i32
    return %arg0, %c0_i32 : i32, i32
  }
  func.func @transform_2(%arg0: i32) -> (i32, i32) {
    %c0_i32 = arith.constant 0 : i32
    %c0_i32_0 = arith.constant 0 : i32
    return %arg0, %c0_i32 : i32, i32
  }
  func.func @transform_3(%arg0: i32) -> (i32, i32) {
    %c0_i32 = arith.constant 0 : i32
    %c0_i32_0 = arith.constant 0 : i32
    return %arg0, %c0_i32 : i32, i32
  }
  func.func @transform_4(%arg0: i32) -> (i32, i32) {
    %c0_i32 = arith.constant 0 : i32
    %c0_i32_0 = arith.constant 0 : i32
    %c0_i32_1 = arith.constant 0 : i32
    return %c0_i32, %c0_i32_0 : i32, i32
  }
  func.func @transform_5(%arg0: i32) -> (i32, i32) {
    %c0_i32 = arith.constant 0 : i32
    %c0_i32_0 = arith.constant 0 : i32
    %c0_i32_1 = arith.constant 0 : i32
    return %c0_i32, %c0_i32_0 : i32, i32
  }
  func.func @transform_6(%arg0: i32) -> (i32, i32) {
    %c0_i32 = arith.constant 0 : i32
    %c0_i32_0 = arith.constant 0 : i32
    return %arg0, %c0_i32 : i32, i32
  }
}

module attributes {stable_mosaic.version = 14 : i64} {
  func.func @body(%arg0: i32, %arg1: memref<2000x64xf32, #tpu.memory_space<vmem>>, %arg2: memref<2000x64xf32, #tpu.memory_space<vmem>>, %arg3: memref<2000x64xf32, #tpu.memory_space<vmem>>, %arg4: memref<2000x1xf32, #tpu.memory_space<vmem>>, %arg5: memref<1x64xf32, #tpu.memory_space<vmem>>, %arg6: memref<64x64xf32, #tpu.memory_space<vmem>>, %arg7: memref<64x64xf32, #tpu.memory_space<vmem>>, %arg8: memref<1x64xf32, #tpu.memory_space<vmem>>, %arg9: memref<2000x64xf32, #tpu.memory_space<vmem>>, %arg10: memref<2000x64xf32, #tpu.memory_space<vmem>>) attributes {dimension_semantics = [#tpu.dimension_semantics<arbitrary>], iteration_bounds = array<i64: 5>, scalar_prefetch = 0 : i64, scratch_operands = 0 : i64, tpu.core_type = #tpu.core_type<tc>, window_params = [{transform_indices = @transform_0, window_bounds = array<i64: 2000, 64>}, {transform_indices = @transform_1, window_bounds = array<i64: 2000, 64>}, {transform_indices = @transform_2, window_bounds = array<i64: 2000, 64>}, {transform_indices = @transform_3, window_bounds = array<i64: 2000, 1>}, {pipeline_mode = #tpu.pipeline_mode<synchronous>, transform_indices = @transform_4, window_bounds = array<i64: 1, 64>}, {pipeline_mode = #tpu.pipeline_mode<synchronous>, transform_indices = @transform_5, window_bounds = array<i64: 64, 64>}, {pipeline_mode = #tpu.pipeline_mode<synchronous>, transform_indices = @transform_6, window_bounds = array<i64: 64, 64>}, {pipeline_mode = #tpu.pipeline_mode<synchronous>, transform_indices = @transform_7, window_bounds = array<i64: 1, 64>}, {transform_indices = @transform_8, window_bounds = array<i64: 2000, 64>}, {transform_indices = @transform_9, window_bounds = array<i64: 2000, 64>}]} {
    %get3A = arith.constant 0 : index
    %get3A_0 = arith.constant 0 : index
    %get3A_1 = vector.load %arg4[%get3A, %get3A_0] : memref<2000x1xf32, #tpu.memory_space<vmem>>, vector<2000x1xf32>
    %get3A_2 = arith.constant 0 : index
    %get3A_3 = arith.constant 0 : index
    %get3A_4 = vector.load %arg1[%get3A_2, %get3A_3] : memref<2000x64xf32, #tpu.memory_space<vmem>>, vector<2000x64xf32>
    %get3A_5 = arith.constant 0 : index
    %get3A_6 = arith.constant 0 : index
    %get3A_7 = vector.load %arg2[%get3A_5, %get3A_6] : memref<2000x64xf32, #tpu.memory_space<vmem>>, vector<2000x64xf32>
    %add3A = arith.addf %get3A_4, %get3A_7 : vector<2000x64xf32>
    %get3A_8 = arith.constant 0 : index
    %get3A_9 = arith.constant 0 : index
    %get3A_10 = vector.load %arg3[%get3A_8, %get3A_9] : memref<2000x64xf32, #tpu.memory_space<vmem>>, vector<2000x64xf32>
    %add3A_11 = arith.addf %add3A, %get3A_10 : vector<2000x64xf32>
    %mul3A = vector.broadcast %get3A_1 : vector<2000x1xf32> to vector<2000x64xf32>
    %mul3A_12 = arith.mulf %mul3A, %add3A_11 : vector<2000x64xf32>
    %get3A_13 = arith.constant 0 : index
    %get3A_14 = arith.constant 0 : index
    %get3A_15 = vector.load %arg5[%get3A_13, %get3A_14] : memref<1x64xf32, #tpu.memory_space<vmem>>, vector<1x64xf32>
    %add3A_16 = vector.broadcast %get3A_15 : vector<1x64xf32> to vector<2000x64xf32>
    %add3A_17 = arith.addf %mul3A_12, %add3A_16 : vector<2000x64xf32>
    %max3A = arith.constant 0.000000e+00 : f32
    %max3A_18 = vector.broadcast %max3A : f32 to vector<2000x64xf32>
    %max3A_19 = arith.maximumf %add3A_17, %max3A_18 : vector<2000x64xf32>
    %get3A_20 = arith.constant 0 : index
    %get3A_21 = arith.constant 0 : index
    %get3A_22 = vector.load %arg6[%get3A_20, %get3A_21] : memref<64x64xf32, #tpu.memory_space<vmem>>, vector<64x64xf32>
    %dot_general3A = arith.constant dense<0.000000e+00> : vector<2000x64xf32>
    %dot_general3A_23 = tpu.matmul %max3A_19, %get3A_22, %dot_general3A {dimension_numbers = #tpu.dot_dimension_numbers<[1], [0], [0], [1], [0, 0, 1, 1], [], []>, transpose_lhs_hint = false} : vector<2000x64xf32>, vector<64x64xf32>, vector<2000x64xf32> -> vector<2000x64xf32>
    %get3A_24 = arith.constant 0 : index
    %get3A_25 = arith.constant 0 : index
    %get3A_26 = vector.load %arg8[%get3A_24, %get3A_25] : memref<1x64xf32, #tpu.memory_space<vmem>>, vector<1x64xf32>
    %add3A_27 = vector.broadcast %get3A_26 : vector<1x64xf32> to vector<2000x64xf32>
    %add3A_28 = arith.addf %dot_general3A_23, %add3A_27 : vector<2000x64xf32>
    %swap3A = arith.constant 0 : index
    %swap3A_29 = arith.constant 0 : index
    %swap3A_30 = vector.load %arg9[%swap3A, %swap3A_29] : memref<2000x64xf32, #tpu.memory_space<vmem>>, vector<2000x64xf32>
    tpu.vector_store %arg9[%swap3A, %swap3A_29], %add3A_28 {strides = array<i32>} : memref<2000x64xf32, #tpu.memory_space<vmem>>, vector<2000x64xf32>,
    %get3A_31 = arith.constant 0 : index
    %get3A_32 = arith.constant 0 : index
    %get3A_33 = vector.load %arg7[%get3A_31, %get3A_32] : memref<64x64xf32, #tpu.memory_space<vmem>>, vector<64x64xf32>
    %dot_general3A_34 = arith.constant dense<0.000000e+00> : vector<2000x64xf32>
    %dot_general3A_35 = tpu.matmul %max3A_19, %get3A_33, %dot_general3A_34 {dimension_numbers = #tpu.dot_dimension_numbers<[1], [0], [0], [1], [0, 0, 1, 1], [], []>, transpose_lhs_hint = false} : vector<2000x64xf32>, vector<64x64xf32>, vector<2000x64xf32> -> vector<2000x64xf32>
    %swap3A_36 = arith.constant 0 : index
    %swap3A_37 = arith.constant 0 : index
    %swap3A_38 = vector.load %arg10[%swap3A_36, %swap3A_37] : memref<2000x64xf32, #tpu.memory_space<vmem>>, vector<2000x64xf32>
    tpu.vector_store %arg10[%swap3A_36, %swap3A_37], %dot_general3A_35 {strides = array<i32>} : memref<2000x64xf32, #tpu.memory_space<vmem>>, vector<2000x64xf32>,
    return
  }
  func.func @transform_0(%arg0: i32) -> (i32, i32) {
    %c0_i32 = arith.constant 0 : i32
    %c0_i32_0 = arith.constant 0 : i32
    return %arg0, %c0_i32 : i32, i32
  }
  func.func @transform_1(%arg0: i32) -> (i32, i32) {
    %c0_i32 = arith.constant 0 : i32
    %c0_i32_0 = arith.constant 0 : i32
    return %arg0, %c0_i32 : i32, i32
  }
  func.func @transform_2(%arg0: i32) -> (i32, i32) {
    %c0_i32 = arith.constant 0 : i32
    %c0_i32_0 = arith.constant 0 : i32
    return %arg0, %c0_i32 : i32, i32
  }
  func.func @transform_3(%arg0: i32) -> (i32, i32) {
    %c0_i32 = arith.constant 0 : i32
    %c0_i32_0 = arith.constant 0 : i32
    return %arg0, %c0_i32 : i32, i32
  }
  func.func @transform_4(%arg0: i32) -> (i32, i32) {
    %c0_i32 = arith.constant 0 : i32
    %c0_i32_0 = arith.constant 0 : i32
    %c0_i32_1 = arith.constant 0 : i32
    return %c0_i32, %c0_i32_0 : i32, i32
  }
  func.func @transform_5(%arg0: i32) -> (i32, i32) {
    %c0_i32 = arith.constant 0 : i32
    %c0_i32_0 = arith.constant 0 : i32
    %c0_i32_1 = arith.constant 0 : i32
    return %c0_i32, %c0_i32_0 : i32, i32
  }
  func.func @transform_6(%arg0: i32) -> (i32, i32) {
    %c0_i32 = arith.constant 0 : i32
    %c0_i32_0 = arith.constant 0 : i32
    %c0_i32_1 = arith.constant 0 : i32
    return %c0_i32, %c0_i32_0 : i32, i32
  }
  func.func @transform_7(%arg0: i32) -> (i32, i32) {
    %c0_i32 = arith.constant 0 : i32
    %c0_i32_0 = arith.constant 0 : i32
    %c0_i32_1 = arith.constant 0 : i32
    return %c0_i32, %c0_i32_0 : i32, i32
  }
  func.func @transform_8(%arg0: i32) -> (i32, i32) {
    %c0_i32 = arith.constant 0 : i32
    %c0_i32_0 = arith.constant 0 : i32
    return %arg0, %c0_i32 : i32, i32
  }
  func.func @transform_9(%arg0: i32) -> (i32, i32) {
    %c0_i32 = arith.constant 0 : i32
    %c0_i32_0 = arith.constant 0 : i32
    return %arg0, %c0_i32 : i32, i32
  }
}

module attributes {stable_mosaic.version = 14 : i64} {
  func.func @body(%arg0: i32, %arg1: memref<10240x16xf32, #tpu.memory_space<vmem>>, %arg2: memref<1x1xf32, #tpu.memory_space<vmem>>, %arg3: memref<10240x1xf32, #tpu.memory_space<vmem>>) attributes {dimension_semantics = [#tpu.dimension_semantics<arbitrary>], iteration_bounds = array<i64: 32>, scalar_prefetch = 0 : i64, scratch_operands = 0 : i64, tpu.core_type = #tpu.core_type<tc>, window_params = [{transform_indices = @transform_0, window_bounds = array<i64: 10240, 16>}, {pipeline_mode = #tpu.pipeline_mode<synchronous>, transform_indices = @transform_1, window_bounds = array<i64: 1, 1>}, {transform_indices = @transform_2, window_bounds = array<i64: 10240, 1>}]} {
    %get3A = arith.constant 0 : index
    %get3A_0 = arith.constant 0 : index
    %get3A_1 = vector.load %arg1[%get3A, %get3A_0] : memref<10240x16xf32, #tpu.memory_space<vmem>>, vector<10240x16xf32>
    %reduce_sum3A = arith.constant dense<0.000000e+00> : vector<10240xf32>
    %reduce_sum3A_2 = vector.multi_reduction <add>, %get3A_1, %reduce_sum3A [1] : vector<10240x16xf32> to vector<10240xf32>
    %broadcast_in_dim3A = vector.shape_cast %reduce_sum3A_2 : vector<10240xf32> to vector<10240x1xf32>
    %get3A_3 = arith.constant 0 : index
    %get3A_4 = arith.constant 0 : index
    %get3A_5 = vector.load %arg2[%get3A_3, %get3A_4] : memref<1x1xf32, #tpu.memory_space<vmem>>, vector<1x1xf32>
    %get3A_6 = vector.extract %get3A_5[0, 0] : f32 from vector<1x1xf32>
    %add3A = vector.broadcast %get3A_6 : f32 to vector<10240x1xf32>
    %add3A_7 = arith.addf %broadcast_in_dim3A, %add3A : vector<10240x1xf32>
    %neg3A = arith.constant 0.000000e+00 : f32
    %neg3A_8 = vector.broadcast %neg3A : f32 to vector<10240x1xf32>
    %neg3A_9 = arith.subf %neg3A_8, %add3A_7 : vector<10240x1xf32>
    %exp3A = math.exp %neg3A_9 : vector<10240x1xf32>
    %add3A_10 = arith.constant 1.000000e+00 : f32
    %add3A_11 = vector.broadcast %add3A_10 : f32 to vector<10240x1xf32>
    %add3A_12 = arith.addf %add3A_11, %exp3A : vector<10240x1xf32>
    %div3A = arith.constant 1.000000e+00 : f32
    %div3A_13 = vector.broadcast %div3A : f32 to vector<10240x1xf32>
    %div3A_14 = arith.divf %div3A_13, %add3A_12 : vector<10240x1xf32>
    %swap3A = arith.constant 0 : index
    %swap3A_15 = arith.constant 0 : index
    %swap3A_16 = vector.load %arg3[%swap3A, %swap3A_15] : memref<10240x1xf32, #tpu.memory_space<vmem>>, vector<10240x1xf32>
    tpu.vector_store %arg3[%swap3A, %swap3A_15], %div3A_14 {strides = array<i32>} : memref<10240x1xf32, #tpu.memory_space<vmem>>, vector<10240x1xf32>,
    return
  }
  func.func @transform_0(%arg0: i32) -> (i32, i32) {
    %c0_i32 = arith.constant 0 : i32
    %c0_i32_0 = arith.constant 0 : i32
    return %arg0, %c0_i32 : i32, i32
  }
  func.func @transform_1(%arg0: i32) -> (i32, i32) {
    %c0_i32 = arith.constant 0 : i32
    %c0_i32_0 = arith.constant 0 : i32
    %c0_i32_1 = arith.constant 0 : i32
    return %c0_i32, %c0_i32_0 : i32, i32
  }
  func.func @transform_2(%arg0: i32) -> (i32, i32) {
    %c0_i32 = arith.constant 0 : i32
    %c0_i32_0 = arith.constant 0 : i32
    return %arg0, %c0_i32 : i32, i32
  }
}

</mosaic_0001>

<sc_bundles>
// kernel: kernel.10.cloned.1.call-start
scs
__scs_entry_jumppad:
0x0: {  	(pc) =	sbr.rel $0x88, $3  }
0x1: {  	(tag) =	ssettag $0x0;
	lr =	simm.s32 $0x1  }
0x2: {  	[smem:$0x3F97] =	sst lr;
	_ =	strace $0xD0000000  }
0x3: {  	_ = 	snop  }
0x4: {  	_ = 	snop  }
0x5: {  	_ = 	snop  }
0x6: {  	_ = 	snop  }
0x7: {  	_ = 	snop  }
__scs_overlays_trampoline_lowered:
0x8: {  	[smem:$0x3FA6] =	sst s0  }
0x9: {  	[smem:$0x3FA7] =	sst s1  }
0xa: {  	[smem:$0x3FA8] =	sst s2  }
0xb: {  	[smem:$0x3FA9] =	sst s3  }
0xc: {  	[smem:$0x3FAA] =	sst s4  }
0xd: {  	[smem:$0x3FAB] =	sst s5  }
0xe: {  	[smem:$0x3FAC] =	sst s6  }
0xf: {  	[smem:$0x3FAD] =	sst s7  }
0x10: {  	[smem:$0x3FAE] =	sst s8  }
0x11: {  	[smem:$0x3FAF] =	sst s9;
	s0 =	simm.s32 @!p0 $0x0  }
0x12: {  	s1 =	sld [smem:$0x3F95];
	s0 =	simm.s32 @p0 $0x1  }
0x13: {  	[smem:$0x3FB0] =	sst s0;
	s0 =	simm.s32 @!p1 $0x0  }
0x14: {  	s2 =	sld [smem:$0x3F94];
	s0 =	simm.s32 @p1 $0x1  }
0x15: {  	[smem:$0x3FB1] =	sst s0;
	s0 =	simm.s32 @!p2 $0x0  }
0x16: {  	s3 =	sld [smem:$0x3FDB];
	s0 =	simm.s32 @p2 $0x1  }
0x17: {  	s4 =	simm.s32 $0x1BF5;
	[smem:$0x3FB3] =	sst s0  }
0x18: {  	s0 =	sld [smem:$0x3F96];
	_ =	swait.ge [sflag:s4], $0x0  }
0x19: {  	s7 =	sld [smem:$0x3F97]  }
0x1a: {  	s8 =	sadd.s32 $0xFFFFE003, lr  }
0x1b: {  	s9 =	sadd.s32 $0xFFFFFEF7, lr;
	s5 =	simm.s32 $0xFFFFFFFF;
	p2 =	slt.u32 s8, $0xFFFFF086  }
0x1c: {  	p1 =	slt.u32 s9, $0xF7A;
	s5 =	simm.s32 @!p2 $0x0  }
0x1d: {  	s5 =	simm.s32 @p1 $0x1;
	p0 =	seq.s32 s7, s2  }
0x1e: {  	s7 =	smul.u32 @!p0 $0xF7A, s2;
	p2 =	seq.s32 @!p0 s5, $0x0  }
0x1f: {  	s9 =	smul.u32 $0xF7A, s1;
	s8 =	simm.s32 @!p0 $0x1BF5;
	p2 =	por !p2, p0  }
0x20: {  	[sflag:s8] =	ssyncset.s32 @!p0 $0xFFFFF086;
	s6 =	sadd.s32 @!p0 s3, s7;
	s7 =	simm.s32 @!p0 $0x108  }
0x21: {  	s3 =	sadd.s32 s3, s9;
	s6 =	sadd.s32 @!p0 $0x88, s6;
	s7 =	simm.s32 @p2 $0x1082  }
0x22: {  	[simem:s7], [sflag:s8] =	dma.local @!p0 [hbm:s6], $0xF7A  }
0x23: {  	s9 =	sor.u32 $0xD0000000, s2;
	s6 =	simm.s32 $0x108;
	_ =	swait.ge @!p0 [sflag:s8], $0x0  }
0x24: {  	s3 =	sadd.s32 $0x88, s3;
	s6 =	simm.s32 @!p1 $0x1082;
	[sflag:s4] =	ssyncset.s32 $0xFFFFF086  }
0x25: {  	[simem:s6], [sflag:s4] =	dma.local [hbm:s3], $0xF7A  }
0x26: {  	[smem:$0x3F97] =	sst s1;
	(tag) =	ssettag s2;
	_ =	strace s9  }
0x27: {  	s1 =	sld [smem:$0x3FA7]  }
0x28: {  	s2 =	sld [smem:$0x3FA8]  }
0x29: {  	s4 =	sld [smem:$0x3FAA]  }
0x2a: {  	p0 =	seq.s32 s5, $0x0;
	s5 =	sld [smem:$0x3FAB]  }
0x2b: {  	s6 =	sld [smem:$0x3FAC]  }
0x2c: {  	s7 =	sld [smem:$0x3FAD]  }
0x2d: {  	s3 =	simm.s32 $0x108;
	s8 =	sld [smem:$0x3FAE]  }
0x2e: {  	s3 =	simm.s32 @!p0 $0x1082;
	s9 =	sld [smem:$0x3FAF]  }
0x2f: {  	lr =	sadd.s32 s0, s3;
	s0 =	sld [smem:$0x3FA6]  }
0x30: {  	s3 =	sld [smem:$0x3FA9]  }
0x31: {  	[smem:$0x3FB2] =	sst s10  }
0x32: {  	s10 =	sld [smem:$0x3FB0];
	_ =	sdelay $0x3  }
0x33: {  	p0 =	seq.s32 s10, $0x1;
	s10 =	sld [smem:$0x3FB2];
	_ =	sdelay $0x3  }
0x34: {  	[smem:$0x3FB2] =	sst s10  }
0x35: {  	s10 =	sld [smem:$0x3FB1];
	_ =	sdelay $0x3  }
0x36: {  	p1 =	seq.s32 s10, $0x1;
	s10 =	sld [smem:$0x3FB2];
	_ =	sdelay $0x3  }
0x37: {  	[smem:$0x3FB2] =	sst s10  }
0x38: {  	s10 =	sld [smem:$0x3FB3]  }
0x39: {  	_ = 	snop;
	(pc) =	sbr.ind lr, $3  }
0x3a: {  	_ = 	snop  }
0x3b: {  	_ = 	snop  }
0x3c: {  	p2 =	seq.s32 s10, $0x1;
	s10 =	sld [smem:$0x3FB2]  }
0x3d: {  	_ =	shalt  }
0x3e: {  	_ =	shalt  }
0x3f: {  	_ =	shalt  }
0x40: {  	_ =	shalt  }
0x41: {  	_ =	shalt  }
0x42: {  	_ =	shalt  }
0x43: {  	_ =	shalt  }
0x44: {  	_ =	shalt  }
0x45: {  	_ =	shalt  }
0x46: {  	_ =	shalt  }
0x47: {  	_ =	shalt  }
0x48: {  	_ =	shalt  }
0x49: {  	_ =	shalt  }
0x4a: {  	_ =	shalt  }
0x4b: {  	_ =	shalt  }
0x4c: {  	_ =	shalt  }
0x4d: {  	_ =	shalt  }
0x4e: {  	_ =	shalt  }
0x4f: {  	_ =	shalt  }
0x50: {  	_ =	shalt  }
0x51: {  	_ =	shalt  }
0x52: {  	_ =	shalt  }
0x53: {  	_ =	shalt  }
0x54: {  	_ =	shalt  }
0x55: {  	_ =	shalt  }
0x56: {  	_ =	shalt  }
0x57: {  	_ =	shalt  }
0x58: {  	_ =	shalt  }
0x59: {  	_ =	shalt  }
0x5a: {  	_ =	shalt  }
0x5b: {  	_ =	shalt  }
0x5c: {  	_ =	shalt  }
0x5d: {  	_ =	shalt  }
0x5e: {  	_ =	shalt  }
0x5f: {  	_ =	shalt  }
0x60: {  	_ =	shalt  }
0x61: {  	_ =	shalt  }
0x62: {  	_ =	shalt  }
0x63: {  	_ =	shalt  }
0x64: {  	_ =	shalt  }
0x65: {  	_ =	shalt  }
0x66: {  	_ =	shalt  }
0x67: {  	_ =	shalt  }
0x68: {  	_ =	shalt  }
0x69: {  	_ =	shalt  }
0x6a: {  	_ =	shalt  }
0x6b: {  	_ =	shalt  }
0x6c: {  	_ =	shalt  }
0x6d: {  	_ =	shalt  }
0x6e: {  	_ =	shalt  }
0x6f: {  	_ =	shalt  }
0x70: {  	_ =	shalt  }
0x71: {  	_ =	shalt  }
0x72: {  	_ =	shalt  }
0x73: {  	_ =	shalt  }
0x74: {  	_ =	shalt  }
0x75: {  	_ =	shalt  }
0x76: {  	_ =	shalt  }
0x77: {  	_ =	shalt  }
0x78: {  	_ =	shalt  }
0x79: {  	_ =	shalt  }
0x7a: {  	_ =	shalt  }
0x7b: {  	_ =	shalt  }
0x7c: {  	_ =	shalt  }
0x7d: {  	_ =	shalt  }
0x7e: {  	_ =	shalt  }
0x7f: {  	_ =	shalt  }
0x80: {  	_ =	shalt  }
0x81: {  	_ =	shalt  }
0x82: {  	_ =	shalt  }
0x83: {  	_ =	shalt  }
0x84: {  	_ =	shalt  }
0x85: {  	_ =	shalt  }
0x86: {  	_ =	shalt  }
0x87: {  	_ =	shalt  }
.Lfunc_end0:
.L_simem_size_0:
called_computation_lowered:
.L_overlay_start_0:
0x88: {  	s2 =	sld [smem:$0x3FD9]  }
0x89: {  	s3 =	sld [smem:$0x3FFE];
	_ =	sdelay $0x1  }
0x8a: {  	s1 =	srdreg.scid  }
0x8b: {  	s0 =	sand.u32 $0x1, s1  }
0x8c: {  	s16 =	sshll.u32 s0, $0xA;
	s2 =	sadd.s32 s3, s2  }
0x8d: {  	s2 =	sadd.s32 s2, s16  }
0x8e: {  	[smem:$0x3FBE] =	sst s2  }
0x8f: {  	_ = 	snop  }
0x90: {  	(tm) =	ssettm $0x1  }
0x91: {  	s17 =	sld [smem:$0x3FFB];
	_ =	sdelay $0x3  }
0x92: {  	_ =	strace s17  }
0x93: {  	s2 =	sld [smem:$0x3FFC];
	_ =	sdelay $0x3  }
0x94: {  	_ =	strace s2  }
0x95: {  	s2 =	sld [smem:$0x3FFD];
	_ =	sdelay $0x3  }
0x96: {  	_ =	strace s2  }
0x97: {  	_ =	strace $0x8FFFFFFF  }
0x98: {  	s18 =	sld [smem:$0x3FDB];
	_ =	sdelay $0x1  }
0x99: {  	s19 =	simm.s32 $_scs_section_size  }
0x9a: {  	s4 =	simm.s32 $_size__tile_overlayer_lowered;
	s5 =	simm.s32 $_tile_overlayer_lowered  }
0x9b: {  	s22 =	simm.s32 $0x1BFF;
	s21 =	sshll.u32 s5, $0x1;
	s2 =	sadd.s32 s19, s18  }
0x9c: {  	s6 =	simm.s32 $0x0;
	s20 =	sshll.u32 s4, $0x1;
	s4 =	sadd.s32 s21, s2  }
0x9d: {  	[timem:s6], [sflag:s22] =	dma.local [hbm:s4], s20  }
0x9e: {  	_ =	swait.ge [sflag:s22], s20  }
0x9f: {  	s3 =	ssub.s32 $0x0, s20;
	[sflag:s22] =	ssyncset.done $0x0  }
0xa0: {  	[sflag:s22] =	ssyncadd.s32 s3;
	_ =	sdelay $0x1  }
0xa1: {  	s23 =	simm.s32 $0x1B8B  }
0xa2: {  	_ =	swait.ge [sflag:s23], $0x1  }
0xa3: {  	[sflag:s23] =	ssyncset.done $0x0  }
0xa4: {  	s25 =	simm.s32 $0x1B8E;
	s24 =	sld [smem:$0x3FFE];
	[sflag:s23] =	ssyncadd.s32 $0xFFFFFFFF  }
0xa5: {  	s26 =	simm.s32 $execute0_lowered;
	[smem:$0x3FD2] =	sst s25  }
0xa6: {  	s4 =	sshll.u32 s26, $0x1;
	_ =	strace $0x80000046;
	[dreg:$0x1] =	wrdreg $0xFFFFFFFF  }
0xa7: {  	s28 =	simm.s32 $_size_execute0_lowered;
	s2 =	sadd.s32 s2, s4;
	[dreg:$0x0] =	wrdreg $0x0  }
0xa8: {  	s4 =	sshll.u32 s28, $0x1;
	[dreg:$0x2] =	wrdreg s2  }
0xa9: {  	[dreg:$0x3] =	wrdreg s4  }
0xaa: {  	[dreg:$0x4] =	wrdreg $0xC0  }
0xab: {  	_ =	task [dreg:s6], $0x5FFFF  }
0xac: {  	[dreg:$0x1] =	wrdreg $0xFFFFFFFF  }
0xad: {  	[dreg:$0x0] =	wrdreg $0x60  }
0xae: {  	[dreg:$0x2] =	wrdreg s24  }
0xaf: {  	[dreg:$0x3] =	wrdreg $0x68000  }
0xb0: {  	[dreg:$0x4] =	wrdreg $0x9  }
0xb1: {  	_ =	task.clear_ibuf [dreg:s6], $0x5FFFF;
	_ =	strace $0x90000046  }
0xb2: {  	s29 =	simm.s32 $0x9;
	_ =	strace $0x80000048  }
0xb3: {  	_ =	swait.ge [sflag:s29], $0x1  }
0xb4: {  	[sflag:s29] =	ssyncadd.s32 $0xFFFFFFFF  }
0xb5: {  	_ =	strace $0x90000048  }
0xb6: {  	_ =	sfence  }
0xb7: {  	s30 =	sld [smem:$0x0];
	_ =	sdelay $0x2  }
0xb8: {  	s31 =	sshll.u32 s1, $0xD;
	s1 =	sshrl.u32 s1, $0x2  }
0xb9: {  	s3 =	sand.u32 $0x4000, s31;
	s1 =	sadd.s32 s1, s30  }
0xba: {  	s0 =	sor.u32 s3, s0;
	s1 =	sshll.u32 s1, $0x11  }
0xbb: {  	s0 =	sor.u32 s1, s0  }
0xbc: {  	s0 =	sadd.s32 $0x8F2B, s0  }
0xbd: {  	[sflag:s0] =	ssyncadd.remote.s32 $0x1  }
0xbe: {  	_ =	sfence.sel $0xFFFF  }
0xbf: {  	[dreg:$0x0] =	wrdreg $0xFFFFFFFF;
	(pc) =	sbr.abs _section_cstart, $3  }
0xc0: {  	[dreg:$0x1] =	wrdreg $0xFFFFFFFF  }
0xc1: {  	_ =	task.clear_ibuf [dreg:s6], $0x2FFFF;
	_ =	strace $0x9FFFFFFF  }
0xc2: {  	(tm) =	ssettm $0x7FFFFFFF  }
0xc3: {  	_ =	shalt  }
tec
execute0_lowered:
.L_overlay_start_1:
0x0: {  	(tag) =	ssettag $0x1  }
0x1: {  	s5 =	rddreg [dreg:$0x0]  }
0x2: {  	s0 =	srdreg.scid;
	s2 =	rddreg [dreg:$0x1]  }
0x3: {  	s3 =	simm.s32 $0x0;
	s4 =	sand.u32 $0x1, s0;
	s0 =	stileid.u32  }
0x4: {  	s13 =	simm.s32 $0x1;
	s14 =	simm.s32 $0x80;
	s7 =	smul.u32 $0x2780, s0  }
0x5: {  	[smem:$0x7FF] =	sst s3;
	s1 =	sshll.u32 s4, $0x4;
	s8 =	smul.u32 $0x4F000, s0  }
0x6: {  	s9 =	smul.u32 $0x27800, s4;
	s29 =	ssub.s32 $0x2, s4;
	s15 =	sshll.u32 s0, $0x6  }
0x7: {  	s1 =	sor.u32 s0, s1;
	s31 =	sshrl.u32 s29, $0x1;
	s15 =	sor.u32 $0x1C01, s15  }
0x8: {  	s6 =	smul.u32 $0x500, s1;
	s1 =	rddreg [dreg:$0x2];
	_ =	strace $0x80000047  }
0x9: {  	s30 =	sshrl.u32 s8, $0x2;
	s7 =	sadd.s32 s7, s9;
	s12 =	ssub.s32 s29, s31  }
0xa: {  	s4 =	sadd.s32 s30, s2;
	s11 =	sadd.s32 s7, s5;
	s10 =	sadd.s32 s6, s5  }
0xb: {  	s5 =	sadd.s32 $0x4000, s4;
	s6 =	sadd.s32 $0x8000, s4;
	s7 =	sadd.s32 $0xC000, s4  }
0xc: {  	s8 =	sadd.s32 $0x10000, s4;
	s16 =	sshrl.u32 s4, $0x3;
	s9 =	sadd.s32 $0x2800, s10  }
0xd: {  	v0 =	vimm.f32 $0.0e+00;
	v1 =	vimm.f32 $1.000000000e+00;
	s10 =	sadd.s32 $0xC800, s11;
	s11 =	smax.u32 s12, $0x1;
	s12 =	simm.s32 $0x2800  }
.LBB2_1:
0xe: {  	s17 =	simm.s32 $0x200;
	s18 =	simm.s32 $0x0  }
.LBB2_2:
0xf: {  	p0 =	sne.s32 s17, $0xFE00;
	[tilespmem:s18+$0x2800] =	vst v0;
	s18 =	smov.u32 s17;
	s17 =	sadd.s32 $0x200, s17  }
.Ltmp0:
0x10: {  	(pc) =	sbr.rel @p0 .LBB2_2-.Ltmp0, $2  }
0x11: {  	_ =	sdelay $0x2  }
0x12: {  	s18 =	sshra.s32 s18, $0x2  }
0x13: {  	[tilespmem:s18+$0x2800] =	vst v0  }
0x14: {  	[spmem:s4] =	stream.linear.scatter [tilespmem:s12], [sflag:$0x1], $0x4000, $0x38;
	[tilespmem:$0x8F80] =	vst v63  }
0x15: {  	_ =	swait.ge [sflag:s13], $0x4000  }
0x16: {  	[sflag:s13] =	ssyncset.done $0x0  }
0x17: {  	[sflag:s13] =	ssyncadd.s32 $0xFFFFC000  }
0x18: {  	[spmem:s5] =	stream.linear.scatter [tilespmem:s12], [sflag:$0x1], $0x4000, $0x38;
	[tilespmem:$0x8F80] =	vst v63  }
0x19: {  	_ =	swait.ge [sflag:s13], $0x4000  }
0x1a: {  	[sflag:s13] =	ssyncset.done $0x0  }
0x1b: {  	[sflag:s13] =	ssyncadd.s32 $0xFFFFC000  }
0x1c: {  	[spmem:s6] =	stream.linear.scatter [tilespmem:s12], [sflag:$0x1], $0x4000, $0x38;
	[tilespmem:$0x8F80] =	vst v63  }
0x1d: {  	_ =	swait.ge [sflag:s13], $0x4000  }
0x1e: {  	[sflag:s13] =	ssyncset.done $0x0  }
0x1f: {  	[sflag:s13] =	ssyncadd.s32 $0xFFFFC000  }
0x20: {  	[spmem:s7] =	stream.linear.scatter [tilespmem:s12], [sflag:$0x1], $0x4000, $0x38;
	[tilespmem:$0x8F80] =	vst v63  }
0x21: {  	_ =	swait.ge [sflag:s13], $0x4000  }
0x22: {  	[sflag:s13] =	ssyncset.done $0x0  }
0x23: {  	[sflag:s13] =	ssyncadd.s32 $0xFFFFC000  }
0x24: {  	[spmem:s8] =	stream.linear.scatter [tilespmem:s12], [sflag:$0x1], $0x3C00, $0x38;
	[tilespmem:$0x8F80] =	vst v63  }
0x25: {  	_ =	swait.ge [sflag:s13], $0x3C00  }
0x26: {  	[sflag:s13] =	ssyncset.done $0x0  }
0x27: {  	s17 =	simm.s32 $0x200;
	s18 =	simm.s32 $0x0;
	[sflag:s13] =	ssyncadd.s32 $0xFFFFC400  }
.LBB2_4:
0x28: {  	p0 =	sne.s32 s17, $0xFE00;
	[tilespmem:s18+$0x2800] =	vst v1;
	s18 =	smov.u32 s17;
	s17 =	sadd.s32 $0x200, s17  }
.Ltmp1:
0x29: {  	(pc) =	sbr.rel @p0 .LBB2_4-.Ltmp1, $2  }
0x2a: {  	_ =	sdelay $0x2  }
0x2b: {  	s18 =	sshra.s32 s18, $0x2  }
0x2c: {  	[tilespmem:s18+$0x2800] =	vst v1;
	s17 =	simm.s32 $0x0  }
0x2d: {  	[tilespmem:s17], [sflag:$0x1] =	stream.linear.gather [hbm4b:s9+s17], $0x2800, $0x38;
	[tilespmem:$0x8F80] =	vst v63  }
0x2e: {  	_ =	swait.ge [sflag:s13], $0x2800  }
0x2f: {  	[sflag:s13] =	ssyncset.done $0x0  }
0x30: {  	[sflag:s13] =	ssyncadd.s32 $0xFFFFD800  }
0x31: {  	s31 =	simm.s32 $0x0;
	[bflag:$0x0] =	sbarrier.arrive $0xFFFF  }
0x32: {  	[spmem:s2] =	stream.indirect.scatter.add.f32 [tilespmem:s12], [sflag:$0x1], $0x10, s31, s14, $0xb8;
	[tilespmem:$0x8F80] =	vst v63  }
0x33: {  	_ =	swait.ge [sflag:s13], $0x800  }
0x34: {  	s17 =	simm.s32 $0x200;
	[sflag:s13] =	ssyncset.done $0x0  }
.LBB2_6:
0x35: {  	s18 =	sshra.s32 s17, $0x2;
	[sflag:s13] =	ssyncadd.s32 $0xFFFFF800;
	p0 =	sne.s32 s17, $0x9E00  }
0x36: {  	[spmem:s2] =	stream.indirect.scatter.add.f32 [tilespmem:s12], [sflag:$0x1], $0x10, s18, s14, $0xb8;
	[tilespmem:$0x8F80] =	vst v63  }
.Ltmp2:
0x37: {  	_ = 	snop;
	(pc) =	sbr.rel @p0 .LBB2_6-.Ltmp2, $4  }
0x38: {  	_ = 	snop  }
0x39: {  	s17 =	sadd.s32 $0x200, s17  }
0x3a: {  	_ =	swait.ge [sflag:s13], $0x800  }
0x3b: {  	[sflag:s13] =	ssyncset.done $0x0  }
0x3c: {  	s3 =	sadd.s32 $0x1, s3  }
0x3d: {  	[sflag:s13] =	ssyncadd.s32 $0xFFFFF800;
	p0 =	sne.s32 s3, s11  }
.Ltmp3:
0x3e: {  	[bflag:$0x0] =	sbarrier.arrive $0xFFFF;
	(pc) =	sbr.rel @p0 .LBB2_1-.Ltmp3, $4  }
0x3f: {  	[hbm:s10], [sflag:s15] =	dma.local [spmem:s16], $0x2780  }
0x40: {  	_ =	swait.ge [sflag:s13], $0x2780  }
0x41: {  	[sflag:s13] =	ssyncset.done $0x0  }
0x42: {  	[sflag:s13] =	ssyncadd.s32 $0xFFFFD880  }
0x43: {  	_ =	sfence.sel $0x180000  }
0x44: {  	[bflag:$0x0] =	sbarrier.arrive $0xFFFF  }
0x45: {  	p0 =	sne.s32 s0, $0x0;
	_ =	strace $0x90000047  }
0x46: {  	s0 =	sadd.s32 @!p0 $0x100000, s1;
	[bflag:$0x2] =	sbarrier.arrive $0xFFFF  }
0x47: {  	[sflag:s0] =	ssyncadd.tile.s32 @!p0 $0x1;
	_ =	shalt  }
.Lfunc_end2:
_tile_overlayer_lowered:
.L_overlay_start_2:
0x48: {  	(tag) =	ssettag $0x2  }
0x49: {  	s0 =	rddreg [dreg:$0x0];
	s2 =	stileid.u32  }
0x4a: {  	s1 =	rddreg [dreg:$0x1];
	p0 =	sne.s32 s2, $0x0  }
0x4b: {  	s3 =	rddreg [dreg:$0x2];
	[bflag:$0x3] =	sbarrier.arrive $0xFFFF;
	s2 =	simm.s32 @!p0 $0x1C01  }
0x4c: {  	[timem:s3], [sflag:s2] =	dma.local @!p0 [hbm:s0], s1  }
0x4d: {  	s0 =	simm.s32 @!p0 $0x1  }
0x4e: {  	_ =	swait.ge @!p0 [sflag:s0], s1  }
0x4f: {  	s1 =	ssub.s32 @!p0 $0x0, s1;
	[sflag:s0] =	ssyncset.done @!p0 $0x0  }
0x50: {  	[sflag:s0] =	ssyncadd.s32 @!p0 s1  }
0x51: {  	[bflag:$0x3] =	sbarrier.arrive $0xFFFF  }
0x52: {  	_ =	shalt  }

// kernel: kernel.13.cloned.1.call-start
scs
__scs_entry_jumppad:
0x0: {  	(pc) =	sbr.rel $0x88, $3  }
0x1: {  	(tag) =	ssettag $0x0;
	lr =	simm.s32 $0x1  }
0x2: {  	[smem:$0x3F97] =	sst lr;
	_ =	strace $0xD0000000  }
0x3: {  	_ = 	snop  }
0x4: {  	_ = 	snop  }
0x5: {  	_ = 	snop  }
0x6: {  	_ = 	snop  }
0x7: {  	_ = 	snop  }
__scs_overlays_trampoline_lowered:
0x8: {  	[smem:$0x3FA6] =	sst s0  }
0x9: {  	[smem:$0x3FA7] =	sst s1  }
0xa: {  	[smem:$0x3FA8] =	sst s2  }
0xb: {  	[smem:$0x3FA9] =	sst s3  }
0xc: {  	[smem:$0x3FAA] =	sst s4  }
0xd: {  	[smem:$0x3FAB] =	sst s5  }
0xe: {  	[smem:$0x3FAC] =	sst s6  }
0xf: {  	[smem:$0x3FAD] =	sst s7  }
0x10: {  	[smem:$0x3FAE] =	sst s8  }
0x11: {  	[smem:$0x3FAF] =	sst s9;
	s0 =	simm.s32 @!p0 $0x0  }
0x12: {  	s1 =	sld [smem:$0x3F95];
	s0 =	simm.s32 @p0 $0x1  }
0x13: {  	[smem:$0x3FB0] =	sst s0;
	s0 =	simm.s32 @!p1 $0x0  }
0x14: {  	s2 =	sld [smem:$0x3F94];
	s0 =	simm.s32 @p1 $0x1  }
0x15: {  	[smem:$0x3FB1] =	sst s0;
	s0 =	simm.s32 @!p2 $0x0  }
0x16: {  	s3 =	sld [smem:$0x3FDB];
	s0 =	simm.s32 @p2 $0x1  }
0x17: {  	s4 =	simm.s32 $0x1BF5;
	[smem:$0x3FB3] =	sst s0  }
0x18: {  	s0 =	sld [smem:$0x3F96];
	_ =	swait.ge [sflag:s4], $0x0  }
0x19: {  	s7 =	sld [smem:$0x3F97]  }
0x1a: {  	s8 =	sadd.s32 $0xFFFFE003, lr  }
0x1b: {  	s9 =	sadd.s32 $0xFFFFFEF7, lr;
	s5 =	simm.s32 $0xFFFFFFFF;
	p2 =	slt.u32 s8, $0xFFFFF086  }
0x1c: {  	p1 =	slt.u32 s9, $0xF7A;
	s5 =	simm.s32 @!p2 $0x0  }
0x1d: {  	s5 =	simm.s32 @p1 $0x1;
	p0 =	seq.s32 s7, s2  }
0x1e: {  	s7 =	smul.u32 @!p0 $0xF7A, s2;
	p2 =	seq.s32 @!p0 s5, $0x0  }
0x1f: {  	s9 =	smul.u32 $0xF7A, s1;
	s8 =	simm.s32 @!p0 $0x1BF5;
	p2 =	por !p2, p0  }
0x20: {  	[sflag:s8] =	ssyncset.s32 @!p0 $0xFFFFF086;
	s6 =	sadd.s32 @!p0 s3, s7;
	s7 =	simm.s32 @!p0 $0x108  }
0x21: {  	s3 =	sadd.s32 s3, s9;
	s6 =	sadd.s32 @!p0 $0x88, s6;
	s7 =	simm.s32 @p2 $0x1082  }
0x22: {  	[simem:s7], [sflag:s8] =	dma.local @!p0 [hbm:s6], $0xF7A  }
0x23: {  	s9 =	sor.u32 $0xD0000000, s2;
	s6 =	simm.s32 $0x108;
	_ =	swait.ge @!p0 [sflag:s8], $0x0  }
0x24: {  	s3 =	sadd.s32 $0x88, s3;
	s6 =	simm.s32 @!p1 $0x1082;
	[sflag:s4] =	ssyncset.s32 $0xFFFFF086  }
0x25: {  	[simem:s6], [sflag:s4] =	dma.local [hbm:s3], $0xF7A  }
0x26: {  	[smem:$0x3F97] =	sst s1;
	(tag) =	ssettag s2;
	_ =	strace s9  }
0x27: {  	s1 =	sld [smem:$0x3FA7]  }
0x28: {  	s2 =	sld [smem:$0x3FA8]  }
0x29: {  	s4 =	sld [smem:$0x3FAA]  }
0x2a: {  	p0 =	seq.s32 s5, $0x0;
	s5 =	sld [smem:$0x3FAB]  }
0x2b: {  	s6 =	sld [smem:$0x3FAC]  }
0x2c: {  	s7 =	sld [smem:$0x3FAD]  }
0x2d: {  	s3 =	simm.s32 $0x108;
	s8 =	sld [smem:$0x3FAE]  }
0x2e: {  	s3 =	simm.s32 @!p0 $0x1082;
	s9 =	sld [smem:$0x3FAF]  }
0x2f: {  	lr =	sadd.s32 s0, s3;
	s0 =	sld [smem:$0x3FA6]  }
0x30: {  	s3 =	sld [smem:$0x3FA9]  }
0x31: {  	[smem:$0x3FB2] =	sst s10  }
0x32: {  	s10 =	sld [smem:$0x3FB0];
	_ =	sdelay $0x3  }
0x33: {  	p0 =	seq.s32 s10, $0x1;
	s10 =	sld [smem:$0x3FB2];
	_ =	sdelay $0x3  }
0x34: {  	[smem:$0x3FB2] =	sst s10  }
0x35: {  	s10 =	sld [smem:$0x3FB1];
	_ =	sdelay $0x3  }
0x36: {  	p1 =	seq.s32 s10, $0x1;
	s10 =	sld [smem:$0x3FB2];
	_ =	sdelay $0x3  }
0x37: {  	[smem:$0x3FB2] =	sst s10  }
0x38: {  	s10 =	sld [smem:$0x3FB3]  }
0x39: {  	_ = 	snop;
	(pc) =	sbr.ind lr, $3  }
0x3a: {  	_ = 	snop  }
0x3b: {  	_ = 	snop  }
0x3c: {  	p2 =	seq.s32 s10, $0x1;
	s10 =	sld [smem:$0x3FB2]  }
0x3d: {  	_ =	shalt  }
0x3e: {  	_ =	shalt  }
0x3f: {  	_ =	shalt  }
0x40: {  	_ =	shalt  }
0x41: {  	_ =	shalt  }
0x42: {  	_ =	shalt  }
0x43: {  	_ =	shalt  }
0x44: {  	_ =	shalt  }
0x45: {  	_ =	shalt  }
0x46: {  	_ =	shalt  }
0x47: {  	_ =	shalt  }
0x48: {  	_ =	shalt  }
0x49: {  	_ =	shalt  }
0x4a: {  	_ =	shalt  }
0x4b: {  	_ =	shalt  }
0x4c: {  	_ =	shalt  }
0x4d: {  	_ =	shalt  }
0x4e: {  	_ =	shalt  }
0x4f: {  	_ =	shalt  }
0x50: {  	_ =	shalt  }
0x51: {  	_ =	shalt  }
0x52: {  	_ =	shalt  }
0x53: {  	_ =	shalt  }
0x54: {  	_ =	shalt  }
0x55: {  	_ =	shalt  }
0x56: {  	_ =	shalt  }
0x57: {  	_ =	shalt  }
0x58: {  	_ =	shalt  }
0x59: {  	_ =	shalt  }
0x5a: {  	_ =	shalt  }
0x5b: {  	_ =	shalt  }
0x5c: {  	_ =	shalt  }
0x5d: {  	_ =	shalt  }
0x5e: {  	_ =	shalt  }
0x5f: {  	_ =	shalt  }
0x60: {  	_ =	shalt  }
0x61: {  	_ =	shalt  }
0x62: {  	_ =	shalt  }
0x63: {  	_ =	shalt  }
0x64: {  	_ =	shalt  }
0x65: {  	_ =	shalt  }
0x66: {  	_ =	shalt  }
0x67: {  	_ =	shalt  }
0x68: {  	_ =	shalt  }
0x69: {  	_ =	shalt  }
0x6a: {  	_ =	shalt  }
0x6b: {  	_ =	shalt  }
0x6c: {  	_ =	shalt  }
0x6d: {  	_ =	shalt  }
0x6e: {  	_ =	shalt  }
0x6f: {  	_ =	shalt  }
0x70: {  	_ =	shalt  }
0x71: {  	_ =	shalt  }
0x72: {  	_ =	shalt  }
0x73: {  	_ =	shalt  }
0x74: {  	_ =	shalt  }
0x75: {  	_ =	shalt  }
0x76: {  	_ =	shalt  }
0x77: {  	_ =	shalt  }
0x78: {  	_ =	shalt  }
0x79: {  	_ =	shalt  }
0x7a: {  	_ =	shalt  }
0x7b: {  	_ =	shalt  }
0x7c: {  	_ =	shalt  }
0x7d: {  	_ =	shalt  }
0x7e: {  	_ =	shalt  }
0x7f: {  	_ =	shalt  }
0x80: {  	_ =	shalt  }
0x81: {  	_ =	shalt  }
0x82: {  	_ =	shalt  }
0x83: {  	_ =	shalt  }
0x84: {  	_ =	shalt  }
0x85: {  	_ =	shalt  }
0x86: {  	_ =	shalt  }
0x87: {  	_ =	shalt  }
.Lfunc_end0:
.L_simem_size_0:
called_computation.1_lowered:
.L_overlay_start_0:
0x88: {  	s2 =	sld [smem:$0x3FD9]  }
0x89: {  	s3 =	sld [smem:$0x3FFE];
	_ =	sdelay $0x1  }
0x8a: {  	s1 =	srdreg.scid  }
0x8b: {  	s0 =	sand.u32 $0x1, s1  }
0x8c: {  	s16 =	sshll.u32 s0, $0xA;
	s2 =	sadd.s32 s3, s2  }
0x8d: {  	s2 =	sadd.s32 s2, s16  }
0x8e: {  	[smem:$0x3FBE] =	sst s2  }
0x8f: {  	_ = 	snop  }
0x90: {  	(tm) =	ssettm $0x1  }
0x91: {  	s17 =	sld [smem:$0x3FFB];
	_ =	sdelay $0x3  }
0x92: {  	_ =	strace s17  }
0x93: {  	s2 =	sld [smem:$0x3FFC];
	_ =	sdelay $0x3  }
0x94: {  	_ =	strace s2  }
0x95: {  	s2 =	sld [smem:$0x3FFD];
	_ =	sdelay $0x3  }
0x96: {  	_ =	strace s2  }
0x97: {  	_ =	strace $0x8FFFFFFF  }
0x98: {  	s18 =	sld [smem:$0x3FDB];
	_ =	sdelay $0x1  }
0x99: {  	s19 =	simm.s32 $_scs_section_size  }
0x9a: {  	s4 =	simm.s32 $_size__tile_overlayer_lowered;
	s5 =	simm.s32 $_tile_overlayer_lowered  }
0x9b: {  	s22 =	simm.s32 $0x1BFF;
	s21 =	sshll.u32 s5, $0x1;
	s2 =	sadd.s32 s19, s18  }
0x9c: {  	s6 =	simm.s32 $0x0;
	s20 =	sshll.u32 s4, $0x1;
	s4 =	sadd.s32 s21, s2  }
0x9d: {  	[timem:s6], [sflag:s22] =	dma.local [hbm:s4], s20  }
0x9e: {  	_ =	swait.ge [sflag:s22], s20  }
0x9f: {  	s3 =	ssub.s32 $0x0, s20;
	[sflag:s22] =	ssyncset.done $0x0  }
0xa0: {  	[sflag:s22] =	ssyncadd.s32 s3;
	_ =	sdelay $0x1  }
0xa1: {  	s23 =	simm.s32 $0x1B8B  }
0xa2: {  	_ =	swait.ge [sflag:s23], $0x1  }
0xa3: {  	[sflag:s23] =	ssyncset.done $0x0  }
0xa4: {  	s25 =	simm.s32 $0x1B8E;
	s24 =	sld [smem:$0x3FFE];
	[sflag:s23] =	ssyncadd.s32 $0xFFFFFFFF  }
0xa5: {  	s26 =	simm.s32 $execute0_lowered;
	[smem:$0x3FD2] =	sst s25  }
0xa6: {  	s4 =	sshll.u32 s26, $0x1;
	_ =	strace $0x80000049;
	[dreg:$0x1] =	wrdreg $0xFFFFFFFF  }
0xa7: {  	s28 =	simm.s32 $_size_execute0_lowered;
	s2 =	sadd.s32 s2, s4;
	[dreg:$0x0] =	wrdreg $0x0  }
0xa8: {  	s4 =	sshll.u32 s28, $0x1;
	[dreg:$0x2] =	wrdreg s2  }
0xa9: {  	[dreg:$0x3] =	wrdreg s4  }
0xaa: {  	[dreg:$0x4] =	wrdreg $0xC0  }
0xab: {  	_ =	task [dreg:s6], $0x5FFFF  }
0xac: {  	[dreg:$0x1] =	wrdreg $0xFFFFFFFF  }
0xad: {  	[dreg:$0x0] =	wrdreg $0x60  }
0xae: {  	[dreg:$0x2] =	wrdreg s24  }
0xaf: {  	[dreg:$0x3] =	wrdreg $0x90000  }
0xb0: {  	[dreg:$0x4] =	wrdreg $0x9  }
0xb1: {  	_ =	task.clear_ibuf [dreg:s6], $0x5FFFF;
	_ =	strace $0x90000049  }
0xb2: {  	s29 =	simm.s32 $0x9;
	_ =	strace $0x8000004B  }
0xb3: {  	_ =	swait.ge [sflag:s29], $0x1  }
0xb4: {  	[sflag:s29] =	ssyncadd.s32 $0xFFFFFFFF  }
0xb5: {  	_ =	strace $0x9000004B  }
0xb6: {  	_ =	sfence  }
0xb7: {  	s30 =	sld [smem:$0x0];
	_ =	sdelay $0x2  }
0xb8: {  	s31 =	sshll.u32 s1, $0xD;
	s1 =	sshrl.u32 s1, $0x2  }
0xb9: {  	s3 =	sand.u32 $0x4000, s31;
	s1 =	sadd.s32 s1, s30  }
0xba: {  	s0 =	sor.u32 s3, s0;
	s1 =	sshll.u32 s1, $0x11  }
0xbb: {  	s0 =	sor.u32 s1, s0  }
0xbc: {  	s0 =	sadd.s32 $0x8F2B, s0  }
0xbd: {  	[sflag:s0] =	ssyncadd.remote.s32 $0x1  }
0xbe: {  	_ =	sfence.sel $0xFFFF  }
0xbf: {  	[dreg:$0x0] =	wrdreg $0xFFFFFFFF;
	(pc) =	sbr.abs _section_cstart, $3  }
0xc0: {  	[dreg:$0x1] =	wrdreg $0xFFFFFFFF  }
0xc1: {  	_ =	task.clear_ibuf [dreg:s6], $0x2FFFF;
	_ =	strace $0x9FFFFFFF  }
0xc2: {  	(tm) =	ssettm $0x7FFFFFFF  }
0xc3: {  	_ =	shalt  }
tec
execute0_lowered:
.L_overlay_start_1:
0x0: {  	(tag) =	ssettag $0x1  }
0x1: {  	s0 =	srdreg.scid;
	s25 =	stileid.u32  }
0x2: {  	s5 =	rddreg [dreg:$0x0];
	s19 =	simm.s32 $0x5000;
	s20 =	simm.s32 $0x3  }
0x3: {  	s21 =	simm.s32 $0x2800;
	s22 =	simm.s32 $0x40;
	s23 =	simm.s32 $0x7000  }
0x4: {  	s24 =	simm.s32 $0x1;
	s28 =	simm.s32 $0x4FC0;
	s8 =	smul.u32 $0x13C00, s25  }
0x5: {  	s29 =	simm.s32 $0x0;
	s1 =	sand.u32 $0x1, s0;
	s9 =	smul.u32 $0x4F000, s25  }
0x6: {  	s4 =	sadd.s32 $0x33A00, s5;
	s2 =	sshll.u32 s1, $0x4;
	s7 =	smul.u32 $0x13C000, s1  }
0x7: {  	s1 =	ssub.s32 $0x2, s1;
	s3 =	sor.u32 s25, s2;
	s2 =	rddreg [dreg:$0x1]  }
0x8: {  	s30 =	sshrl.u32 s9, $0x2;
	s31 =	sshrl.u32 s1, $0x1;
	s25 =	simm.s32 $0x2  }
0x9: {  	s6 =	smul.u32 $0x500, s3;
	s3 =	simm.s32 $0x0;
	s1 =	ssub.s32 s1, s31  }
0xa: {  	s26 =	sadd.s32 s8, s7;
	[smem:$0x7FF] =	sst s3;
	s18 =	smax.u32 s1, $0x1  }
0xb: {  	_ =	strace $0x8000004A;
	s16 =	sadd.s32 s6, s5;
	s6 =	sshrl.u32 s26, $0x3  }
0xc: {  	s26 =	simm.s32 $0x4F80;
	s17 =	sadd.s32 s6, s5;
	s5 =	sadd.s32 s30, s2  }
0xd: {  	s15 =	sadd.s32 $0x5B800, s16;
	s16 =	sadd.s32 $0x2800, s16;
	s6 =	sadd.s32 $0x2000, s5  }
0xe: {  	s7 =	sadd.s32 $0x4000, s5;
	s8 =	sadd.s32 $0x6000, s5;
	s9 =	sadd.s32 $0x8000, s5  }
0xf: {  	s10 =	sadd.s32 $0xA000, s5;
	s11 =	sadd.s32 $0xC000, s5;
	s12 =	sadd.s32 $0xE000, s5  }
0x10: {  	v0 =	vimm.f32 $0.0e+00;
	s13 =	sadd.s32 $0x10000, s5;
	s14 =	sadd.s32 $0x12000, s5;
	s17 =	sadd.s32 $0x65800, s17  }
.LBB2_1:
0x11: {  	s1 =	sand.u32 $0x7E00, s3  }
0x12: {  	s31 =	sand.u32 $0x70, s3;
	s1 =	sshrl.u32 s1, $0x2  }
0x13: {  	s30 =	simm.s32 $0x40;
	s1 =	sor.u32 s31, s1;
	s31 =	simm.s32 $0x0  }
.LBB2_2:
0x14: {  	p0 =	sne.s32 s30, $0x7FC0  }
0x15: {  	[tilespmem:s1+$0x5000] =	vst v0;
	s31 =	sadd.s32 $0x10, s31;
	s1 =	smov.u32 s30;
	s30 =	sadd.s32 $0x40, s30  }
.Ltmp0:
0x16: {  	(pc) =	sbr.rel @p0 .LBB2_2-.Ltmp0, $4  }
0x17: {  	_ = 	snop  }
0x18: {  	s1 =	sand.u32 $0x7E00, s1  }
0x19: {  	s0 =	sand.u32 $0x70, s31;
	s1 =	sshrl.u32 s1, $0x2  }
0x1a: {  	s1 =	sor.u32 s0, s1  }
0x1b: {  	[tilespmem:s1+$0x5000] =	vst v0  }
0x1c: {  	[spmem:s5] =	stream.linear.scatter [tilespmem:s19], [sflag:$0x3], $0x2000, $0x38;
	[tilespmem:$0x1CC00] =	vst v63  }
0x1d: {  	_ =	swait.ge [sflag:s20], $0x2000  }
0x1e: {  	[sflag:s20] =	ssyncset.done $0x0  }
0x1f: {  	[sflag:s20] =	ssyncadd.s32 $0xFFFFE000  }
0x20: {  	[spmem:s6] =	stream.linear.scatter [tilespmem:s19], [sflag:$0x3], $0x2000, $0x38;
	[tilespmem:$0x1CC00] =	vst v63  }
0x21: {  	_ =	swait.ge [sflag:s20], $0x2000  }
0x22: {  	[sflag:s20] =	ssyncset.done $0x0  }
0x23: {  	[sflag:s20] =	ssyncadd.s32 $0xFFFFE000  }
0x24: {  	[spmem:s7] =	stream.linear.scatter [tilespmem:s19], [sflag:$0x3], $0x2000, $0x38;
	[tilespmem:$0x1CC00] =	vst v63  }
0x25: {  	_ =	swait.ge [sflag:s20], $0x2000  }
0x26: {  	[sflag:s20] =	ssyncset.done $0x0  }
0x27: {  	[sflag:s20] =	ssyncadd.s32 $0xFFFFE000  }
0x28: {  	[spmem:s8] =	stream.linear.scatter [tilespmem:s19], [sflag:$0x3], $0x2000, $0x38;
	[tilespmem:$0x1CC00] =	vst v63  }
0x29: {  	_ =	swait.ge [sflag:s20], $0x2000  }
0x2a: {  	[sflag:s20] =	ssyncset.done $0x0  }
0x2b: {  	[sflag:s20] =	ssyncadd.s32 $0xFFFFE000  }
0x2c: {  	[spmem:s9] =	stream.linear.scatter [tilespmem:s19], [sflag:$0x3], $0x2000, $0x38;
	[tilespmem:$0x1CC00] =	vst v63  }
0x2d: {  	_ =	swait.ge [sflag:s20], $0x2000  }
0x2e: {  	[sflag:s20] =	ssyncset.done $0x0  }
0x2f: {  	[sflag:s20] =	ssyncadd.s32 $0xFFFFE000  }
0x30: {  	[spmem:s10] =	stream.linear.scatter [tilespmem:s19], [sflag:$0x3], $0x2000, $0x38;
	[tilespmem:$0x1CC00] =	vst v63  }
0x31: {  	_ =	swait.ge [sflag:s20], $0x2000  }
0x32: {  	[sflag:s20] =	ssyncset.done $0x0  }
0x33: {  	[sflag:s20] =	ssyncadd.s32 $0xFFFFE000  }
0x34: {  	[spmem:s11] =	stream.linear.scatter [tilespmem:s19], [sflag:$0x3], $0x2000, $0x38;
	[tilespmem:$0x1CC00] =	vst v63  }
0x35: {  	_ =	swait.ge [sflag:s20], $0x2000  }
0x36: {  	[sflag:s20] =	ssyncset.done $0x0  }
0x37: {  	[sflag:s20] =	ssyncadd.s32 $0xFFFFE000  }
0x38: {  	[spmem:s12] =	stream.linear.scatter [tilespmem:s19], [sflag:$0x3], $0x2000, $0x38;
	[tilespmem:$0x1CC00] =	vst v63  }
0x39: {  	_ =	swait.ge [sflag:s20], $0x2000  }
0x3a: {  	[sflag:s20] =	ssyncset.done $0x0  }
0x3b: {  	[sflag:s20] =	ssyncadd.s32 $0xFFFFE000  }
0x3c: {  	[spmem:s13] =	stream.linear.scatter [tilespmem:s19], [sflag:$0x3], $0x2000, $0x38;
	[tilespmem:$0x1CC00] =	vst v63  }
0x3d: {  	_ =	swait.ge [sflag:s20], $0x2000  }
0x3e: {  	[sflag:s20] =	ssyncset.done $0x0  }
0x3f: {  	[sflag:s20] =	ssyncadd.s32 $0xFFFFE000  }
0x40: {  	[spmem:s14] =	stream.linear.scatter [tilespmem:s19], [sflag:$0x3], $0x1C00, $0x38;
	[tilespmem:$0x1CC00] =	vst v63  }
0x41: {  	_ =	swait.ge [sflag:s20], $0x1C00  }
0x42: {  	[sflag:s20] =	ssyncset.done $0x0  }
0x43: {  	s0 =	simm.s32 $0x0;
	[sflag:s20] =	ssyncadd.s32 $0xFFFFE400  }
0x44: {  	[tilespmem:s0], [sflag:$0x3] =	stream.linear.gather [hbm4b:s15+s0], $0x2800, $0x38;
	[tilespmem:$0x1CC00] =	vst v63  }
0x45: {  	_ =	swait.ge [sflag:s20], $0x2800  }
0x46: {  	[sflag:s20] =	ssyncset.done $0x0  }
0x47: {  	[sflag:s20] =	ssyncadd.s32 $0xFFFFD800  }
0x48: {  	[tilespmem:s21], [sflag:$0x3] =	stream.linear.gather [hbm4b:s16+s0], $0x2800, $0x38;
	[tilespmem:$0x1CC00] =	vst v63  }
0x49: {  	_ =	swait.ge [sflag:s20], $0x2800  }
0x4a: {  	[sflag:s20] =	ssyncset.done $0x0  }
0x4b: {  	[sflag:s20] =	ssyncadd.s32 $0xFFFFD800  }
0x4c: {  	[bflag:$0x0] =	sbarrier.arrive $0xFFFF  }
0x4d: {  	[tilespmem:s19], [sflag:$0x1] =	stream.indirect.gather [hbm4b:s4+s22], $0x80, s0, s22, $0xb8;
	[tilespmem:$0x1CC00] =	vst v63  }
0x4e: {  	_ = 	snop  }
0x4f: {  	[tilespmem:s23], [sflag:$0x2] =	stream.indirect.gather [hbm4b:s4+s22], $0x80, s22, s22, $0xb8;
	[tilespmem:$0x1CC00] =	vst v63  }
0x50: {  	_ =	swait.ge [sflag:s24], $0x2000  }
0x51: {  	[sflag:s24] =	ssyncset.done $0x0  }
0x52: {  	s31 =	simm.s32 $0x2800;
	[sflag:s24] =	ssyncadd.s32 $0xFFFFE000  }
0x53: {  	[spmem:s2] =	stream.indirect.scatter.add.f32 [tilespmem:s19], [sflag:$0x3], $0x80, s31, s22, $0xb8;
	[tilespmem:$0x1CC00] =	vst v63  }
0x54: {  	_ =	swait.ge [sflag:s20], $0x2000  }
0x55: {  	[sflag:s20] =	ssyncset.done $0x0  }
0x56: {  	s1 =	simm.s32 $0x80;
	[sflag:s20] =	ssyncadd.s32 $0xFFFFE000  }
0x57: {  	[tilespmem:s19], [sflag:$0x1] =	stream.indirect.gather [hbm4b:s4+s22], $0x80, s1, s22, $0xb8;
	[tilespmem:$0x1CC00] =	vst v63  }
0x58: {  	_ =	swait.ge [sflag:s25], $0x2000  }
0x59: {  	[sflag:s25] =	ssyncset.done $0x0  }
0x5a: {  	s31 =	simm.s32 $0x2840;
	[sflag:s25] =	ssyncadd.s32 $0xFFFFE000  }
0x5b: {  	[spmem:s2] =	stream.indirect.scatter.add.f32 [tilespmem:s23], [sflag:$0x3], $0x80, s31, s22, $0xb8;
	[tilespmem:$0x1CC00] =	vst v63  }
0x5c: {  	_ =	swait.ge [sflag:s20], $0x2000  }
0x5d: {  	[sflag:s20] =	ssyncset.done $0x0  }
0x5e: {  	s30 =	simm.s32 $0x200;
	s1 =	simm.s32 $0xC0;
	[sflag:s20] =	ssyncadd.s32 $0xFFFFE000  }
.LBB2_4:
0x5f: {  	[tilespmem:s23], [sflag:$0x2] =	stream.indirect.gather [hbm4b:s4+s22], $0x80, s1, s22, $0xb8;
	[tilespmem:$0x1CC00] =	vst v63  }
0x60: {  	s0 =	smov.u32 s30  }
0x61: {  	p0 =	sne.s32 s30, $0x9C00;
	s30 =	sadd.s32 $0x200, s30;
	_ =	swait.ge [sflag:s24], $0x2000  }
0x62: {  	s0 =	sshra.s32 s0, $0x2;
	[sflag:s24] =	ssyncset.done $0x0  }
0x63: {  	s1 =	sadd.s32 $0x2800, s0;
	[sflag:s24] =	ssyncadd.s32 $0xFFFFE000  }
0x64: {  	[spmem:s2] =	stream.indirect.scatter.add.f32 [tilespmem:s19], [sflag:$0x3], $0x80, s1, s22, $0xb8;
	[tilespmem:$0x1CC00] =	vst v63  }
0x65: {  	_ =	swait.ge [sflag:s20], $0x2000  }
0x66: {  	[sflag:s20] =	ssyncset.done $0x0  }
0x67: {  	s1 =	sadd.s32 $0x80, s0;
	[sflag:s20] =	ssyncadd.s32 $0xFFFFE000  }
0x68: {  	[tilespmem:s19], [sflag:$0x1] =	stream.indirect.gather [hbm4b:s4+s22], $0x80, s1, s22, $0xb8;
	[tilespmem:$0x1CC00] =	vst v63  }
0x69: {  	_ =	swait.ge [sflag:s25], $0x2000  }
0x6a: {  	[sflag:s25] =	ssyncset.done $0x0  }
.Ltmp1:
0x6b: {  	s1 =	sadd.s32 $0x2840, s0;
	[sflag:s25] =	ssyncadd.s32 $0xFFFFE000;
	(pc) =	sbr.rel @p0 .LBB2_4-.Ltmp1, $4  }
0x6c: {  	[spmem:s2] =	stream.indirect.scatter.add.f32 [tilespmem:s23], [sflag:$0x3], $0x80, s1, s22, $0xb8;
	[tilespmem:$0x1CC00] =	vst v63  }
0x6d: {  	_ =	swait.ge [sflag:s20], $0x2000  }
0x6e: {  	[sflag:s20] =	ssyncset.done $0x0  }
0x6f: {  	s1 =	sadd.s32 $0xC0, s0;
	[sflag:s20] =	ssyncadd.s32 $0xFFFFE000  }
0x70: {  	[tilespmem:s23], [sflag:$0x2] =	stream.indirect.gather [hbm4b:s4+s22], $0x80, s1, s22, $0xb8;
	[tilespmem:$0x1CC00] =	vst v63  }
0x71: {  	_ =	swait.ge [sflag:s24], $0x2000  }
0x72: {  	[sflag:s24] =	ssyncset.done $0x0  }
0x73: {  	[sflag:s24] =	ssyncadd.s32 $0xFFFFE000  }
0x74: {  	[spmem:s2] =	stream.indirect.scatter.add.f32 [tilespmem:s19], [sflag:$0x3], $0x80, s26, s22, $0xb8;
	[tilespmem:$0x1CC00] =	vst v63  }
0x75: {  	_ =	swait.ge [sflag:s20], $0x2000  }
0x76: {  	[sflag:s20] =	ssyncset.done $0x0  }
0x77: {  	[sflag:s20] =	ssyncadd.s32 $0xFFFFE000  }
0x78: {  	_ =	swait.ge [sflag:s25], $0x2000  }
0x79: {  	[sflag:s25] =	ssyncset.done $0x0  }
0x7a: {  	[sflag:s25] =	ssyncadd.s32 $0xFFFFE000  }
0x7b: {  	[spmem:s2] =	stream.indirect.scatter.add.f32 [tilespmem:s23], [sflag:$0x3], $0x80, s28, s22, $0xb8;
	[tilespmem:$0x1CC00] =	vst v63  }
0x7c: {  	s0 =	stileid.u32;
	_ =	swait.ge [sflag:s20], $0x2000  }
0x7d: {  	s31 =	sshrl.u32 s5, $0x3;
	s29 =	sadd.s32 $0x1, s29;
	[sflag:s20] =	ssyncset.done $0x0  }
0x7e: {  	s0 =	sshll.u32 s0, $0x6;
	p0 =	sne.s32 s29, s18;
	[sflag:s20] =	ssyncadd.s32 $0xFFFFE000  }
.Ltmp2:
0x7f: {  	s0 =	sor.u32 $0x1C03, s0;
	[bflag:$0x0] =	sbarrier.arrive $0xFFFF;
	(pc) =	sbr.rel @p0 .LBB2_1-.Ltmp2, $4  }
0x80: {  	[hbm:s17], [sflag:s0] =	dma.local [spmem:s31], $0x2780  }
0x81: {  	_ =	swait.ge [sflag:s20], $0x2780  }
0x82: {  	[sflag:s20] =	ssyncset.done $0x0  }
0x83: {  	[sflag:s20] =	ssyncadd.s32 $0xFFFFD880  }
0x84: {  	_ =	sfence.sel $0x180000  }
0x85: {  	[bflag:$0x0] =	sbarrier.arrive $0xFFFF  }
0x86: {  	_ =	strace $0x9000004A  }
0x87: {  	s0 =	stileid.u32;
	[bflag:$0x2] =	sbarrier.arrive $0xFFFF  }
0x88: {  	p0 =	sne.s32 s0, $0x0;
	s0 =	rddreg [dreg:$0x2]  }
0x89: {  	s0 =	sadd.s32 @!p0 $0x100000, s0  }
0x8a: {  	[sflag:s0] =	ssyncadd.tile.s32 @!p0 $0x1;
	_ =	shalt  }
.Lfunc_end2:
_tile_overlayer_lowered:
.L_overlay_start_2:
0x8b: {  	(tag) =	ssettag $0x2  }
0x8c: {  	s0 =	rddreg [dreg:$0x0];
	s2 =	stileid.u32  }
0x8d: {  	s1 =	rddreg [dreg:$0x1];
	p0 =	sne.s32 s2, $0x0  }
0x8e: {  	s3 =	rddreg [dreg:$0x2];
	[bflag:$0x3] =	sbarrier.arrive $0xFFFF;
	s2 =	simm.s32 @!p0 $0x1C03  }
0x8f: {  	[timem:s3], [sflag:s2] =	dma.local @!p0 [hbm:s0], s1  }
0x90: {  	s0 =	simm.s32 @!p0 $0x3  }
0x91: {  	_ =	swait.ge @!p0 [sflag:s0], s1  }
0x92: {  	s1 =	ssub.s32 @!p0 $0x0, s1;
	[sflag:s0] =	ssyncset.done @!p0 $0x0  }
0x93: {  	[sflag:s0] =	ssyncadd.s32 @!p0 s1  }
0x94: {  	[bflag:$0x3] =	sbarrier.arrive $0xFFFF  }
0x95: {  	_ =	shalt  }

// kernel: kernel.16.cloned.1.call-start
scs
__scs_entry_jumppad:
0x0: {  	(pc) =	sbr.rel $0x88, $3  }
0x1: {  	(tag) =	ssettag $0x0;
	lr =	simm.s32 $0x1  }
0x2: {  	[smem:$0x3F97] =	sst lr;
	_ =	strace $0xD0000000  }
0x3: {  	_ = 	snop  }
0x4: {  	_ = 	snop  }
0x5: {  	_ = 	snop  }
0x6: {  	_ = 	snop  }
0x7: {  	_ = 	snop  }
__scs_overlays_trampoline_lowered:
0x8: {  	[smem:$0x3FA6] =	sst s0  }
0x9: {  	[smem:$0x3FA7] =	sst s1  }
0xa: {  	[smem:$0x3FA8] =	sst s2  }
0xb: {  	[smem:$0x3FA9] =	sst s3  }
0xc: {  	[smem:$0x3FAA] =	sst s4  }
0xd: {  	[smem:$0x3FAB] =	sst s5  }
0xe: {  	[smem:$0x3FAC] =	sst s6  }
0xf: {  	[smem:$0x3FAD] =	sst s7  }
0x10: {  	[smem:$0x3FAE] =	sst s8  }
0x11: {  	[smem:$0x3FAF] =	sst s9;
	s0 =	simm.s32 @!p0 $0x0  }
0x12: {  	s1 =	sld [smem:$0x3F95];
	s0 =	simm.s32 @p0 $0x1  }
0x13: {  	[smem:$0x3FB0] =	sst s0;
	s0 =	simm.s32 @!p1 $0x0  }
0x14: {  	s2 =	sld [smem:$0x3F94];
	s0 =	simm.s32 @p1 $0x1  }
0x15: {  	[smem:$0x3FB1] =	sst s0;
	s0 =	simm.s32 @!p2 $0x0  }
0x16: {  	s3 =	sld [smem:$0x3FDB];
	s0 =	simm.s32 @p2 $0x1  }
0x17: {  	s4 =	simm.s32 $0x1BF5;
	[smem:$0x3FB3] =	sst s0  }
0x18: {  	s0 =	sld [smem:$0x3F96];
	_ =	swait.ge [sflag:s4], $0x0  }
0x19: {  	s7 =	sld [smem:$0x3F97]  }
0x1a: {  	s8 =	sadd.s32 $0xFFFFE003, lr  }
0x1b: {  	s9 =	sadd.s32 $0xFFFFFEF7, lr;
	s5 =	simm.s32 $0xFFFFFFFF;
	p2 =	slt.u32 s8, $0xFFFFF086  }
0x1c: {  	p1 =	slt.u32 s9, $0xF7A;
	s5 =	simm.s32 @!p2 $0x0  }
0x1d: {  	s5 =	simm.s32 @p1 $0x1;
	p0 =	seq.s32 s7, s2  }
0x1e: {  	s7 =	smul.u32 @!p0 $0xF7A, s2;
	p2 =	seq.s32 @!p0 s5, $0x0  }
0x1f: {  	s9 =	smul.u32 $0xF7A, s1;
	s8 =	simm.s32 @!p0 $0x1BF5;
	p2 =	por !p2, p0  }
0x20: {  	[sflag:s8] =	ssyncset.s32 @!p0 $0xFFFFF086;
	s6 =	sadd.s32 @!p0 s3, s7;
	s7 =	simm.s32 @!p0 $0x108  }
0x21: {  	s3 =	sadd.s32 s3, s9;
	s6 =	sadd.s32 @!p0 $0x88, s6;
	s7 =	simm.s32 @p2 $0x1082  }
0x22: {  	[simem:s7], [sflag:s8] =	dma.local @!p0 [hbm:s6], $0xF7A  }
0x23: {  	s9 =	sor.u32 $0xD0000000, s2;
	s6 =	simm.s32 $0x108;
	_ =	swait.ge @!p0 [sflag:s8], $0x0  }
0x24: {  	s3 =	sadd.s32 $0x88, s3;
	s6 =	simm.s32 @!p1 $0x1082;
	[sflag:s4] =	ssyncset.s32 $0xFFFFF086  }
0x25: {  	[simem:s6], [sflag:s4] =	dma.local [hbm:s3], $0xF7A  }
0x26: {  	[smem:$0x3F97] =	sst s1;
	(tag) =	ssettag s2;
	_ =	strace s9  }
0x27: {  	s1 =	sld [smem:$0x3FA7]  }
0x28: {  	s2 =	sld [smem:$0x3FA8]  }
0x29: {  	s4 =	sld [smem:$0x3FAA]  }
0x2a: {  	p0 =	seq.s32 s5, $0x0;
	s5 =	sld [smem:$0x3FAB]  }
0x2b: {  	s6 =	sld [smem:$0x3FAC]  }
0x2c: {  	s7 =	sld [smem:$0x3FAD]  }
0x2d: {  	s3 =	simm.s32 $0x108;
	s8 =	sld [smem:$0x3FAE]  }
0x2e: {  	s3 =	simm.s32 @!p0 $0x1082;
	s9 =	sld [smem:$0x3FAF]  }
0x2f: {  	lr =	sadd.s32 s0, s3;
	s0 =	sld [smem:$0x3FA6]  }
0x30: {  	s3 =	sld [smem:$0x3FA9]  }
0x31: {  	[smem:$0x3FB2] =	sst s10  }
0x32: {  	s10 =	sld [smem:$0x3FB0];
	_ =	sdelay $0x3  }
0x33: {  	p0 =	seq.s32 s10, $0x1;
	s10 =	sld [smem:$0x3FB2];
	_ =	sdelay $0x3  }
0x34: {  	[smem:$0x3FB2] =	sst s10  }
0x35: {  	s10 =	sld [smem:$0x3FB1];
	_ =	sdelay $0x3  }
0x36: {  	p1 =	seq.s32 s10, $0x1;
	s10 =	sld [smem:$0x3FB2];
	_ =	sdelay $0x3  }
0x37: {  	[smem:$0x3FB2] =	sst s10  }
0x38: {  	s10 =	sld [smem:$0x3FB3]  }
0x39: {  	_ = 	snop;
	(pc) =	sbr.ind lr, $3  }
0x3a: {  	_ = 	snop  }
0x3b: {  	_ = 	snop  }
0x3c: {  	p2 =	seq.s32 s10, $0x1;
	s10 =	sld [smem:$0x3FB2]  }
0x3d: {  	_ =	shalt  }
0x3e: {  	_ =	shalt  }
0x3f: {  	_ =	shalt  }
0x40: {  	_ =	shalt  }
0x41: {  	_ =	shalt  }
0x42: {  	_ =	shalt  }
0x43: {  	_ =	shalt  }
0x44: {  	_ =	shalt  }
0x45: {  	_ =	shalt  }
0x46: {  	_ =	shalt  }
0x47: {  	_ =	shalt  }
0x48: {  	_ =	shalt  }
0x49: {  	_ =	shalt  }
0x4a: {  	_ =	shalt  }
0x4b: {  	_ =	shalt  }
0x4c: {  	_ =	shalt  }
0x4d: {  	_ =	shalt  }
0x4e: {  	_ =	shalt  }
0x4f: {  	_ =	shalt  }
0x50: {  	_ =	shalt  }
0x51: {  	_ =	shalt  }
0x52: {  	_ =	shalt  }
0x53: {  	_ =	shalt  }
0x54: {  	_ =	shalt  }
0x55: {  	_ =	shalt  }
0x56: {  	_ =	shalt  }
0x57: {  	_ =	shalt  }
0x58: {  	_ =	shalt  }
0x59: {  	_ =	shalt  }
0x5a: {  	_ =	shalt  }
0x5b: {  	_ =	shalt  }
0x5c: {  	_ =	shalt  }
0x5d: {  	_ =	shalt  }
0x5e: {  	_ =	shalt  }
0x5f: {  	_ =	shalt  }
0x60: {  	_ =	shalt  }
0x61: {  	_ =	shalt  }
0x62: {  	_ =	shalt  }
0x63: {  	_ =	shalt  }
0x64: {  	_ =	shalt  }
0x65: {  	_ =	shalt  }
0x66: {  	_ =	shalt  }
0x67: {  	_ =	shalt  }
0x68: {  	_ =	shalt  }
0x69: {  	_ =	shalt  }
0x6a: {  	_ =	shalt  }
0x6b: {  	_ =	shalt  }
0x6c: {  	_ =	shalt  }
0x6d: {  	_ =	shalt  }
0x6e: {  	_ =	shalt  }
0x6f: {  	_ =	shalt  }
0x70: {  	_ =	shalt  }
0x71: {  	_ =	shalt  }
0x72: {  	_ =	shalt  }
0x73: {  	_ =	shalt  }
0x74: {  	_ =	shalt  }
0x75: {  	_ =	shalt  }
0x76: {  	_ =	shalt  }
0x77: {  	_ =	shalt  }
0x78: {  	_ =	shalt  }
0x79: {  	_ =	shalt  }
0x7a: {  	_ =	shalt  }
0x7b: {  	_ =	shalt  }
0x7c: {  	_ =	shalt  }
0x7d: {  	_ =	shalt  }
0x7e: {  	_ =	shalt  }
0x7f: {  	_ =	shalt  }
0x80: {  	_ =	shalt  }
0x81: {  	_ =	shalt  }
0x82: {  	_ =	shalt  }
0x83: {  	_ =	shalt  }
0x84: {  	_ =	shalt  }
0x85: {  	_ =	shalt  }
0x86: {  	_ =	shalt  }
0x87: {  	_ =	shalt  }
.Lfunc_end0:
.L_simem_size_0:
called_computation.2_lowered:
.L_overlay_start_0:
0x88: {  	s2 =	sld [smem:$0x3FD9]  }
0x89: {  	s3 =	sld [smem:$0x3FFE];
	_ =	sdelay $0x1  }
0x8a: {  	s1 =	srdreg.scid  }
0x8b: {  	s0 =	sand.u32 $0x1, s1  }
0x8c: {  	s16 =	sshll.u32 s0, $0xA;
	s2 =	sadd.s32 s3, s2  }
0x8d: {  	s2 =	sadd.s32 s2, s16  }
0x8e: {  	[smem:$0x3FBE] =	sst s2  }
0x8f: {  	_ = 	snop  }
0x90: {  	(tm) =	ssettm $0x1  }
0x91: {  	s17 =	sld [smem:$0x3FFB];
	_ =	sdelay $0x3  }
0x92: {  	_ =	strace s17  }
0x93: {  	s2 =	sld [smem:$0x3FFC];
	_ =	sdelay $0x3  }
0x94: {  	_ =	strace s2  }
0x95: {  	s2 =	sld [smem:$0x3FFD];
	_ =	sdelay $0x3  }
0x96: {  	_ =	strace s2  }
0x97: {  	_ =	strace $0x8FFFFFFF  }
0x98: {  	s18 =	sld [smem:$0x3FDB];
	_ =	sdelay $0x1  }
0x99: {  	s19 =	simm.s32 $_scs_section_size  }
0x9a: {  	s4 =	simm.s32 $_size__tile_overlayer_lowered;
	s5 =	simm.s32 $_tile_overlayer_lowered  }
0x9b: {  	s22 =	simm.s32 $0x1BFF;
	s21 =	sshll.u32 s5, $0x1;
	s2 =	sadd.s32 s19, s18  }
0x9c: {  	s6 =	simm.s32 $0x0;
	s20 =	sshll.u32 s4, $0x1;
	s4 =	sadd.s32 s21, s2  }
0x9d: {  	[timem:s6], [sflag:s22] =	dma.local [hbm:s4], s20  }
0x9e: {  	_ =	swait.ge [sflag:s22], s20  }
0x9f: {  	s3 =	ssub.s32 $0x0, s20;
	[sflag:s22] =	ssyncset.done $0x0  }
0xa0: {  	[sflag:s22] =	ssyncadd.s32 s3;
	_ =	sdelay $0x1  }
0xa1: {  	s23 =	simm.s32 $0x1B8B  }
0xa2: {  	_ =	swait.ge [sflag:s23], $0x1  }
0xa3: {  	[sflag:s23] =	ssyncset.done $0x0  }
0xa4: {  	s25 =	simm.s32 $0x1B8E;
	s24 =	sld [smem:$0x3FFE];
	[sflag:s23] =	ssyncadd.s32 $0xFFFFFFFF  }
0xa5: {  	s26 =	simm.s32 $execute0_lowered;
	[smem:$0x3FD2] =	sst s25  }
0xa6: {  	s4 =	sshll.u32 s26, $0x1;
	_ =	strace $0x8000004C;
	[dreg:$0x1] =	wrdreg $0xFFFFFFFF  }
0xa7: {  	s28 =	simm.s32 $_size_execute0_lowered;
	s2 =	sadd.s32 s2, s4;
	[dreg:$0x0] =	wrdreg $0x0  }
0xa8: {  	s4 =	sshll.u32 s28, $0x1;
	[dreg:$0x2] =	wrdreg s2  }
0xa9: {  	[dreg:$0x3] =	wrdreg s4  }
0xaa: {  	[dreg:$0x4] =	wrdreg $0xC0  }
0xab: {  	_ =	task [dreg:s6], $0x5FFFF  }
0xac: {  	[dreg:$0x1] =	wrdreg $0xFFFFFFFF  }
0xad: {  	[dreg:$0x0] =	wrdreg $0x60  }
0xae: {  	[dreg:$0x2] =	wrdreg s24  }
0xaf: {  	[dreg:$0x3] =	wrdreg $0x90000  }
0xb0: {  	[dreg:$0x4] =	wrdreg $0x9  }
0xb1: {  	_ =	task.clear_ibuf [dreg:s6], $0x5FFFF;
	_ =	strace $0x9000004C  }
0xb2: {  	s29 =	simm.s32 $0x9;
	_ =	strace $0x8000004E  }
0xb3: {  	_ =	swait.ge [sflag:s29], $0x1  }
0xb4: {  	[sflag:s29] =	ssyncadd.s32 $0xFFFFFFFF  }
0xb5: {  	_ =	strace $0x9000004E  }
0xb6: {  	_ =	sfence  }
0xb7: {  	s30 =	sld [smem:$0x0];
	_ =	sdelay $0x2  }
0xb8: {  	s31 =	sshll.u32 s1, $0xD;
	s1 =	sshrl.u32 s1, $0x2  }
0xb9: {  	s3 =	sand.u32 $0x4000, s31;
	s1 =	sadd.s32 s1, s30  }
0xba: {  	s0 =	sor.u32 s3, s0;
	s1 =	sshll.u32 s1, $0x11  }
0xbb: {  	s0 =	sor.u32 s1, s0  }
0xbc: {  	s0 =	sadd.s32 $0x8F2B, s0  }
0xbd: {  	[sflag:s0] =	ssyncadd.remote.s32 $0x1  }
0xbe: {  	_ =	sfence.sel $0xFFFF  }
0xbf: {  	[dreg:$0x0] =	wrdreg $0xFFFFFFFF;
	(pc) =	sbr.abs _section_cstart, $3  }
0xc0: {  	[dreg:$0x1] =	wrdreg $0xFFFFFFFF  }
0xc1: {  	_ =	task.clear_ibuf [dreg:s6], $0x2FFFF;
	_ =	strace $0x9FFFFFFF  }
0xc2: {  	(tm) =	ssettm $0x7FFFFFFF  }
0xc3: {  	_ =	shalt  }
tec
execute0_lowered:
.L_overlay_start_1:
0x0: {  	(tag) =	ssettag $0x1  }
0x1: {  	s0 =	srdreg.scid;
	s25 =	stileid.u32  }
0x2: {  	s5 =	rddreg [dreg:$0x0];
	s19 =	simm.s32 $0x5000;
	s20 =	simm.s32 $0x3  }
0x3: {  	s21 =	simm.s32 $0x2800;
	s22 =	simm.s32 $0x40;
	s23 =	simm.s32 $0x7000  }
0x4: {  	s24 =	simm.s32 $0x1;
	s28 =	simm.s32 $0x4FC0;
	s8 =	smul.u32 $0x13C00, s25  }
0x5: {  	s29 =	simm.s32 $0x0;
	s1 =	sand.u32 $0x1, s0;
	s9 =	smul.u32 $0x4F000, s25  }
0x6: {  	s4 =	sadd.s32 $0x65800, s5;
	s2 =	sshll.u32 s1, $0x4;
	s7 =	smul.u32 $0x13C000, s1  }
0x7: {  	s1 =	ssub.s32 $0x2, s1;
	s3 =	sor.u32 s25, s2;
	s2 =	rddreg [dreg:$0x1]  }
0x8: {  	s30 =	sshrl.u32 s9, $0x2;
	s31 =	sshrl.u32 s1, $0x1;
	s25 =	simm.s32 $0x2  }
0x9: {  	s6 =	smul.u32 $0x500, s3;
	s3 =	simm.s32 $0x0;
	s1 =	ssub.s32 s1, s31  }
0xa: {  	s26 =	sadd.s32 s8, s7;
	[smem:$0x7FF] =	sst s3;
	s18 =	smax.u32 s1, $0x1  }
0xb: {  	_ =	strace $0x8000004D;
	s16 =	sadd.s32 s6, s5;
	s6 =	sshrl.u32 s26, $0x3  }
0xc: {  	s26 =	simm.s32 $0x4F80;
	s17 =	sadd.s32 s6, s5;
	s5 =	sadd.s32 s30, s2  }
0xd: {  	s15 =	sadd.s32 $0x5B800, s16;
	s16 =	sadd.s32 $0x2800, s16;
	s6 =	sadd.s32 $0x2000, s5  }
0xe: {  	s7 =	sadd.s32 $0x4000, s5;
	s8 =	sadd.s32 $0x6000, s5;
	s9 =	sadd.s32 $0x8000, s5  }
0xf: {  	s10 =	sadd.s32 $0xA000, s5;
	s11 =	sadd.s32 $0xC000, s5;
	s12 =	sadd.s32 $0xE000, s5  }
0x10: {  	v0 =	vimm.f32 $0.0e+00;
	s13 =	sadd.s32 $0x10000, s5;
	s14 =	sadd.s32 $0x12000, s5;
	s17 =	sadd.s32 $0x8D000, s17  }
.LBB2_1:
0x11: {  	s1 =	sand.u32 $0x7E00, s3  }
0x12: {  	s31 =	sand.u32 $0x70, s3;
	s1 =	sshrl.u32 s1, $0x2  }
0x13: {  	s30 =	simm.s32 $0x40;
	s1 =	sor.u32 s31, s1;
	s31 =	simm.s32 $0x0  }
.LBB2_2:
0x14: {  	p0 =	sne.s32 s30, $0x7FC0  }
0x15: {  	[tilespmem:s1+$0x5000] =	vst v0;
	s31 =	sadd.s32 $0x10, s31;
	s1 =	smov.u32 s30;
	s30 =	sadd.s32 $0x40, s30  }
.Ltmp0:
0x16: {  	(pc) =	sbr.rel @p0 .LBB2_2-.Ltmp0, $4  }
0x17: {  	_ = 	snop  }
0x18: {  	s1 =	sand.u32 $0x7E00, s1  }
0x19: {  	s0 =	sand.u32 $0x70, s31;
	s1 =	sshrl.u32 s1, $0x2  }
0x1a: {  	s1 =	sor.u32 s0, s1  }
0x1b: {  	[tilespmem:s1+$0x5000] =	vst v0  }
0x1c: {  	[spmem:s5] =	stream.linear.scatter [tilespmem:s19], [sflag:$0x3], $0x2000, $0x38;
	[tilespmem:$0x1CC00] =	vst v63  }
0x1d: {  	_ =	swait.ge [sflag:s20], $0x2000  }
0x1e: {  	[sflag:s20] =	ssyncset.done $0x0  }
0x1f: {  	[sflag:s20] =	ssyncadd.s32 $0xFFFFE000  }
0x20: {  	[spmem:s6] =	stream.linear.scatter [tilespmem:s19], [sflag:$0x3], $0x2000, $0x38;
	[tilespmem:$0x1CC00] =	vst v63  }
0x21: {  	_ =	swait.ge [sflag:s20], $0x2000  }
0x22: {  	[sflag:s20] =	ssyncset.done $0x0  }
0x23: {  	[sflag:s20] =	ssyncadd.s32 $0xFFFFE000  }
0x24: {  	[spmem:s7] =	stream.linear.scatter [tilespmem:s19], [sflag:$0x3], $0x2000, $0x38;
	[tilespmem:$0x1CC00] =	vst v63  }
0x25: {  	_ =	swait.ge [sflag:s20], $0x2000  }
0x26: {  	[sflag:s20] =	ssyncset.done $0x0  }
0x27: {  	[sflag:s20] =	ssyncadd.s32 $0xFFFFE000  }
0x28: {  	[spmem:s8] =	stream.linear.scatter [tilespmem:s19], [sflag:$0x3], $0x2000, $0x38;
	[tilespmem:$0x1CC00] =	vst v63  }
0x29: {  	_ =	swait.ge [sflag:s20], $0x2000  }
0x2a: {  	[sflag:s20] =	ssyncset.done $0x0  }
0x2b: {  	[sflag:s20] =	ssyncadd.s32 $0xFFFFE000  }
0x2c: {  	[spmem:s9] =	stream.linear.scatter [tilespmem:s19], [sflag:$0x3], $0x2000, $0x38;
	[tilespmem:$0x1CC00] =	vst v63  }
0x2d: {  	_ =	swait.ge [sflag:s20], $0x2000  }
0x2e: {  	[sflag:s20] =	ssyncset.done $0x0  }
0x2f: {  	[sflag:s20] =	ssyncadd.s32 $0xFFFFE000  }
0x30: {  	[spmem:s10] =	stream.linear.scatter [tilespmem:s19], [sflag:$0x3], $0x2000, $0x38;
	[tilespmem:$0x1CC00] =	vst v63  }
0x31: {  	_ =	swait.ge [sflag:s20], $0x2000  }
0x32: {  	[sflag:s20] =	ssyncset.done $0x0  }
0x33: {  	[sflag:s20] =	ssyncadd.s32 $0xFFFFE000  }
0x34: {  	[spmem:s11] =	stream.linear.scatter [tilespmem:s19], [sflag:$0x3], $0x2000, $0x38;
	[tilespmem:$0x1CC00] =	vst v63  }
0x35: {  	_ =	swait.ge [sflag:s20], $0x2000  }
0x36: {  	[sflag:s20] =	ssyncset.done $0x0  }
0x37: {  	[sflag:s20] =	ssyncadd.s32 $0xFFFFE000  }
0x38: {  	[spmem:s12] =	stream.linear.scatter [tilespmem:s19], [sflag:$0x3], $0x2000, $0x38;
	[tilespmem:$0x1CC00] =	vst v63  }
0x39: {  	_ =	swait.ge [sflag:s20], $0x2000  }
0x3a: {  	[sflag:s20] =	ssyncset.done $0x0  }
0x3b: {  	[sflag:s20] =	ssyncadd.s32 $0xFFFFE000  }
0x3c: {  	[spmem:s13] =	stream.linear.scatter [tilespmem:s19], [sflag:$0x3], $0x2000, $0x38;
	[tilespmem:$0x1CC00] =	vst v63  }
0x3d: {  	_ =	swait.ge [sflag:s20], $0x2000  }
0x3e: {  	[sflag:s20] =	ssyncset.done $0x0  }
0x3f: {  	[sflag:s20] =	ssyncadd.s32 $0xFFFFE000  }
0x40: {  	[spmem:s14] =	stream.linear.scatter [tilespmem:s19], [sflag:$0x3], $0x1C00, $0x38;
	[tilespmem:$0x1CC00] =	vst v63  }
0x41: {  	_ =	swait.ge [sflag:s20], $0x1C00  }
0x42: {  	[sflag:s20] =	ssyncset.done $0x0  }
0x43: {  	s0 =	simm.s32 $0x0;
	[sflag:s20] =	ssyncadd.s32 $0xFFFFE400  }
0x44: {  	[tilespmem:s0], [sflag:$0x3] =	stream.linear.gather [hbm4b:s15+s0], $0x2800, $0x38;
	[tilespmem:$0x1CC00] =	vst v63  }
0x45: {  	_ =	swait.ge [sflag:s20], $0x2800  }
0x46: {  	[sflag:s20] =	ssyncset.done $0x0  }
0x47: {  	[sflag:s20] =	ssyncadd.s32 $0xFFFFD800  }
0x48: {  	[tilespmem:s21], [sflag:$0x3] =	stream.linear.gather [hbm4b:s16+s0], $0x2800, $0x38;
	[tilespmem:$0x1CC00] =	vst v63  }
0x49: {  	_ =	swait.ge [sflag:s20], $0x2800  }
0x4a: {  	[sflag:s20] =	ssyncset.done $0x0  }
0x4b: {  	[sflag:s20] =	ssyncadd.s32 $0xFFFFD800  }
0x4c: {  	[bflag:$0x0] =	sbarrier.arrive $0xFFFF  }
0x4d: {  	[tilespmem:s19], [sflag:$0x1] =	stream.indirect.gather [hbm4b:s4+s22], $0x80, s0, s22, $0xb8;
	[tilespmem:$0x1CC00] =	vst v63  }
0x4e: {  	_ = 	snop  }
0x4f: {  	[tilespmem:s23], [sflag:$0x2] =	stream.indirect.gather [hbm4b:s4+s22], $0x80, s22, s22, $0xb8;
	[tilespmem:$0x1CC00] =	vst v63  }
0x50: {  	_ =	swait.ge [sflag:s24], $0x2000  }
0x51: {  	[sflag:s24] =	ssyncset.done $0x0  }
0x52: {  	s31 =	simm.s32 $0x2800;
	[sflag:s24] =	ssyncadd.s32 $0xFFFFE000  }
0x53: {  	[spmem:s2] =	stream.indirect.scatter.add.f32 [tilespmem:s19], [sflag:$0x3], $0x80, s31, s22, $0xb8;
	[tilespmem:$0x1CC00] =	vst v63  }
0x54: {  	_ =	swait.ge [sflag:s20], $0x2000  }
0x55: {  	[sflag:s20] =	ssyncset.done $0x0  }
0x56: {  	s1 =	simm.s32 $0x80;
	[sflag:s20] =	ssyncadd.s32 $0xFFFFE000  }
0x57: {  	[tilespmem:s19], [sflag:$0x1] =	stream.indirect.gather [hbm4b:s4+s22], $0x80, s1, s22, $0xb8;
	[tilespmem:$0x1CC00] =	vst v63  }
0x58: {  	_ =	swait.ge [sflag:s25], $0x2000  }
0x59: {  	[sflag:s25] =	ssyncset.done $0x0  }
0x5a: {  	s31 =	simm.s32 $0x2840;
	[sflag:s25] =	ssyncadd.s32 $0xFFFFE000  }
0x5b: {  	[spmem:s2] =	stream.indirect.scatter.add.f32 [tilespmem:s23], [sflag:$0x3], $0x80, s31, s22, $0xb8;
	[tilespmem:$0x1CC00] =	vst v63  }
0x5c: {  	_ =	swait.ge [sflag:s20], $0x2000  }
0x5d: {  	[sflag:s20] =	ssyncset.done $0x0  }
0x5e: {  	s30 =	simm.s32 $0x200;
	s1 =	simm.s32 $0xC0;
	[sflag:s20] =	ssyncadd.s32 $0xFFFFE000  }
.LBB2_4:
0x5f: {  	[tilespmem:s23], [sflag:$0x2] =	stream.indirect.gather [hbm4b:s4+s22], $0x80, s1, s22, $0xb8;
	[tilespmem:$0x1CC00] =	vst v63  }
0x60: {  	s0 =	smov.u32 s30  }
0x61: {  	p0 =	sne.s32 s30, $0x9C00;
	s30 =	sadd.s32 $0x200, s30;
	_ =	swait.ge [sflag:s24], $0x2000  }
0x62: {  	s0 =	sshra.s32 s0, $0x2;
	[sflag:s24] =	ssyncset.done $0x0  }
0x63: {  	s1 =	sadd.s32 $0x2800, s0;
	[sflag:s24] =	ssyncadd.s32 $0xFFFFE000  }
0x64: {  	[spmem:s2] =	stream.indirect.scatter.add.f32 [tilespmem:s19], [sflag:$0x3], $0x80, s1, s22, $0xb8;
	[tilespmem:$0x1CC00] =	vst v63  }
0x65: {  	_ =	swait.ge [sflag:s20], $0x2000  }
0x66: {  	[sflag:s20] =	ssyncset.done $0x0  }
0x67: {  	s1 =	sadd.s32 $0x80, s0;
	[sflag:s20] =	ssyncadd.s32 $0xFFFFE000  }
0x68: {  	[tilespmem:s19], [sflag:$0x1] =	stream.indirect.gather [hbm4b:s4+s22], $0x80, s1, s22, $0xb8;
	[tilespmem:$0x1CC00] =	vst v63  }
0x69: {  	_ =	swait.ge [sflag:s25], $0x2000  }
0x6a: {  	[sflag:s25] =	ssyncset.done $0x0  }
.Ltmp1:
0x6b: {  	s1 =	sadd.s32 $0x2840, s0;
	[sflag:s25] =	ssyncadd.s32 $0xFFFFE000;
	(pc) =	sbr.rel @p0 .LBB2_4-.Ltmp1, $4  }
0x6c: {  	[spmem:s2] =	stream.indirect.scatter.add.f32 [tilespmem:s23], [sflag:$0x3], $0x80, s1, s22, $0xb8;
	[tilespmem:$0x1CC00] =	vst v63  }
0x6d: {  	_ =	swait.ge [sflag:s20], $0x2000  }
0x6e: {  	[sflag:s20] =	ssyncset.done $0x0  }
0x6f: {  	s1 =	sadd.s32 $0xC0, s0;
	[sflag:s20] =	ssyncadd.s32 $0xFFFFE000  }
0x70: {  	[tilespmem:s23], [sflag:$0x2] =	stream.indirect.gather [hbm4b:s4+s22], $0x80, s1, s22, $0xb8;
	[tilespmem:$0x1CC00] =	vst v63  }
0x71: {  	_ =	swait.ge [sflag:s24], $0x2000  }
0x72: {  	[sflag:s24] =	ssyncset.done $0x0  }
0x73: {  	[sflag:s24] =	ssyncadd.s32 $0xFFFFE000  }
0x74: {  	[spmem:s2] =	stream.indirect.scatter.add.f32 [tilespmem:s19], [sflag:$0x3], $0x80, s26, s22, $0xb8;
	[tilespmem:$0x1CC00] =	vst v63  }
0x75: {  	_ =	swait.ge [sflag:s20], $0x2000  }
0x76: {  	[sflag:s20] =	ssyncset.done $0x0  }
0x77: {  	[sflag:s20] =	ssyncadd.s32 $0xFFFFE000  }
0x78: {  	_ =	swait.ge [sflag:s25], $0x2000  }
0x79: {  	[sflag:s25] =	ssyncset.done $0x0  }
0x7a: {  	[sflag:s25] =	ssyncadd.s32 $0xFFFFE000  }
0x7b: {  	[spmem:s2] =	stream.indirect.scatter.add.f32 [tilespmem:s23], [sflag:$0x3], $0x80, s28, s22, $0xb8;
	[tilespmem:$0x1CC00] =	vst v63  }
0x7c: {  	s0 =	stileid.u32;
	_ =	swait.ge [sflag:s20], $0x2000  }
0x7d: {  	s31 =	sshrl.u32 s5, $0x3;
	s29 =	sadd.s32 $0x1, s29;
	[sflag:s20] =	ssyncset.done $0x0  }
0x7e: {  	s0 =	sshll.u32 s0, $0x6;
	p0 =	sne.s32 s29, s18;
	[sflag:s20] =	ssyncadd.s32 $0xFFFFE000  }
.Ltmp2:
0x7f: {  	s0 =	sor.u32 $0x1C03, s0;
	[bflag:$0x0] =	sbarrier.arrive $0xFFFF;
	(pc) =	sbr.rel @p0 .LBB2_1-.Ltmp2, $4  }
0x80: {  	[hbm:s17], [sflag:s0] =	dma.local [spmem:s31], $0x2780  }
0x81: {  	_ =	swait.ge [sflag:s20], $0x2780  }
0x82: {  	[sflag:s20] =	ssyncset.done $0x0  }
0x83: {  	[sflag:s20] =	ssyncadd.s32 $0xFFFFD880  }
0x84: {  	_ =	sfence.sel $0x180000  }
0x85: {  	[bflag:$0x0] =	sbarrier.arrive $0xFFFF  }
0x86: {  	_ =	strace $0x9000004D  }
0x87: {  	s0 =	stileid.u32;
	[bflag:$0x2] =	sbarrier.arrive $0xFFFF  }
0x88: {  	p0 =	sne.s32 s0, $0x0;
	s0 =	rddreg [dreg:$0x2]  }
0x89: {  	s0 =	sadd.s32 @!p0 $0x100000, s0  }
0x8a: {  	[sflag:s0] =	ssyncadd.tile.s32 @!p0 $0x1;
	_ =	shalt  }
.Lfunc_end2:
_tile_overlayer_lowered:
.L_overlay_start_2:
0x8b: {  	(tag) =	ssettag $0x2  }
0x8c: {  	s0 =	rddreg [dreg:$0x0];
	s2 =	stileid.u32  }
0x8d: {  	s1 =	rddreg [dreg:$0x1];
	p0 =	sne.s32 s2, $0x0  }
0x8e: {  	s3 =	rddreg [dreg:$0x2];
	[bflag:$0x3] =	sbarrier.arrive $0xFFFF;
	s2 =	simm.s32 @!p0 $0x1C03  }
0x8f: {  	[timem:s3], [sflag:s2] =	dma.local @!p0 [hbm:s0], s1  }
0x90: {  	s0 =	simm.s32 @!p0 $0x3  }
0x91: {  	_ =	swait.ge @!p0 [sflag:s0], s1  }
0x92: {  	s1 =	ssub.s32 @!p0 $0x0, s1;
	[sflag:s0] =	ssyncset.done @!p0 $0x0  }
0x93: {  	[sflag:s0] =	ssyncadd.s32 @!p0 s1  }
0x94: {  	[bflag:$0x3] =	sbarrier.arrive $0xFFFF  }
0x95: {  	_ =	shalt  }

// kernel: kernel.19.cloned.1.call-start
scs
__scs_entry_jumppad:
0x0: {  	(pc) =	sbr.rel $0x88, $3  }
0x1: {  	(tag) =	ssettag $0x0;
	lr =	simm.s32 $0x1  }
0x2: {  	[smem:$0x3F97] =	sst lr;
	_ =	strace $0xD0000000  }
0x3: {  	_ = 	snop  }
0x4: {  	_ = 	snop  }
0x5: {  	_ = 	snop  }
0x6: {  	_ = 	snop  }
0x7: {  	_ = 	snop  }
__scs_overlays_trampoline_lowered:
0x8: {  	[smem:$0x3FA6] =	sst s0  }
0x9: {  	[smem:$0x3FA7] =	sst s1  }
0xa: {  	[smem:$0x3FA8] =	sst s2  }
0xb: {  	[smem:$0x3FA9] =	sst s3  }
0xc: {  	[smem:$0x3FAA] =	sst s4  }
0xd: {  	[smem:$0x3FAB] =	sst s5  }
0xe: {  	[smem:$0x3FAC] =	sst s6  }
0xf: {  	[smem:$0x3FAD] =	sst s7  }
0x10: {  	[smem:$0x3FAE] =	sst s8  }
0x11: {  	[smem:$0x3FAF] =	sst s9;
	s0 =	simm.s32 @!p0 $0x0  }
0x12: {  	s1 =	sld [smem:$0x3F95];
	s0 =	simm.s32 @p0 $0x1  }
0x13: {  	[smem:$0x3FB0] =	sst s0;
	s0 =	simm.s32 @!p1 $0x0  }
0x14: {  	s2 =	sld [smem:$0x3F94];
	s0 =	simm.s32 @p1 $0x1  }
0x15: {  	[smem:$0x3FB1] =	sst s0;
	s0 =	simm.s32 @!p2 $0x0  }
0x16: {  	s3 =	sld [smem:$0x3FDB];
	s0 =	simm.s32 @p2 $0x1  }
0x17: {  	s4 =	simm.s32 $0x1BF5;
	[smem:$0x3FB3] =	sst s0  }
0x18: {  	s0 =	sld [smem:$0x3F96];
	_ =	swait.ge [sflag:s4], $0x0  }
0x19: {  	s7 =	sld [smem:$0x3F97]  }
0x1a: {  	s8 =	sadd.s32 $0xFFFFE003, lr  }
0x1b: {  	s9 =	sadd.s32 $0xFFFFFEF7, lr;
	s5 =	simm.s32 $0xFFFFFFFF;
	p2 =	slt.u32 s8, $0xFFFFF086  }
0x1c: {  	p1 =	slt.u32 s9, $0xF7A;
	s5 =	simm.s32 @!p2 $0x0  }
0x1d: {  	s5 =	simm.s32 @p1 $0x1;
	p0 =	seq.s32 s7, s2  }
0x1e: {  	s7 =	smul.u32 @!p0 $0xF7A, s2;
	p2 =	seq.s32 @!p0 s5, $0x0  }
0x1f: {  	s9 =	smul.u32 $0xF7A, s1;
	s8 =	simm.s32 @!p0 $0x1BF5;
	p2 =	por !p2, p0  }
0x20: {  	[sflag:s8] =	ssyncset.s32 @!p0 $0xFFFFF086;
	s6 =	sadd.s32 @!p0 s3, s7;
	s7 =	simm.s32 @!p0 $0x108  }
0x21: {  	s3 =	sadd.s32 s3, s9;
	s6 =	sadd.s32 @!p0 $0x88, s6;
	s7 =	simm.s32 @p2 $0x1082  }
0x22: {  	[simem:s7], [sflag:s8] =	dma.local @!p0 [hbm:s6], $0xF7A  }
0x23: {  	s9 =	sor.u32 $0xD0000000, s2;
	s6 =	simm.s32 $0x108;
	_ =	swait.ge @!p0 [sflag:s8], $0x0  }
0x24: {  	s3 =	sadd.s32 $0x88, s3;
	s6 =	simm.s32 @!p1 $0x1082;
	[sflag:s4] =	ssyncset.s32 $0xFFFFF086  }
0x25: {  	[simem:s6], [sflag:s4] =	dma.local [hbm:s3], $0xF7A  }
0x26: {  	[smem:$0x3F97] =	sst s1;
	(tag) =	ssettag s2;
	_ =	strace s9  }
0x27: {  	s1 =	sld [smem:$0x3FA7]  }
0x28: {  	s2 =	sld [smem:$0x3FA8]  }
0x29: {  	s4 =	sld [smem:$0x3FAA]  }
0x2a: {  	p0 =	seq.s32 s5, $0x0;
	s5 =	sld [smem:$0x3FAB]  }
0x2b: {  	s6 =	sld [smem:$0x3FAC]  }
0x2c: {  	s7 =	sld [smem:$0x3FAD]  }
0x2d: {  	s3 =	simm.s32 $0x108;
	s8 =	sld [smem:$0x3FAE]  }
0x2e: {  	s3 =	simm.s32 @!p0 $0x1082;
	s9 =	sld [smem:$0x3FAF]  }
0x2f: {  	lr =	sadd.s32 s0, s3;
	s0 =	sld [smem:$0x3FA6]  }
0x30: {  	s3 =	sld [smem:$0x3FA9]  }
0x31: {  	[smem:$0x3FB2] =	sst s10  }
0x32: {  	s10 =	sld [smem:$0x3FB0];
	_ =	sdelay $0x3  }
0x33: {  	p0 =	seq.s32 s10, $0x1;
	s10 =	sld [smem:$0x3FB2];
	_ =	sdelay $0x3  }
0x34: {  	[smem:$0x3FB2] =	sst s10  }
0x35: {  	s10 =	sld [smem:$0x3FB1];
	_ =	sdelay $0x3  }
0x36: {  	p1 =	seq.s32 s10, $0x1;
	s10 =	sld [smem:$0x3FB2];
	_ =	sdelay $0x3  }
0x37: {  	[smem:$0x3FB2] =	sst s10  }
0x38: {  	s10 =	sld [smem:$0x3FB3]  }
0x39: {  	_ = 	snop;
	(pc) =	sbr.ind lr, $3  }
0x3a: {  	_ = 	snop  }
0x3b: {  	_ = 	snop  }
0x3c: {  	p2 =	seq.s32 s10, $0x1;
	s10 =	sld [smem:$0x3FB2]  }
0x3d: {  	_ =	shalt  }
0x3e: {  	_ =	shalt  }
0x3f: {  	_ =	shalt  }
0x40: {  	_ =	shalt  }
0x41: {  	_ =	shalt  }
0x42: {  	_ =	shalt  }
0x43: {  	_ =	shalt  }
0x44: {  	_ =	shalt  }
0x45: {  	_ =	shalt  }
0x46: {  	_ =	shalt  }
0x47: {  	_ =	shalt  }
0x48: {  	_ =	shalt  }
0x49: {  	_ =	shalt  }
0x4a: {  	_ =	shalt  }
0x4b: {  	_ =	shalt  }
0x4c: {  	_ =	shalt  }
0x4d: {  	_ =	shalt  }
0x4e: {  	_ =	shalt  }
0x4f: {  	_ =	shalt  }
0x50: {  	_ =	shalt  }
0x51: {  	_ =	shalt  }
0x52: {  	_ =	shalt  }
0x53: {  	_ =	shalt  }
0x54: {  	_ =	shalt  }
0x55: {  	_ =	shalt  }
0x56: {  	_ =	shalt  }
0x57: {  	_ =	shalt  }
0x58: {  	_ =	shalt  }
0x59: {  	_ =	shalt  }
0x5a: {  	_ =	shalt  }
0x5b: {  	_ =	shalt  }
0x5c: {  	_ =	shalt  }
0x5d: {  	_ =	shalt  }
0x5e: {  	_ =	shalt  }
0x5f: {  	_ =	shalt  }
0x60: {  	_ =	shalt  }
0x61: {  	_ =	shalt  }
0x62: {  	_ =	shalt  }
0x63: {  	_ =	shalt  }
0x64: {  	_ =	shalt  }
0x65: {  	_ =	shalt  }
0x66: {  	_ =	shalt  }
0x67: {  	_ =	shalt  }
0x68: {  	_ =	shalt  }
0x69: {  	_ =	shalt  }
0x6a: {  	_ =	shalt  }
0x6b: {  	_ =	shalt  }
0x6c: {  	_ =	shalt  }
0x6d: {  	_ =	shalt  }
0x6e: {  	_ =	shalt  }
0x6f: {  	_ =	shalt  }
0x70: {  	_ =	shalt  }
0x71: {  	_ =	shalt  }
0x72: {  	_ =	shalt  }
0x73: {  	_ =	shalt  }
0x74: {  	_ =	shalt  }
0x75: {  	_ =	shalt  }
0x76: {  	_ =	shalt  }
0x77: {  	_ =	shalt  }
0x78: {  	_ =	shalt  }
0x79: {  	_ =	shalt  }
0x7a: {  	_ =	shalt  }
0x7b: {  	_ =	shalt  }
0x7c: {  	_ =	shalt  }
0x7d: {  	_ =	shalt  }
0x7e: {  	_ =	shalt  }
0x7f: {  	_ =	shalt  }
0x80: {  	_ =	shalt  }
0x81: {  	_ =	shalt  }
0x82: {  	_ =	shalt  }
0x83: {  	_ =	shalt  }
0x84: {  	_ =	shalt  }
0x85: {  	_ =	shalt  }
0x86: {  	_ =	shalt  }
0x87: {  	_ =	shalt  }
.Lfunc_end0:
.L_simem_size_0:
called_computation.3_lowered:
.L_overlay_start_0:
0x88: {  	s2 =	sld [smem:$0x3FD9]  }
0x89: {  	s3 =	sld [smem:$0x3FFE];
	_ =	sdelay $0x1  }
0x8a: {  	s1 =	srdreg.scid  }
0x8b: {  	s0 =	sand.u32 $0x1, s1  }
0x8c: {  	s17 =	sshll.u32 s0, $0xA;
	s2 =	sadd.s32 s3, s2  }
0x8d: {  	s2 =	sadd.s32 s2, s17  }
0x8e: {  	[smem:$0x3FBE] =	sst s2  }
0x8f: {  	_ = 	snop  }
0x90: {  	s2 =	sld [smem:$0x3FD0];
	(tm) =	ssettm $0x1  }
0x91: {  	s18 =	sld [smem:$0x3FFB];
	_ =	sdelay $0x3  }
0x92: {  	_ =	strace s18  }
0x93: {  	s3 =	sld [smem:$0x3FFC];
	_ =	sdelay $0x3  }
0x94: {  	_ =	strace s3  }
0x95: {  	s3 =	sld [smem:$0x3FFD];
	_ =	sdelay $0x3  }
0x96: {  	_ =	strace s3  }
0x97: {  	_ =	strace $0x8FFFFFFF  }
0x98: {  	s19 =	sld [smem:$0x3FDB];
	_ =	sdelay $0x1  }
0x99: {  	s4 =	simm.s32 $_scs_section_size  }
0x9a: {  	s5 =	simm.s32 $_size__tile_overlayer_lowered;
	s6 =	simm.s32 $_tile_overlayer_lowered  }
0x9b: {  	s22 =	simm.s32 $0x1BFF;
	s21 =	sshll.u32 s6, $0x1;
	s3 =	sadd.s32 s4, s19  }
0x9c: {  	s7 =	simm.s32 $0x0;
	s20 =	sshll.u32 s5, $0x1;
	s5 =	sadd.s32 s21, s3  }
0x9d: {  	[timem:s7], [sflag:s22] =	dma.local [hbm:s5], s20  }
0x9e: {  	_ =	swait.ge [sflag:s22], s20  }
0x9f: {  	s4 =	ssub.s32 $0x0, s20;
	[sflag:s22] =	ssyncset.done $0x0  }
0xa0: {  	[sflag:s22] =	ssyncadd.s32 s4;
	_ =	sdelay $0x1  }
0xa1: {  	s23 =	simm.s32 $0x1B8B  }
0xa2: {  	_ =	swait.ge [sflag:s23], $0x1  }
0xa3: {  	[sflag:s23] =	ssyncset.done $0x0  }
0xa4: {  	s25 =	simm.s32 $0x1B8E;
	s24 =	sld [smem:$0x3FFE];
	[sflag:s23] =	ssyncadd.s32 $0xFFFFFFFF  }
0xa5: {  	s26 =	simm.s32 $execute0_lowered;
	[smem:$0x3FD2] =	sst s25  }
0xa6: {  	s5 =	sshll.u32 s26, $0x1;
	_ =	strace $0x8000004F;
	[dreg:$0x1] =	wrdreg $0xFFFFFFFF  }
0xa7: {  	s28 =	simm.s32 $_size_execute0_lowered;
	s3 =	sadd.s32 s3, s5;
	[dreg:$0x0] =	wrdreg $0x0  }
0xa8: {  	s5 =	sshll.u32 s28, $0x1;
	[dreg:$0x2] =	wrdreg s3  }
0xa9: {  	[dreg:$0x3] =	wrdreg s5  }
0xaa: {  	[dreg:$0x4] =	wrdreg $0xC0  }
0xab: {  	_ =	task [dreg:s7], $0x5FFFF  }
0xac: {  	[dreg:$0x1] =	wrdreg $0xFFFFFFFF  }
0xad: {  	[dreg:$0x0] =	wrdreg $0x60  }
0xae: {  	[dreg:$0x2] =	wrdreg s24  }
0xaf: {  	[dreg:$0x3] =	wrdreg s2  }
0xb0: {  	[dreg:$0x4] =	wrdreg $0x9  }
0xb1: {  	_ =	task.clear_ibuf [dreg:s7], $0x5FFFF;
	_ =	strace $0x9000004F  }
0xb2: {  	s29 =	simm.s32 $0x9;
	_ =	strace $0x80000051  }
0xb3: {  	_ =	swait.ge [sflag:s29], $0x1  }
0xb4: {  	[sflag:s29] =	ssyncadd.s32 $0xFFFFFFFF  }
0xb5: {  	_ =	strace $0x90000051  }
0xb6: {  	_ =	sfence  }
0xb7: {  	s30 =	sld [smem:$0x0];
	_ =	sdelay $0x2  }
0xb8: {  	s31 =	sshll.u32 s1, $0xD;
	s1 =	sshrl.u32 s1, $0x2  }
0xb9: {  	s3 =	sand.u32 $0x4000, s31;
	s1 =	sadd.s32 s1, s30  }
0xba: {  	s0 =	sor.u32 s3, s0;
	s1 =	sshll.u32 s1, $0x11  }
0xbb: {  	s0 =	sor.u32 s1, s0  }
0xbc: {  	s0 =	sadd.s32 $0x8F2B, s0  }
0xbd: {  	[sflag:s0] =	ssyncadd.remote.s32 $0x1  }
0xbe: {  	_ =	sfence.sel $0xFFFF  }
0xbf: {  	[dreg:$0x0] =	wrdreg $0xFFFFFFFF;
	(pc) =	sbr.abs _section_cstart, $3  }
0xc0: {  	[dreg:$0x1] =	wrdreg $0xFFFFFFFF  }
0xc1: {  	_ =	task.clear_ibuf [dreg:s7], $0x2FFFF;
	_ =	strace $0x9FFFFFFF  }
0xc2: {  	(tm) =	ssettm $0x7FFFFFFF  }
0xc3: {  	_ =	shalt  }
tec
execute0_lowered:
.L_overlay_start_1:
0x0: {  	(tag) =	ssettag $0x1  }
0x1: {  	s0 =	srdreg.scid;
	s6 =	rddreg [dreg:$0x0]  }
0x2: {  	s2 =	rddreg [dreg:$0x1];
	s1 =	stileid.u32;
	s3 =	simm.s32 $0x0  }
0x3: {  	s11 =	simm.s32 $0x5;
	s12 =	simm.s32 $0x2800;
	s13 =	simm.s32 $0x15000  }
0x4: {  	s14 =	simm.s32 $0x80;
	s15 =	simm.s32 $0x5000;
	s16 =	simm.s32 $0xD000  }
0x5: {  	s17 =	simm.s32 $0x9000;
	s18 =	simm.s32 $0x2880;
	s19 =	simm.s32 $0x11000  }
0x6: {  	s20 =	simm.s32 $0x1;
	s21 =	simm.s32 $0x3;
	s22 =	simm.s32 $0x15200  }
0x7: {  	s23 =	simm.s32 $0x2;
	s24 =	simm.s32 $0x4;
	s0 =	sand.u32 $0x1, s0  }
0x8: {  	s25 =	simm.s32 $0x0;
	[smem:$0x7FF] =	sst s3;
	s4 =	sshll.u32 s0, $0x4  }
.Ltmp0:
0x9: {  	s0 =	ssub.s32 $0x2, s0;
	s5 =	sor.u32 s1, s4;
	(pc) =	sbr.rel .LBB2_1-.Ltmp0, $4  }
0xa: {  	_ =	strace $0x80000050;
	s31 =	sshrl.u32 s0, $0x1;
	s7 =	smul.u32 $0x500, s5  }
0xb: {  	s4 =	sadd.s32 $0xC800, s6;
	s5 =	smul.u32 $0x140000, s5;
	s0 =	ssub.s32 s0, s31  }
0xc: {  	s10 =	smax.u32 s0, $0x1;
	s8 =	sadd.s32 s7, s6;
	s6 =	sadd.s32 $0x65800, s6  }
0xd: {  	s9 =	sor.u32 $0x4000, s5;
	s7 =	sadd.s32 $0x5B800, s8;
	s8 =	sadd.s32 $0x2800, s8  }
.LBB2_8:
0xe: {  	s25 =	sadd.s32 $0x1, s25  }
0xf: {  	p0 =	sne.s32 s25, s10  }
.Ltmp1:
0x10: {  	_ = 	snop;
	(pc) =	sbr.rel @!p0 .LBB2_9-.Ltmp1, $1  }
0x11: {  	_ =	sdelay $0x3  }
.LBB2_1:
0x12: {  	[tilespmem:s3], [sflag:$0x5] =	stream.linear.gather [hbm4b:s7+s3], $0x2800, $0x38;
	[tilespmem:$0x19200] =	vst v63  }
0x13: {  	_ =	swait.ge [sflag:s11], $0x2800  }
0x14: {  	[sflag:s11] =	ssyncset.done $0x0  }
0x15: {  	[sflag:s11] =	ssyncadd.s32 $0xFFFFD800  }
0x16: {  	[tilespmem:s12], [sflag:$0x5] =	stream.linear.gather [hbm4b:s8+s3], $0x2800, $0x38;
	[tilespmem:$0x19200] =	vst v63  }
0x17: {  	_ =	swait.ge [sflag:s11], $0x2800  }
0x18: {  	[sflag:s11] =	ssyncset.done $0x0  }
0x19: {  	[sflag:s11] =	ssyncadd.s32 $0xFFFFD800  }
0x1a: {  	[tilespmem:s13], [sflag:$0x5] =	stream.linear.gather [hbm4b:s2+s3], $0x200, $0x38;
	[tilespmem:$0x19200] =	vst v63  }
0x1b: {  	_ =	swait.ge [sflag:s11], $0x200  }
0x1c: {  	[sflag:s11] =	ssyncset.done $0x0  }
0x1d: {  	[sflag:s11] =	ssyncadd.s32 $0xFFFFFE00  }
0x1e: {  	v0 =	vld [tilespmem:$0x15000]  }
0x1f: {  	v1 =	vld [tilespmem:$0x15080]  }
0x20: {  	v2 =	vld [tilespmem:$0x15100]  }
0x21: {  	v3 =	vld [tilespmem:$0x15180];
	[tilespmem:s15], [sflag:$0x1] =	stream.indirect.gather [hbm4b:s4+s14], $0x80, s3, s14, $0xb8  }
0x22: {  	_ = 	snop  }
0x23: {  	[tilespmem:s16], [sflag:$0x3] =	stream.indirect.gather [hbm4b:s4+s14], $0x80, s12, s14, $0xb8;
	[tilespmem:$0x19200] =	vst v63  }
0x24: {  	_ = 	snop  }
0x25: {  	[tilespmem:s17], [sflag:$0x2] =	stream.indirect.gather [hbm4b:s4+s14], $0x80, s14, s14, $0xb8;
	[tilespmem:$0x19200] =	vst v63  }
0x26: {  	s26 =	simm.s32 $0x0  }
0x27: {  	[tilespmem:s19], [sflag:$0x4] =	stream.indirect.gather [hbm4b:s4+s14], $0x80, s18, s14, $0xb8;
	[tilespmem:$0x19200] =	vst v63  }
.LBB2_2:
0x28: {  	_ =	swait.ge [sflag:s20], $0x4000  }
0x29: {  	[sflag:s20] =	ssyncset.done $0x0  }
0x2a: {  	[sflag:s20] =	ssyncadd.s32 $0xFFFFC000  }
0x2b: {  	_ =	swait.ge [sflag:s21], $0x4000  }
0x2c: {  	[sflag:s21] =	ssyncset.done $0x0  }
0x2d: {  	s28 =	simm.s32 $0x0;
	[sflag:s21] =	ssyncadd.s32 $0xFFFFC000  }
0x2e: {  	v4 =	vld [tilespmem:s28+$0x5180]  }
0x2f: {  	v5 =	vld [tilespmem:s28+$0xD1C0]  }
0x30: {  	v6 =	vld [tilespmem:s28+$0x5190]  }
0x31: {  	v7 =	vld [tilespmem:s28+$0xD1D0]  }
0x32: {  	v8 =	vld [tilespmem:s28+$0x51A0]  }
0x33: {  	v9 =	vld [tilespmem:s28+$0xD1E0]  }
0x34: {  	v10 =	vld [tilespmem:s28+$0x51B0]  }
0x35: {  	v11 =	vld [tilespmem:s28+$0x5000]  }
0x36: {  	v12 =	vld [tilespmem:s28+$0x5080]  }
0x37: {  	v13 =	vld [tilespmem:s28+$0x5100];
	v4 =	vadd.f32 v5, v4  }
0x38: {  	v5 =	vld [tilespmem:s28+$0xD1F0]  }
0x39: {  	v6 =	vadd.f32 v7, v6;
	v7 =	vld [tilespmem:s28+$0xD040];
	v4 =	vmax.f32 v4, $0.0e+00  }
0x3a: {  	v8 =	vadd.f32 v9, v8;
	v9 =	vld [tilespmem:s28+$0xD0C0];
	v4 =	vmul.f32 v4, v0  }
0x3b: {  	v14 =	vld [tilespmem:s28+$0xD050];
	v6 =	vmax.f32 v6, $0.0e+00  }
0x3c: {  	v15 =	vld [tilespmem:s28+$0xD0D0];
	v6 =	vmul.f32 v6, v1;
	v4 =	vadd.f32 $0.0e+00, v4  }
0x3d: {  	v8 =	vmax.f32 v8, $0.0e+00;
	v5 =	vadd.f32 v5, v10;
	v10 =	vld [tilespmem:s28+$0xD140]  }
0x3e: {  	v7 =	vadd.f32 v7, v11;
	v11 =	vld [tilespmem:s28+$0xD150];
	v4 =	vadd.f32 v6, v4;
	v6 =	vmul.f32 v8, v2  }
0x3f: {  	v9 =	vadd.f32 v9, v12;
	v12 =	vld [tilespmem:s28+$0xD060];
	v5 =	vmax.f32 v5, $0.0e+00  }
0x40: {  	v8 =	vld [tilespmem:s28+$0x5010];
	v5 =	vmul.f32 v5, v3;
	v4 =	vadd.f32 v6, v4  }
0x41: {  	v6 =	vld [tilespmem:s28+$0x5090]  }
0x42: {  	v10 =	vadd.f32 v10, v13;
	v13 =	vld [tilespmem:s28+$0x50A0];
	v4 =	vadd.f32 v5, v4  }
0x43: {  	v9 =	vmax.f32 v9, $0.0e+00;
	v5 =	vld [tilespmem:s28+$0x5110]  }
0x44: {  	v9 =	vmul.f32 v9, v0;
	[tilespmem:s28+$0x15380] =	vst v4;
	v4 =	vmax.f32 v7, $0.0e+00;
	v7 =	vld [tilespmem:s28+$0x5020]  }
0x45: {  	v8 =	vadd.f32 v14, v8;
	v14 =	vld [tilespmem:s28+$0xD0E0]  }
0x46: {  	v9 =	vadd.f32 $0.0e+00, v9;
	v10 =	vmax.f32 v10, $0.0e+00;
	v4 =	vmul.f32 v4, v0  }
0x47: {  	v16 =	vld [tilespmem:s28+$0x5120];
	v10 =	vmul.f32 v10, v0;
	v8 =	vmax.f32 v8, $0.0e+00;
	v6 =	vadd.f32 v15, v6  }
0x48: {  	v15 =	vld [tilespmem:s28+$0xD160];
	v8 =	vmul.f32 v8, v1;
	v4 =	vadd.f32 $0.0e+00, v4;
	v5 =	vadd.f32 v11, v5  }
0x49: {  	v17 =	vld [tilespmem:s28+$0x5030];
	v11 =	vadd.f32 $0.0e+00, v10;
	v7 =	vadd.f32 v12, v7  }
0x4a: {  	v18 =	vld [tilespmem:s28+$0xD070];
	v6 =	vmax.f32 v6, $0.0e+00;
	v13 =	vadd.f32 v14, v13;
	v12 =	vadd.f32 v8, v4  }
0x4b: {  	v10 =	vld [tilespmem:s28+$0xD0F0];
	v4 =	vmul.f32 v6, v1;
	v5 =	vmax.f32 v5, $0.0e+00;
	v6 =	vmax.f32 v7, $0.0e+00  }
0x4c: {  	v8 =	vld [tilespmem:s28+$0x50B0];
	v19 =	vmul.f32 v5, v1;
	v6 =	vmul.f32 v6, v2  }
0x4d: {  	v15 =	vadd.f32 v15, v16;
	v13 =	vmax.f32 v13, $0.0e+00;
	v5 =	vadd.f32 v4, v9;
	v7 =	vld [tilespmem:s28+$0x5130]  }
0x4e: {  	s30 =	simm.s32 $0x200;
	v4 =	vadd.f32 v19, v11;
	v11 =	vld [tilespmem:s28+$0xD170];
	v9 =	vadd.f32 v6, v12;
	v12 =	vmul.f32 v13, v2  }
0x4f: {  	s29 =	simm.s32 $0x1000;
	v14 =	vadd.f32 v18, v17;
	v6 =	vld [tilespmem:s30+$0x5180];
	v13 =	vmax.f32 v15, $0.0e+00  }
.LBB2_3:
0x50: {  	p0 =	sne.s32 s29, $0xF800;
	v15 =	vld [tilespmem:s30+$0xD1C0];
	v5 =	vadd.f32 v12, v5;
	v12 =	vmul.f32 v13, v2  }
0x51: {  	v13 =	vld [tilespmem:s30+$0x5190];
	v14 =	vmax.f32 v14, $0.0e+00;
	v8 =	vadd.f32 v10, v8  }
0x52: {  	v10 =	vld [tilespmem:s30+$0xD1D0];
	v14 =	vmul.f32 v14, v3;
	v4 =	vadd.f32 v12, v4  }
0x53: {  	v12 =	vld [tilespmem:s30+$0x51A0];
	v8 =	vmax.f32 v8, $0.0e+00;
	v7 =	vadd.f32 v11, v7  }
0x54: {  	v11 =	vld [tilespmem:s30+$0xD1E0];
	v9 =	vadd.f32 v14, v9;
	v8 =	vmul.f32 v8, v3  }
0x55: {  	v6 =	vadd.f32 v15, v6;
	v14 =	vld [tilespmem:s30+$0x51B0];
	v7 =	vmax.f32 v7, $0.0e+00  }
0x56: {  	v15 =	vld [tilespmem:s30+$0xD1F0];
	[tilespmem:s28+$0x15200] =	vst v9;
	v5 =	vadd.f32 v8, v5;
	v7 =	vmul.f32 v7, v3  }
0x57: {  	v8 =	vld [tilespmem:s30+$0x5000];
	v6 =	vmax.f32 v6, $0.0e+00;
	v9 =	vadd.f32 v10, v13  }
0x58: {  	v10 =	vld [tilespmem:s30+$0xD040];
	v6 =	vmul.f32 v6, v0;
	[tilespmem:s28+$0x15280] =	vst v5;
	v4 =	vadd.f32 v7, v4  }
0x59: {  	v5 =	vld [tilespmem:s30+$0x5080];
	v7 =	vmax.f32 v9, $0.0e+00;
	v9 =	vadd.f32 v11, v12  }
0x5a: {  	v11 =	vld [tilespmem:s30+$0xD0C0];
	v6 =	vadd.f32 $0.0e+00, v6;
	v7 =	vmul.f32 v7, v1;
	[tilespmem:s28+$0x15300] =	vst v4;
	s28 =	smov.u32 s30  }
0x5b: {  	v4 =	vld [tilespmem:s28+$0x5100];
	v9 =	vmax.f32 v9, $0.0e+00;
	v12 =	vadd.f32 v15, v14  }
0x5c: {  	v13 =	vld [tilespmem:s28+$0xD140];
	v6 =	vadd.f32 v7, v6;
	v7 =	vmul.f32 v9, v2  }
0x5d: {  	v8 =	vadd.f32 v10, v8;
	v9 =	vld [tilespmem:s28+$0x5010];
	v10 =	vmax.f32 v12, $0.0e+00  }
0x5e: {  	v12 =	vld [tilespmem:s28+$0xD050];
	v6 =	vadd.f32 v7, v6;
	v7 =	vmul.f32 v10, v3  }
0x5f: {  	v8 =	vmax.f32 v8, $0.0e+00;
	v5 =	vadd.f32 v11, v5;
	v10 =	vld [tilespmem:s28+$0x5090]  }
0x60: {  	v8 =	vmul.f32 v8, v0;
	v11 =	vld [tilespmem:s28+$0xD0D0];
	v6 =	vadd.f32 v7, v6  }
0x61: {  	v5 =	vmax.f32 v5, $0.0e+00;
	v4 =	vadd.f32 v13, v4;
	v7 =	vld [tilespmem:s28+$0x5110]  }
0x62: {  	v8 =	vadd.f32 $0.0e+00, v8;
	v5 =	vmul.f32 v5, v0;
	v13 =	vld [tilespmem:s28+$0xD150];
	[tilespmem:s28+$0x15380] =	vst v6  }
0x63: {  	v6 =	vadd.f32 v12, v9;
	v9 =	vld [tilespmem:s28+$0x5020];
	v4 =	vmax.f32 v4, $0.0e+00  }
0x64: {  	v12 =	vld [tilespmem:s28+$0xD060];
	v5 =	vadd.f32 $0.0e+00, v5;
	v4 =	vmul.f32 v4, v0  }
0x65: {  	v6 =	vmax.f32 v6, $0.0e+00;
	v10 =	vadd.f32 v11, v10;
	v11 =	vld [tilespmem:s28+$0x50A0]  }
0x66: {  	v6 =	vmul.f32 v6, v1;
	v14 =	vld [tilespmem:s28+$0xD0E0];
	v4 =	vadd.f32 $0.0e+00, v4  }
0x67: {  	v10 =	vmax.f32 v10, $0.0e+00;
	v7 =	vadd.f32 v13, v7;
	v13 =	vld [tilespmem:s28+$0x5120]  }
0x68: {  	v6 =	vadd.f32 v6, v8;
	v8 =	vmul.f32 v10, v1;
	v15 =	vld [tilespmem:s28+$0xD160]  }
0x69: {  	v9 =	vadd.f32 v12, v9;
	v16 =	vld [tilespmem:s28+$0x5030];
	v7 =	vmax.f32 v7, $0.0e+00  }
0x6a: {  	v17 =	vld [tilespmem:s28+$0xD070];
	v5 =	vadd.f32 v8, v5;
	v7 =	vmul.f32 v7, v1  }
.Ltmp2:
0x6b: {  	v9 =	vmax.f32 v9, $0.0e+00;
	v11 =	vadd.f32 v14, v11;
	v8 =	vld [tilespmem:s28+$0x50B0];
	(pc) =	sbr.rel @p0 .LBB2_3-.Ltmp2, $4  }
0x6c: {  	v9 =	vmul.f32 v9, v2;
	v10 =	vld [tilespmem:s28+$0xD0F0];
	v4 =	vadd.f32 v7, v4  }
0x6d: {  	v11 =	vmax.f32 v11, $0.0e+00;
	v13 =	vadd.f32 v15, v13;
	v7 =	vld [tilespmem:s28+$0x5130]  }
0x6e: {  	s30 =	sshra.s32 s29, $0x2;
	v9 =	vadd.f32 v9, v6;
	v12 =	vmul.f32 v11, v2;
	v11 =	vld [tilespmem:s28+$0xD170]  }
0x6f: {  	s29 =	sadd.s32 $0x800, s29;
	v6 =	vld [tilespmem:s30+$0x5180];
	v14 =	vadd.f32 v17, v16;
	v13 =	vmax.f32 v13, $0.0e+00  }
0x70: {  	v15 =	vld [tilespmem:s30+$0xD1C0]  }
0x71: {  	v16 =	vld [tilespmem:s30+$0x5190];
	v14 =	vmax.f32 v14, $0.0e+00;
	v8 =	vadd.f32 v10, v8  }
0x72: {  	v17 =	vld [tilespmem:s30+$0xD1D0];
	v5 =	vadd.f32 v12, v5;
	v10 =	vmul.f32 v14, v3  }
0x73: {  	v18 =	vld [tilespmem:s30+$0xD1E0];
	v12 =	vmul.f32 v13, v2;
	v8 =	vmax.f32 v8, $0.0e+00;
	v7 =	vadd.f32 v11, v7  }
0x74: {  	v14 =	vld [tilespmem:s30+$0x51A0];
	v9 =	vadd.f32 v10, v9;
	v8 =	vmul.f32 v8, v3  }
0x75: {  	v4 =	vadd.f32 v12, v4;
	v11 =	vld [tilespmem:s30+$0xD1F0];
	v7 =	vmax.f32 v7, $0.0e+00  }
0x76: {  	v10 =	vld [tilespmem:s30+$0x51B0];
	v6 =	vadd.f32 v15, v6;
	[tilespmem:s28+$0x15200] =	vst v9;
	v5 =	vadd.f32 v8, v5;
	v7 =	vmul.f32 v7, v3  }
0x77: {  	v8 =	vld [tilespmem:s30+$0x5000]  }
0x78: {  	v9 =	vld [tilespmem:s30+$0xD040];
	[tilespmem:s28+$0x15280] =	vst v5;
	v5 =	vmax.f32 v6, $0.0e+00;
	v6 =	vadd.f32 v17, v16;
	v4 =	vadd.f32 v7, v4  }
0x79: {  	v7 =	vld [tilespmem:s30+$0x5080];
	v5 =	vmul.f32 v5, v0  }
0x7a: {  	v12 =	vld [tilespmem:s30+$0xD0C0];
	v6 =	vmax.f32 v6, $0.0e+00;
	[tilespmem:s28+$0x15300] =	vst v4  }
0x7b: {  	v4 =	vadd.f32 $0.0e+00, v5;
	v5 =	vmul.f32 v6, v1;
	v6 =	vld [tilespmem:s30+$0x5100]  }
0x7c: {  	v10 =	vadd.f32 v11, v10;
	v11 =	vld [tilespmem:s30+$0xD140]  }
0x7d: {  	v13 =	vadd.f32 v18, v14;
	v14 =	vld [tilespmem:s30+$0xD050]  }
0x7e: {  	v15 =	vld [tilespmem:s30+$0xD0D0]  }
0x7f: {  	v55 =	vld [tilespmem:s30+$0xD150]  }
0x80: {  	v56 =	vld [tilespmem:s30+$0xD060]  }
0x81: {  	v13 =	vmax.f32 v13, $0.0e+00;
	v57 =	vld [tilespmem:s30+$0xD0E0]  }
0x82: {  	v19 =	vld [tilespmem:s30+$0xD070];
	v4 =	vadd.f32 v5, v4;
	v5 =	vmul.f32 v13, v2  }
0x83: {  	v10 =	vmax.f32 v10, $0.0e+00;
	v58 =	vld [tilespmem:s30+$0xD0F0]  }
0x84: {  	v8 =	vadd.f32 v9, v8;
	v9 =	vld [tilespmem:s30+$0x50A0];
	v4 =	vadd.f32 v5, v4;
	v5 =	vmul.f32 v10, v3  }
0x85: {  	v13 =	vld [tilespmem:s30+$0x5010]  }
0x86: {  	v8 =	vmax.f32 v8, $0.0e+00;
	v7 =	vadd.f32 v12, v7;
	v10 =	vld [tilespmem:s30+$0x5090];
	v4 =	vadd.f32 v5, v4  }
0x87: {  	v8 =	vmul.f32 v8, v0;
	v5 =	vld [tilespmem:s30+$0x5110]  }
0x88: {  	v7 =	vmax.f32 v7, $0.0e+00;
	[tilespmem:s30+$0x15380] =	vst v4;
	v4 =	vld [tilespmem:s30+$0x5020]  }
0x89: {  	v59 =	vld [tilespmem:s30+$0x5130];
	v6 =	vadd.f32 v11, v6;
	v8 =	vadd.f32 $0.0e+00, v8;
	v7 =	vmul.f32 v7, v0  }
0x8a: {  	v12 =	vld [tilespmem:s30+$0x5120];
	v9 =	vadd.f32 v57, v9;
	v13 =	vadd.f32 v14, v13  }
0x8b: {  	v14 =	vld [tilespmem:s30+$0x5030];
	v6 =	vmax.f32 v6, $0.0e+00;
	v7 =	vadd.f32 $0.0e+00, v7;
	v10 =	vadd.f32 v15, v10  }
0x8c: {  	v11 =	vld [tilespmem:s30+$0xD160];
	v6 =	vmul.f32 v6, v0;
	v13 =	vmax.f32 v13, $0.0e+00;
	v5 =	vadd.f32 v55, v5  }
0x8d: {  	v15 =	vld [tilespmem:s30+$0x50B0];
	v13 =	vmul.f32 v13, v1;
	v10 =	vmax.f32 v10, $0.0e+00;
	v4 =	vadd.f32 v56, v4  }
0x8e: {  	v20 =	vld [tilespmem:s30+$0xD170];
	v6 =	vadd.f32 $0.0e+00, v6;
	v10 =	vmul.f32 v10, v1;
	v5 =	vmax.f32 v5, $0.0e+00  }
0x8f: {  	v8 =	vadd.f32 v13, v8;
	v5 =	vmul.f32 v5, v1;
	v4 =	vmax.f32 v4, $0.0e+00  }
0x90: {  	v7 =	vadd.f32 v10, v7;
	v10 =	vadd.f32 v19, v14;
	v4 =	vmul.f32 v4, v2  }
0x91: {  	v5 =	vadd.f32 v5, v6;
	v6 =	vmax.f32 v9, $0.0e+00;
	v9 =	vadd.f32 v11, v12  }
0x92: {  	v10 =	vmax.f32 v10, $0.0e+00;
	v4 =	vadd.f32 v4, v8;
	v8 =	vadd.f32 v58, v15  }
0x93: {  	v11 =	vadd.f32 v20, v59;
	v6 =	vmul.f32 v6, v2;
	v9 =	vmax.f32 v9, $0.0e+00  }
0x94: {  	v10 =	vmul.f32 v10, v3;
	v9 =	vmul.f32 v9, v2;
	v8 =	vmax.f32 v8, $0.0e+00  }
0x95: {  	v6 =	vadd.f32 v6, v7;
	v7 =	vmul.f32 v8, v3;
	v8 =	vmax.f32 v11, $0.0e+00  }
0x96: {  	v4 =	vadd.f32 v10, v4;
	v5 =	vadd.f32 v9, v5;
	v8 =	vmul.f32 v8, v3  }
0x97: {  	s29 =	sshll.u32 s26, $0xF;
	v6 =	vadd.f32 v7, v6  }
0x98: {  	s0 =	sadd.s32 s5, s29;
	[tilespmem:s30+$0x15200] =	vst v4;
	v4 =	vadd.f32 v8, v5  }
0x99: {  	s0 =	sshrl.u32 s0, $0x3;
	[tilespmem:s30+$0x15280] =	vst v6  }
0x9a: {  	s0 =	sadd.s32 s6, s0;
	[tilespmem:s30+$0x15300] =	vst v4  }
0x9b: {  	[hbm4b:s0+s3] =	stream.linear.scatter [tilespmem:s22], [sflag:$0x5], $0x4000, $0x38;
	[tilespmem:$0x19200] =	vst v63  }
0x9c: {  	p0 =	seq.s32 s26, $0x27;
	_ =	swait.ge [sflag:s11], $0x4000  }
0x9d: {  	s31 =	simm.s32 @!p0 $0x5000;
	s28 =	sshll.u32 s26, $0x8;
	[sflag:s11] =	ssyncset.done $0x0  }
0x9e: {  	s30 =	simm.s32 @!p0 $0x80;
	s0 =	sadd.s32 @!p0 $0x100, s28;
	[sflag:s11] =	ssyncadd.s32 $0xFFFFC000  }
0x9f: {  	[tilespmem:s31], [sflag:$0x1] =	stream.indirect.gather @!p0 [hbm4b:s4+s30], $0x80, s0, s30, $0xb8;
	[tilespmem:$0x19200] =	vst v63  }
0xa0: {  	s0 =	sadd.s32 @!p0 $0x2900, s28;
	s31 =	simm.s32 @!p0 $0xD000  }
0xa1: {  	[tilespmem:s31], [sflag:$0x3] =	stream.indirect.gather @!p0 [hbm4b:s4+s30], $0x80, s0, s30, $0xb8;
	[tilespmem:$0x19200] =	vst v63  }
0xa2: {  	_ =	swait.ge [sflag:s23], $0x4000  }
0xa3: {  	[sflag:s23] =	ssyncset.done $0x0  }
0xa4: {  	[sflag:s23] =	ssyncadd.s32 $0xFFFFC000  }
0xa5: {  	_ =	swait.ge [sflag:s24], $0x4000  }
0xa6: {  	[sflag:s24] =	ssyncset.done $0x0  }
0xa7: {  	s30 =	simm.s32 $0x0;
	[sflag:s24] =	ssyncadd.s32 $0xFFFFC000  }
0xa8: {  	v4 =	vld [tilespmem:s30+$0x9180]  }
0xa9: {  	v5 =	vld [tilespmem:s30+$0x111C0]  }
0xaa: {  	v6 =	vld [tilespmem:s30+$0x9190]  }
0xab: {  	v7 =	vld [tilespmem:s30+$0x111D0]  }
0xac: {  	v8 =	vld [tilespmem:s30+$0x91A0]  }
0xad: {  	v9 =	vld [tilespmem:s30+$0x111E0]  }
0xae: {  	v10 =	vld [tilespmem:s30+$0x91B0]  }
0xaf: {  	v11 =	vld [tilespmem:s30+$0x9000]  }
0xb0: {  	v12 =	vld [tilespmem:s30+$0x9080]  }
0xb1: {  	v13 =	vld [tilespmem:s30+$0x9100];
	v4 =	vadd.f32 v5, v4  }
0xb2: {  	v5 =	vld [tilespmem:s30+$0x111F0]  }
0xb3: {  	v6 =	vadd.f32 v7, v6;
	v7 =	vld [tilespmem:s30+$0x11040];
	v4 =	vmax.f32 v4, $0.0e+00  }
0xb4: {  	v8 =	vadd.f32 v9, v8;
	v9 =	vld [tilespmem:s30+$0x110C0];
	v4 =	vmul.f32 v4, v0  }
0xb5: {  	v14 =	vld [tilespmem:s30+$0x11050];
	v6 =	vmax.f32 v6, $0.0e+00  }
0xb6: {  	v15 =	vld [tilespmem:s30+$0x110D0];
	v6 =	vmul.f32 v6, v1;
	v4 =	vadd.f32 $0.0e+00, v4  }
0xb7: {  	v8 =	vmax.f32 v8, $0.0e+00;
	v5 =	vadd.f32 v5, v10;
	v10 =	vld [tilespmem:s30+$0x11140]  }
0xb8: {  	v7 =	vadd.f32 v7, v11;
	v11 =	vld [tilespmem:s30+$0x11150];
	v4 =	vadd.f32 v6, v4;
	v6 =	vmul.f32 v8, v2  }
0xb9: {  	v9 =	vadd.f32 v9, v12;
	v12 =	vld [tilespmem:s30+$0x11060];
	v5 =	vmax.f32 v5, $0.0e+00  }
0xba: {  	v8 =	vld [tilespmem:s30+$0x9010];
	v5 =	vmul.f32 v5, v3;
	v4 =	vadd.f32 v6, v4  }
0xbb: {  	v6 =	vld [tilespmem:s30+$0x9090]  }
0xbc: {  	v10 =	vadd.f32 v10, v13;
	v13 =	vld [tilespmem:s30+$0x90A0];
	v4 =	vadd.f32 v5, v4  }
0xbd: {  	v9 =	vmax.f32 v9, $0.0e+00;
	v5 =	vld [tilespmem:s30+$0x9110]  }
0xbe: {  	v9 =	vmul.f32 v9, v0;
	[tilespmem:s30+$0x15380] =	vst v4;
	v4 =	vmax.f32 v7, $0.0e+00;
	v7 =	vld [tilespmem:s30+$0x9020]  }
0xbf: {  	v8 =	vadd.f32 v14, v8;
	v14 =	vld [tilespmem:s30+$0x110E0]  }
0xc0: {  	v9 =	vadd.f32 $0.0e+00, v9;
	v10 =	vmax.f32 v10, $0.0e+00;
	v4 =	vmul.f32 v4, v0  }
0xc1: {  	v60 =	vld [tilespmem:s30+$0x9120];
	v10 =	vmul.f32 v10, v0;
	v8 =	vmax.f32 v8, $0.0e+00;
	v6 =	vadd.f32 v15, v6  }
0xc2: {  	v15 =	vld [tilespmem:s30+$0x11160];
	v8 =	vmul.f32 v8, v1;
	v4 =	vadd.f32 $0.0e+00, v4;
	v5 =	vadd.f32 v11, v5  }
0xc3: {  	v61 =	vld [tilespmem:s30+$0x9030];
	v11 =	vadd.f32 $0.0e+00, v10;
	v7 =	vadd.f32 v12, v7  }
0xc4: {  	v62 =	vld [tilespmem:s30+$0x11070];
	v6 =	vmax.f32 v6, $0.0e+00;
	v13 =	vadd.f32 v14, v13;
	v12 =	vadd.f32 v8, v4  }
0xc5: {  	v10 =	vld [tilespmem:s30+$0x110F0];
	v4 =	vmul.f32 v6, v1;
	v5 =	vmax.f32 v5, $0.0e+00;
	v6 =	vmax.f32 v7, $0.0e+00  }
0xc6: {  	v8 =	vld [tilespmem:s30+$0x90B0];
	v63 =	vmul.f32 v5, v1;
	v6 =	vmul.f32 v6, v2  }
0xc7: {  	v15 =	vadd.f32 v15, v60;
	v13 =	vmax.f32 v13, $0.0e+00;
	v5 =	vadd.f32 v4, v9;
	v7 =	vld [tilespmem:s30+$0x9130]  }
0xc8: {  	s31 =	simm.s32 $0x200;
	v4 =	vadd.f32 v63, v11;
	v11 =	vld [tilespmem:s30+$0x11170];
	v9 =	vadd.f32 v6, v12;
	v12 =	vmul.f32 v13, v2  }
0xc9: {  	s0 =	simm.s32 $0x1000;
	v14 =	vadd.f32 v62, v61;
	v6 =	vld [tilespmem:s31+$0x9180];
	v13 =	vmax.f32 v15, $0.0e+00  }
.LBB2_5:
0xca: {  	p1 =	sne.s32 s0, $0xF800;
	v15 =	vld [tilespmem:s31+$0x111C0];
	v5 =	vadd.f32 v12, v5;
	v12 =	vmul.f32 v13, v2  }
0xcb: {  	v13 =	vld [tilespmem:s31+$0x9190];
	v14 =	vmax.f32 v14, $0.0e+00;
	v8 =	vadd.f32 v10, v8  }
0xcc: {  	v10 =	vld [tilespmem:s31+$0x111D0];
	v14 =	vmul.f32 v14, v3;
	v4 =	vadd.f32 v12, v4  }
0xcd: {  	v12 =	vld [tilespmem:s31+$0x91A0];
	v8 =	vmax.f32 v8, $0.0e+00;
	v7 =	vadd.f32 v11, v7  }
0xce: {  	v11 =	vld [tilespmem:s31+$0x111E0];
	v9 =	vadd.f32 v14, v9;
	v8 =	vmul.f32 v8, v3  }
0xcf: {  	v6 =	vadd.f32 v15, v6;
	v14 =	vld [tilespmem:s31+$0x91B0];
	v7 =	vmax.f32 v7, $0.0e+00  }
0xd0: {  	v15 =	vld [tilespmem:s31+$0x111F0];
	[tilespmem:s30+$0x15200] =	vst v9;
	v5 =	vadd.f32 v8, v5;
	v7 =	vmul.f32 v7, v3  }
0xd1: {  	v8 =	vld [tilespmem:s31+$0x9000];
	v6 =	vmax.f32 v6, $0.0e+00;
	v9 =	vadd.f32 v10, v13  }
0xd2: {  	v10 =	vld [tilespmem:s31+$0x11040];
	v6 =	vmul.f32 v6, v0;
	[tilespmem:s30+$0x15280] =	vst v5;
	v4 =	vadd.f32 v7, v4  }
0xd3: {  	v5 =	vld [tilespmem:s31+$0x9080];
	v7 =	vmax.f32 v9, $0.0e+00;
	v9 =	vadd.f32 v11, v12  }
0xd4: {  	v11 =	vld [tilespmem:s31+$0x110C0];
	v6 =	vadd.f32 $0.0e+00, v6;
	v7 =	vmul.f32 v7, v1;
	[tilespmem:s30+$0x15300] =	vst v4;
	s30 =	smov.u32 s31  }
0xd5: {  	v4 =	vld [tilespmem:s30+$0x9100];
	v9 =	vmax.f32 v9, $0.0e+00;
	v12 =	vadd.f32 v15, v14  }
0xd6: {  	v13 =	vld [tilespmem:s30+$0x11140];
	v6 =	vadd.f32 v7, v6;
	v7 =	vmul.f32 v9, v2  }
0xd7: {  	v8 =	vadd.f32 v10, v8;
	v9 =	vld [tilespmem:s30+$0x9010];
	v10 =	vmax.f32 v12, $0.0e+00  }
0xd8: {  	v12 =	vld [tilespmem:s30+$0x11050];
	v6 =	vadd.f32 v7, v6;
	v7 =	vmul.f32 v10, v3  }
0xd9: {  	v8 =	vmax.f32 v8, $0.0e+00;
	v5 =	vadd.f32 v11, v5;
	v10 =	vld [tilespmem:s30+$0x9090]  }
0xda: {  	v8 =	vmul.f32 v8, v0;
	v11 =	vld [tilespmem:s30+$0x110D0];
	v6 =	vadd.f32 v7, v6  }
0xdb: {  	v5 =	vmax.f32 v5, $0.0e+00;
	v4 =	vadd.f32 v13, v4;
	v7 =	vld [tilespmem:s30+$0x9110]  }
0xdc: {  	v8 =	vadd.f32 $0.0e+00, v8;
	v5 =	vmul.f32 v5, v0;
	v13 =	vld [tilespmem:s30+$0x11150];
	[tilespmem:s30+$0x15380] =	vst v6  }
0xdd: {  	v6 =	vadd.f32 v12, v9;
	v9 =	vld [tilespmem:s30+$0x9020];
	v4 =	vmax.f32 v4, $0.0e+00  }
0xde: {  	v12 =	vld [tilespmem:s30+$0x11060];
	v5 =	vadd.f32 $0.0e+00, v5;
	v4 =	vmul.f32 v4, v0  }
0xdf: {  	v6 =	vmax.f32 v6, $0.0e+00;
	v10 =	vadd.f32 v11, v10;
	v11 =	vld [tilespmem:s30+$0x90A0]  }
0xe0: {  	v6 =	vmul.f32 v6, v1;
	v14 =	vld [tilespmem:s30+$0x110E0];
	v4 =	vadd.f32 $0.0e+00, v4  }
0xe1: {  	v10 =	vmax.f32 v10, $0.0e+00;
	v7 =	vadd.f32 v13, v7;
	v13 =	vld [tilespmem:s30+$0x9120]  }
0xe2: {  	v6 =	vadd.f32 v6, v8;
	v8 =	vmul.f32 v10, v1;
	v15 =	vld [tilespmem:s30+$0x11160]  }
0xe3: {  	v9 =	vadd.f32 v12, v9;
	v16 =	vld [tilespmem:s30+$0x9030];
	v7 =	vmax.f32 v7, $0.0e+00  }
0xe4: {  	v17 =	vld [tilespmem:s30+$0x11070];
	v5 =	vadd.f32 v8, v5;
	v7 =	vmul.f32 v7, v1  }
.Ltmp3:
0xe5: {  	v9 =	vmax.f32 v9, $0.0e+00;
	v11 =	vadd.f32 v14, v11;
	v8 =	vld [tilespmem:s30+$0x90B0];
	(pc) =	sbr.rel @p1 .LBB2_5-.Ltmp3, $4  }
0xe6: {  	v9 =	vmul.f32 v9, v2;
	v10 =	vld [tilespmem:s30+$0x110F0];
	v4 =	vadd.f32 v7, v4  }
0xe7: {  	v11 =	vmax.f32 v11, $0.0e+00;
	v13 =	vadd.f32 v15, v13;
	v7 =	vld [tilespmem:s30+$0x9130]  }
0xe8: {  	s31 =	sshra.s32 s0, $0x2;
	v9 =	vadd.f32 v9, v6;
	v12 =	vmul.f32 v11, v2;
	v11 =	vld [tilespmem:s30+$0x11170]  }
0xe9: {  	s0 =	sadd.s32 $0x800, s0;
	v6 =	vld [tilespmem:s31+$0x9180];
	v14 =	vadd.f32 v17, v16;
	v13 =	vmax.f32 v13, $0.0e+00  }
0xea: {  	v15 =	vld [tilespmem:s31+$0x111C0]  }
0xeb: {  	v16 =	vld [tilespmem:s31+$0x9190];
	v14 =	vmax.f32 v14, $0.0e+00;
	v8 =	vadd.f32 v10, v8  }
0xec: {  	v17 =	vld [tilespmem:s31+$0x111D0];
	v30 =	vmul.f32 v14, v3  }
0xed: {  	v31 =	vld [tilespmem:s31+$0x91A0];
	v5 =	vadd.f32 v12, v5;
	v8 =	vmax.f32 v8, $0.0e+00;
	v7 =	vadd.f32 v11, v7  }
0xee: {  	v18 =	vld [tilespmem:s31+$0x111E0];
	v34 =	vmul.f32 v13, v2;
	v9 =	vadd.f32 v30, v9;
	v8 =	vmul.f32 v8, v3  }
0xef: {  	v32 =	vld [tilespmem:s31+$0x91B0];
	v7 =	vmax.f32 v7, $0.0e+00  }
0xf0: {  	v33 =	vld [tilespmem:s31+$0x111F0];
	v4 =	vadd.f32 v34, v4;
	[tilespmem:s30+$0x15200] =	vst v9;
	v5 =	vadd.f32 v8, v5;
	v7 =	vmul.f32 v7, v3  }
0xf1: {  	v35 =	vld [tilespmem:s31+$0x9000]  }
0xf2: {  	v9 =	vld [tilespmem:s31+$0x11040];
	[tilespmem:s30+$0x15280] =	vst v5;
	v4 =	vadd.f32 v7, v4  }
0xf3: {  	v37 =	vld [tilespmem:s31+$0x9080]  }
0xf4: {  	v38 =	vld [tilespmem:s31+$0x110C0];
	[tilespmem:s30+$0x15300] =	vst v4  }
0xf5: {  	v40 =	vld [tilespmem:s31+$0x9100]  }
0xf6: {  	v41 =	vld [tilespmem:s31+$0x11140]  }
0xf7: {  	v42 =	vld [tilespmem:s31+$0x9010]  }
0xf8: {  	v43 =	vld [tilespmem:s31+$0x11050]  }
0xf9: {  	v44 =	vld [tilespmem:s31+$0x9090]  }
0xfa: {  	v45 =	vld [tilespmem:s31+$0x110D0]  }
0xfb: {  	v6 =	vadd.f32 v15, v6;
	v48 =	vld [tilespmem:s31+$0x90A0]  }
0xfc: {  	v49 =	vld [tilespmem:s31+$0x110E0]  }
0xfd: {  	v36 =	vadd.f32 v17, v16;
	v5 =	vmax.f32 v6, $0.0e+00;
	v50 =	vld [tilespmem:s31+$0x9120]  }
0xfe: {  	v5 =	vmul.f32 v5, v0;
	v51 =	vld [tilespmem:s31+$0x11160]  }
0xff: {  	v39 =	vadd.f32 v18, v31;
	v6 =	vmax.f32 v36, $0.0e+00;
	v52 =	vld [tilespmem:s31+$0x9030]  }
0x100: {  	v4 =	vadd.f32 $0.0e+00, v5;
	v5 =	vmul.f32 v6, v1;
	v19 =	vld [tilespmem:s31+$0x11070]  }
0x101: {  	v10 =	vadd.f32 v33, v32;
	v13 =	vmax.f32 v39, $0.0e+00;
	v53 =	vld [tilespmem:s31+$0x90B0]  }
0x102: {  	v54 =	vld [tilespmem:s31+$0x110F0];
	v4 =	vadd.f32 v5, v4;
	v5 =	vmul.f32 v13, v2  }
0x103: {  	v10 =	vmax.f32 v10, $0.0e+00;
	v55 =	vld [tilespmem:s31+$0x9130]  }
0x104: {  	v20 =	vld [tilespmem:s31+$0x11170];
	v8 =	vadd.f32 v9, v35;
	v4 =	vadd.f32 v5, v4;
	v5 =	vmul.f32 v10, v3  }
0x105: {  	v46 =	vld [tilespmem:s31+$0x11150];
	v7 =	vadd.f32 v38, v37;
	v6 =	vadd.f32 v41, v40  }
0x106: {  	v47 =	vld [tilespmem:s31+$0x11060];
	v13 =	vadd.f32 v43, v42;
	v4 =	vadd.f32 v5, v4  }
0x107: {  	v8 =	vmax.f32 v8, $0.0e+00;
	v10 =	vadd.f32 v45, v44;
	v9 =	vadd.f32 v49, v48;
	v5 =	vld [tilespmem:s31+$0x9110]  }
0x108: {  	v8 =	vmul.f32 v8, v0;
	v56 =	vadd.f32 v51, v50;
	v57 =	vadd.f32 v19, v52;
	[tilespmem:s31+$0x15380] =	vst v4;
	v4 =	vld [tilespmem:s31+$0x9020]  }
0x109: {  	v7 =	vmax.f32 v7, $0.0e+00;
	v59 =	vadd.f32 v54, v53;
	v60 =	vadd.f32 v20, v55  }
0x10a: {  	v8 =	vadd.f32 $0.0e+00, v8;
	v7 =	vmul.f32 v7, v0;
	v6 =	vmax.f32 v6, $0.0e+00  }
0x10b: {  	v13 =	vmax.f32 v13, $0.0e+00;
	v10 =	vmax.f32 v10, $0.0e+00;
	v9 =	vmax.f32 v9, $0.0e+00  }
0x10c: {  	v7 =	vadd.f32 $0.0e+00, v7;
	v6 =	vmul.f32 v6, v0;
	v5 =	vadd.f32 v46, v5  }
0x10d: {  	v13 =	vmul.f32 v13, v1;
	v10 =	vmul.f32 v10, v1;
	v4 =	vadd.f32 v47, v4  }
0x10e: {  	v58 =	vmul.f32 v9, v2;
	v9 =	vmax.f32 v59, $0.0e+00;
	v5 =	vmax.f32 v5, $0.0e+00  }
0x10f: {  	v6 =	vadd.f32 $0.0e+00, v6;
	v5 =	vmul.f32 v5, v1;
	v4 =	vmax.f32 v4, $0.0e+00  }
0x110: {  	v8 =	vadd.f32 v13, v8;
	v7 =	vadd.f32 v10, v7;
	v4 =	vmul.f32 v4, v2  }
0x111: {  	v10 =	vmax.f32 v57, $0.0e+00;
	v5 =	vadd.f32 v5, v6;
	v6 =	vmax.f32 v56, $0.0e+00  }
0x112: {  	v10 =	vmul.f32 v10, v3;
	v6 =	vmul.f32 v6, v2;
	v4 =	vadd.f32 v4, v8  }
0x113: {  	v62 =	vmax.f32 v60, $0.0e+00;
	v61 =	vmul.f32 v9, v3;
	v7 =	vadd.f32 v58, v7  }
0x114: {  	v63 =	vmul.f32 v62, v3;
	v5 =	vadd.f32 v6, v5;
	v4 =	vadd.f32 v10, v4  }
0x115: {  	v7 =	vadd.f32 v61, v7  }
0x116: {  	s0 =	sadd.s32 s29, s9;
	[tilespmem:s31+$0x15200] =	vst v4;
	v4 =	vadd.f32 v63, v5  }
0x117: {  	s0 =	sshrl.u32 s0, $0x3;
	[tilespmem:s31+$0x15280] =	vst v7  }
.Ltmp4:
0x118: {  	s0 =	sadd.s32 s6, s0;
	[tilespmem:s31+$0x15300] =	vst v4;
	(pc) =	sbr.rel @p0 .LBB2_8-.Ltmp4, $4  }
0x119: {  	[hbm4b:s0+s3] =	stream.linear.scatter [tilespmem:s22], [sflag:$0x5], $0x4000, $0x38;
	[tilespmem:$0x19200] =	vst v63  }
0x11a: {  	_ =	swait.ge [sflag:s11], $0x4000  }
0x11b: {  	[sflag:s11] =	ssyncset.done $0x0  }
0x11c: {  	[sflag:s11] =	ssyncadd.s32 $0xFFFFC000  }
.Ltmp5:
0x11d: {  	(pc) =	sbr.rel .LBB2_2-.Ltmp5, $4  }
0x11e: {  	s0 =	sadd.s32 $0x180, s28  }
0x11f: {  	[tilespmem:s17], [sflag:$0x2] =	stream.indirect.gather [hbm4b:s4+s14], $0x80, s0, s14, $0xb8;
	[tilespmem:$0x19200] =	vst v63  }
0x120: {  	s31 =	sadd.s32 $0x2980, s28;
	s26 =	sadd.s32 $0x1, s26  }
0x121: {  	[tilespmem:s19], [sflag:$0x4] =	stream.indirect.gather [hbm4b:s4+s14], $0x80, s31, s14, $0xb8;
	[tilespmem:$0x19200] =	vst v63  }
.LBB2_9:
0x122: {  	_ =	sfence.sel $0x180000  }
0x123: {  	[bflag:$0x0] =	sbarrier.arrive $0xFFFF  }
0x124: {  	_ =	strace $0x90000050  }
0x125: {  	[bflag:$0x2] =	sbarrier.arrive $0xFFFF  }
0x126: {  	p0 =	sne.s32 s1, $0x0;
	s0 =	rddreg [dreg:$0x2]  }
0x127: {  	s0 =	sadd.s32 @!p0 $0x100000, s0  }
0x128: {  	[sflag:s0] =	ssyncadd.tile.s32 @!p0 $0x1;
	_ =	shalt  }
.Lfunc_end2:
_tile_overlayer_lowered:
.L_overlay_start_2:
0x129: {  	(tag) =	ssettag $0x2  }
0x12a: {  	s0 =	rddreg [dreg:$0x0];
	s2 =	stileid.u32  }
0x12b: {  	s1 =	rddreg [dreg:$0x1];
	p0 =	sne.s32 s2, $0x0  }
0x12c: {  	s3 =	rddreg [dreg:$0x2];
	[bflag:$0x3] =	sbarrier.arrive $0xFFFF;
	s2 =	simm.s32 @!p0 $0x1C05  }
0x12d: {  	[timem:s3], [sflag:s2] =	dma.local @!p0 [hbm:s0], s1  }
0x12e: {  	s0 =	simm.s32 @!p0 $0x5  }
0x12f: {  	_ =	swait.ge @!p0 [sflag:s0], s1  }
0x130: {  	s1 =	ssub.s32 @!p0 $0x0, s1;
	[sflag:s0] =	ssyncset.done @!p0 $0x0  }
0x131: {  	[sflag:s0] =	ssyncadd.s32 @!p0 s1  }
0x132: {  	[bflag:$0x3] =	sbarrier.arrive $0xFFFF  }
0x133: {  	_ =	shalt  }

</sc_bundles>
